<compile_context>
chip_gen: v7x
topology: tpu7x:2x2x1
jax: 0.10.2.dev20260603
libtpu: 0.0.44.dev20260713+nightly
codegen_flags: <defaults>
</compile_context>

<pallas_src>
import functools

import jax
import jax.numpy as jnp
from jax import lax
from jax.experimental import pallas as pl
from jax.experimental.pallas import tpu as pltpu
from jax.experimental.pallas import tpu_sc as plsc

D_MODEL = 64
NBUF = 4


@functools.lru_cache(maxsize=None)
def _make_gather(vocab: int, n_j: int, n_i: int):
    info = plsc.get_sparse_core_info()
    num_workers = info.num_cores * info.num_subcores
    rows = n_i // num_workers
    assert n_i % num_workers == 0 and rows <= 128 and n_j % NBUF == 0

    mesh = plsc.VectorSubcoreMesh(core_axis_name="c", subcore_axis_name="s")

    @functools.partial(
        pl.kernel,
        mesh=mesh,
        out_type=jax.ShapeDtypeStruct((n_i, n_j, D_MODEL), jnp.float32),
        scratch_types=[
            pltpu.VMEM((n_j, rows), jnp.int32),
        ]
        + [pltpu.VMEM((rows, D_MODEL), jnp.float32)] * NBUF
        + [pltpu.SemaphoreType.DMA] * (2 * NBUF),
    )
    def gather_kernel(idx_hbm, table_hbm, out_hbm, idx_v,
                      g0, g1, g2, g3, gs0, gs1, gs2, gs3, ws0, ws1, ws2, ws3):
        wid = lax.axis_index("s") * info.num_cores + lax.axis_index("c")
        base = wid * rows
        grow = (g0, g1, g2, g3)
        gsem = (gs0, gs1, gs2, gs3)
        wsem = (ws0, ws1, ws2, ws3)

        pltpu.sync_copy(idx_hbm.at[:, pl.ds(base, rows)], idx_v)

        def fire_gather(j, b):
            def grp_body(g, carry):
                vec = idx_v[j, pl.ds(g * 16, 16)]
                for l in range(16):
                    pltpu.async_copy(
                        table_hbm.at[pl.ds(vec[l], 1)],
                        grow[b].at[pl.ds(g * 16 + l, 1)],
                        gsem[b],
                    )
                return carry
            lax.fori_loop(0, rows // 16, grp_body, 0)

        def wait_gather(b):
            pltpu.make_async_copy(
                table_hbm.at[pl.ds(0, rows)], grow[b], gsem[b]
            ).wait()

        def fire_wb(j, b):
            pltpu.async_copy(grow[b], out_hbm.at[pl.ds(base, rows), j], wsem[b])

        def wait_wb(j, b):
            pltpu.make_async_copy(
                grow[b], out_hbm.at[pl.ds(base, rows), j], wsem[b]
            ).wait()

        for j in range(NBUF - 1):
            fire_gather(j, j)

        wait_gather(0)
        fire_wb(0, 0)
        fire_gather(NBUF - 1, NBUF - 1)

        def body(k, carry):
            for m in range(NBUF):
                j = NBUF * k + 1 + m
                b = (1 + m) % NBUF
                wait_gather(b)
                fire_wb(j, b)
                wait_wb(j - 1, (b - 1) % NBUF)
                fire_gather(j + NBUF - 1, (b + NBUF - 1) % NBUF)
            return carry

        lax.fori_loop(0, (n_j - NBUF) // NBUF, body, 0)

        for m in range(NBUF - 1):
            j = n_j - (NBUF - 1) + m
            b = j % NBUF
            wait_gather(b)
            fire_wb(j, b)
        for m in range(NBUF):
            j = n_j - NBUF + m
            wait_wb(j, j % NBUF)

    return gather_kernel


def kernel(x, table):
    n_i, n_j = x.shape
    xt = jnp.transpose(x, (1, 0)).astype(jnp.int32)
    return _make_gather(table.shape[0], n_j, n_i)(xt, table)

# --- scband reference (transcript-rebuilt; emitter-appended) ---
"""Pipeline reference for scband-embedding-32031866093607 (READ-ONLY COPY).

The authoritative reference and input builder live on the scoring server;
editing this copy changes nothing except your own understanding.
"""

import jax, jax.numpy as jnp
import numpy as np

VOCAB = 1000000
D_MODEL = 64

def setup_inputs(seed: int = 0) -> dict:
    key = jax.random.key(seed)
    k1, k2 = jax.random.split(key)
    x = jax.random.randint(k1, (4096, 200), 0, VOCAB, dtype=jnp.int64) if jax.config.jax_enable_x64 else jax.random.randint(k1, (4096, 200), 0, VOCAB, dtype=jnp.int32)
    # embedding table, init like nn.Embedding (normal(0,1))
    table = jax.random.normal(k2, (VOCAB, D_MODEL), dtype=jnp.float32)
    return {"x": x, "table": table}

def reference(x, table):
    # nn.Embedding forward: gather rows of the table by index
    return jnp.take(table, x, axis=0)

if __name__ == "__main__":
    import jax
    _d = setup_inputs()
    print(jax.jit(kernel)(*tuple(_d.values())))

</pallas_src>

<mosaic_0001>
#map = affine_map<(d0, d1) -> (0, 0)>
#map1 = affine_map<(d0, d1) -> (0, 0, 0)>
module attributes {stable_mosaic.version = 14 : i64} {
  func.func @gather_kernel(%arg0: i32, %arg1: i32, %arg2: memref<200x4096xi32, #tpu.memory_space<hbm>>, %arg3: memref<1000000x64xf32, #tpu.memory_space<hbm>>, %arg4: memref<4096x200x64xf32, #tpu.memory_space<hbm>>, %arg5: memref<200x128xi32, #tpu.memory_space<vmem>>, %arg6: memref<128x64xf32, #tpu.memory_space<vmem>>, %arg7: memref<128x64xf32, #tpu.memory_space<vmem>>, %arg8: memref<128x64xf32, #tpu.memory_space<vmem>>, %arg9: memref<128x64xf32, #tpu.memory_space<vmem>>, %arg10: memref<!tpu.dma_semaphore, #tpu.memory_space<semaphore_mem>>, %arg11: memref<!tpu.dma_semaphore, #tpu.memory_space<semaphore_mem>>, %arg12: memref<!tpu.dma_semaphore, #tpu.memory_space<semaphore_mem>>, %arg13: memref<!tpu.dma_semaphore, #tpu.memory_space<semaphore_mem>>, %arg14: memref<!tpu.dma_semaphore, #tpu.memory_space<semaphore_mem>>, %arg15: memref<!tpu.dma_semaphore, #tpu.memory_space<semaphore_mem>>, %arg16: memref<!tpu.dma_semaphore, #tpu.memory_space<semaphore_mem>>, %arg17: memref<!tpu.dma_semaphore, #tpu.memory_space<semaphore_mem>>) attributes {dimension_semantics = [#tpu.dimension_semantics<core_parallel>, #tpu.dimension_semantics<subcore_parallel>], iteration_bounds = array<i64: 2, 16>, scalar_prefetch = 0 : i64, scratch_operands = 13 : i64, tpu.core_type = #tpu.core_type<sc_vector_subcore>, window_params = [{transform_indices = #map}, {transform_indices = #map}, {transform_indices = #map1}]} {
    %mul3A = arith.constant 2 : i32
    %mul3A_0 = arith.muli %arg1, %mul3A : i32
    %add3A = arith.addi %mul3A_0, %arg0 : i32
    %mul3A_1 = arith.constant 128 : i32
    %mul3A_2 = arith.muli %add3A, %mul3A_1 : i32
    "tpu.region"() ({
      %run_scoped3A = tpu.sem_alloc : memref<!tpu.dma_semaphore, #tpu.memory_space<semaphore_mem>>
      %dma_start3A_110 = arith.constant 0 : i32
      %dma_start3A_111 = tpu.memref_slice %arg2[%dma_start3A_110, %mul3A_2] : memref<200x4096xi32, #tpu.memory_space<hbm>> -> memref<200x128xi32, #tpu.memory_space<hbm>>
      %dma_start3A_112 = arith.constant 0 : i32
      %dma_start3A_113 = tpu.memref_slice %arg2[%dma_start3A_112, %mul3A_2] : memref<200x4096xi32, #tpu.memory_space<hbm>> -> memref<200x128xi32, #tpu.memory_space<hbm>>
      tpu.enqueue_dma source(%dma_start3A_113 : memref<200x128xi32, #tpu.memory_space<hbm>>) target(%arg5 : memref<200x128xi32, #tpu.memory_space<vmem>>) target_semaphore(%run_scoped3A : memref<!tpu.dma_semaphore, #tpu.memory_space<semaphore_mem>>)
      %dma_wait3A_114 = arith.constant 0 : i32
      %dma_wait3A_115 = tpu.memref_slice %arg2[%dma_wait3A_114, %mul3A_2] : memref<200x4096xi32, #tpu.memory_space<hbm>> -> memref<200x128xi32, #tpu.memory_space<hbm>>
      %dma_wait3A_116 = arith.constant 0 : i32
      %dma_wait3A_117 = tpu.memref_slice %arg2[%dma_wait3A_116, %mul3A_2] : memref<200x4096xi32, #tpu.memory_space<hbm>> -> memref<200x128xi32, #tpu.memory_space<hbm>>
      tpu.wait_dma2 semaphore(%run_scoped3A : memref<!tpu.dma_semaphore, #tpu.memory_space<semaphore_mem>>) src(%dma_wait3A_117 : memref<200x128xi32, #tpu.memory_space<hbm>>) dst(%arg5 : memref<200x128xi32, #tpu.memory_space<vmem>>)
      tpu.yield
    }) : () -> ()
    %scan3A = arith.constant 0 : i32
    %scan3A_3 = arith.constant 0 : i32
    %scan3A_4 = arith.constant 8 : i32
    %scan3A_5 = arith.addi %scan3A_3, %scan3A_4 : i32
    %scan3A_6 = arith.constant 1 : i32
    scf.for %scan3A_110 = %scan3A_3 to %scan3A_5 step %scan3A_6  : i32 {
      %mul3A_111 = arith.constant 16 : i32
      %mul3A_112 = arith.muli %scan3A_110, %mul3A_111 : i32
      %get3A = arith.constant 0 : i32
      %get3A_113 = arith.index_cast %get3A : i32 to index
      %get3A_114 = arith.index_cast %mul3A_112 : i32 to index
      %get3A_115 = tpu.vector_load %arg5[%get3A_113, %get3A_114] {strides = array<i32>} : memref<200x128xi32, #tpu.memory_space<vmem>>, vector<1x16xi32>,
      %get3A_116 = vector.shape_cast %get3A_115 : vector<1x16xi32> to vector<16xi32>
      %slice3A = vector.extract_strided_slice %get3A_116 {offsets = [0], sizes = [1], strides = [1]} : vector<16xi32> to vector<1xi32>
      %squeeze3A = vector.extract %slice3A[0] : i32 from vector<1xi32>
      %mul3A_117 = arith.constant 16 : i32
      %mul3A_118 = arith.muli %scan3A_110, %mul3A_117 : i32
      %add3A_119 = arith.constant 0 : i32
      %add3A_120 = arith.addi %mul3A_118, %add3A_119 : i32
      %dma_start3A_121 = arith.constant 0 : i32
      %dma_start3A_122 = tpu.memref_slice %arg6[%add3A_120, %dma_start3A_121] : memref<128x64xf32, #tpu.memory_space<vmem>> -> memref<1x64xf32, #tpu.memory_space<vmem>>
      %dma_start3A_123 = arith.constant 0 : i32
      %dma_start3A_124 = tpu.memref_slice %arg3[%squeeze3A, %dma_start3A_123] : memref<1000000x64xf32, #tpu.memory_space<hbm>> -> memref<1x64xf32, #tpu.memory_space<hbm>>
      %dma_start3A_125 = arith.constant 0 : i32
      %dma_start3A_126 = tpu.memref_slice %arg6[%add3A_120, %dma_start3A_125] : memref<128x64xf32, #tpu.memory_space<vmem>> -> memref<1x64xf32, #tpu.memory_space<vmem>>
      %dma_start3A_127 = arith.constant 0 : i32
      %dma_start3A_128 = tpu.memref_slice %arg3[%squeeze3A, %dma_start3A_127] : memref<1000000x64xf32, #tpu.memory_space<hbm>> -> memref<1x64xf32, #tpu.memory_space<hbm>>
      tpu.enqueue_dma source(%dma_start3A_128 : memref<1x64xf32, #tpu.memory_space<hbm>>) target(%dma_start3A_126 : memref<1x64xf32, #tpu.memory_space<vmem>>) target_semaphore(%arg10 : memref<!tpu.dma_semaphore, #tpu.memory_space<semaphore_mem>>)
      %slice3A_129 = vector.extract_strided_slice %get3A_116 {offsets = [1], sizes = [1], strides = [1]} : vector<16xi32> to vector<1xi32>
      %squeeze3A_130 = vector.extract %slice3A_129[0] : i32 from vector<1xi32>
      %mul3A_131 = arith.constant 16 : i32
      %mul3A_132 = arith.muli %scan3A_110, %mul3A_131 : i32
      %add3A_133 = arith.constant 1 : i32
      %add3A_134 = arith.addi %mul3A_132, %add3A_133 : i32
      %dma_start3A_135 = arith.constant 0 : i32
      %dma_start3A_136 = tpu.memref_slice %arg6[%add3A_134, %dma_start3A_135] : memref<128x64xf32, #tpu.memory_space<vmem>> -> memref<1x64xf32, #tpu.memory_space<vmem>>
      %dma_start3A_137 = arith.constant 0 : i32
      %dma_start3A_138 = tpu.memref_slice %arg3[%squeeze3A_130, %dma_start3A_137] : memref<1000000x64xf32, #tpu.memory_space<hbm>> -> memref<1x64xf32, #tpu.memory_space<hbm>>
      %dma_start3A_139 = arith.constant 0 : i32
      %dma_start3A_140 = tpu.memref_slice %arg6[%add3A_134, %dma_start3A_139] : memref<128x64xf32, #tpu.memory_space<vmem>> -> memref<1x64xf32, #tpu.memory_space<vmem>>
      %dma_start3A_141 = arith.constant 0 : i32
      %dma_start3A_142 = tpu.memref_slice %arg3[%squeeze3A_130, %dma_start3A_141] : memref<1000000x64xf32, #tpu.memory_space<hbm>> -> memref<1x64xf32, #tpu.memory_space<hbm>>
      tpu.enqueue_dma source(%dma_start3A_142 : memref<1x64xf32, #tpu.memory_space<hbm>>) target(%dma_start3A_140 : memref<1x64xf32, #tpu.memory_space<vmem>>) target_semaphore(%arg10 : memref<!tpu.dma_semaphore, #tpu.memory_space<semaphore_mem>>)
      %slice3A_143 = vector.extract_strided_slice %get3A_116 {offsets = [2], sizes = [1], strides = [1]} : vector<16xi32> to vector<1xi32>
      %squeeze3A_144 = vector.extract %slice3A_143[0] : i32 from vector<1xi32>
      %mul3A_145 = arith.constant 16 : i32
      %mul3A_146 = arith.muli %scan3A_110, %mul3A_145 : i32
      %add3A_147 = arith.constant 2 : i32
      %add3A_148 = arith.addi %mul3A_146, %add3A_147 : i32
      %dma_start3A_149 = arith.constant 0 : i32
      %dma_start3A_150 = tpu.memref_slice %arg6[%add3A_148, %dma_start3A_149] : memref<128x64xf32, #tpu.memory_space<vmem>> -> memref<1x64xf32, #tpu.memory_space<vmem>>
      %dma_start3A_151 = arith.constant 0 : i32
      %dma_start3A_152 = tpu.memref_slice %arg3[%squeeze3A_144, %dma_start3A_151] : memref<1000000x64xf32, #tpu.memory_space<hbm>> -> memref<1x64xf32, #tpu.memory_space<hbm>>
      %dma_start3A_153 = arith.constant 0 : i32
      %dma_start3A_154 = tpu.memref_slice %arg6[%add3A_148, %dma_start3A_153] : memref<128x64xf32, #tpu.memory_space<vmem>> -> memref<1x64xf32, #tpu.memory_space<vmem>>
      %dma_start3A_155 = arith.constant 0 : i32
      %dma_start3A_156 = tpu.memref_slice %arg3[%squeeze3A_144, %dma_start3A_155] : memref<1000000x64xf32, #tpu.memory_space<hbm>> -> memref<1x64xf32, #tpu.memory_space<hbm>>
      tpu.enqueue_dma source(%dma_start3A_156 : memref<1x64xf32, #tpu.memory_space<hbm>>) target(%dma_start3A_154 : memref<1x64xf32, #tpu.memory_space<vmem>>) target_semaphore(%arg10 : memref<!tpu.dma_semaphore, #tpu.memory_space<semaphore_mem>>)
      %slice3A_157 = vector.extract_strided_slice %get3A_116 {offsets = [3], sizes = [1], strides = [1]} : vector<16xi32> to vector<1xi32>
      %squeeze3A_158 = vector.extract %slice3A_157[0] : i32 from vector<1xi32>
      %mul3A_159 = arith.constant 16 : i32
      %mul3A_160 = arith.muli %scan3A_110, %mul3A_159 : i32
      %add3A_161 = arith.constant 3 : i32
      %add3A_162 = arith.addi %mul3A_160, %add3A_161 : i32
      %dma_start3A_163 = arith.constant 0 : i32
      %dma_start3A_164 = tpu.memref_slice %arg6[%add3A_162, %dma_start3A_163] : memref<128x64xf32, #tpu.memory_space<vmem>> -> memref<1x64xf32, #tpu.memory_space<vmem>>
      %dma_start3A_165 = arith.constant 0 : i32
      %dma_start3A_166 = tpu.memref_slice %arg3[%squeeze3A_158, %dma_start3A_165] : memref<1000000x64xf32, #tpu.memory_space<hbm>> -> memref<1x64xf32, #tpu.memory_space<hbm>>
      %dma_start3A_167 = arith.constant 0 : i32
      %dma_start3A_168 = tpu.memref_slice %arg6[%add3A_162, %dma_start3A_167] : memref<128x64xf32, #tpu.memory_space<vmem>> -> memref<1x64xf32, #tpu.memory_space<vmem>>
      %dma_start3A_169 = arith.constant 0 : i32
      %dma_start3A_170 = tpu.memref_slice %arg3[%squeeze3A_158, %dma_start3A_169] : memref<1000000x64xf32, #tpu.memory_space<hbm>> -> memref<1x64xf32, #tpu.memory_space<hbm>>
      tpu.enqueue_dma source(%dma_start3A_170 : memref<1x64xf32, #tpu.memory_space<hbm>>) target(%dma_start3A_168 : memref<1x64xf32, #tpu.memory_space<vmem>>) target_semaphore(%arg10 : memref<!tpu.dma_semaphore, #tpu.memory_space<semaphore_mem>>)
      %slice3A_171 = vector.extract_strided_slice %get3A_116 {offsets = [4], sizes = [1], strides = [1]} : vector<16xi32> to vector<1xi32>
      %squeeze3A_172 = vector.extract %slice3A_171[0] : i32 from vector<1xi32>
      %mul3A_173 = arith.constant 16 : i32
      %mul3A_174 = arith.muli %scan3A_110, %mul3A_173 : i32
      %add3A_175 = arith.constant 4 : i32
      %add3A_176 = arith.addi %mul3A_174, %add3A_175 : i32
      %dma_start3A_177 = arith.constant 0 : i32
      %dma_start3A_178 = tpu.memref_slice %arg6[%add3A_176, %dma_start3A_177] : memref<128x64xf32, #tpu.memory_space<vmem>> -> memref<1x64xf32, #tpu.memory_space<vmem>>
      %dma_start3A_179 = arith.constant 0 : i32
      %dma_start3A_180 = tpu.memref_slice %arg3[%squeeze3A_172, %dma_start3A_179] : memref<1000000x64xf32, #tpu.memory_space<hbm>> -> memref<1x64xf32, #tpu.memory_space<hbm>>
      %dma_start3A_181 = arith.constant 0 : i32
      %dma_start3A_182 = tpu.memref_slice %arg6[%add3A_176, %dma_start3A_181] : memref<128x64xf32, #tpu.memory_space<vmem>> -> memref<1x64xf32, #tpu.memory_space<vmem>>
      %dma_start3A_183 = arith.constant 0 : i32
      %dma_start3A_184 = tpu.memref_slice %arg3[%squeeze3A_172, %dma_start3A_183] : memref<1000000x64xf32, #tpu.memory_space<hbm>> -> memref<1x64xf32, #tpu.memory_space<hbm>>
      tpu.enqueue_dma source(%dma_start3A_184 : memref<1x64xf32, #tpu.memory_space<hbm>>) target(%dma_start3A_182 : memref<1x64xf32, #tpu.memory_space<vmem>>) target_semaphore(%arg10 : memref<!tpu.dma_semaphore, #tpu.memory_space<semaphore_mem>>)
      %slice3A_185 = vector.extract_strided_slice %get3A_116 {offsets = [5], sizes = [1], strides = [1]} : vector<16xi32> to vector<1xi32>
      %squeeze3A_186 = vector.extract %slice3A_185[0] : i32 from vector<1xi32>
      %mul3A_187 = arith.constant 16 : i32
      %mul3A_188 = arith.muli %scan3A_110, %mul3A_187 : i32
      %add3A_189 = arith.constant 5 : i32
      %add3A_190 = arith.addi %mul3A_188, %add3A_189 : i32
      %dma_start3A_191 = arith.constant 0 : i32
      %dma_start3A_192 = tpu.memref_slice %arg6[%add3A_190, %dma_start3A_191] : memref<128x64xf32, #tpu.memory_space<vmem>> -> memref<1x64xf32, #tpu.memory_space<vmem>>
      %dma_start3A_193 = arith.constant 0 : i32
      %dma_start3A_194 = tpu.memref_slice %arg3[%squeeze3A_186, %dma_start3A_193] : memref<1000000x64xf32, #tpu.memory_space<hbm>> -> memref<1x64xf32, #tpu.memory_space<hbm>>
      %dma_start3A_195 = arith.constant 0 : i32
      %dma_start3A_196 = tpu.memref_slice %arg6[%add3A_190, %dma_start3A_195] : memref<128x64xf32, #tpu.memory_space<vmem>> -> memref<1x64xf32, #tpu.memory_space<vmem>>
      %dma_start3A_197 = arith.constant 0 : i32
      %dma_start3A_198 = tpu.memref_slice %arg3[%squeeze3A_186, %dma_start3A_197] : memref<1000000x64xf32, #tpu.memory_space<hbm>> -> memref<1x64xf32, #tpu.memory_space<hbm>>
      tpu.enqueue_dma source(%dma_start3A_198 : memref<1x64xf32, #tpu.memory_space<hbm>>) target(%dma_start3A_196 : memref<1x64xf32, #tpu.memory_space<vmem>>) target_semaphore(%arg10 : memref<!tpu.dma_semaphore, #tpu.memory_space<semaphore_mem>>)
      %slice3A_199 = vector.extract_strided_slice %get3A_116 {offsets = [6], sizes = [1], strides = [1]} : vector<16xi32> to vector<1xi32>
      %squeeze3A_200 = vector.extract %slice3A_199[0] : i32 from vector<1xi32>
      %mul3A_201 = arith.constant 16 : i32
      %mul3A_202 = arith.muli %scan3A_110, %mul3A_201 : i32
      %add3A_203 = arith.constant 6 : i32
      %add3A_204 = arith.addi %mul3A_202, %add3A_203 : i32
      %dma_start3A_205 = arith.constant 0 : i32
      %dma_start3A_206 = tpu.memref_slice %arg6[%add3A_204, %dma_start3A_205] : memref<128x64xf32, #tpu.memory_space<vmem>> -> memref<1x64xf32, #tpu.memory_space<vmem>>
      %dma_start3A_207 = arith.constant 0 : i32
      %dma_start3A_208 = tpu.memref_slice %arg3[%squeeze3A_200, %dma_start3A_207] : memref<1000000x64xf32, #tpu.memory_space<hbm>> -> memref<1x64xf32, #tpu.memory_space<hbm>>
      %dma_start3A_209 = arith.constant 0 : i32
      %dma_start3A_210 = tpu.memref_slice %arg6[%add3A_204, %dma_start3A_209] : memref<128x64xf32, #tpu.memory_space<vmem>> -> memref<1x64xf32, #tpu.memory_space<vmem>>
      %dma_start3A_211 = arith.constant 0 : i32
      %dma_start3A_212 = tpu.memref_slice %arg3[%squeeze3A_200, %dma_start3A_211] : memref<1000000x64xf32, #tpu.memory_space<hbm>> -> memref<1x64xf32, #tpu.memory_space<hbm>>
      tpu.enqueue_dma source(%dma_start3A_212 : memref<1x64xf32, #tpu.memory_space<hbm>>) target(%dma_start3A_210 : memref<1x64xf32, #tpu.memory_space<vmem>>) target_semaphore(%arg10 : memref<!tpu.dma_semaphore, #tpu.memory_space<semaphore_mem>>)
      %slice3A_213 = vector.extract_strided_slice %get3A_116 {offsets = [7], sizes = [1], strides = [1]} : vector<16xi32> to vector<1xi32>
      %squeeze3A_214 = vector.extract %slice3A_213[0] : i32 from vector<1xi32>
      %mul3A_215 = arith.constant 16 : i32
      %mul3A_216 = arith.muli %scan3A_110, %mul3A_215 : i32
      %add3A_217 = arith.constant 7 : i32
      %add3A_218 = arith.addi %mul3A_216, %add3A_217 : i32
      %dma_start3A_219 = arith.constant 0 : i32
      %dma_start3A_220 = tpu.memref_slice %arg6[%add3A_218, %dma_start3A_219] : memref<128x64xf32, #tpu.memory_space<vmem>> -> memref<1x64xf32, #tpu.memory_space<vmem>>
      %dma_start3A_221 = arith.constant 0 : i32
      %dma_start3A_222 = tpu.memref_slice %arg3[%squeeze3A_214, %dma_start3A_221] : memref<1000000x64xf32, #tpu.memory_space<hbm>> -> memref<1x64xf32, #tpu.memory_space<hbm>>
      %dma_start3A_223 = arith.constant 0 : i32
      %dma_start3A_224 = tpu.memref_slice %arg6[%add3A_218, %dma_start3A_223] : memref<128x64xf32, #tpu.memory_space<vmem>> -> memref<1x64xf32, #tpu.memory_space<vmem>>
      %dma_start3A_225 = arith.constant 0 : i32
      %dma_start3A_226 = tpu.memref_slice %arg3[%squeeze3A_214, %dma_start3A_225] : memref<1000000x64xf32, #tpu.memory_space<hbm>> -> memref<1x64xf32, #tpu.memory_space<hbm>>
      tpu.enqueue_dma source(%dma_start3A_226 : memref<1x64xf32, #tpu.memory_space<hbm>>) target(%dma_start3A_224 : memref<1x64xf32, #tpu.memory_space<vmem>>) target_semaphore(%arg10 : memref<!tpu.dma_semaphore, #tpu.memory_space<semaphore_mem>>)
      %slice3A_227 = vector.extract_strided_slice %get3A_116 {offsets = [8], sizes = [1], strides = [1]} : vector<16xi32> to vector<1xi32>
      %squeeze3A_228 = vector.extract %slice3A_227[0] : i32 from vector<1xi32>
      %mul3A_229 = arith.constant 16 : i32
      %mul3A_230 = arith.muli %scan3A_110, %mul3A_229 : i32
      %add3A_231 = arith.constant 8 : i32
      %add3A_232 = arith.addi %mul3A_230, %add3A_231 : i32
      %dma_start3A_233 = arith.constant 0 : i32
      %dma_start3A_234 = tpu.memref_slice %arg6[%add3A_232, %dma_start3A_233] : memref<128x64xf32, #tpu.memory_space<vmem>> -> memref<1x64xf32, #tpu.memory_space<vmem>>
      %dma_start3A_235 = arith.constant 0 : i32
      %dma_start3A_236 = tpu.memref_slice %arg3[%squeeze3A_228, %dma_start3A_235] : memref<1000000x64xf32, #tpu.memory_space<hbm>> -> memref<1x64xf32, #tpu.memory_space<hbm>>
      %dma_start3A_237 = arith.constant 0 : i32
      %dma_start3A_238 = tpu.memref_slice %arg6[%add3A_232, %dma_start3A_237] : memref<128x64xf32, #tpu.memory_space<vmem>> -> memref<1x64xf32, #tpu.memory_space<vmem>>
      %dma_start3A_239 = arith.constant 0 : i32
      %dma_start3A_240 = tpu.memref_slice %arg3[%squeeze3A_228, %dma_start3A_239] : memref<1000000x64xf32, #tpu.memory_space<hbm>> -> memref<1x64xf32, #tpu.memory_space<hbm>>
      tpu.enqueue_dma source(%dma_start3A_240 : memref<1x64xf32, #tpu.memory_space<hbm>>) target(%dma_start3A_238 : memref<1x64xf32, #tpu.memory_space<vmem>>) target_semaphore(%arg10 : memref<!tpu.dma_semaphore, #tpu.memory_space<semaphore_mem>>)
      %slice3A_241 = vector.extract_strided_slice %get3A_116 {offsets = [9], sizes = [1], strides = [1]} : vector<16xi32> to vector<1xi32>
      %squeeze3A_242 = vector.extract %slice3A_241[0] : i32 from vector<1xi32>
      %mul3A_243 = arith.constant 16 : i32
      %mul3A_244 = arith.muli %scan3A_110, %mul3A_243 : i32
      %add3A_245 = arith.constant 9 : i32
      %add3A_246 = arith.addi %mul3A_244, %add3A_245 : i32
      %dma_start3A_247 = arith.constant 0 : i32
      %dma_start3A_248 = tpu.memref_slice %arg6[%add3A_246, %dma_start3A_247] : memref<128x64xf32, #tpu.memory_space<vmem>> -> memref<1x64xf32, #tpu.memory_space<vmem>>
      %dma_start3A_249 = arith.constant 0 : i32
      %dma_start3A_250 = tpu.memref_slice %arg3[%squeeze3A_242, %dma_start3A_249] : memref<1000000x64xf32, #tpu.memory_space<hbm>> -> memref<1x64xf32, #tpu.memory_space<hbm>>
      %dma_start3A_251 = arith.constant 0 : i32
      %dma_start3A_252 = tpu.memref_slice %arg6[%add3A_246, %dma_start3A_251] : memref<128x64xf32, #tpu.memory_space<vmem>> -> memref<1x64xf32, #tpu.memory_space<vmem>>
      %dma_start3A_253 = arith.constant 0 : i32
      %dma_start3A_254 = tpu.memref_slice %arg3[%squeeze3A_242, %dma_start3A_253] : memref<1000000x64xf32, #tpu.memory_space<hbm>> -> memref<1x64xf32, #tpu.memory_space<hbm>>
      tpu.enqueue_dma source(%dma_start3A_254 : memref<1x64xf32, #tpu.memory_space<hbm>>) target(%dma_start3A_252 : memref<1x64xf32, #tpu.memory_space<vmem>>) target_semaphore(%arg10 : memref<!tpu.dma_semaphore, #tpu.memory_space<semaphore_mem>>)
      %slice3A_255 = vector.extract_strided_slice %get3A_116 {offsets = [10], sizes = [1], strides = [1]} : vector<16xi32> to vector<1xi32>
      %squeeze3A_256 = vector.extract %slice3A_255[0] : i32 from vector<1xi32>
      %mul3A_257 = arith.constant 16 : i32
      %mul3A_258 = arith.muli %scan3A_110, %mul3A_257 : i32
      %add3A_259 = arith.constant 10 : i32
      %add3A_260 = arith.addi %mul3A_258, %add3A_259 : i32
      %dma_start3A_261 = arith.constant 0 : i32
      %dma_start3A_262 = tpu.memref_slice %arg6[%add3A_260, %dma_start3A_261] : memref<128x64xf32, #tpu.memory_space<vmem>> -> memref<1x64xf32, #tpu.memory_space<vmem>>
      %dma_start3A_263 = arith.constant 0 : i32
      %dma_start3A_264 = tpu.memref_slice %arg3[%squeeze3A_256, %dma_start3A_263] : memref<1000000x64xf32, #tpu.memory_space<hbm>> -> memref<1x64xf32, #tpu.memory_space<hbm>>
      %dma_start3A_265 = arith.constant 0 : i32
      %dma_start3A_266 = tpu.memref_slice %arg6[%add3A_260, %dma_start3A_265] : memref<128x64xf32, #tpu.memory_space<vmem>> -> memref<1x64xf32, #tpu.memory_space<vmem>>
      %dma_start3A_267 = arith.constant 0 : i32
      %dma_start3A_268 = tpu.memref_slice %arg3[%squeeze3A_256, %dma_start3A_267] : memref<1000000x64xf32, #tpu.memory_space<hbm>> -> memref<1x64xf32, #tpu.memory_space<hbm>>
      tpu.enqueue_dma source(%dma_start3A_268 : memref<1x64xf32, #tpu.memory_space<hbm>>) target(%dma_start3A_266 : memref<1x64xf32, #tpu.memory_space<vmem>>) target_semaphore(%arg10 : memref<!tpu.dma_semaphore, #tpu.memory_space<semaphore_mem>>)
      %slice3A_269 = vector.extract_strided_slice %get3A_116 {offsets = [11], sizes = [1], strides = [1]} : vector<16xi32> to vector<1xi32>
      %squeeze3A_270 = vector.extract %slice3A_269[0] : i32 from vector<1xi32>
      %mul3A_271 = arith.constant 16 : i32
      %mul3A_272 = arith.muli %scan3A_110, %mul3A_271 : i32
      %add3A_273 = arith.constant 11 : i32
      %add3A_274 = arith.addi %mul3A_272, %add3A_273 : i32
      %dma_start3A_275 = arith.constant 0 : i32
      %dma_start3A_276 = tpu.memref_slice %arg6[%add3A_274, %dma_start3A_275] : memref<128x64xf32, #tpu.memory_space<vmem>> -> memref<1x64xf32, #tpu.memory_space<vmem>>
      %dma_start3A_277 = arith.constant 0 : i32
      %dma_start3A_278 = tpu.memref_slice %arg3[%squeeze3A_270, %dma_start3A_277] : memref<1000000x64xf32, #tpu.memory_space<hbm>> -> memref<1x64xf32, #tpu.memory_space<hbm>>
      %dma_start3A_279 = arith.constant 0 : i32
      %dma_start3A_280 = tpu.memref_slice %arg6[%add3A_274, %dma_start3A_279] : memref<128x64xf32, #tpu.memory_space<vmem>> -> memref<1x64xf32, #tpu.memory_space<vmem>>
      %dma_start3A_281 = arith.constant 0 : i32
      %dma_start3A_282 = tpu.memref_slice %arg3[%squeeze3A_270, %dma_start3A_281] : memref<1000000x64xf32, #tpu.memory_space<hbm>> -> memref<1x64xf32, #tpu.memory_space<hbm>>
      tpu.enqueue_dma source(%dma_start3A_282 : memref<1x64xf32, #tpu.memory_space<hbm>>) target(%dma_start3A_280 : memref<1x64xf32, #tpu.memory_space<vmem>>) target_semaphore(%arg10 : memref<!tpu.dma_semaphore, #tpu.memory_space<semaphore_mem>>)
      %slice3A_283 = vector.extract_strided_slice %get3A_116 {offsets = [12], sizes = [1], strides = [1]} : vector<16xi32> to vector<1xi32>
      %squeeze3A_284 = vector.extract %slice3A_283[0] : i32 from vector<1xi32>
      %mul3A_285 = arith.constant 16 : i32
      %mul3A_286 = arith.muli %scan3A_110, %mul3A_285 : i32
      %add3A_287 = arith.constant 12 : i32
      %add3A_288 = arith.addi %mul3A_286, %add3A_287 : i32
      %dma_start3A_289 = arith.constant 0 : i32
      %dma_start3A_290 = tpu.memref_slice %arg6[%add3A_288, %dma_start3A_289] : memref<128x64xf32, #tpu.memory_space<vmem>> -> memref<1x64xf32, #tpu.memory_space<vmem>>
      %dma_start3A_291 = arith.constant 0 : i32
      %dma_start3A_292 = tpu.memref_slice %arg3[%squeeze3A_284, %dma_start3A_291] : memref<1000000x64xf32, #tpu.memory_space<hbm>> -> memref<1x64xf32, #tpu.memory_space<hbm>>
      %dma_start3A_293 = arith.constant 0 : i32
      %dma_start3A_294 = tpu.memref_slice %arg6[%add3A_288, %dma_start3A_293] : memref<128x64xf32, #tpu.memory_space<vmem>> -> memref<1x64xf32, #tpu.memory_space<vmem>>
      %dma_start3A_295 = arith.constant 0 : i32
      %dma_start3A_296 = tpu.memref_slice %arg3[%squeeze3A_284, %dma_start3A_295] : memref<1000000x64xf32, #tpu.memory_space<hbm>> -> memref<1x64xf32, #tpu.memory_space<hbm>>
      tpu.enqueue_dma source(%dma_start3A_296 : memref<1x64xf32, #tpu.memory_space<hbm>>) target(%dma_start3A_294 : memref<1x64xf32, #tpu.memory_space<vmem>>) target_semaphore(%arg10 : memref<!tpu.dma_semaphore, #tpu.memory_space<semaphore_mem>>)
      %slice3A_297 = vector.extract_strided_slice %get3A_116 {offsets = [13], sizes = [1], strides = [1]} : vector<16xi32> to vector<1xi32>
      %squeeze3A_298 = vector.extract %slice3A_297[0] : i32 from vector<1xi32>
      %mul3A_299 = arith.constant 16 : i32
      %mul3A_300 = arith.muli %scan3A_110, %mul3A_299 : i32
      %add3A_301 = arith.constant 13 : i32
      %add3A_302 = arith.addi %mul3A_300, %add3A_301 : i32
      %dma_start3A_303 = arith.constant 0 : i32
      %dma_start3A_304 = tpu.memref_slice %arg6[%add3A_302, %dma_start3A_303] : memref<128x64xf32, #tpu.memory_space<vmem>> -> memref<1x64xf32, #tpu.memory_space<vmem>>
      %dma_start3A_305 = arith.constant 0 : i32
      %dma_start3A_306 = tpu.memref_slice %arg3[%squeeze3A_298, %dma_start3A_305] : memref<1000000x64xf32, #tpu.memory_space<hbm>> -> memref<1x64xf32, #tpu.memory_space<hbm>>
      %dma_start3A_307 = arith.constant 0 : i32
      %dma_start3A_308 = tpu.memref_slice %arg6[%add3A_302, %dma_start3A_307] : memref<128x64xf32, #tpu.memory_space<vmem>> -> memref<1x64xf32, #tpu.memory_space<vmem>>
      %dma_start3A_309 = arith.constant 0 : i32
      %dma_start3A_310 = tpu.memref_slice %arg3[%squeeze3A_298, %dma_start3A_309] : memref<1000000x64xf32, #tpu.memory_space<hbm>> -> memref<1x64xf32, #tpu.memory_space<hbm>>
      tpu.enqueue_dma source(%dma_start3A_310 : memref<1x64xf32, #tpu.memory_space<hbm>>) target(%dma_start3A_308 : memref<1x64xf32, #tpu.memory_space<vmem>>) target_semaphore(%arg10 : memref<!tpu.dma_semaphore, #tpu.memory_space<semaphore_mem>>)
      %slice3A_311 = vector.extract_strided_slice %get3A_116 {offsets = [14], sizes = [1], strides = [1]} : vector<16xi32> to vector<1xi32>
      %squeeze3A_312 = vector.extract %slice3A_311[0] : i32 from vector<1xi32>
      %mul3A_313 = arith.constant 16 : i32
      %mul3A_314 = arith.muli %scan3A_110, %mul3A_313 : i32
      %add3A_315 = arith.constant 14 : i32
      %add3A_316 = arith.addi %mul3A_314, %add3A_315 : i32
      %dma_start3A_317 = arith.constant 0 : i32
      %dma_start3A_318 = tpu.memref_slice %arg6[%add3A_316, %dma_start3A_317] : memref<128x64xf32, #tpu.memory_space<vmem>> -> memref<1x64xf32, #tpu.memory_space<vmem>>
      %dma_start3A_319 = arith.constant 0 : i32
      %dma_start3A_320 = tpu.memref_slice %arg3[%squeeze3A_312, %dma_start3A_319] : memref<1000000x64xf32, #tpu.memory_space<hbm>> -> memref<1x64xf32, #tpu.memory_space<hbm>>
      %dma_start3A_321 = arith.constant 0 : i32
      %dma_start3A_322 = tpu.memref_slice %arg6[%add3A_316, %dma_start3A_321] : memref<128x64xf32, #tpu.memory_space<vmem>> -> memref<1x64xf32, #tpu.memory_space<vmem>>
      %dma_start3A_323 = arith.constant 0 : i32
      %dma_start3A_324 = tpu.memref_slice %arg3[%squeeze3A_312, %dma_start3A_323] : memref<1000000x64xf32, #tpu.memory_space<hbm>> -> memref<1x64xf32, #tpu.memory_space<hbm>>
      tpu.enqueue_dma source(%dma_start3A_324 : memref<1x64xf32, #tpu.memory_space<hbm>>) target(%dma_start3A_322 : memref<1x64xf32, #tpu.memory_space<vmem>>) target_semaphore(%arg10 : memref<!tpu.dma_semaphore, #tpu.memory_space<semaphore_mem>>)
      %slice3A_325 = vector.extract_strided_slice %get3A_116 {offsets = [15], sizes = [1], strides = [1]} : vector<16xi32> to vector<1xi32>
      %squeeze3A_326 = vector.extract %slice3A_325[0] : i32 from vector<1xi32>
      %mul3A_327 = arith.constant 16 : i32
      %mul3A_328 = arith.muli %scan3A_110, %mul3A_327 : i32
      %add3A_329 = arith.constant 15 : i32
      %add3A_330 = arith.addi %mul3A_328, %add3A_329 : i32
      %dma_start3A_331 = arith.constant 0 : i32
      %dma_start3A_332 = tpu.memref_slice %arg6[%add3A_330, %dma_start3A_331] : memref<128x64xf32, #tpu.memory_space<vmem>> -> memref<1x64xf32, #tpu.memory_space<vmem>>
      %dma_start3A_333 = arith.constant 0 : i32
      %dma_start3A_334 = tpu.memref_slice %arg3[%squeeze3A_326, %dma_start3A_333] : memref<1000000x64xf32, #tpu.memory_space<hbm>> -> memref<1x64xf32, #tpu.memory_space<hbm>>
      %dma_start3A_335 = arith.constant 0 : i32
      %dma_start3A_336 = tpu.memref_slice %arg6[%add3A_330, %dma_start3A_335] : memref<128x64xf32, #tpu.memory_space<vmem>> -> memref<1x64xf32, #tpu.memory_space<vmem>>
      %dma_start3A_337 = arith.constant 0 : i32
      %dma_start3A_338 = tpu.memref_slice %arg3[%squeeze3A_326, %dma_start3A_337] : memref<1000000x64xf32, #tpu.memory_space<hbm>> -> memref<1x64xf32, #tpu.memory_space<hbm>>
      tpu.enqueue_dma source(%dma_start3A_338 : memref<1x64xf32, #tpu.memory_space<hbm>>) target(%dma_start3A_336 : memref<1x64xf32, #tpu.memory_space<vmem>>) target_semaphore(%arg10 : memref<!tpu.dma_semaphore, #tpu.memory_space<semaphore_mem>>)
    }
    %scan3A_7 = arith.constant 8 : i32
    %scan3A_8 = arith.constant 0 : i32
    %scan3A_9 = arith.constant 0 : i32
    %scan3A_10 = arith.constant 8 : i32
    %scan3A_11 = arith.addi %scan3A_9, %scan3A_10 : i32
    %scan3A_12 = arith.constant 1 : i32
    scf.for %scan3A_110 = %scan3A_9 to %scan3A_11 step %scan3A_12  : i32 {
      %mul3A_111 = arith.constant 16 : i32
      %mul3A_112 = arith.muli %scan3A_110, %mul3A_111 : i32
      %get3A = arith.constant 1 : i32
      %get3A_113 = arith.index_cast %get3A : i32 to index
      %get3A_114 = arith.index_cast %mul3A_112 : i32 to index
      %get3A_115 = tpu.vector_load %arg5[%get3A_113, %get3A_114] {strides = array<i32>} : memref<200x128xi32, #tpu.memory_space<vmem>>, vector<1x16xi32>,
      %get3A_116 = vector.shape_cast %get3A_115 : vector<1x16xi32> to vector<16xi32>
      %slice3A = vector.extract_strided_slice %get3A_116 {offsets = [0], sizes = [1], strides = [1]} : vector<16xi32> to vector<1xi32>
      %squeeze3A = vector.extract %slice3A[0] : i32 from vector<1xi32>
      %mul3A_117 = arith.constant 16 : i32
      %mul3A_118 = arith.muli %scan3A_110, %mul3A_117 : i32
      %add3A_119 = arith.constant 0 : i32
      %add3A_120 = arith.addi %mul3A_118, %add3A_119 : i32
      %dma_start3A_121 = arith.constant 0 : i32
      %dma_start3A_122 = tpu.memref_slice %arg7[%add3A_120, %dma_start3A_121] : memref<128x64xf32, #tpu.memory_space<vmem>> -> memref<1x64xf32, #tpu.memory_space<vmem>>
      %dma_start3A_123 = arith.constant 0 : i32
      %dma_start3A_124 = tpu.memref_slice %arg3[%squeeze3A, %dma_start3A_123] : memref<1000000x64xf32, #tpu.memory_space<hbm>> -> memref<1x64xf32, #tpu.memory_space<hbm>>
      %dma_start3A_125 = arith.constant 0 : i32
      %dma_start3A_126 = tpu.memref_slice %arg7[%add3A_120, %dma_start3A_125] : memref<128x64xf32, #tpu.memory_space<vmem>> -> memref<1x64xf32, #tpu.memory_space<vmem>>
      %dma_start3A_127 = arith.constant 0 : i32
      %dma_start3A_128 = tpu.memref_slice %arg3[%squeeze3A, %dma_start3A_127] : memref<1000000x64xf32, #tpu.memory_space<hbm>> -> memref<1x64xf32, #tpu.memory_space<hbm>>
      tpu.enqueue_dma source(%dma_start3A_128 : memref<1x64xf32, #tpu.memory_space<hbm>>) target(%dma_start3A_126 : memref<1x64xf32, #tpu.memory_space<vmem>>) target_semaphore(%arg11 : memref<!tpu.dma_semaphore, #tpu.memory_space<semaphore_mem>>)
      %slice3A_129 = vector.extract_strided_slice %get3A_116 {offsets = [1], sizes = [1], strides = [1]} : vector<16xi32> to vector<1xi32>
      %squeeze3A_130 = vector.extract %slice3A_129[0] : i32 from vector<1xi32>
      %mul3A_131 = arith.constant 16 : i32
      %mul3A_132 = arith.muli %scan3A_110, %mul3A_131 : i32
      %add3A_133 = arith.constant 1 : i32
      %add3A_134 = arith.addi %mul3A_132, %add3A_133 : i32
      %dma_start3A_135 = arith.constant 0 : i32
      %dma_start3A_136 = tpu.memref_slice %arg7[%add3A_134, %dma_start3A_135] : memref<128x64xf32, #tpu.memory_space<vmem>> -> memref<1x64xf32, #tpu.memory_space<vmem>>
      %dma_start3A_137 = arith.constant 0 : i32
      %dma_start3A_138 = tpu.memref_slice %arg3[%squeeze3A_130, %dma_start3A_137] : memref<1000000x64xf32, #tpu.memory_space<hbm>> -> memref<1x64xf32, #tpu.memory_space<hbm>>
      %dma_start3A_139 = arith.constant 0 : i32
      %dma_start3A_140 = tpu.memref_slice %arg7[%add3A_134, %dma_start3A_139] : memref<128x64xf32, #tpu.memory_space<vmem>> -> memref<1x64xf32, #tpu.memory_space<vmem>>
      %dma_start3A_141 = arith.constant 0 : i32
      %dma_start3A_142 = tpu.memref_slice %arg3[%squeeze3A_130, %dma_start3A_141] : memref<1000000x64xf32, #tpu.memory_space<hbm>> -> memref<1x64xf32, #tpu.memory_space<hbm>>
      tpu.enqueue_dma source(%dma_start3A_142 : memref<1x64xf32, #tpu.memory_space<hbm>>) target(%dma_start3A_140 : memref<1x64xf32, #tpu.memory_space<vmem>>) target_semaphore(%arg11 : memref<!tpu.dma_semaphore, #tpu.memory_space<semaphore_mem>>)
      %slice3A_143 = vector.extract_strided_slice %get3A_116 {offsets = [2], sizes = [1], strides = [1]} : vector<16xi32> to vector<1xi32>
      %squeeze3A_144 = vector.extract %slice3A_143[0] : i32 from vector<1xi32>
      %mul3A_145 = arith.constant 16 : i32
      %mul3A_146 = arith.muli %scan3A_110, %mul3A_145 : i32
      %add3A_147 = arith.constant 2 : i32
      %add3A_148 = arith.addi %mul3A_146, %add3A_147 : i32
      %dma_start3A_149 = arith.constant 0 : i32
      %dma_start3A_150 = tpu.memref_slice %arg7[%add3A_148, %dma_start3A_149] : memref<128x64xf32, #tpu.memory_space<vmem>> -> memref<1x64xf32, #tpu.memory_space<vmem>>
      %dma_start3A_151 = arith.constant 0 : i32
      %dma_start3A_152 = tpu.memref_slice %arg3[%squeeze3A_144, %dma_start3A_151] : memref<1000000x64xf32, #tpu.memory_space<hbm>> -> memref<1x64xf32, #tpu.memory_space<hbm>>
      %dma_start3A_153 = arith.constant 0 : i32
      %dma_start3A_154 = tpu.memref_slice %arg7[%add3A_148, %dma_start3A_153] : memref<128x64xf32, #tpu.memory_space<vmem>> -> memref<1x64xf32, #tpu.memory_space<vmem>>
      %dma_start3A_155 = arith.constant 0 : i32
      %dma_start3A_156 = tpu.memref_slice %arg3[%squeeze3A_144, %dma_start3A_155] : memref<1000000x64xf32, #tpu.memory_space<hbm>> -> memref<1x64xf32, #tpu.memory_space<hbm>>
      tpu.enqueue_dma source(%dma_start3A_156 : memref<1x64xf32, #tpu.memory_space<hbm>>) target(%dma_start3A_154 : memref<1x64xf32, #tpu.memory_space<vmem>>) target_semaphore(%arg11 : memref<!tpu.dma_semaphore, #tpu.memory_space<semaphore_mem>>)
      %slice3A_157 = vector.extract_strided_slice %get3A_116 {offsets = [3], sizes = [1], strides = [1]} : vector<16xi32> to vector<1xi32>
      %squeeze3A_158 = vector.extract %slice3A_157[0] : i32 from vector<1xi32>
      %mul3A_159 = arith.constant 16 : i32
      %mul3A_160 = arith.muli %scan3A_110, %mul3A_159 : i32
      %add3A_161 = arith.constant 3 : i32
      %add3A_162 = arith.addi %mul3A_160, %add3A_161 : i32
      %dma_start3A_163 = arith.constant 0 : i32
      %dma_start3A_164 = tpu.memref_slice %arg7[%add3A_162, %dma_start3A_163] : memref<128x64xf32, #tpu.memory_space<vmem>> -> memref<1x64xf32, #tpu.memory_space<vmem>>
      %dma_start3A_165 = arith.constant 0 : i32
      %dma_start3A_166 = tpu.memref_slice %arg3[%squeeze3A_158, %dma_start3A_165] : memref<1000000x64xf32, #tpu.memory_space<hbm>> -> memref<1x64xf32, #tpu.memory_space<hbm>>
      %dma_start3A_167 = arith.constant 0 : i32
      %dma_start3A_168 = tpu.memref_slice %arg7[%add3A_162, %dma_start3A_167] : memref<128x64xf32, #tpu.memory_space<vmem>> -> memref<1x64xf32, #tpu.memory_space<vmem>>
      %dma_start3A_169 = arith.constant 0 : i32
      %dma_start3A_170 = tpu.memref_slice %arg3[%squeeze3A_158, %dma_start3A_169] : memref<1000000x64xf32, #tpu.memory_space<hbm>> -> memref<1x64xf32, #tpu.memory_space<hbm>>
      tpu.enqueue_dma source(%dma_start3A_170 : memref<1x64xf32, #tpu.memory_space<hbm>>) target(%dma_start3A_168 : memref<1x64xf32, #tpu.memory_space<vmem>>) target_semaphore(%arg11 : memref<!tpu.dma_semaphore, #tpu.memory_space<semaphore_mem>>)
      %slice3A_171 = vector.extract_strided_slice %get3A_116 {offsets = [4], sizes = [1], strides = [1]} : vector<16xi32> to vector<1xi32>
      %squeeze3A_172 = vector.extract %slice3A_171[0] : i32 from vector<1xi32>
      %mul3A_173 = arith.constant 16 : i32
      %mul3A_174 = arith.muli %scan3A_110, %mul3A_173 : i32
      %add3A_175 = arith.constant 4 : i32
      %add3A_176 = arith.addi %mul3A_174, %add3A_175 : i32
      %dma_start3A_177 = arith.constant 0 : i32
      %dma_start3A_178 = tpu.memref_slice %arg7[%add3A_176, %dma_start3A_177] : memref<128x64xf32, #tpu.memory_space<vmem>> -> memref<1x64xf32, #tpu.memory_space<vmem>>
      %dma_start3A_179 = arith.constant 0 : i32
      %dma_start3A_180 = tpu.memref_slice %arg3[%squeeze3A_172, %dma_start3A_179] : memref<1000000x64xf32, #tpu.memory_space<hbm>> -> memref<1x64xf32, #tpu.memory_space<hbm>>
      %dma_start3A_181 = arith.constant 0 : i32
      %dma_start3A_182 = tpu.memref_slice %arg7[%add3A_176, %dma_start3A_181] : memref<128x64xf32, #tpu.memory_space<vmem>> -> memref<1x64xf32, #tpu.memory_space<vmem>>
      %dma_start3A_183 = arith.constant 0 : i32
      %dma_start3A_184 = tpu.memref_slice %arg3[%squeeze3A_172, %dma_start3A_183] : memref<1000000x64xf32, #tpu.memory_space<hbm>> -> memref<1x64xf32, #tpu.memory_space<hbm>>
      tpu.enqueue_dma source(%dma_start3A_184 : memref<1x64xf32, #tpu.memory_space<hbm>>) target(%dma_start3A_182 : memref<1x64xf32, #tpu.memory_space<vmem>>) target_semaphore(%arg11 : memref<!tpu.dma_semaphore, #tpu.memory_space<semaphore_mem>>)
      %slice3A_185 = vector.extract_strided_slice %get3A_116 {offsets = [5], sizes = [1], strides = [1]} : vector<16xi32> to vector<1xi32>
      %squeeze3A_186 = vector.extract %slice3A_185[0] : i32 from vector<1xi32>
      %mul3A_187 = arith.constant 16 : i32
      %mul3A_188 = arith.muli %scan3A_110, %mul3A_187 : i32
      %add3A_189 = arith.constant 5 : i32
      %add3A_190 = arith.addi %mul3A_188, %add3A_189 : i32
      %dma_start3A_191 = arith.constant 0 : i32
      %dma_start3A_192 = tpu.memref_slice %arg7[%add3A_190, %dma_start3A_191] : memref<128x64xf32, #tpu.memory_space<vmem>> -> memref<1x64xf32, #tpu.memory_space<vmem>>
      %dma_start3A_193 = arith.constant 0 : i32
      %dma_start3A_194 = tpu.memref_slice %arg3[%squeeze3A_186, %dma_start3A_193] : memref<1000000x64xf32, #tpu.memory_space<hbm>> -> memref<1x64xf32, #tpu.memory_space<hbm>>
      %dma_start3A_195 = arith.constant 0 : i32
      %dma_start3A_196 = tpu.memref_slice %arg7[%add3A_190, %dma_start3A_195] : memref<128x64xf32, #tpu.memory_space<vmem>> -> memref<1x64xf32, #tpu.memory_space<vmem>>
      %dma_start3A_197 = arith.constant 0 : i32
      %dma_start3A_198 = tpu.memref_slice %arg3[%squeeze3A_186, %dma_start3A_197] : memref<1000000x64xf32, #tpu.memory_space<hbm>> -> memref<1x64xf32, #tpu.memory_space<hbm>>
      tpu.enqueue_dma source(%dma_start3A_198 : memref<1x64xf32, #tpu.memory_space<hbm>>) target(%dma_start3A_196 : memref<1x64xf32, #tpu.memory_space<vmem>>) target_semaphore(%arg11 : memref<!tpu.dma_semaphore, #tpu.memory_space<semaphore_mem>>)
      %slice3A_199 = vector.extract_strided_slice %get3A_116 {offsets = [6], sizes = [1], strides = [1]} : vector<16xi32> to vector<1xi32>
      %squeeze3A_200 = vector.extract %slice3A_199[0] : i32 from vector<1xi32>
      %mul3A_201 = arith.constant 16 : i32
      %mul3A_202 = arith.muli %scan3A_110, %mul3A_201 : i32
      %add3A_203 = arith.constant 6 : i32
      %add3A_204 = arith.addi %mul3A_202, %add3A_203 : i32
      %dma_start3A_205 = arith.constant 0 : i32
      %dma_start3A_206 = tpu.memref_slice %arg7[%add3A_204, %dma_start3A_205] : memref<128x64xf32, #tpu.memory_space<vmem>> -> memref<1x64xf32, #tpu.memory_space<vmem>>
      %dma_start3A_207 = arith.constant 0 : i32
      %dma_start3A_208 = tpu.memref_slice %arg3[%squeeze3A_200, %dma_start3A_207] : memref<1000000x64xf32, #tpu.memory_space<hbm>> -> memref<1x64xf32, #tpu.memory_space<hbm>>
      %dma_start3A_209 = arith.constant 0 : i32
      %dma_start3A_210 = tpu.memref_slice %arg7[%add3A_204, %dma_start3A_209] : memref<128x64xf32, #tpu.memory_space<vmem>> -> memref<1x64xf32, #tpu.memory_space<vmem>>
      %dma_start3A_211 = arith.constant 0 : i32
      %dma_start3A_212 = tpu.memref_slice %arg3[%squeeze3A_200, %dma_start3A_211] : memref<1000000x64xf32, #tpu.memory_space<hbm>> -> memref<1x64xf32, #tpu.memory_space<hbm>>
      tpu.enqueue_dma source(%dma_start3A_212 : memref<1x64xf32, #tpu.memory_space<hbm>>) target(%dma_start3A_210 : memref<1x64xf32, #tpu.memory_space<vmem>>) target_semaphore(%arg11 : memref<!tpu.dma_semaphore, #tpu.memory_space<semaphore_mem>>)
      %slice3A_213 = vector.extract_strided_slice %get3A_116 {offsets = [7], sizes = [1], strides = [1]} : vector<16xi32> to vector<1xi32>
      %squeeze3A_214 = vector.extract %slice3A_213[0] : i32 from vector<1xi32>
      %mul3A_215 = arith.constant 16 : i32
      %mul3A_216 = arith.muli %scan3A_110, %mul3A_215 : i32
      %add3A_217 = arith.constant 7 : i32
      %add3A_218 = arith.addi %mul3A_216, %add3A_217 : i32
      %dma_start3A_219 = arith.constant 0 : i32
      %dma_start3A_220 = tpu.memref_slice %arg7[%add3A_218, %dma_start3A_219] : memref<128x64xf32, #tpu.memory_space<vmem>> -> memref<1x64xf32, #tpu.memory_space<vmem>>
      %dma_start3A_221 = arith.constant 0 : i32
      %dma_start3A_222 = tpu.memref_slice %arg3[%squeeze3A_214, %dma_start3A_221] : memref<1000000x64xf32, #tpu.memory_space<hbm>> -> memref<1x64xf32, #tpu.memory_space<hbm>>
      %dma_start3A_223 = arith.constant 0 : i32
      %dma_start3A_224 = tpu.memref_slice %arg7[%add3A_218, %dma_start3A_223] : memref<128x64xf32, #tpu.memory_space<vmem>> -> memref<1x64xf32, #tpu.memory_space<vmem>>
      %dma_start3A_225 = arith.constant 0 : i32
      %dma_start3A_226 = tpu.memref_slice %arg3[%squeeze3A_214, %dma_start3A_225] : memref<1000000x64xf32, #tpu.memory_space<hbm>> -> memref<1x64xf32, #tpu.memory_space<hbm>>
      tpu.enqueue_dma source(%dma_start3A_226 : memref<1x64xf32, #tpu.memory_space<hbm>>) target(%dma_start3A_224 : memref<1x64xf32, #tpu.memory_space<vmem>>) target_semaphore(%arg11 : memref<!tpu.dma_semaphore, #tpu.memory_space<semaphore_mem>>)
      %slice3A_227 = vector.extract_strided_slice %get3A_116 {offsets = [8], sizes = [1], strides = [1]} : vector<16xi32> to vector<1xi32>
      %squeeze3A_228 = vector.extract %slice3A_227[0] : i32 from vector<1xi32>
      %mul3A_229 = arith.constant 16 : i32
      %mul3A_230 = arith.muli %scan3A_110, %mul3A_229 : i32
      %add3A_231 = arith.constant 8 : i32
      %add3A_232 = arith.addi %mul3A_230, %add3A_231 : i32
      %dma_start3A_233 = arith.constant 0 : i32
      %dma_start3A_234 = tpu.memref_slice %arg7[%add3A_232, %dma_start3A_233] : memref<128x64xf32, #tpu.memory_space<vmem>> -> memref<1x64xf32, #tpu.memory_space<vmem>>
      %dma_start3A_235 = arith.constant 0 : i32
      %dma_start3A_236 = tpu.memref_slice %arg3[%squeeze3A_228, %dma_start3A_235] : memref<1000000x64xf32, #tpu.memory_space<hbm>> -> memref<1x64xf32, #tpu.memory_space<hbm>>
      %dma_start3A_237 = arith.constant 0 : i32
      %dma_start3A_238 = tpu.memref_slice %arg7[%add3A_232, %dma_start3A_237] : memref<128x64xf32, #tpu.memory_space<vmem>> -> memref<1x64xf32, #tpu.memory_space<vmem>>
      %dma_start3A_239 = arith.constant 0 : i32
      %dma_start3A_240 = tpu.memref_slice %arg3[%squeeze3A_228, %dma_start3A_239] : memref<1000000x64xf32, #tpu.memory_space<hbm>> -> memref<1x64xf32, #tpu.memory_space<hbm>>
      tpu.enqueue_dma source(%dma_start3A_240 : memref<1x64xf32, #tpu.memory_space<hbm>>) target(%dma_start3A_238 : memref<1x64xf32, #tpu.memory_space<vmem>>) target_semaphore(%arg11 : memref<!tpu.dma_semaphore, #tpu.memory_space<semaphore_mem>>)
      %slice3A_241 = vector.extract_strided_slice %get3A_116 {offsets = [9], sizes = [1], strides = [1]} : vector<16xi32> to vector<1xi32>
      %squeeze3A_242 = vector.extract %slice3A_241[0] : i32 from vector<1xi32>
      %mul3A_243 = arith.constant 16 : i32
      %mul3A_244 = arith.muli %scan3A_110, %mul3A_243 : i32
      %add3A_245 = arith.constant 9 : i32
      %add3A_246 = arith.addi %mul3A_244, %add3A_245 : i32
      %dma_start3A_247 = arith.constant 0 : i32
      %dma_start3A_248 = tpu.memref_slice %arg7[%add3A_246, %dma_start3A_247] : memref<128x64xf32, #tpu.memory_space<vmem>> -> memref<1x64xf32, #tpu.memory_space<vmem>>
      %dma_start3A_249 = arith.constant 0 : i32
      %dma_start3A_250 = tpu.memref_slice %arg3[%squeeze3A_242, %dma_start3A_249] : memref<1000000x64xf32, #tpu.memory_space<hbm>> -> memref<1x64xf32, #tpu.memory_space<hbm>>
      %dma_start3A_251 = arith.constant 0 : i32
      %dma_start3A_252 = tpu.memref_slice %arg7[%add3A_246, %dma_start3A_251] : memref<128x64xf32, #tpu.memory_space<vmem>> -> memref<1x64xf32, #tpu.memory_space<vmem>>
      %dma_start3A_253 = arith.constant 0 : i32
      %dma_start3A_254 = tpu.memref_slice %arg3[%squeeze3A_242, %dma_start3A_253] : memref<1000000x64xf32, #tpu.memory_space<hbm>> -> memref<1x64xf32, #tpu.memory_space<hbm>>
      tpu.enqueue_dma source(%dma_start3A_254 : memref<1x64xf32, #tpu.memory_space<hbm>>) target(%dma_start3A_252 : memref<1x64xf32, #tpu.memory_space<vmem>>) target_semaphore(%arg11 : memref<!tpu.dma_semaphore, #tpu.memory_space<semaphore_mem>>)
      %slice3A_255 = vector.extract_strided_slice %get3A_116 {offsets = [10], sizes = [1], strides = [1]} : vector<16xi32> to vector<1xi32>
      %squeeze3A_256 = vector.extract %slice3A_255[0] : i32 from vector<1xi32>
      %mul3A_257 = arith.constant 16 : i32
      %mul3A_258 = arith.muli %scan3A_110, %mul3A_257 : i32
      %add3A_259 = arith.constant 10 : i32
      %add3A_260 = arith.addi %mul3A_258, %add3A_259 : i32
      %dma_start3A_261 = arith.constant 0 : i32
      %dma_start3A_262 = tpu.memref_slice %arg7[%add3A_260, %dma_start3A_261] : memref<128x64xf32, #tpu.memory_space<vmem>> -> memref<1x64xf32, #tpu.memory_space<vmem>>
      %dma_start3A_263 = arith.constant 0 : i32
      %dma_start3A_264 = tpu.memref_slice %arg3[%squeeze3A_256, %dma_start3A_263] : memref<1000000x64xf32, #tpu.memory_space<hbm>> -> memref<1x64xf32, #tpu.memory_space<hbm>>
      %dma_start3A_265 = arith.constant 0 : i32
      %dma_start3A_266 = tpu.memref_slice %arg7[%add3A_260, %dma_start3A_265] : memref<128x64xf32, #tpu.memory_space<vmem>> -> memref<1x64xf32, #tpu.memory_space<vmem>>
      %dma_start3A_267 = arith.constant 0 : i32
      %dma_start3A_268 = tpu.memref_slice %arg3[%squeeze3A_256, %dma_start3A_267] : memref<1000000x64xf32, #tpu.memory_space<hbm>> -> memref<1x64xf32, #tpu.memory_space<hbm>>
      tpu.enqueue_dma source(%dma_start3A_268 : memref<1x64xf32, #tpu.memory_space<hbm>>) target(%dma_start3A_266 : memref<1x64xf32, #tpu.memory_space<vmem>>) target_semaphore(%arg11 : memref<!tpu.dma_semaphore, #tpu.memory_space<semaphore_mem>>)
      %slice3A_269 = vector.extract_strided_slice %get3A_116 {offsets = [11], sizes = [1], strides = [1]} : vector<16xi32> to vector<1xi32>
      %squeeze3A_270 = vector.extract %slice3A_269[0] : i32 from vector<1xi32>
      %mul3A_271 = arith.constant 16 : i32
      %mul3A_272 = arith.muli %scan3A_110, %mul3A_271 : i32
      %add3A_273 = arith.constant 11 : i32
      %add3A_274 = arith.addi %mul3A_272, %add3A_273 : i32
      %dma_start3A_275 = arith.constant 0 : i32
      %dma_start3A_276 = tpu.memref_slice %arg7[%add3A_274, %dma_start3A_275] : memref<128x64xf32, #tpu.memory_space<vmem>> -> memref<1x64xf32, #tpu.memory_space<vmem>>
      %dma_start3A_277 = arith.constant 0 : i32
      %dma_start3A_278 = tpu.memref_slice %arg3[%squeeze3A_270, %dma_start3A_277] : memref<1000000x64xf32, #tpu.memory_space<hbm>> -> memref<1x64xf32, #tpu.memory_space<hbm>>
      %dma_start3A_279 = arith.constant 0 : i32
      %dma_start3A_280 = tpu.memref_slice %arg7[%add3A_274, %dma_start3A_279] : memref<128x64xf32, #tpu.memory_space<vmem>> -> memref<1x64xf32, #tpu.memory_space<vmem>>
      %dma_start3A_281 = arith.constant 0 : i32
      %dma_start3A_282 = tpu.memref_slice %arg3[%squeeze3A_270, %dma_start3A_281] : memref<1000000x64xf32, #tpu.memory_space<hbm>> -> memref<1x64xf32, #tpu.memory_space<hbm>>
      tpu.enqueue_dma source(%dma_start3A_282 : memref<1x64xf32, #tpu.memory_space<hbm>>) target(%dma_start3A_280 : memref<1x64xf32, #tpu.memory_space<vmem>>) target_semaphore(%arg11 : memref<!tpu.dma_semaphore, #tpu.memory_space<semaphore_mem>>)
      %slice3A_283 = vector.extract_strided_slice %get3A_116 {offsets = [12], sizes = [1], strides = [1]} : vector<16xi32> to vector<1xi32>
      %squeeze3A_284 = vector.extract %slice3A_283[0] : i32 from vector<1xi32>
      %mul3A_285 = arith.constant 16 : i32
      %mul3A_286 = arith.muli %scan3A_110, %mul3A_285 : i32
      %add3A_287 = arith.constant 12 : i32
      %add3A_288 = arith.addi %mul3A_286, %add3A_287 : i32
      %dma_start3A_289 = arith.constant 0 : i32
      %dma_start3A_290 = tpu.memref_slice %arg7[%add3A_288, %dma_start3A_289] : memref<128x64xf32, #tpu.memory_space<vmem>> -> memref<1x64xf32, #tpu.memory_space<vmem>>
      %dma_start3A_291 = arith.constant 0 : i32
      %dma_start3A_292 = tpu.memref_slice %arg3[%squeeze3A_284, %dma_start3A_291] : memref<1000000x64xf32, #tpu.memory_space<hbm>> -> memref<1x64xf32, #tpu.memory_space<hbm>>
      %dma_start3A_293 = arith.constant 0 : i32
      %dma_start3A_294 = tpu.memref_slice %arg7[%add3A_288, %dma_start3A_293] : memref<128x64xf32, #tpu.memory_space<vmem>> -> memref<1x64xf32, #tpu.memory_space<vmem>>
      %dma_start3A_295 = arith.constant 0 : i32
      %dma_start3A_296 = tpu.memref_slice %arg3[%squeeze3A_284, %dma_start3A_295] : memref<1000000x64xf32, #tpu.memory_space<hbm>> -> memref<1x64xf32, #tpu.memory_space<hbm>>
      tpu.enqueue_dma source(%dma_start3A_296 : memref<1x64xf32, #tpu.memory_space<hbm>>) target(%dma_start3A_294 : memref<1x64xf32, #tpu.memory_space<vmem>>) target_semaphore(%arg11 : memref<!tpu.dma_semaphore, #tpu.memory_space<semaphore_mem>>)
      %slice3A_297 = vector.extract_strided_slice %get3A_116 {offsets = [13], sizes = [1], strides = [1]} : vector<16xi32> to vector<1xi32>
      %squeeze3A_298 = vector.extract %slice3A_297[0] : i32 from vector<1xi32>
      %mul3A_299 = arith.constant 16 : i32
      %mul3A_300 = arith.muli %scan3A_110, %mul3A_299 : i32
      %add3A_301 = arith.constant 13 : i32
      %add3A_302 = arith.addi %mul3A_300, %add3A_301 : i32
      %dma_start3A_303 = arith.constant 0 : i32
      %dma_start3A_304 = tpu.memref_slice %arg7[%add3A_302, %dma_start3A_303] : memref<128x64xf32, #tpu.memory_space<vmem>> -> memref<1x64xf32, #tpu.memory_space<vmem>>
      %dma_start3A_305 = arith.constant 0 : i32
      %dma_start3A_306 = tpu.memref_slice %arg3[%squeeze3A_298, %dma_start3A_305] : memref<1000000x64xf32, #tpu.memory_space<hbm>> -> memref<1x64xf32, #tpu.memory_space<hbm>>
      %dma_start3A_307 = arith.constant 0 : i32
      %dma_start3A_308 = tpu.memref_slice %arg7[%add3A_302, %dma_start3A_307] : memref<128x64xf32, #tpu.memory_space<vmem>> -> memref<1x64xf32, #tpu.memory_space<vmem>>
      %dma_start3A_309 = arith.constant 0 : i32
      %dma_start3A_310 = tpu.memref_slice %arg3[%squeeze3A_298, %dma_start3A_309] : memref<1000000x64xf32, #tpu.memory_space<hbm>> -> memref<1x64xf32, #tpu.memory_space<hbm>>
      tpu.enqueue_dma source(%dma_start3A_310 : memref<1x64xf32, #tpu.memory_space<hbm>>) target(%dma_start3A_308 : memref<1x64xf32, #tpu.memory_space<vmem>>) target_semaphore(%arg11 : memref<!tpu.dma_semaphore, #tpu.memory_space<semaphore_mem>>)
      %slice3A_311 = vector.extract_strided_slice %get3A_116 {offsets = [14], sizes = [1], strides = [1]} : vector<16xi32> to vector<1xi32>
      %squeeze3A_312 = vector.extract %slice3A_311[0] : i32 from vector<1xi32>
      %mul3A_313 = arith.constant 16 : i32
      %mul3A_314 = arith.muli %scan3A_110, %mul3A_313 : i32
      %add3A_315 = arith.constant 14 : i32
      %add3A_316 = arith.addi %mul3A_314, %add3A_315 : i32
      %dma_start3A_317 = arith.constant 0 : i32
      %dma_start3A_318 = tpu.memref_slice %arg7[%add3A_316, %dma_start3A_317] : memref<128x64xf32, #tpu.memory_space<vmem>> -> memref<1x64xf32, #tpu.memory_space<vmem>>
      %dma_start3A_319 = arith.constant 0 : i32
      %dma_start3A_320 = tpu.memref_slice %arg3[%squeeze3A_312, %dma_start3A_319] : memref<1000000x64xf32, #tpu.memory_space<hbm>> -> memref<1x64xf32, #tpu.memory_space<hbm>>
      %dma_start3A_321 = arith.constant 0 : i32
      %dma_start3A_322 = tpu.memref_slice %arg7[%add3A_316, %dma_start3A_321] : memref<128x64xf32, #tpu.memory_space<vmem>> -> memref<1x64xf32, #tpu.memory_space<vmem>>
      %dma_start3A_323 = arith.constant 0 : i32
      %dma_start3A_324 = tpu.memref_slice %arg3[%squeeze3A_312, %dma_start3A_323] : memref<1000000x64xf32, #tpu.memory_space<hbm>> -> memref<1x64xf32, #tpu.memory_space<hbm>>
      tpu.enqueue_dma source(%dma_start3A_324 : memref<1x64xf32, #tpu.memory_space<hbm>>) target(%dma_start3A_322 : memref<1x64xf32, #tpu.memory_space<vmem>>) target_semaphore(%arg11 : memref<!tpu.dma_semaphore, #tpu.memory_space<semaphore_mem>>)
      %slice3A_325 = vector.extract_strided_slice %get3A_116 {offsets = [15], sizes = [1], strides = [1]} : vector<16xi32> to vector<1xi32>
      %squeeze3A_326 = vector.extract %slice3A_325[0] : i32 from vector<1xi32>
      %mul3A_327 = arith.constant 16 : i32
      %mul3A_328 = arith.muli %scan3A_110, %mul3A_327 : i32
      %add3A_329 = arith.constant 15 : i32
      %add3A_330 = arith.addi %mul3A_328, %add3A_329 : i32
      %dma_start3A_331 = arith.constant 0 : i32
      %dma_start3A_332 = tpu.memref_slice %arg7[%add3A_330, %dma_start3A_331] : memref<128x64xf32, #tpu.memory_space<vmem>> -> memref<1x64xf32, #tpu.memory_space<vmem>>
      %dma_start3A_333 = arith.constant 0 : i32
      %dma_start3A_334 = tpu.memref_slice %arg3[%squeeze3A_326, %dma_start3A_333] : memref<1000000x64xf32, #tpu.memory_space<hbm>> -> memref<1x64xf32, #tpu.memory_space<hbm>>
      %dma_start3A_335 = arith.constant 0 : i32
      %dma_start3A_336 = tpu.memref_slice %arg7[%add3A_330, %dma_start3A_335] : memref<128x64xf32, #tpu.memory_space<vmem>> -> memref<1x64xf32, #tpu.memory_space<vmem>>
      %dma_start3A_337 = arith.constant 0 : i32
      %dma_start3A_338 = tpu.memref_slice %arg3[%squeeze3A_326, %dma_start3A_337] : memref<1000000x64xf32, #tpu.memory_space<hbm>> -> memref<1x64xf32, #tpu.memory_space<hbm>>
      tpu.enqueue_dma source(%dma_start3A_338 : memref<1x64xf32, #tpu.memory_space<hbm>>) target(%dma_start3A_336 : memref<1x64xf32, #tpu.memory_space<vmem>>) target_semaphore(%arg11 : memref<!tpu.dma_semaphore, #tpu.memory_space<semaphore_mem>>)
    }
    %scan3A_13 = arith.constant 8 : i32
    %scan3A_14 = arith.constant 0 : i32
    %scan3A_15 = arith.constant 0 : i32
    %scan3A_16 = arith.constant 8 : i32
    %scan3A_17 = arith.addi %scan3A_15, %scan3A_16 : i32
    %scan3A_18 = arith.constant 1 : i32
    scf.for %scan3A_110 = %scan3A_15 to %scan3A_17 step %scan3A_18  : i32 {
      %mul3A_111 = arith.constant 16 : i32
      %mul3A_112 = arith.muli %scan3A_110, %mul3A_111 : i32
      %get3A = arith.constant 2 : i32
      %get3A_113 = arith.index_cast %get3A : i32 to index
      %get3A_114 = arith.index_cast %mul3A_112 : i32 to index
      %get3A_115 = tpu.vector_load %arg5[%get3A_113, %get3A_114] {strides = array<i32>} : memref<200x128xi32, #tpu.memory_space<vmem>>, vector<1x16xi32>,
      %get3A_116 = vector.shape_cast %get3A_115 : vector<1x16xi32> to vector<16xi32>
      %slice3A = vector.extract_strided_slice %get3A_116 {offsets = [0], sizes = [1], strides = [1]} : vector<16xi32> to vector<1xi32>
      %squeeze3A = vector.extract %slice3A[0] : i32 from vector<1xi32>
      %mul3A_117 = arith.constant 16 : i32
      %mul3A_118 = arith.muli %scan3A_110, %mul3A_117 : i32
      %add3A_119 = arith.constant 0 : i32
      %add3A_120 = arith.addi %mul3A_118, %add3A_119 : i32
      %dma_start3A_121 = arith.constant 0 : i32
      %dma_start3A_122 = tpu.memref_slice %arg8[%add3A_120, %dma_start3A_121] : memref<128x64xf32, #tpu.memory_space<vmem>> -> memref<1x64xf32, #tpu.memory_space<vmem>>
      %dma_start3A_123 = arith.constant 0 : i32
      %dma_start3A_124 = tpu.memref_slice %arg3[%squeeze3A, %dma_start3A_123] : memref<1000000x64xf32, #tpu.memory_space<hbm>> -> memref<1x64xf32, #tpu.memory_space<hbm>>
      %dma_start3A_125 = arith.constant 0 : i32
      %dma_start3A_126 = tpu.memref_slice %arg8[%add3A_120, %dma_start3A_125] : memref<128x64xf32, #tpu.memory_space<vmem>> -> memref<1x64xf32, #tpu.memory_space<vmem>>
      %dma_start3A_127 = arith.constant 0 : i32
      %dma_start3A_128 = tpu.memref_slice %arg3[%squeeze3A, %dma_start3A_127] : memref<1000000x64xf32, #tpu.memory_space<hbm>> -> memref<1x64xf32, #tpu.memory_space<hbm>>
      tpu.enqueue_dma source(%dma_start3A_128 : memref<1x64xf32, #tpu.memory_space<hbm>>) target(%dma_start3A_126 : memref<1x64xf32, #tpu.memory_space<vmem>>) target_semaphore(%arg12 : memref<!tpu.dma_semaphore, #tpu.memory_space<semaphore_mem>>)
      %slice3A_129 = vector.extract_strided_slice %get3A_116 {offsets = [1], sizes = [1], strides = [1]} : vector<16xi32> to vector<1xi32>
      %squeeze3A_130 = vector.extract %slice3A_129[0] : i32 from vector<1xi32>
      %mul3A_131 = arith.constant 16 : i32
      %mul3A_132 = arith.muli %scan3A_110, %mul3A_131 : i32
      %add3A_133 = arith.constant 1 : i32
      %add3A_134 = arith.addi %mul3A_132, %add3A_133 : i32
      %dma_start3A_135 = arith.constant 0 : i32
      %dma_start3A_136 = tpu.memref_slice %arg8[%add3A_134, %dma_start3A_135] : memref<128x64xf32, #tpu.memory_space<vmem>> -> memref<1x64xf32, #tpu.memory_space<vmem>>
      %dma_start3A_137 = arith.constant 0 : i32
      %dma_start3A_138 = tpu.memref_slice %arg3[%squeeze3A_130, %dma_start3A_137] : memref<1000000x64xf32, #tpu.memory_space<hbm>> -> memref<1x64xf32, #tpu.memory_space<hbm>>
      %dma_start3A_139 = arith.constant 0 : i32
      %dma_start3A_140 = tpu.memref_slice %arg8[%add3A_134, %dma_start3A_139] : memref<128x64xf32, #tpu.memory_space<vmem>> -> memref<1x64xf32, #tpu.memory_space<vmem>>
      %dma_start3A_141 = arith.constant 0 : i32
      %dma_start3A_142 = tpu.memref_slice %arg3[%squeeze3A_130, %dma_start3A_141] : memref<1000000x64xf32, #tpu.memory_space<hbm>> -> memref<1x64xf32, #tpu.memory_space<hbm>>
      tpu.enqueue_dma source(%dma_start3A_142 : memref<1x64xf32, #tpu.memory_space<hbm>>) target(%dma_start3A_140 : memref<1x64xf32, #tpu.memory_space<vmem>>) target_semaphore(%arg12 : memref<!tpu.dma_semaphore, #tpu.memory_space<semaphore_mem>>)
      %slice3A_143 = vector.extract_strided_slice %get3A_116 {offsets = [2], sizes = [1], strides = [1]} : vector<16xi32> to vector<1xi32>
      %squeeze3A_144 = vector.extract %slice3A_143[0] : i32 from vector<1xi32>
      %mul3A_145 = arith.constant 16 : i32
      %mul3A_146 = arith.muli %scan3A_110, %mul3A_145 : i32
      %add3A_147 = arith.constant 2 : i32
      %add3A_148 = arith.addi %mul3A_146, %add3A_147 : i32
      %dma_start3A_149 = arith.constant 0 : i32
      %dma_start3A_150 = tpu.memref_slice %arg8[%add3A_148, %dma_start3A_149] : memref<128x64xf32, #tpu.memory_space<vmem>> -> memref<1x64xf32, #tpu.memory_space<vmem>>
      %dma_start3A_151 = arith.constant 0 : i32
      %dma_start3A_152 = tpu.memref_slice %arg3[%squeeze3A_144, %dma_start3A_151] : memref<1000000x64xf32, #tpu.memory_space<hbm>> -> memref<1x64xf32, #tpu.memory_space<hbm>>
      %dma_start3A_153 = arith.constant 0 : i32
      %dma_start3A_154 = tpu.memref_slice %arg8[%add3A_148, %dma_start3A_153] : memref<128x64xf32, #tpu.memory_space<vmem>> -> memref<1x64xf32, #tpu.memory_space<vmem>>
      %dma_start3A_155 = arith.constant 0 : i32
      %dma_start3A_156 = tpu.memref_slice %arg3[%squeeze3A_144, %dma_start3A_155] : memref<1000000x64xf32, #tpu.memory_space<hbm>> -> memref<1x64xf32, #tpu.memory_space<hbm>>
      tpu.enqueue_dma source(%dma_start3A_156 : memref<1x64xf32, #tpu.memory_space<hbm>>) target(%dma_start3A_154 : memref<1x64xf32, #tpu.memory_space<vmem>>) target_semaphore(%arg12 : memref<!tpu.dma_semaphore, #tpu.memory_space<semaphore_mem>>)
      %slice3A_157 = vector.extract_strided_slice %get3A_116 {offsets = [3], sizes = [1], strides = [1]} : vector<16xi32> to vector<1xi32>
      %squeeze3A_158 = vector.extract %slice3A_157[0] : i32 from vector<1xi32>
      %mul3A_159 = arith.constant 16 : i32
      %mul3A_160 = arith.muli %scan3A_110, %mul3A_159 : i32
      %add3A_161 = arith.constant 3 : i32
      %add3A_162 = arith.addi %mul3A_160, %add3A_161 : i32
      %dma_start3A_163 = arith.constant 0 : i32
      %dma_start3A_164 = tpu.memref_slice %arg8[%add3A_162, %dma_start3A_163] : memref<128x64xf32, #tpu.memory_space<vmem>> -> memref<1x64xf32, #tpu.memory_space<vmem>>
      %dma_start3A_165 = arith.constant 0 : i32
      %dma_start3A_166 = tpu.memref_slice %arg3[%squeeze3A_158, %dma_start3A_165] : memref<1000000x64xf32, #tpu.memory_space<hbm>> -> memref<1x64xf32, #tpu.memory_space<hbm>>
      %dma_start3A_167 = arith.constant 0 : i32
      %dma_start3A_168 = tpu.memref_slice %arg8[%add3A_162, %dma_start3A_167] : memref<128x64xf32, #tpu.memory_space<vmem>> -> memref<1x64xf32, #tpu.memory_space<vmem>>
      %dma_start3A_169 = arith.constant 0 : i32
      %dma_start3A_170 = tpu.memref_slice %arg3[%squeeze3A_158, %dma_start3A_169] : memref<1000000x64xf32, #tpu.memory_space<hbm>> -> memref<1x64xf32, #tpu.memory_space<hbm>>
      tpu.enqueue_dma source(%dma_start3A_170 : memref<1x64xf32, #tpu.memory_space<hbm>>) target(%dma_start3A_168 : memref<1x64xf32, #tpu.memory_space<vmem>>) target_semaphore(%arg12 : memref<!tpu.dma_semaphore, #tpu.memory_space<semaphore_mem>>)
      %slice3A_171 = vector.extract_strided_slice %get3A_116 {offsets = [4], sizes = [1], strides = [1]} : vector<16xi32> to vector<1xi32>
      %squeeze3A_172 = vector.extract %slice3A_171[0] : i32 from vector<1xi32>
      %mul3A_173 = arith.constant 16 : i32
      %mul3A_174 = arith.muli %scan3A_110, %mul3A_173 : i32
      %add3A_175 = arith.constant 4 : i32
      %add3A_176 = arith.addi %mul3A_174, %add3A_175 : i32
      %dma_start3A_177 = arith.constant 0 : i32
      %dma_start3A_178 = tpu.memref_slice %arg8[%add3A_176, %dma_start3A_177] : memref<128x64xf32, #tpu.memory_space<vmem>> -> memref<1x64xf32, #tpu.memory_space<vmem>>
      %dma_start3A_179 = arith.constant 0 : i32
      %dma_start3A_180 = tpu.memref_slice %arg3[%squeeze3A_172, %dma_start3A_179] : memref<1000000x64xf32, #tpu.memory_space<hbm>> -> memref<1x64xf32, #tpu.memory_space<hbm>>
      %dma_start3A_181 = arith.constant 0 : i32
      %dma_start3A_182 = tpu.memref_slice %arg8[%add3A_176, %dma_start3A_181] : memref<128x64xf32, #tpu.memory_space<vmem>> -> memref<1x64xf32, #tpu.memory_space<vmem>>
      %dma_start3A_183 = arith.constant 0 : i32
      %dma_start3A_184 = tpu.memref_slice %arg3[%squeeze3A_172, %dma_start3A_183] : memref<1000000x64xf32, #tpu.memory_space<hbm>> -> memref<1x64xf32, #tpu.memory_space<hbm>>
      tpu.enqueue_dma source(%dma_start3A_184 : memref<1x64xf32, #tpu.memory_space<hbm>>) target(%dma_start3A_182 : memref<1x64xf32, #tpu.memory_space<vmem>>) target_semaphore(%arg12 : memref<!tpu.dma_semaphore, #tpu.memory_space<semaphore_mem>>)
      %slice3A_185 = vector.extract_strided_slice %get3A_116 {offsets = [5], sizes = [1], strides = [1]} : vector<16xi32> to vector<1xi32>
      %squeeze3A_186 = vector.extract %slice3A_185[0] : i32 from vector<1xi32>
      %mul3A_187 = arith.constant 16 : i32
      %mul3A_188 = arith.muli %scan3A_110, %mul3A_187 : i32
      %add3A_189 = arith.constant 5 : i32
      %add3A_190 = arith.addi %mul3A_188, %add3A_189 : i32
      %dma_start3A_191 = arith.constant 0 : i32
      %dma_start3A_192 = tpu.memref_slice %arg8[%add3A_190, %dma_start3A_191] : memref<128x64xf32, #tpu.memory_space<vmem>> -> memref<1x64xf32, #tpu.memory_space<vmem>>
      %dma_start3A_193 = arith.constant 0 : i32
      %dma_start3A_194 = tpu.memref_slice %arg3[%squeeze3A_186, %dma_start3A_193] : memref<1000000x64xf32, #tpu.memory_space<hbm>> -> memref<1x64xf32, #tpu.memory_space<hbm>>
      %dma_start3A_195 = arith.constant 0 : i32
      %dma_start3A_196 = tpu.memref_slice %arg8[%add3A_190, %dma_start3A_195] : memref<128x64xf32, #tpu.memory_space<vmem>> -> memref<1x64xf32, #tpu.memory_space<vmem>>
      %dma_start3A_197 = arith.constant 0 : i32
      %dma_start3A_198 = tpu.memref_slice %arg3[%squeeze3A_186, %dma_start3A_197] : memref<1000000x64xf32, #tpu.memory_space<hbm>> -> memref<1x64xf32, #tpu.memory_space<hbm>>
      tpu.enqueue_dma source(%dma_start3A_198 : memref<1x64xf32, #tpu.memory_space<hbm>>) target(%dma_start3A_196 : memref<1x64xf32, #tpu.memory_space<vmem>>) target_semaphore(%arg12 : memref<!tpu.dma_semaphore, #tpu.memory_space<semaphore_mem>>)
      %slice3A_199 = vector.extract_strided_slice %get3A_116 {offsets = [6], sizes = [1], strides = [1]} : vector<16xi32> to vector<1xi32>
      %squeeze3A_200 = vector.extract %slice3A_199[0] : i32 from vector<1xi32>
      %mul3A_201 = arith.constant 16 : i32
      %mul3A_202 = arith.muli %scan3A_110, %mul3A_201 : i32
      %add3A_203 = arith.constant 6 : i32
      %add3A_204 = arith.addi %mul3A_202, %add3A_203 : i32
      %dma_start3A_205 = arith.constant 0 : i32
      %dma_start3A_206 = tpu.memref_slice %arg8[%add3A_204, %dma_start3A_205] : memref<128x64xf32, #tpu.memory_space<vmem>> -> memref<1x64xf32, #tpu.memory_space<vmem>>
      %dma_start3A_207 = arith.constant 0 : i32
      %dma_start3A_208 = tpu.memref_slice %arg3[%squeeze3A_200, %dma_start3A_207] : memref<1000000x64xf32, #tpu.memory_space<hbm>> -> memref<1x64xf32, #tpu.memory_space<hbm>>
      %dma_start3A_209 = arith.constant 0 : i32
      %dma_start3A_210 = tpu.memref_slice %arg8[%add3A_204, %dma_start3A_209] : memref<128x64xf32, #tpu.memory_space<vmem>> -> memref<1x64xf32, #tpu.memory_space<vmem>>
      %dma_start3A_211 = arith.constant 0 : i32
      %dma_start3A_212 = tpu.memref_slice %arg3[%squeeze3A_200, %dma_start3A_211] : memref<1000000x64xf32, #tpu.memory_space<hbm>> -> memref<1x64xf32, #tpu.memory_space<hbm>>
      tpu.enqueue_dma source(%dma_start3A_212 : memref<1x64xf32, #tpu.memory_space<hbm>>) target(%dma_start3A_210 : memref<1x64xf32, #tpu.memory_space<vmem>>) target_semaphore(%arg12 : memref<!tpu.dma_semaphore, #tpu.memory_space<semaphore_mem>>)
      %slice3A_213 = vector.extract_strided_slice %get3A_116 {offsets = [7], sizes = [1], strides = [1]} : vector<16xi32> to vector<1xi32>
      %squeeze3A_214 = vector.extract %slice3A_213[0] : i32 from vector<1xi32>
      %mul3A_215 = arith.constant 16 : i32
      %mul3A_216 = arith.muli %scan3A_110, %mul3A_215 : i32
      %add3A_217 = arith.constant 7 : i32
      %add3A_218 = arith.addi %mul3A_216, %add3A_217 : i32
      %dma_start3A_219 = arith.constant 0 : i32
      %dma_start3A_220 = tpu.memref_slice %arg8[%add3A_218, %dma_start3A_219] : memref<128x64xf32, #tpu.memory_space<vmem>> -> memref<1x64xf32, #tpu.memory_space<vmem>>
      %dma_start3A_221 = arith.constant 0 : i32
      %dma_start3A_222 = tpu.memref_slice %arg3[%squeeze3A_214, %dma_start3A_221] : memref<1000000x64xf32, #tpu.memory_space<hbm>> -> memref<1x64xf32, #tpu.memory_space<hbm>>
      %dma_start3A_223 = arith.constant 0 : i32
      %dma_start3A_224 = tpu.memref_slice %arg8[%add3A_218, %dma_start3A_223] : memref<128x64xf32, #tpu.memory_space<vmem>> -> memref<1x64xf32, #tpu.memory_space<vmem>>
      %dma_start3A_225 = arith.constant 0 : i32
      %dma_start3A_226 = tpu.memref_slice %arg3[%squeeze3A_214, %dma_start3A_225] : memref<1000000x64xf32, #tpu.memory_space<hbm>> -> memref<1x64xf32, #tpu.memory_space<hbm>>
      tpu.enqueue_dma source(%dma_start3A_226 : memref<1x64xf32, #tpu.memory_space<hbm>>) target(%dma_start3A_224 : memref<1x64xf32, #tpu.memory_space<vmem>>) target_semaphore(%arg12 : memref<!tpu.dma_semaphore, #tpu.memory_space<semaphore_mem>>)
      %slice3A_227 = vector.extract_strided_slice %get3A_116 {offsets = [8], sizes = [1], strides = [1]} : vector<16xi32> to vector<1xi32>
      %squeeze3A_228 = vector.extract %slice3A_227[0] : i32 from vector<1xi32>
      %mul3A_229 = arith.constant 16 : i32
      %mul3A_230 = arith.muli %scan3A_110, %mul3A_229 : i32
      %add3A_231 = arith.constant 8 : i32
      %add3A_232 = arith.addi %mul3A_230, %add3A_231 : i32
      %dma_start3A_233 = arith.constant 0 : i32
      %dma_start3A_234 = tpu.memref_slice %arg8[%add3A_232, %dma_start3A_233] : memref<128x64xf32, #tpu.memory_space<vmem>> -> memref<1x64xf32, #tpu.memory_space<vmem>>
      %dma_start3A_235 = arith.constant 0 : i32
      %dma_start3A_236 = tpu.memref_slice %arg3[%squeeze3A_228, %dma_start3A_235] : memref<1000000x64xf32, #tpu.memory_space<hbm>> -> memref<1x64xf32, #tpu.memory_space<hbm>>
      %dma_start3A_237 = arith.constant 0 : i32
      %dma_start3A_238 = tpu.memref_slice %arg8[%add3A_232, %dma_start3A_237] : memref<128x64xf32, #tpu.memory_space<vmem>> -> memref<1x64xf32, #tpu.memory_space<vmem>>
      %dma_start3A_239 = arith.constant 0 : i32
      %dma_start3A_240 = tpu.memref_slice %arg3[%squeeze3A_228, %dma_start3A_239] : memref<1000000x64xf32, #tpu.memory_space<hbm>> -> memref<1x64xf32, #tpu.memory_space<hbm>>
      tpu.enqueue_dma source(%dma_start3A_240 : memref<1x64xf32, #tpu.memory_space<hbm>>) target(%dma_start3A_238 : memref<1x64xf32, #tpu.memory_space<vmem>>) target_semaphore(%arg12 : memref<!tpu.dma_semaphore, #tpu.memory_space<semaphore_mem>>)
      %slice3A_241 = vector.extract_strided_slice %get3A_116 {offsets = [9], sizes = [1], strides = [1]} : vector<16xi32> to vector<1xi32>
      %squeeze3A_242 = vector.extract %slice3A_241[0] : i32 from vector<1xi32>
      %mul3A_243 = arith.constant 16 : i32
      %mul3A_244 = arith.muli %scan3A_110, %mul3A_243 : i32
      %add3A_245 = arith.constant 9 : i32
      %add3A_246 = arith.addi %mul3A_244, %add3A_245 : i32
      %dma_start3A_247 = arith.constant 0 : i32
      %dma_start3A_248 = tpu.memref_slice %arg8[%add3A_246, %dma_start3A_247] : memref<128x64xf32, #tpu.memory_space<vmem>> -> memref<1x64xf32, #tpu.memory_space<vmem>>
      %dma_start3A_249 = arith.constant 0 : i32
      %dma_start3A_250 = tpu.memref_slice %arg3[%squeeze3A_242, %dma_start3A_249] : memref<1000000x64xf32, #tpu.memory_space<hbm>> -> memref<1x64xf32, #tpu.memory_space<hbm>>
      %dma_start3A_251 = arith.constant 0 : i32
      %dma_start3A_252 = tpu.memref_slice %arg8[%add3A_246, %dma_start3A_251] : memref<128x64xf32, #tpu.memory_space<vmem>> -> memref<1x64xf32, #tpu.memory_space<vmem>>
      %dma_start3A_253 = arith.constant 0 : i32
      %dma_start3A_254 = tpu.memref_slice %arg3[%squeeze3A_242, %dma_start3A_253] : memref<1000000x64xf32, #tpu.memory_space<hbm>> -> memref<1x64xf32, #tpu.memory_space<hbm>>
      tpu.enqueue_dma source(%dma_start3A_254 : memref<1x64xf32, #tpu.memory_space<hbm>>) target(%dma_start3A_252 : memref<1x64xf32, #tpu.memory_space<vmem>>) target_semaphore(%arg12 : memref<!tpu.dma_semaphore, #tpu.memory_space<semaphore_mem>>)
      %slice3A_255 = vector.extract_strided_slice %get3A_116 {offsets = [10], sizes = [1], strides = [1]} : vector<16xi32> to vector<1xi32>
      %squeeze3A_256 = vector.extract %slice3A_255[0] : i32 from vector<1xi32>
      %mul3A_257 = arith.constant 16 : i32
      %mul3A_258 = arith.muli %scan3A_110, %mul3A_257 : i32
      %add3A_259 = arith.constant 10 : i32
      %add3A_260 = arith.addi %mul3A_258, %add3A_259 : i32
      %dma_start3A_261 = arith.constant 0 : i32
      %dma_start3A_262 = tpu.memref_slice %arg8[%add3A_260, %dma_start3A_261] : memref<128x64xf32, #tpu.memory_space<vmem>> -> memref<1x64xf32, #tpu.memory_space<vmem>>
      %dma_start3A_263 = arith.constant 0 : i32
      %dma_start3A_264 = tpu.memref_slice %arg3[%squeeze3A_256, %dma_start3A_263] : memref<1000000x64xf32, #tpu.memory_space<hbm>> -> memref<1x64xf32, #tpu.memory_space<hbm>>
      %dma_start3A_265 = arith.constant 0 : i32
      %dma_start3A_266 = tpu.memref_slice %arg8[%add3A_260, %dma_start3A_265] : memref<128x64xf32, #tpu.memory_space<vmem>> -> memref<1x64xf32, #tpu.memory_space<vmem>>
      %dma_start3A_267 = arith.constant 0 : i32
      %dma_start3A_268 = tpu.memref_slice %arg3[%squeeze3A_256, %dma_start3A_267] : memref<1000000x64xf32, #tpu.memory_space<hbm>> -> memref<1x64xf32, #tpu.memory_space<hbm>>
      tpu.enqueue_dma source(%dma_start3A_268 : memref<1x64xf32, #tpu.memory_space<hbm>>) target(%dma_start3A_266 : memref<1x64xf32, #tpu.memory_space<vmem>>) target_semaphore(%arg12 : memref<!tpu.dma_semaphore, #tpu.memory_space<semaphore_mem>>)
      %slice3A_269 = vector.extract_strided_slice %get3A_116 {offsets = [11], sizes = [1], strides = [1]} : vector<16xi32> to vector<1xi32>
      %squeeze3A_270 = vector.extract %slice3A_269[0] : i32 from vector<1xi32>
      %mul3A_271 = arith.constant 16 : i32
      %mul3A_272 = arith.muli %scan3A_110, %mul3A_271 : i32
      %add3A_273 = arith.constant 11 : i32
      %add3A_274 = arith.addi %mul3A_272, %add3A_273 : i32
      %dma_start3A_275 = arith.constant 0 : i32
      %dma_start3A_276 = tpu.memref_slice %arg8[%add3A_274, %dma_start3A_275] : memref<128x64xf32, #tpu.memory_space<vmem>> -> memref<1x64xf32, #tpu.memory_space<vmem>>
      %dma_start3A_277 = arith.constant 0 : i32
      %dma_start3A_278 = tpu.memref_slice %arg3[%squeeze3A_270, %dma_start3A_277] : memref<1000000x64xf32, #tpu.memory_space<hbm>> -> memref<1x64xf32, #tpu.memory_space<hbm>>
      %dma_start3A_279 = arith.constant 0 : i32
      %dma_start3A_280 = tpu.memref_slice %arg8[%add3A_274, %dma_start3A_279] : memref<128x64xf32, #tpu.memory_space<vmem>> -> memref<1x64xf32, #tpu.memory_space<vmem>>
      %dma_start3A_281 = arith.constant 0 : i32
      %dma_start3A_282 = tpu.memref_slice %arg3[%squeeze3A_270, %dma_start3A_281] : memref<1000000x64xf32, #tpu.memory_space<hbm>> -> memref<1x64xf32, #tpu.memory_space<hbm>>
      tpu.enqueue_dma source(%dma_start3A_282 : memref<1x64xf32, #tpu.memory_space<hbm>>) target(%dma_start3A_280 : memref<1x64xf32, #tpu.memory_space<vmem>>) target_semaphore(%arg12 : memref<!tpu.dma_semaphore, #tpu.memory_space<semaphore_mem>>)
      %slice3A_283 = vector.extract_strided_slice %get3A_116 {offsets = [12], sizes = [1], strides = [1]} : vector<16xi32> to vector<1xi32>
      %squeeze3A_284 = vector.extract %slice3A_283[0] : i32 from vector<1xi32>
      %mul3A_285 = arith.constant 16 : i32
      %mul3A_286 = arith.muli %scan3A_110, %mul3A_285 : i32
      %add3A_287 = arith.constant 12 : i32
      %add3A_288 = arith.addi %mul3A_286, %add3A_287 : i32
      %dma_start3A_289 = arith.constant 0 : i32
      %dma_start3A_290 = tpu.memref_slice %arg8[%add3A_288, %dma_start3A_289] : memref<128x64xf32, #tpu.memory_space<vmem>> -> memref<1x64xf32, #tpu.memory_space<vmem>>
      %dma_start3A_291 = arith.constant 0 : i32
      %dma_start3A_292 = tpu.memref_slice %arg3[%squeeze3A_284, %dma_start3A_291] : memref<1000000x64xf32, #tpu.memory_space<hbm>> -> memref<1x64xf32, #tpu.memory_space<hbm>>
      %dma_start3A_293 = arith.constant 0 : i32
      %dma_start3A_294 = tpu.memref_slice %arg8[%add3A_288, %dma_start3A_293] : memref<128x64xf32, #tpu.memory_space<vmem>> -> memref<1x64xf32, #tpu.memory_space<vmem>>
      %dma_start3A_295 = arith.constant 0 : i32
      %dma_start3A_296 = tpu.memref_slice %arg3[%squeeze3A_284, %dma_start3A_295] : memref<1000000x64xf32, #tpu.memory_space<hbm>> -> memref<1x64xf32, #tpu.memory_space<hbm>>
      tpu.enqueue_dma source(%dma_start3A_296 : memref<1x64xf32, #tpu.memory_space<hbm>>) target(%dma_start3A_294 : memref<1x64xf32, #tpu.memory_space<vmem>>) target_semaphore(%arg12 : memref<!tpu.dma_semaphore, #tpu.memory_space<semaphore_mem>>)
      %slice3A_297 = vector.extract_strided_slice %get3A_116 {offsets = [13], sizes = [1], strides = [1]} : vector<16xi32> to vector<1xi32>
      %squeeze3A_298 = vector.extract %slice3A_297[0] : i32 from vector<1xi32>
      %mul3A_299 = arith.constant 16 : i32
      %mul3A_300 = arith.muli %scan3A_110, %mul3A_299 : i32
      %add3A_301 = arith.constant 13 : i32
      %add3A_302 = arith.addi %mul3A_300, %add3A_301 : i32
      %dma_start3A_303 = arith.constant 0 : i32
      %dma_start3A_304 = tpu.memref_slice %arg8[%add3A_302, %dma_start3A_303] : memref<128x64xf32, #tpu.memory_space<vmem>> -> memref<1x64xf32, #tpu.memory_space<vmem>>
      %dma_start3A_305 = arith.constant 0 : i32
      %dma_start3A_306 = tpu.memref_slice %arg3[%squeeze3A_298, %dma_start3A_305] : memref<1000000x64xf32, #tpu.memory_space<hbm>> -> memref<1x64xf32, #tpu.memory_space<hbm>>
      %dma_start3A_307 = arith.constant 0 : i32
      %dma_start3A_308 = tpu.memref_slice %arg8[%add3A_302, %dma_start3A_307] : memref<128x64xf32, #tpu.memory_space<vmem>> -> memref<1x64xf32, #tpu.memory_space<vmem>>
      %dma_start3A_309 = arith.constant 0 : i32
      %dma_start3A_310 = tpu.memref_slice %arg3[%squeeze3A_298, %dma_start3A_309] : memref<1000000x64xf32, #tpu.memory_space<hbm>> -> memref<1x64xf32, #tpu.memory_space<hbm>>
      tpu.enqueue_dma source(%dma_start3A_310 : memref<1x64xf32, #tpu.memory_space<hbm>>) target(%dma_start3A_308 : memref<1x64xf32, #tpu.memory_space<vmem>>) target_semaphore(%arg12 : memref<!tpu.dma_semaphore, #tpu.memory_space<semaphore_mem>>)
      %slice3A_311 = vector.extract_strided_slice %get3A_116 {offsets = [14], sizes = [1], strides = [1]} : vector<16xi32> to vector<1xi32>
      %squeeze3A_312 = vector.extract %slice3A_311[0] : i32 from vector<1xi32>
      %mul3A_313 = arith.constant 16 : i32
      %mul3A_314 = arith.muli %scan3A_110, %mul3A_313 : i32
      %add3A_315 = arith.constant 14 : i32
      %add3A_316 = arith.addi %mul3A_314, %add3A_315 : i32
      %dma_start3A_317 = arith.constant 0 : i32
      %dma_start3A_318 = tpu.memref_slice %arg8[%add3A_316, %dma_start3A_317] : memref<128x64xf32, #tpu.memory_space<vmem>> -> memref<1x64xf32, #tpu.memory_space<vmem>>
      %dma_start3A_319 = arith.constant 0 : i32
      %dma_start3A_320 = tpu.memref_slice %arg3[%squeeze3A_312, %dma_start3A_319] : memref<1000000x64xf32, #tpu.memory_space<hbm>> -> memref<1x64xf32, #tpu.memory_space<hbm>>
      %dma_start3A_321 = arith.constant 0 : i32
      %dma_start3A_322 = tpu.memref_slice %arg8[%add3A_316, %dma_start3A_321] : memref<128x64xf32, #tpu.memory_space<vmem>> -> memref<1x64xf32, #tpu.memory_space<vmem>>
      %dma_start3A_323 = arith.constant 0 : i32
      %dma_start3A_324 = tpu.memref_slice %arg3[%squeeze3A_312, %dma_start3A_323] : memref<1000000x64xf32, #tpu.memory_space<hbm>> -> memref<1x64xf32, #tpu.memory_space<hbm>>
      tpu.enqueue_dma source(%dma_start3A_324 : memref<1x64xf32, #tpu.memory_space<hbm>>) target(%dma_start3A_322 : memref<1x64xf32, #tpu.memory_space<vmem>>) target_semaphore(%arg12 : memref<!tpu.dma_semaphore, #tpu.memory_space<semaphore_mem>>)
      %slice3A_325 = vector.extract_strided_slice %get3A_116 {offsets = [15], sizes = [1], strides = [1]} : vector<16xi32> to vector<1xi32>
      %squeeze3A_326 = vector.extract %slice3A_325[0] : i32 from vector<1xi32>
      %mul3A_327 = arith.constant 16 : i32
      %mul3A_328 = arith.muli %scan3A_110, %mul3A_327 : i32
      %add3A_329 = arith.constant 15 : i32
      %add3A_330 = arith.addi %mul3A_328, %add3A_329 : i32
      %dma_start3A_331 = arith.constant 0 : i32
      %dma_start3A_332 = tpu.memref_slice %arg8[%add3A_330, %dma_start3A_331] : memref<128x64xf32, #tpu.memory_space<vmem>> -> memref<1x64xf32, #tpu.memory_space<vmem>>
      %dma_start3A_333 = arith.constant 0 : i32
      %dma_start3A_334 = tpu.memref_slice %arg3[%squeeze3A_326, %dma_start3A_333] : memref<1000000x64xf32, #tpu.memory_space<hbm>> -> memref<1x64xf32, #tpu.memory_space<hbm>>
      %dma_start3A_335 = arith.constant 0 : i32
      %dma_start3A_336 = tpu.memref_slice %arg8[%add3A_330, %dma_start3A_335] : memref<128x64xf32, #tpu.memory_space<vmem>> -> memref<1x64xf32, #tpu.memory_space<vmem>>
      %dma_start3A_337 = arith.constant 0 : i32
      %dma_start3A_338 = tpu.memref_slice %arg3[%squeeze3A_326, %dma_start3A_337] : memref<1000000x64xf32, #tpu.memory_space<hbm>> -> memref<1x64xf32, #tpu.memory_space<hbm>>
      tpu.enqueue_dma source(%dma_start3A_338 : memref<1x64xf32, #tpu.memory_space<hbm>>) target(%dma_start3A_336 : memref<1x64xf32, #tpu.memory_space<vmem>>) target_semaphore(%arg12 : memref<!tpu.dma_semaphore, #tpu.memory_space<semaphore_mem>>)
    }
    %scan3A_19 = arith.constant 8 : i32
    %dma_wait3A = arith.constant 0 : i32
    %dma_wait3A_20 = arith.constant 0 : i32
    %dma_wait3A_21 = tpu.memref_slice %arg3[%dma_wait3A, %dma_wait3A_20] : memref<1000000x64xf32, #tpu.memory_space<hbm>> -> memref<128x64xf32, #tpu.memory_space<hbm>>
    %dma_wait3A_22 = arith.constant 0 : i32
    %dma_wait3A_23 = arith.constant 0 : i32
    %dma_wait3A_24 = tpu.memref_slice %arg3[%dma_wait3A_22, %dma_wait3A_23] : memref<1000000x64xf32, #tpu.memory_space<hbm>> -> memref<128x64xf32, #tpu.memory_space<hbm>>
    tpu.wait_dma2 semaphore(%arg10 : memref<!tpu.dma_semaphore, #tpu.memory_space<semaphore_mem>>) src(%dma_wait3A_24 : memref<128x64xf32, #tpu.memory_space<hbm>>) dst(%arg6 : memref<128x64xf32, #tpu.memory_space<vmem>>)
    %dma_start3A = arith.constant 0 : i32
    %dma_start3A_25 = arith.constant 0 : i32
    %dma_start3A_26 = tpu.memref_slice %arg4[%mul3A_2, %dma_start3A, %dma_start3A_25] : memref<4096x200x64xf32, #tpu.memory_space<hbm>> -> memref<128x1x64xf32, #tpu.memory_space<hbm>>
    %dma_start3A_27 = tpu.memref_squeeze %dma_start3A_26 : memref<128x1x64xf32, #tpu.memory_space<hbm>> -> memref<128x64xf32, #tpu.memory_space<hbm>>
    %dma_start3A_28 = arith.constant 0 : i32
    %dma_start3A_29 = tpu.memref_slice %arg4[%mul3A_2, %dma_start3A, %dma_start3A_28] : memref<4096x200x64xf32, #tpu.memory_space<hbm>> -> memref<128x1x64xf32, #tpu.memory_space<hbm>>
    %dma_start3A_30 = tpu.memref_squeeze %dma_start3A_29 : memref<128x1x64xf32, #tpu.memory_space<hbm>> -> memref<128x64xf32, #tpu.memory_space<hbm>>
    tpu.enqueue_dma source(%arg6 : memref<128x64xf32, #tpu.memory_space<vmem>>) target(%dma_start3A_30 : memref<128x64xf32, #tpu.memory_space<hbm>>) target_semaphore(%arg14 : memref<!tpu.dma_semaphore, #tpu.memory_space<semaphore_mem>>)
    %scan3A_31 = arith.constant 0 : i32
    %scan3A_32 = arith.constant 0 : i32
    %scan3A_33 = arith.constant 8 : i32
    %scan3A_34 = arith.addi %scan3A_32, %scan3A_33 : i32
    %scan3A_35 = arith.constant 1 : i32
    scf.for %scan3A_110 = %scan3A_32 to %scan3A_34 step %scan3A_35  : i32 {
      %mul3A_111 = arith.constant 16 : i32
      %mul3A_112 = arith.muli %scan3A_110, %mul3A_111 : i32
      %get3A = arith.constant 3 : i32
      %get3A_113 = arith.index_cast %get3A : i32 to index
      %get3A_114 = arith.index_cast %mul3A_112 : i32 to index
      %get3A_115 = tpu.vector_load %arg5[%get3A_113, %get3A_114] {strides = array<i32>} : memref<200x128xi32, #tpu.memory_space<vmem>>, vector<1x16xi32>,
      %get3A_116 = vector.shape_cast %get3A_115 : vector<1x16xi32> to vector<16xi32>
      %slice3A = vector.extract_strided_slice %get3A_116 {offsets = [0], sizes = [1], strides = [1]} : vector<16xi32> to vector<1xi32>
      %squeeze3A = vector.extract %slice3A[0] : i32 from vector<1xi32>
      %mul3A_117 = arith.constant 16 : i32
      %mul3A_118 = arith.muli %scan3A_110, %mul3A_117 : i32
      %add3A_119 = arith.constant 0 : i32
      %add3A_120 = arith.addi %mul3A_118, %add3A_119 : i32
      %dma_start3A_121 = arith.constant 0 : i32
      %dma_start3A_122 = tpu.memref_slice %arg9[%add3A_120, %dma_start3A_121] : memref<128x64xf32, #tpu.memory_space<vmem>> -> memref<1x64xf32, #tpu.memory_space<vmem>>
      %dma_start3A_123 = arith.constant 0 : i32
      %dma_start3A_124 = tpu.memref_slice %arg3[%squeeze3A, %dma_start3A_123] : memref<1000000x64xf32, #tpu.memory_space<hbm>> -> memref<1x64xf32, #tpu.memory_space<hbm>>
      %dma_start3A_125 = arith.constant 0 : i32
      %dma_start3A_126 = tpu.memref_slice %arg9[%add3A_120, %dma_start3A_125] : memref<128x64xf32, #tpu.memory_space<vmem>> -> memref<1x64xf32, #tpu.memory_space<vmem>>
      %dma_start3A_127 = arith.constant 0 : i32
      %dma_start3A_128 = tpu.memref_slice %arg3[%squeeze3A, %dma_start3A_127] : memref<1000000x64xf32, #tpu.memory_space<hbm>> -> memref<1x64xf32, #tpu.memory_space<hbm>>
      tpu.enqueue_dma source(%dma_start3A_128 : memref<1x64xf32, #tpu.memory_space<hbm>>) target(%dma_start3A_126 : memref<1x64xf32, #tpu.memory_space<vmem>>) target_semaphore(%arg13 : memref<!tpu.dma_semaphore, #tpu.memory_space<semaphore_mem>>)
      %slice3A_129 = vector.extract_strided_slice %get3A_116 {offsets = [1], sizes = [1], strides = [1]} : vector<16xi32> to vector<1xi32>
      %squeeze3A_130 = vector.extract %slice3A_129[0] : i32 from vector<1xi32>
      %mul3A_131 = arith.constant 16 : i32
      %mul3A_132 = arith.muli %scan3A_110, %mul3A_131 : i32
      %add3A_133 = arith.constant 1 : i32
      %add3A_134 = arith.addi %mul3A_132, %add3A_133 : i32
      %dma_start3A_135 = arith.constant 0 : i32
      %dma_start3A_136 = tpu.memref_slice %arg9[%add3A_134, %dma_start3A_135] : memref<128x64xf32, #tpu.memory_space<vmem>> -> memref<1x64xf32, #tpu.memory_space<vmem>>
      %dma_start3A_137 = arith.constant 0 : i32
      %dma_start3A_138 = tpu.memref_slice %arg3[%squeeze3A_130, %dma_start3A_137] : memref<1000000x64xf32, #tpu.memory_space<hbm>> -> memref<1x64xf32, #tpu.memory_space<hbm>>
      %dma_start3A_139 = arith.constant 0 : i32
      %dma_start3A_140 = tpu.memref_slice %arg9[%add3A_134, %dma_start3A_139] : memref<128x64xf32, #tpu.memory_space<vmem>> -> memref<1x64xf32, #tpu.memory_space<vmem>>
      %dma_start3A_141 = arith.constant 0 : i32
      %dma_start3A_142 = tpu.memref_slice %arg3[%squeeze3A_130, %dma_start3A_141] : memref<1000000x64xf32, #tpu.memory_space<hbm>> -> memref<1x64xf32, #tpu.memory_space<hbm>>
      tpu.enqueue_dma source(%dma_start3A_142 : memref<1x64xf32, #tpu.memory_space<hbm>>) target(%dma_start3A_140 : memref<1x64xf32, #tpu.memory_space<vmem>>) target_semaphore(%arg13 : memref<!tpu.dma_semaphore, #tpu.memory_space<semaphore_mem>>)
      %slice3A_143 = vector.extract_strided_slice %get3A_116 {offsets = [2], sizes = [1], strides = [1]} : vector<16xi32> to vector<1xi32>
      %squeeze3A_144 = vector.extract %slice3A_143[0] : i32 from vector<1xi32>
      %mul3A_145 = arith.constant 16 : i32
      %mul3A_146 = arith.muli %scan3A_110, %mul3A_145 : i32
      %add3A_147 = arith.constant 2 : i32
      %add3A_148 = arith.addi %mul3A_146, %add3A_147 : i32
      %dma_start3A_149 = arith.constant 0 : i32
      %dma_start3A_150 = tpu.memref_slice %arg9[%add3A_148, %dma_start3A_149] : memref<128x64xf32, #tpu.memory_space<vmem>> -> memref<1x64xf32, #tpu.memory_space<vmem>>
      %dma_start3A_151 = arith.constant 0 : i32
      %dma_start3A_152 = tpu.memref_slice %arg3[%squeeze3A_144, %dma_start3A_151] : memref<1000000x64xf32, #tpu.memory_space<hbm>> -> memref<1x64xf32, #tpu.memory_space<hbm>>
      %dma_start3A_153 = arith.constant 0 : i32
      %dma_start3A_154 = tpu.memref_slice %arg9[%add3A_148, %dma_start3A_153] : memref<128x64xf32, #tpu.memory_space<vmem>> -> memref<1x64xf32, #tpu.memory_space<vmem>>
      %dma_start3A_155 = arith.constant 0 : i32
      %dma_start3A_156 = tpu.memref_slice %arg3[%squeeze3A_144, %dma_start3A_155] : memref<1000000x64xf32, #tpu.memory_space<hbm>> -> memref<1x64xf32, #tpu.memory_space<hbm>>
      tpu.enqueue_dma source(%dma_start3A_156 : memref<1x64xf32, #tpu.memory_space<hbm>>) target(%dma_start3A_154 : memref<1x64xf32, #tpu.memory_space<vmem>>) target_semaphore(%arg13 : memref<!tpu.dma_semaphore, #tpu.memory_space<semaphore_mem>>)
      %slice3A_157 = vector.extract_strided_slice %get3A_116 {offsets = [3], sizes = [1], strides = [1]} : vector<16xi32> to vector<1xi32>
      %squeeze3A_158 = vector.extract %slice3A_157[0] : i32 from vector<1xi32>
      %mul3A_159 = arith.constant 16 : i32
      %mul3A_160 = arith.muli %scan3A_110, %mul3A_159 : i32
      %add3A_161 = arith.constant 3 : i32
      %add3A_162 = arith.addi %mul3A_160, %add3A_161 : i32
      %dma_start3A_163 = arith.constant 0 : i32
      %dma_start3A_164 = tpu.memref_slice %arg9[%add3A_162, %dma_start3A_163] : memref<128x64xf32, #tpu.memory_space<vmem>> -> memref<1x64xf32, #tpu.memory_space<vmem>>
      %dma_start3A_165 = arith.constant 0 : i32
      %dma_start3A_166 = tpu.memref_slice %arg3[%squeeze3A_158, %dma_start3A_165] : memref<1000000x64xf32, #tpu.memory_space<hbm>> -> memref<1x64xf32, #tpu.memory_space<hbm>>
      %dma_start3A_167 = arith.constant 0 : i32
      %dma_start3A_168 = tpu.memref_slice %arg9[%add3A_162, %dma_start3A_167] : memref<128x64xf32, #tpu.memory_space<vmem>> -> memref<1x64xf32, #tpu.memory_space<vmem>>
      %dma_start3A_169 = arith.constant 0 : i32
      %dma_start3A_170 = tpu.memref_slice %arg3[%squeeze3A_158, %dma_start3A_169] : memref<1000000x64xf32, #tpu.memory_space<hbm>> -> memref<1x64xf32, #tpu.memory_space<hbm>>
      tpu.enqueue_dma source(%dma_start3A_170 : memref<1x64xf32, #tpu.memory_space<hbm>>) target(%dma_start3A_168 : memref<1x64xf32, #tpu.memory_space<vmem>>) target_semaphore(%arg13 : memref<!tpu.dma_semaphore, #tpu.memory_space<semaphore_mem>>)
      %slice3A_171 = vector.extract_strided_slice %get3A_116 {offsets = [4], sizes = [1], strides = [1]} : vector<16xi32> to vector<1xi32>
      %squeeze3A_172 = vector.extract %slice3A_171[0] : i32 from vector<1xi32>
      %mul3A_173 = arith.constant 16 : i32
      %mul3A_174 = arith.muli %scan3A_110, %mul3A_173 : i32
      %add3A_175 = arith.constant 4 : i32
      %add3A_176 = arith.addi %mul3A_174, %add3A_175 : i32
      %dma_start3A_177 = arith.constant 0 : i32
      %dma_start3A_178 = tpu.memref_slice %arg9[%add3A_176, %dma_start3A_177] : memref<128x64xf32, #tpu.memory_space<vmem>> -> memref<1x64xf32, #tpu.memory_space<vmem>>
      %dma_start3A_179 = arith.constant 0 : i32
      %dma_start3A_180 = tpu.memref_slice %arg3[%squeeze3A_172, %dma_start3A_179] : memref<1000000x64xf32, #tpu.memory_space<hbm>> -> memref<1x64xf32, #tpu.memory_space<hbm>>
      %dma_start3A_181 = arith.constant 0 : i32
      %dma_start3A_182 = tpu.memref_slice %arg9[%add3A_176, %dma_start3A_181] : memref<128x64xf32, #tpu.memory_space<vmem>> -> memref<1x64xf32, #tpu.memory_space<vmem>>
      %dma_start3A_183 = arith.constant 0 : i32
      %dma_start3A_184 = tpu.memref_slice %arg3[%squeeze3A_172, %dma_start3A_183] : memref<1000000x64xf32, #tpu.memory_space<hbm>> -> memref<1x64xf32, #tpu.memory_space<hbm>>
      tpu.enqueue_dma source(%dma_start3A_184 : memref<1x64xf32, #tpu.memory_space<hbm>>) target(%dma_start3A_182 : memref<1x64xf32, #tpu.memory_space<vmem>>) target_semaphore(%arg13 : memref<!tpu.dma_semaphore, #tpu.memory_space<semaphore_mem>>)
      %slice3A_185 = vector.extract_strided_slice %get3A_116 {offsets = [5], sizes = [1], strides = [1]} : vector<16xi32> to vector<1xi32>
      %squeeze3A_186 = vector.extract %slice3A_185[0] : i32 from vector<1xi32>
      %mul3A_187 = arith.constant 16 : i32
      %mul3A_188 = arith.muli %scan3A_110, %mul3A_187 : i32
      %add3A_189 = arith.constant 5 : i32
      %add3A_190 = arith.addi %mul3A_188, %add3A_189 : i32
      %dma_start3A_191 = arith.constant 0 : i32
      %dma_start3A_192 = tpu.memref_slice %arg9[%add3A_190, %dma_start3A_191] : memref<128x64xf32, #tpu.memory_space<vmem>> -> memref<1x64xf32, #tpu.memory_space<vmem>>
      %dma_start3A_193 = arith.constant 0 : i32
      %dma_start3A_194 = tpu.memref_slice %arg3[%squeeze3A_186, %dma_start3A_193] : memref<1000000x64xf32, #tpu.memory_space<hbm>> -> memref<1x64xf32, #tpu.memory_space<hbm>>
      %dma_start3A_195 = arith.constant 0 : i32
      %dma_start3A_196 = tpu.memref_slice %arg9[%add3A_190, %dma_start3A_195] : memref<128x64xf32, #tpu.memory_space<vmem>> -> memref<1x64xf32, #tpu.memory_space<vmem>>
      %dma_start3A_197 = arith.constant 0 : i32
      %dma_start3A_198 = tpu.memref_slice %arg3[%squeeze3A_186, %dma_start3A_197] : memref<1000000x64xf32, #tpu.memory_space<hbm>> -> memref<1x64xf32, #tpu.memory_space<hbm>>
      tpu.enqueue_dma source(%dma_start3A_198 : memref<1x64xf32, #tpu.memory_space<hbm>>) target(%dma_start3A_196 : memref<1x64xf32, #tpu.memory_space<vmem>>) target_semaphore(%arg13 : memref<!tpu.dma_semaphore, #tpu.memory_space<semaphore_mem>>)
      %slice3A_199 = vector.extract_strided_slice %get3A_116 {offsets = [6], sizes = [1], strides = [1]} : vector<16xi32> to vector<1xi32>
      %squeeze3A_200 = vector.extract %slice3A_199[0] : i32 from vector<1xi32>
      %mul3A_201 = arith.constant 16 : i32
      %mul3A_202 = arith.muli %scan3A_110, %mul3A_201 : i32
      %add3A_203 = arith.constant 6 : i32
      %add3A_204 = arith.addi %mul3A_202, %add3A_203 : i32
      %dma_start3A_205 = arith.constant 0 : i32
      %dma_start3A_206 = tpu.memref_slice %arg9[%add3A_204, %dma_start3A_205] : memref<128x64xf32, #tpu.memory_space<vmem>> -> memref<1x64xf32, #tpu.memory_space<vmem>>
      %dma_start3A_207 = arith.constant 0 : i32
      %dma_start3A_208 = tpu.memref_slice %arg3[%squeeze3A_200, %dma_start3A_207] : memref<1000000x64xf32, #tpu.memory_space<hbm>> -> memref<1x64xf32, #tpu.memory_space<hbm>>
      %dma_start3A_209 = arith.constant 0 : i32
      %dma_start3A_210 = tpu.memref_slice %arg9[%add3A_204, %dma_start3A_209] : memref<128x64xf32, #tpu.memory_space<vmem>> -> memref<1x64xf32, #tpu.memory_space<vmem>>
      %dma_start3A_211 = arith.constant 0 : i32
      %dma_start3A_212 = tpu.memref_slice %arg3[%squeeze3A_200, %dma_start3A_211] : memref<1000000x64xf32, #tpu.memory_space<hbm>> -> memref<1x64xf32, #tpu.memory_space<hbm>>
      tpu.enqueue_dma source(%dma_start3A_212 : memref<1x64xf32, #tpu.memory_space<hbm>>) target(%dma_start3A_210 : memref<1x64xf32, #tpu.memory_space<vmem>>) target_semaphore(%arg13 : memref<!tpu.dma_semaphore, #tpu.memory_space<semaphore_mem>>)
      %slice3A_213 = vector.extract_strided_slice %get3A_116 {offsets = [7], sizes = [1], strides = [1]} : vector<16xi32> to vector<1xi32>
      %squeeze3A_214 = vector.extract %slice3A_213[0] : i32 from vector<1xi32>
      %mul3A_215 = arith.constant 16 : i32
      %mul3A_216 = arith.muli %scan3A_110, %mul3A_215 : i32
      %add3A_217 = arith.constant 7 : i32
      %add3A_218 = arith.addi %mul3A_216, %add3A_217 : i32
      %dma_start3A_219 = arith.constant 0 : i32
      %dma_start3A_220 = tpu.memref_slice %arg9[%add3A_218, %dma_start3A_219] : memref<128x64xf32, #tpu.memory_space<vmem>> -> memref<1x64xf32, #tpu.memory_space<vmem>>
      %dma_start3A_221 = arith.constant 0 : i32
      %dma_start3A_222 = tpu.memref_slice %arg3[%squeeze3A_214, %dma_start3A_221] : memref<1000000x64xf32, #tpu.memory_space<hbm>> -> memref<1x64xf32, #tpu.memory_space<hbm>>
      %dma_start3A_223 = arith.constant 0 : i32
      %dma_start3A_224 = tpu.memref_slice %arg9[%add3A_218, %dma_start3A_223] : memref<128x64xf32, #tpu.memory_space<vmem>> -> memref<1x64xf32, #tpu.memory_space<vmem>>
      %dma_start3A_225 = arith.constant 0 : i32
      %dma_start3A_226 = tpu.memref_slice %arg3[%squeeze3A_214, %dma_start3A_225] : memref<1000000x64xf32, #tpu.memory_space<hbm>> -> memref<1x64xf32, #tpu.memory_space<hbm>>
      tpu.enqueue_dma source(%dma_start3A_226 : memref<1x64xf32, #tpu.memory_space<hbm>>) target(%dma_start3A_224 : memref<1x64xf32, #tpu.memory_space<vmem>>) target_semaphore(%arg13 : memref<!tpu.dma_semaphore, #tpu.memory_space<semaphore_mem>>)
      %slice3A_227 = vector.extract_strided_slice %get3A_116 {offsets = [8], sizes = [1], strides = [1]} : vector<16xi32> to vector<1xi32>
      %squeeze3A_228 = vector.extract %slice3A_227[0] : i32 from vector<1xi32>
      %mul3A_229 = arith.constant 16 : i32
      %mul3A_230 = arith.muli %scan3A_110, %mul3A_229 : i32
      %add3A_231 = arith.constant 8 : i32
      %add3A_232 = arith.addi %mul3A_230, %add3A_231 : i32
      %dma_start3A_233 = arith.constant 0 : i32
      %dma_start3A_234 = tpu.memref_slice %arg9[%add3A_232, %dma_start3A_233] : memref<128x64xf32, #tpu.memory_space<vmem>> -> memref<1x64xf32, #tpu.memory_space<vmem>>
      %dma_start3A_235 = arith.constant 0 : i32
      %dma_start3A_236 = tpu.memref_slice %arg3[%squeeze3A_228, %dma_start3A_235] : memref<1000000x64xf32, #tpu.memory_space<hbm>> -> memref<1x64xf32, #tpu.memory_space<hbm>>
      %dma_start3A_237 = arith.constant 0 : i32
      %dma_start3A_238 = tpu.memref_slice %arg9[%add3A_232, %dma_start3A_237] : memref<128x64xf32, #tpu.memory_space<vmem>> -> memref<1x64xf32, #tpu.memory_space<vmem>>
      %dma_start3A_239 = arith.constant 0 : i32
      %dma_start3A_240 = tpu.memref_slice %arg3[%squeeze3A_228, %dma_start3A_239] : memref<1000000x64xf32, #tpu.memory_space<hbm>> -> memref<1x64xf32, #tpu.memory_space<hbm>>
      tpu.enqueue_dma source(%dma_start3A_240 : memref<1x64xf32, #tpu.memory_space<hbm>>) target(%dma_start3A_238 : memref<1x64xf32, #tpu.memory_space<vmem>>) target_semaphore(%arg13 : memref<!tpu.dma_semaphore, #tpu.memory_space<semaphore_mem>>)
      %slice3A_241 = vector.extract_strided_slice %get3A_116 {offsets = [9], sizes = [1], strides = [1]} : vector<16xi32> to vector<1xi32>
      %squeeze3A_242 = vector.extract %slice3A_241[0] : i32 from vector<1xi32>
      %mul3A_243 = arith.constant 16 : i32
      %mul3A_244 = arith.muli %scan3A_110, %mul3A_243 : i32
      %add3A_245 = arith.constant 9 : i32
      %add3A_246 = arith.addi %mul3A_244, %add3A_245 : i32
      %dma_start3A_247 = arith.constant 0 : i32
      %dma_start3A_248 = tpu.memref_slice %arg9[%add3A_246, %dma_start3A_247] : memref<128x64xf32, #tpu.memory_space<vmem>> -> memref<1x64xf32, #tpu.memory_space<vmem>>
      %dma_start3A_249 = arith.constant 0 : i32
      %dma_start3A_250 = tpu.memref_slice %arg3[%squeeze3A_242, %dma_start3A_249] : memref<1000000x64xf32, #tpu.memory_space<hbm>> -> memref<1x64xf32, #tpu.memory_space<hbm>>
      %dma_start3A_251 = arith.constant 0 : i32
      %dma_start3A_252 = tpu.memref_slice %arg9[%add3A_246, %dma_start3A_251] : memref<128x64xf32, #tpu.memory_space<vmem>> -> memref<1x64xf32, #tpu.memory_space<vmem>>
      %dma_start3A_253 = arith.constant 0 : i32
      %dma_start3A_254 = tpu.memref_slice %arg3[%squeeze3A_242, %dma_start3A_253] : memref<1000000x64xf32, #tpu.memory_space<hbm>> -> memref<1x64xf32, #tpu.memory_space<hbm>>
      tpu.enqueue_dma source(%dma_start3A_254 : memref<1x64xf32, #tpu.memory_space<hbm>>) target(%dma_start3A_252 : memref<1x64xf32, #tpu.memory_space<vmem>>) target_semaphore(%arg13 : memref<!tpu.dma_semaphore, #tpu.memory_space<semaphore_mem>>)
      %slice3A_255 = vector.extract_strided_slice %get3A_116 {offsets = [10], sizes = [1], strides = [1]} : vector<16xi32> to vector<1xi32>
      %squeeze3A_256 = vector.extract %slice3A_255[0] : i32 from vector<1xi32>
      %mul3A_257 = arith.constant 16 : i32
      %mul3A_258 = arith.muli %scan3A_110, %mul3A_257 : i32
      %add3A_259 = arith.constant 10 : i32
      %add3A_260 = arith.addi %mul3A_258, %add3A_259 : i32
      %dma_start3A_261 = arith.constant 0 : i32
      %dma_start3A_262 = tpu.memref_slice %arg9[%add3A_260, %dma_start3A_261] : memref<128x64xf32, #tpu.memory_space<vmem>> -> memref<1x64xf32, #tpu.memory_space<vmem>>
      %dma_start3A_263 = arith.constant 0 : i32
      %dma_start3A_264 = tpu.memref_slice %arg3[%squeeze3A_256, %dma_start3A_263] : memref<1000000x64xf32, #tpu.memory_space<hbm>> -> memref<1x64xf32, #tpu.memory_space<hbm>>
      %dma_start3A_265 = arith.constant 0 : i32
      %dma_start3A_266 = tpu.memref_slice %arg9[%add3A_260, %dma_start3A_265] : memref<128x64xf32, #tpu.memory_space<vmem>> -> memref<1x64xf32, #tpu.memory_space<vmem>>
      %dma_start3A_267 = arith.constant 0 : i32
      %dma_start3A_268 = tpu.memref_slice %arg3[%squeeze3A_256, %dma_start3A_267] : memref<1000000x64xf32, #tpu.memory_space<hbm>> -> memref<1x64xf32, #tpu.memory_space<hbm>>
      tpu.enqueue_dma source(%dma_start3A_268 : memref<1x64xf32, #tpu.memory_space<hbm>>) target(%dma_start3A_266 : memref<1x64xf32, #tpu.memory_space<vmem>>) target_semaphore(%arg13 : memref<!tpu.dma_semaphore, #tpu.memory_space<semaphore_mem>>)
      %slice3A_269 = vector.extract_strided_slice %get3A_116 {offsets = [11], sizes = [1], strides = [1]} : vector<16xi32> to vector<1xi32>
      %squeeze3A_270 = vector.extract %slice3A_269[0] : i32 from vector<1xi32>
      %mul3A_271 = arith.constant 16 : i32
      %mul3A_272 = arith.muli %scan3A_110, %mul3A_271 : i32
      %add3A_273 = arith.constant 11 : i32
      %add3A_274 = arith.addi %mul3A_272, %add3A_273 : i32
      %dma_start3A_275 = arith.constant 0 : i32
      %dma_start3A_276 = tpu.memref_slice %arg9[%add3A_274, %dma_start3A_275] : memref<128x64xf32, #tpu.memory_space<vmem>> -> memref<1x64xf32, #tpu.memory_space<vmem>>
      %dma_start3A_277 = arith.constant 0 : i32
      %dma_start3A_278 = tpu.memref_slice %arg3[%squeeze3A_270, %dma_start3A_277] : memref<1000000x64xf32, #tpu.memory_space<hbm>> -> memref<1x64xf32, #tpu.memory_space<hbm>>
      %dma_start3A_279 = arith.constant 0 : i32
      %dma_start3A_280 = tpu.memref_slice %arg9[%add3A_274, %dma_start3A_279] : memref<128x64xf32, #tpu.memory_space<vmem>> -> memref<1x64xf32, #tpu.memory_space<vmem>>
      %dma_start3A_281 = arith.constant 0 : i32
      %dma_start3A_282 = tpu.memref_slice %arg3[%squeeze3A_270, %dma_start3A_281] : memref<1000000x64xf32, #tpu.memory_space<hbm>> -> memref<1x64xf32, #tpu.memory_space<hbm>>
      tpu.enqueue_dma source(%dma_start3A_282 : memref<1x64xf32, #tpu.memory_space<hbm>>) target(%dma_start3A_280 : memref<1x64xf32, #tpu.memory_space<vmem>>) target_semaphore(%arg13 : memref<!tpu.dma_semaphore, #tpu.memory_space<semaphore_mem>>)
      %slice3A_283 = vector.extract_strided_slice %get3A_116 {offsets = [12], sizes = [1], strides = [1]} : vector<16xi32> to vector<1xi32>
      %squeeze3A_284 = vector.extract %slice3A_283[0] : i32 from vector<1xi32>
      %mul3A_285 = arith.constant 16 : i32
      %mul3A_286 = arith.muli %scan3A_110, %mul3A_285 : i32
      %add3A_287 = arith.constant 12 : i32
      %add3A_288 = arith.addi %mul3A_286, %add3A_287 : i32
      %dma_start3A_289 = arith.constant 0 : i32
      %dma_start3A_290 = tpu.memref_slice %arg9[%add3A_288, %dma_start3A_289] : memref<128x64xf32, #tpu.memory_space<vmem>> -> memref<1x64xf32, #tpu.memory_space<vmem>>
      %dma_start3A_291 = arith.constant 0 : i32
      %dma_start3A_292 = tpu.memref_slice %arg3[%squeeze3A_284, %dma_start3A_291] : memref<1000000x64xf32, #tpu.memory_space<hbm>> -> memref<1x64xf32, #tpu.memory_space<hbm>>
      %dma_start3A_293 = arith.constant 0 : i32
      %dma_start3A_294 = tpu.memref_slice %arg9[%add3A_288, %dma_start3A_293] : memref<128x64xf32, #tpu.memory_space<vmem>> -> memref<1x64xf32, #tpu.memory_space<vmem>>
      %dma_start3A_295 = arith.constant 0 : i32
      %dma_start3A_296 = tpu.memref_slice %arg3[%squeeze3A_284, %dma_start3A_295] : memref<1000000x64xf32, #tpu.memory_space<hbm>> -> memref<1x64xf32, #tpu.memory_space<hbm>>
      tpu.enqueue_dma source(%dma_start3A_296 : memref<1x64xf32, #tpu.memory_space<hbm>>) target(%dma_start3A_294 : memref<1x64xf32, #tpu.memory_space<vmem>>) target_semaphore(%arg13 : memref<!tpu.dma_semaphore, #tpu.memory_space<semaphore_mem>>)
      %slice3A_297 = vector.extract_strided_slice %get3A_116 {offsets = [13], sizes = [1], strides = [1]} : vector<16xi32> to vector<1xi32>
      %squeeze3A_298 = vector.extract %slice3A_297[0] : i32 from vector<1xi32>
      %mul3A_299 = arith.constant 16 : i32
      %mul3A_300 = arith.muli %scan3A_110, %mul3A_299 : i32
      %add3A_301 = arith.constant 13 : i32
      %add3A_302 = arith.addi %mul3A_300, %add3A_301 : i32
      %dma_start3A_303 = arith.constant 0 : i32
      %dma_start3A_304 = tpu.memref_slice %arg9[%add3A_302, %dma_start3A_303] : memref<128x64xf32, #tpu.memory_space<vmem>> -> memref<1x64xf32, #tpu.memory_space<vmem>>
      %dma_start3A_305 = arith.constant 0 : i32
      %dma_start3A_306 = tpu.memref_slice %arg3[%squeeze3A_298, %dma_start3A_305] : memref<1000000x64xf32, #tpu.memory_space<hbm>> -> memref<1x64xf32, #tpu.memory_space<hbm>>
      %dma_start3A_307 = arith.constant 0 : i32
      %dma_start3A_308 = tpu.memref_slice %arg9[%add3A_302, %dma_start3A_307] : memref<128x64xf32, #tpu.memory_space<vmem>> -> memref<1x64xf32, #tpu.memory_space<vmem>>
      %dma_start3A_309 = arith.constant 0 : i32
      %dma_start3A_310 = tpu.memref_slice %arg3[%squeeze3A_298, %dma_start3A_309] : memref<1000000x64xf32, #tpu.memory_space<hbm>> -> memref<1x64xf32, #tpu.memory_space<hbm>>
      tpu.enqueue_dma source(%dma_start3A_310 : memref<1x64xf32, #tpu.memory_space<hbm>>) target(%dma_start3A_308 : memref<1x64xf32, #tpu.memory_space<vmem>>) target_semaphore(%arg13 : memref<!tpu.dma_semaphore, #tpu.memory_space<semaphore_mem>>)
      %slice3A_311 = vector.extract_strided_slice %get3A_116 {offsets = [14], sizes = [1], strides = [1]} : vector<16xi32> to vector<1xi32>
      %squeeze3A_312 = vector.extract %slice3A_311[0] : i32 from vector<1xi32>
      %mul3A_313 = arith.constant 16 : i32
      %mul3A_314 = arith.muli %scan3A_110, %mul3A_313 : i32
      %add3A_315 = arith.constant 14 : i32
      %add3A_316 = arith.addi %mul3A_314, %add3A_315 : i32
      %dma_start3A_317 = arith.constant 0 : i32
      %dma_start3A_318 = tpu.memref_slice %arg9[%add3A_316, %dma_start3A_317] : memref<128x64xf32, #tpu.memory_space<vmem>> -> memref<1x64xf32, #tpu.memory_space<vmem>>
      %dma_start3A_319 = arith.constant 0 : i32
      %dma_start3A_320 = tpu.memref_slice %arg3[%squeeze3A_312, %dma_start3A_319] : memref<1000000x64xf32, #tpu.memory_space<hbm>> -> memref<1x64xf32, #tpu.memory_space<hbm>>
      %dma_start3A_321 = arith.constant 0 : i32
      %dma_start3A_322 = tpu.memref_slice %arg9[%add3A_316, %dma_start3A_321] : memref<128x64xf32, #tpu.memory_space<vmem>> -> memref<1x64xf32, #tpu.memory_space<vmem>>
      %dma_start3A_323 = arith.constant 0 : i32
      %dma_start3A_324 = tpu.memref_slice %arg3[%squeeze3A_312, %dma_start3A_323] : memref<1000000x64xf32, #tpu.memory_space<hbm>> -> memref<1x64xf32, #tpu.memory_space<hbm>>
      tpu.enqueue_dma source(%dma_start3A_324 : memref<1x64xf32, #tpu.memory_space<hbm>>) target(%dma_start3A_322 : memref<1x64xf32, #tpu.memory_space<vmem>>) target_semaphore(%arg13 : memref<!tpu.dma_semaphore, #tpu.memory_space<semaphore_mem>>)
      %slice3A_325 = vector.extract_strided_slice %get3A_116 {offsets = [15], sizes = [1], strides = [1]} : vector<16xi32> to vector<1xi32>
      %squeeze3A_326 = vector.extract %slice3A_325[0] : i32 from vector<1xi32>
      %mul3A_327 = arith.constant 16 : i32
      %mul3A_328 = arith.muli %scan3A_110, %mul3A_327 : i32
      %add3A_329 = arith.constant 15 : i32
      %add3A_330 = arith.addi %mul3A_328, %add3A_329 : i32
      %dma_start3A_331 = arith.constant 0 : i32
      %dma_start3A_332 = tpu.memref_slice %arg9[%add3A_330, %dma_start3A_331] : memref<128x64xf32, #tpu.memory_space<vmem>> -> memref<1x64xf32, #tpu.memory_space<vmem>>
      %dma_start3A_333 = arith.constant 0 : i32
      %dma_start3A_334 = tpu.memref_slice %arg3[%squeeze3A_326, %dma_start3A_333] : memref<1000000x64xf32, #tpu.memory_space<hbm>> -> memref<1x64xf32, #tpu.memory_space<hbm>>
      %dma_start3A_335 = arith.constant 0 : i32
      %dma_start3A_336 = tpu.memref_slice %arg9[%add3A_330, %dma_start3A_335] : memref<128x64xf32, #tpu.memory_space<vmem>> -> memref<1x64xf32, #tpu.memory_space<vmem>>
      %dma_start3A_337 = arith.constant 0 : i32
      %dma_start3A_338 = tpu.memref_slice %arg3[%squeeze3A_326, %dma_start3A_337] : memref<1000000x64xf32, #tpu.memory_space<hbm>> -> memref<1x64xf32, #tpu.memory_space<hbm>>
      tpu.enqueue_dma source(%dma_start3A_338 : memref<1x64xf32, #tpu.memory_space<hbm>>) target(%dma_start3A_336 : memref<1x64xf32, #tpu.memory_space<vmem>>) target_semaphore(%arg13 : memref<!tpu.dma_semaphore, #tpu.memory_space<semaphore_mem>>)
    }
    %scan3A_36 = arith.constant 8 : i32
    %scan3A_37 = arith.constant 0 : i32
    %scan3A_38 = arith.constant 0 : i32
    %scan3A_39 = arith.constant 49 : i32
    %scan3A_40 = arith.addi %scan3A_38, %scan3A_39 : i32
    %scan3A_41 = arith.constant 1 : i32
    scf.for %scan3A_110 = %scan3A_38 to %scan3A_40 step %scan3A_41  : i32 {
      %mul3A_111 = arith.constant 4 : i32
      %mul3A_112 = arith.muli %mul3A_111, %scan3A_110 : i32
      %add3A_113 = arith.constant 1 : i32
      %add3A_114 = arith.addi %mul3A_112, %add3A_113 : i32
      %add3A_115 = arith.constant 0 : i32
      %add3A_116 = arith.addi %add3A_114, %add3A_115 : i32
      %dma_wait3A_117 = arith.constant 0 : i32
      %dma_wait3A_118 = arith.constant 0 : i32
      %dma_wait3A_119 = tpu.memref_slice %arg3[%dma_wait3A_117, %dma_wait3A_118] : memref<1000000x64xf32, #tpu.memory_space<hbm>> -> memref<128x64xf32, #tpu.memory_space<hbm>>
      %dma_wait3A_120 = arith.constant 0 : i32
      %dma_wait3A_121 = arith.constant 0 : i32
      %dma_wait3A_122 = tpu.memref_slice %arg3[%dma_wait3A_120, %dma_wait3A_121] : memref<1000000x64xf32, #tpu.memory_space<hbm>> -> memref<128x64xf32, #tpu.memory_space<hbm>>
      tpu.wait_dma2 semaphore(%arg11 : memref<!tpu.dma_semaphore, #tpu.memory_space<semaphore_mem>>) src(%dma_wait3A_122 : memref<128x64xf32, #tpu.memory_space<hbm>>) dst(%arg7 : memref<128x64xf32, #tpu.memory_space<vmem>>)
      %dma_start3A_123 = arith.constant 0 : i32
      %dma_start3A_124 = tpu.memref_slice %arg4[%mul3A_2, %add3A_116, %dma_start3A_123] : memref<4096x200x64xf32, #tpu.memory_space<hbm>> -> memref<128x1x64xf32, #tpu.memory_space<hbm>>
      %dma_start3A_125 = tpu.memref_squeeze %dma_start3A_124 : memref<128x1x64xf32, #tpu.memory_space<hbm>> -> memref<128x64xf32, #tpu.memory_space<hbm>>
      %dma_start3A_126 = arith.constant 0 : i32
      %dma_start3A_127 = tpu.memref_slice %arg4[%mul3A_2, %add3A_116, %dma_start3A_126] : memref<4096x200x64xf32, #tpu.memory_space<hbm>> -> memref<128x1x64xf32, #tpu.memory_space<hbm>>
      %dma_start3A_128 = tpu.memref_squeeze %dma_start3A_127 : memref<128x1x64xf32, #tpu.memory_space<hbm>> -> memref<128x64xf32, #tpu.memory_space<hbm>>
      tpu.enqueue_dma source(%arg7 : memref<128x64xf32, #tpu.memory_space<vmem>>) target(%dma_start3A_128 : memref<128x64xf32, #tpu.memory_space<hbm>>) target_semaphore(%arg15 : memref<!tpu.dma_semaphore, #tpu.memory_space<semaphore_mem>>)
      %sub3A = arith.constant 1 : i32
      %sub3A_129 = arith.subi %add3A_116, %sub3A : i32
      %dma_wait3A_130 = arith.constant 0 : i32
      %dma_wait3A_131 = tpu.memref_slice %arg4[%mul3A_2, %sub3A_129, %dma_wait3A_130] : memref<4096x200x64xf32, #tpu.memory_space<hbm>> -> memref<128x1x64xf32, #tpu.memory_space<hbm>>
      %dma_wait3A_132 = tpu.memref_squeeze %dma_wait3A_131 : memref<128x1x64xf32, #tpu.memory_space<hbm>> -> memref<128x64xf32, #tpu.memory_space<hbm>>
      %dma_wait3A_133 = arith.constant 0 : i32
      %dma_wait3A_134 = tpu.memref_slice %arg4[%mul3A_2, %sub3A_129, %dma_wait3A_133] : memref<4096x200x64xf32, #tpu.memory_space<hbm>> -> memref<128x1x64xf32, #tpu.memory_space<hbm>>
      %dma_wait3A_135 = tpu.memref_squeeze %dma_wait3A_134 : memref<128x1x64xf32, #tpu.memory_space<hbm>> -> memref<128x64xf32, #tpu.memory_space<hbm>>
      tpu.wait_dma2 semaphore(%arg14 : memref<!tpu.dma_semaphore, #tpu.memory_space<semaphore_mem>>) src(%arg6 : memref<128x64xf32, #tpu.memory_space<vmem>>) dst(%dma_wait3A_135 : memref<128x64xf32, #tpu.memory_space<hbm>>)
      %add3A_136 = arith.constant 4 : i32
      %add3A_137 = arith.addi %add3A_116, %add3A_136 : i32
      %sub3A_138 = arith.constant 1 : i32
      %sub3A_139 = arith.subi %add3A_137, %sub3A_138 : i32
      %scan3A_140 = arith.constant 0 : i32
      %scan3A_141 = arith.constant 0 : i32
      %scan3A_142 = arith.constant 8 : i32
      %scan3A_143 = arith.addi %scan3A_141, %scan3A_142 : i32
      %scan3A_144 = arith.constant 1 : i32
      scf.for %scan3A_254 = %scan3A_141 to %scan3A_143 step %scan3A_144  : i32 {
        %mul3A_255 = arith.constant 16 : i32
        %mul3A_256 = arith.muli %scan3A_254, %mul3A_255 : i32
        %get3A = arith.index_cast %sub3A_139 : i32 to index
        %get3A_257 = arith.index_cast %mul3A_256 : i32 to index
        %get3A_258 = tpu.vector_load %arg5[%get3A, %get3A_257] {strides = array<i32>} : memref<200x128xi32, #tpu.memory_space<vmem>>, vector<1x16xi32>,
        %get3A_259 = vector.shape_cast %get3A_258 : vector<1x16xi32> to vector<16xi32>
        %slice3A = vector.extract_strided_slice %get3A_259 {offsets = [0], sizes = [1], strides = [1]} : vector<16xi32> to vector<1xi32>
        %squeeze3A = vector.extract %slice3A[0] : i32 from vector<1xi32>
        %mul3A_260 = arith.constant 16 : i32
        %mul3A_261 = arith.muli %scan3A_254, %mul3A_260 : i32
        %add3A_262 = arith.constant 0 : i32
        %add3A_263 = arith.addi %mul3A_261, %add3A_262 : i32
        %dma_start3A_264 = arith.constant 0 : i32
        %dma_start3A_265 = tpu.memref_slice %arg6[%add3A_263, %dma_start3A_264] : memref<128x64xf32, #tpu.memory_space<vmem>> -> memref<1x64xf32, #tpu.memory_space<vmem>>
        %dma_start3A_266 = arith.constant 0 : i32
        %dma_start3A_267 = tpu.memref_slice %arg3[%squeeze3A, %dma_start3A_266] : memref<1000000x64xf32, #tpu.memory_space<hbm>> -> memref<1x64xf32, #tpu.memory_space<hbm>>
        %dma_start3A_268 = arith.constant 0 : i32
        %dma_start3A_269 = tpu.memref_slice %arg6[%add3A_263, %dma_start3A_268] : memref<128x64xf32, #tpu.memory_space<vmem>> -> memref<1x64xf32, #tpu.memory_space<vmem>>
        %dma_start3A_270 = arith.constant 0 : i32
        %dma_start3A_271 = tpu.memref_slice %arg3[%squeeze3A, %dma_start3A_270] : memref<1000000x64xf32, #tpu.memory_space<hbm>> -> memref<1x64xf32, #tpu.memory_space<hbm>>
        tpu.enqueue_dma source(%dma_start3A_271 : memref<1x64xf32, #tpu.memory_space<hbm>>) target(%dma_start3A_269 : memref<1x64xf32, #tpu.memory_space<vmem>>) target_semaphore(%arg10 : memref<!tpu.dma_semaphore, #tpu.memory_space<semaphore_mem>>)
        %slice3A_272 = vector.extract_strided_slice %get3A_259 {offsets = [1], sizes = [1], strides = [1]} : vector<16xi32> to vector<1xi32>
        %squeeze3A_273 = vector.extract %slice3A_272[0] : i32 from vector<1xi32>
        %mul3A_274 = arith.constant 16 : i32
        %mul3A_275 = arith.muli %scan3A_254, %mul3A_274 : i32
        %add3A_276 = arith.constant 1 : i32
        %add3A_277 = arith.addi %mul3A_275, %add3A_276 : i32
        %dma_start3A_278 = arith.constant 0 : i32
        %dma_start3A_279 = tpu.memref_slice %arg6[%add3A_277, %dma_start3A_278] : memref<128x64xf32, #tpu.memory_space<vmem>> -> memref<1x64xf32, #tpu.memory_space<vmem>>
        %dma_start3A_280 = arith.constant 0 : i32
        %dma_start3A_281 = tpu.memref_slice %arg3[%squeeze3A_273, %dma_start3A_280] : memref<1000000x64xf32, #tpu.memory_space<hbm>> -> memref<1x64xf32, #tpu.memory_space<hbm>>
        %dma_start3A_282 = arith.constant 0 : i32
        %dma_start3A_283 = tpu.memref_slice %arg6[%add3A_277, %dma_start3A_282] : memref<128x64xf32, #tpu.memory_space<vmem>> -> memref<1x64xf32, #tpu.memory_space<vmem>>
        %dma_start3A_284 = arith.constant 0 : i32
        %dma_start3A_285 = tpu.memref_slice %arg3[%squeeze3A_273, %dma_start3A_284] : memref<1000000x64xf32, #tpu.memory_space<hbm>> -> memref<1x64xf32, #tpu.memory_space<hbm>>
        tpu.enqueue_dma source(%dma_start3A_285 : memref<1x64xf32, #tpu.memory_space<hbm>>) target(%dma_start3A_283 : memref<1x64xf32, #tpu.memory_space<vmem>>) target_semaphore(%arg10 : memref<!tpu.dma_semaphore, #tpu.memory_space<semaphore_mem>>)
        %slice3A_286 = vector.extract_strided_slice %get3A_259 {offsets = [2], sizes = [1], strides = [1]} : vector<16xi32> to vector<1xi32>
        %squeeze3A_287 = vector.extract %slice3A_286[0] : i32 from vector<1xi32>
        %mul3A_288 = arith.constant 16 : i32
        %mul3A_289 = arith.muli %scan3A_254, %mul3A_288 : i32
        %add3A_290 = arith.constant 2 : i32
        %add3A_291 = arith.addi %mul3A_289, %add3A_290 : i32
        %dma_start3A_292 = arith.constant 0 : i32
        %dma_start3A_293 = tpu.memref_slice %arg6[%add3A_291, %dma_start3A_292] : memref<128x64xf32, #tpu.memory_space<vmem>> -> memref<1x64xf32, #tpu.memory_space<vmem>>
        %dma_start3A_294 = arith.constant 0 : i32
        %dma_start3A_295 = tpu.memref_slice %arg3[%squeeze3A_287, %dma_start3A_294] : memref<1000000x64xf32, #tpu.memory_space<hbm>> -> memref<1x64xf32, #tpu.memory_space<hbm>>
        %dma_start3A_296 = arith.constant 0 : i32
        %dma_start3A_297 = tpu.memref_slice %arg6[%add3A_291, %dma_start3A_296] : memref<128x64xf32, #tpu.memory_space<vmem>> -> memref<1x64xf32, #tpu.memory_space<vmem>>
        %dma_start3A_298 = arith.constant 0 : i32
        %dma_start3A_299 = tpu.memref_slice %arg3[%squeeze3A_287, %dma_start3A_298] : memref<1000000x64xf32, #tpu.memory_space<hbm>> -> memref<1x64xf32, #tpu.memory_space<hbm>>
        tpu.enqueue_dma source(%dma_start3A_299 : memref<1x64xf32, #tpu.memory_space<hbm>>) target(%dma_start3A_297 : memref<1x64xf32, #tpu.memory_space<vmem>>) target_semaphore(%arg10 : memref<!tpu.dma_semaphore, #tpu.memory_space<semaphore_mem>>)
        %slice3A_300 = vector.extract_strided_slice %get3A_259 {offsets = [3], sizes = [1], strides = [1]} : vector<16xi32> to vector<1xi32>
        %squeeze3A_301 = vector.extract %slice3A_300[0] : i32 from vector<1xi32>
        %mul3A_302 = arith.constant 16 : i32
        %mul3A_303 = arith.muli %scan3A_254, %mul3A_302 : i32
        %add3A_304 = arith.constant 3 : i32
        %add3A_305 = arith.addi %mul3A_303, %add3A_304 : i32
        %dma_start3A_306 = arith.constant 0 : i32
        %dma_start3A_307 = tpu.memref_slice %arg6[%add3A_305, %dma_start3A_306] : memref<128x64xf32, #tpu.memory_space<vmem>> -> memref<1x64xf32, #tpu.memory_space<vmem>>
        %dma_start3A_308 = arith.constant 0 : i32
        %dma_start3A_309 = tpu.memref_slice %arg3[%squeeze3A_301, %dma_start3A_308] : memref<1000000x64xf32, #tpu.memory_space<hbm>> -> memref<1x64xf32, #tpu.memory_space<hbm>>
        %dma_start3A_310 = arith.constant 0 : i32
        %dma_start3A_311 = tpu.memref_slice %arg6[%add3A_305, %dma_start3A_310] : memref<128x64xf32, #tpu.memory_space<vmem>> -> memref<1x64xf32, #tpu.memory_space<vmem>>
        %dma_start3A_312 = arith.constant 0 : i32
        %dma_start3A_313 = tpu.memref_slice %arg3[%squeeze3A_301, %dma_start3A_312] : memref<1000000x64xf32, #tpu.memory_space<hbm>> -> memref<1x64xf32, #tpu.memory_space<hbm>>
        tpu.enqueue_dma source(%dma_start3A_313 : memref<1x64xf32, #tpu.memory_space<hbm>>) target(%dma_start3A_311 : memref<1x64xf32, #tpu.memory_space<vmem>>) target_semaphore(%arg10 : memref<!tpu.dma_semaphore, #tpu.memory_space<semaphore_mem>>)
        %slice3A_314 = vector.extract_strided_slice %get3A_259 {offsets = [4], sizes = [1], strides = [1]} : vector<16xi32> to vector<1xi32>
        %squeeze3A_315 = vector.extract %slice3A_314[0] : i32 from vector<1xi32>
        %mul3A_316 = arith.constant 16 : i32
        %mul3A_317 = arith.muli %scan3A_254, %mul3A_316 : i32
        %add3A_318 = arith.constant 4 : i32
        %add3A_319 = arith.addi %mul3A_317, %add3A_318 : i32
        %dma_start3A_320 = arith.constant 0 : i32
        %dma_start3A_321 = tpu.memref_slice %arg6[%add3A_319, %dma_start3A_320] : memref<128x64xf32, #tpu.memory_space<vmem>> -> memref<1x64xf32, #tpu.memory_space<vmem>>
        %dma_start3A_322 = arith.constant 0 : i32
        %dma_start3A_323 = tpu.memref_slice %arg3[%squeeze3A_315, %dma_start3A_322] : memref<1000000x64xf32, #tpu.memory_space<hbm>> -> memref<1x64xf32, #tpu.memory_space<hbm>>
        %dma_start3A_324 = arith.constant 0 : i32
        %dma_start3A_325 = tpu.memref_slice %arg6[%add3A_319, %dma_start3A_324] : memref<128x64xf32, #tpu.memory_space<vmem>> -> memref<1x64xf32, #tpu.memory_space<vmem>>
        %dma_start3A_326 = arith.constant 0 : i32
        %dma_start3A_327 = tpu.memref_slice %arg3[%squeeze3A_315, %dma_start3A_326] : memref<1000000x64xf32, #tpu.memory_space<hbm>> -> memref<1x64xf32, #tpu.memory_space<hbm>>
        tpu.enqueue_dma source(%dma_start3A_327 : memref<1x64xf32, #tpu.memory_space<hbm>>) target(%dma_start3A_325 : memref<1x64xf32, #tpu.memory_space<vmem>>) target_semaphore(%arg10 : memref<!tpu.dma_semaphore, #tpu.memory_space<semaphore_mem>>)
        %slice3A_328 = vector.extract_strided_slice %get3A_259 {offsets = [5], sizes = [1], strides = [1]} : vector<16xi32> to vector<1xi32>
        %squeeze3A_329 = vector.extract %slice3A_328[0] : i32 from vector<1xi32>
        %mul3A_330 = arith.constant 16 : i32
        %mul3A_331 = arith.muli %scan3A_254, %mul3A_330 : i32
        %add3A_332 = arith.constant 5 : i32
        %add3A_333 = arith.addi %mul3A_331, %add3A_332 : i32
        %dma_start3A_334 = arith.constant 0 : i32
        %dma_start3A_335 = tpu.memref_slice %arg6[%add3A_333, %dma_start3A_334] : memref<128x64xf32, #tpu.memory_space<vmem>> -> memref<1x64xf32, #tpu.memory_space<vmem>>
        %dma_start3A_336 = arith.constant 0 : i32
        %dma_start3A_337 = tpu.memref_slice %arg3[%squeeze3A_329, %dma_start3A_336] : memref<1000000x64xf32, #tpu.memory_space<hbm>> -> memref<1x64xf32, #tpu.memory_space<hbm>>
        %dma_start3A_338 = arith.constant 0 : i32
        %dma_start3A_339 = tpu.memref_slice %arg6[%add3A_333, %dma_start3A_338] : memref<128x64xf32, #tpu.memory_space<vmem>> -> memref<1x64xf32, #tpu.memory_space<vmem>>
        %dma_start3A_340 = arith.constant 0 : i32
        %dma_start3A_341 = tpu.memref_slice %arg3[%squeeze3A_329, %dma_start3A_340] : memref<1000000x64xf32, #tpu.memory_space<hbm>> -> memref<1x64xf32, #tpu.memory_space<hbm>>
        tpu.enqueue_dma source(%dma_start3A_341 : memref<1x64xf32, #tpu.memory_space<hbm>>) target(%dma_start3A_339 : memref<1x64xf32, #tpu.memory_space<vmem>>) target_semaphore(%arg10 : memref<!tpu.dma_semaphore, #tpu.memory_space<semaphore_mem>>)
        %slice3A_342 = vector.extract_strided_slice %get3A_259 {offsets = [6], sizes = [1], strides = [1]} : vector<16xi32> to vector<1xi32>
        %squeeze3A_343 = vector.extract %slice3A_342[0] : i32 from vector<1xi32>
        %mul3A_344 = arith.constant 16 : i32
        %mul3A_345 = arith.muli %scan3A_254, %mul3A_344 : i32
        %add3A_346 = arith.constant 6 : i32
        %add3A_347 = arith.addi %mul3A_345, %add3A_346 : i32
        %dma_start3A_348 = arith.constant 0 : i32
        %dma_start3A_349 = tpu.memref_slice %arg6[%add3A_347, %dma_start3A_348] : memref<128x64xf32, #tpu.memory_space<vmem>> -> memref<1x64xf32, #tpu.memory_space<vmem>>
        %dma_start3A_350 = arith.constant 0 : i32
        %dma_start3A_351 = tpu.memref_slice %arg3[%squeeze3A_343, %dma_start3A_350] : memref<1000000x64xf32, #tpu.memory_space<hbm>> -> memref<1x64xf32, #tpu.memory_space<hbm>>
        %dma_start3A_352 = arith.constant 0 : i32
        %dma_start3A_353 = tpu.memref_slice %arg6[%add3A_347, %dma_start3A_352] : memref<128x64xf32, #tpu.memory_space<vmem>> -> memref<1x64xf32, #tpu.memory_space<vmem>>
        %dma_start3A_354 = arith.constant 0 : i32
        %dma_start3A_355 = tpu.memref_slice %arg3[%squeeze3A_343, %dma_start3A_354] : memref<1000000x64xf32, #tpu.memory_space<hbm>> -> memref<1x64xf32, #tpu.memory_space<hbm>>
        tpu.enqueue_dma source(%dma_start3A_355 : memref<1x64xf32, #tpu.memory_space<hbm>>) target(%dma_start3A_353 : memref<1x64xf32, #tpu.memory_space<vmem>>) target_semaphore(%arg10 : memref<!tpu.dma_semaphore, #tpu.memory_space<semaphore_mem>>)
        %slice3A_356 = vector.extract_strided_slice %get3A_259 {offsets = [7], sizes = [1], strides = [1]} : vector<16xi32> to vector<1xi32>
        %squeeze3A_357 = vector.extract %slice3A_356[0] : i32 from vector<1xi32>
        %mul3A_358 = arith.constant 16 : i32
        %mul3A_359 = arith.muli %scan3A_254, %mul3A_358 : i32
        %add3A_360 = arith.constant 7 : i32
        %add3A_361 = arith.addi %mul3A_359, %add3A_360 : i32
        %dma_start3A_362 = arith.constant 0 : i32
        %dma_start3A_363 = tpu.memref_slice %arg6[%add3A_361, %dma_start3A_362] : memref<128x64xf32, #tpu.memory_space<vmem>> -> memref<1x64xf32, #tpu.memory_space<vmem>>
        %dma_start3A_364 = arith.constant 0 : i32
        %dma_start3A_365 = tpu.memref_slice %arg3[%squeeze3A_357, %dma_start3A_364] : memref<1000000x64xf32, #tpu.memory_space<hbm>> -> memref<1x64xf32, #tpu.memory_space<hbm>>
        %dma_start3A_366 = arith.constant 0 : i32
        %dma_start3A_367 = tpu.memref_slice %arg6[%add3A_361, %dma_start3A_366] : memref<128x64xf32, #tpu.memory_space<vmem>> -> memref<1x64xf32, #tpu.memory_space<vmem>>
        %dma_start3A_368 = arith.constant 0 : i32
        %dma_start3A_369 = tpu.memref_slice %arg3[%squeeze3A_357, %dma_start3A_368] : memref<1000000x64xf32, #tpu.memory_space<hbm>> -> memref<1x64xf32, #tpu.memory_space<hbm>>
        tpu.enqueue_dma source(%dma_start3A_369 : memref<1x64xf32, #tpu.memory_space<hbm>>) target(%dma_start3A_367 : memref<1x64xf32, #tpu.memory_space<vmem>>) target_semaphore(%arg10 : memref<!tpu.dma_semaphore, #tpu.memory_space<semaphore_mem>>)
        %slice3A_370 = vector.extract_strided_slice %get3A_259 {offsets = [8], sizes = [1], strides = [1]} : vector<16xi32> to vector<1xi32>
        %squeeze3A_371 = vector.extract %slice3A_370[0] : i32 from vector<1xi32>
        %mul3A_372 = arith.constant 16 : i32
        %mul3A_373 = arith.muli %scan3A_254, %mul3A_372 : i32
        %add3A_374 = arith.constant 8 : i32
        %add3A_375 = arith.addi %mul3A_373, %add3A_374 : i32
        %dma_start3A_376 = arith.constant 0 : i32
        %dma_start3A_377 = tpu.memref_slice %arg6[%add3A_375, %dma_start3A_376] : memref<128x64xf32, #tpu.memory_space<vmem>> -> memref<1x64xf32, #tpu.memory_space<vmem>>
        %dma_start3A_378 = arith.constant 0 : i32
        %dma_start3A_379 = tpu.memref_slice %arg3[%squeeze3A_371, %dma_start3A_378] : memref<1000000x64xf32, #tpu.memory_space<hbm>> -> memref<1x64xf32, #tpu.memory_space<hbm>>
        %dma_start3A_380 = arith.constant 0 : i32
        %dma_start3A_381 = tpu.memref_slice %arg6[%add3A_375, %dma_start3A_380] : memref<128x64xf32, #tpu.memory_space<vmem>> -> memref<1x64xf32, #tpu.memory_space<vmem>>
        %dma_start3A_382 = arith.constant 0 : i32
        %dma_start3A_383 = tpu.memref_slice %arg3[%squeeze3A_371, %dma_start3A_382] : memref<1000000x64xf32, #tpu.memory_space<hbm>> -> memref<1x64xf32, #tpu.memory_space<hbm>>
        tpu.enqueue_dma source(%dma_start3A_383 : memref<1x64xf32, #tpu.memory_space<hbm>>) target(%dma_start3A_381 : memref<1x64xf32, #tpu.memory_space<vmem>>) target_semaphore(%arg10 : memref<!tpu.dma_semaphore, #tpu.memory_space<semaphore_mem>>)
        %slice3A_384 = vector.extract_strided_slice %get3A_259 {offsets = [9], sizes = [1], strides = [1]} : vector<16xi32> to vector<1xi32>
        %squeeze3A_385 = vector.extract %slice3A_384[0] : i32 from vector<1xi32>
        %mul3A_386 = arith.constant 16 : i32
        %mul3A_387 = arith.muli %scan3A_254, %mul3A_386 : i32
        %add3A_388 = arith.constant 9 : i32
        %add3A_389 = arith.addi %mul3A_387, %add3A_388 : i32
        %dma_start3A_390 = arith.constant 0 : i32
        %dma_start3A_391 = tpu.memref_slice %arg6[%add3A_389, %dma_start3A_390] : memref<128x64xf32, #tpu.memory_space<vmem>> -> memref<1x64xf32, #tpu.memory_space<vmem>>
        %dma_start3A_392 = arith.constant 0 : i32
        %dma_start3A_393 = tpu.memref_slice %arg3[%squeeze3A_385, %dma_start3A_392] : memref<1000000x64xf32, #tpu.memory_space<hbm>> -> memref<1x64xf32, #tpu.memory_space<hbm>>
        %dma_start3A_394 = arith.constant 0 : i32
        %dma_start3A_395 = tpu.memref_slice %arg6[%add3A_389, %dma_start3A_394] : memref<128x64xf32, #tpu.memory_space<vmem>> -> memref<1x64xf32, #tpu.memory_space<vmem>>
        %dma_start3A_396 = arith.constant 0 : i32
        %dma_start3A_397 = tpu.memref_slice %arg3[%squeeze3A_385, %dma_start3A_396] : memref<1000000x64xf32, #tpu.memory_space<hbm>> -> memref<1x64xf32, #tpu.memory_space<hbm>>
        tpu.enqueue_dma source(%dma_start3A_397 : memref<1x64xf32, #tpu.memory_space<hbm>>) target(%dma_start3A_395 : memref<1x64xf32, #tpu.memory_space<vmem>>) target_semaphore(%arg10 : memref<!tpu.dma_semaphore, #tpu.memory_space<semaphore_mem>>)
        %slice3A_398 = vector.extract_strided_slice %get3A_259 {offsets = [10], sizes = [1], strides = [1]} : vector<16xi32> to vector<1xi32>
        %squeeze3A_399 = vector.extract %slice3A_398[0] : i32 from vector<1xi32>
        %mul3A_400 = arith.constant 16 : i32
        %mul3A_401 = arith.muli %scan3A_254, %mul3A_400 : i32
        %add3A_402 = arith.constant 10 : i32
        %add3A_403 = arith.addi %mul3A_401, %add3A_402 : i32
        %dma_start3A_404 = arith.constant 0 : i32
        %dma_start3A_405 = tpu.memref_slice %arg6[%add3A_403, %dma_start3A_404] : memref<128x64xf32, #tpu.memory_space<vmem>> -> memref<1x64xf32, #tpu.memory_space<vmem>>
        %dma_start3A_406 = arith.constant 0 : i32
        %dma_start3A_407 = tpu.memref_slice %arg3[%squeeze3A_399, %dma_start3A_406] : memref<1000000x64xf32, #tpu.memory_space<hbm>> -> memref<1x64xf32, #tpu.memory_space<hbm>>
        %dma_start3A_408 = arith.constant 0 : i32
        %dma_start3A_409 = tpu.memref_slice %arg6[%add3A_403, %dma_start3A_408] : memref<128x64xf32, #tpu.memory_space<vmem>> -> memref<1x64xf32, #tpu.memory_space<vmem>>
        %dma_start3A_410 = arith.constant 0 : i32
        %dma_start3A_411 = tpu.memref_slice %arg3[%squeeze3A_399, %dma_start3A_410] : memref<1000000x64xf32, #tpu.memory_space<hbm>> -> memref<1x64xf32, #tpu.memory_space<hbm>>
        tpu.enqueue_dma source(%dma_start3A_411 : memref<1x64xf32, #tpu.memory_space<hbm>>) target(%dma_start3A_409 : memref<1x64xf32, #tpu.memory_space<vmem>>) target_semaphore(%arg10 : memref<!tpu.dma_semaphore, #tpu.memory_space<semaphore_mem>>)
        %slice3A_412 = vector.extract_strided_slice %get3A_259 {offsets = [11], sizes = [1], strides = [1]} : vector<16xi32> to vector<1xi32>
        %squeeze3A_413 = vector.extract %slice3A_412[0] : i32 from vector<1xi32>
        %mul3A_414 = arith.constant 16 : i32
        %mul3A_415 = arith.muli %scan3A_254, %mul3A_414 : i32
        %add3A_416 = arith.constant 11 : i32
        %add3A_417 = arith.addi %mul3A_415, %add3A_416 : i32
        %dma_start3A_418 = arith.constant 0 : i32
        %dma_start3A_419 = tpu.memref_slice %arg6[%add3A_417, %dma_start3A_418] : memref<128x64xf32, #tpu.memory_space<vmem>> -> memref<1x64xf32, #tpu.memory_space<vmem>>
        %dma_start3A_420 = arith.constant 0 : i32
        %dma_start3A_421 = tpu.memref_slice %arg3[%squeeze3A_413, %dma_start3A_420] : memref<1000000x64xf32, #tpu.memory_space<hbm>> -> memref<1x64xf32, #tpu.memory_space<hbm>>
        %dma_start3A_422 = arith.constant 0 : i32
        %dma_start3A_423 = tpu.memref_slice %arg6[%add3A_417, %dma_start3A_422] : memref<128x64xf32, #tpu.memory_space<vmem>> -> memref<1x64xf32, #tpu.memory_space<vmem>>
        %dma_start3A_424 = arith.constant 0 : i32
        %dma_start3A_425 = tpu.memref_slice %arg3[%squeeze3A_413, %dma_start3A_424] : memref<1000000x64xf32, #tpu.memory_space<hbm>> -> memref<1x64xf32, #tpu.memory_space<hbm>>
        tpu.enqueue_dma source(%dma_start3A_425 : memref<1x64xf32, #tpu.memory_space<hbm>>) target(%dma_start3A_423 : memref<1x64xf32, #tpu.memory_space<vmem>>) target_semaphore(%arg10 : memref<!tpu.dma_semaphore, #tpu.memory_space<semaphore_mem>>)
        %slice3A_426 = vector.extract_strided_slice %get3A_259 {offsets = [12], sizes = [1], strides = [1]} : vector<16xi32> to vector<1xi32>
        %squeeze3A_427 = vector.extract %slice3A_426[0] : i32 from vector<1xi32>
        %mul3A_428 = arith.constant 16 : i32
        %mul3A_429 = arith.muli %scan3A_254, %mul3A_428 : i32
        %add3A_430 = arith.constant 12 : i32
        %add3A_431 = arith.addi %mul3A_429, %add3A_430 : i32
        %dma_start3A_432 = arith.constant 0 : i32
        %dma_start3A_433 = tpu.memref_slice %arg6[%add3A_431, %dma_start3A_432] : memref<128x64xf32, #tpu.memory_space<vmem>> -> memref<1x64xf32, #tpu.memory_space<vmem>>
        %dma_start3A_434 = arith.constant 0 : i32
        %dma_start3A_435 = tpu.memref_slice %arg3[%squeeze3A_427, %dma_start3A_434] : memref<1000000x64xf32, #tpu.memory_space<hbm>> -> memref<1x64xf32, #tpu.memory_space<hbm>>
        %dma_start3A_436 = arith.constant 0 : i32
        %dma_start3A_437 = tpu.memref_slice %arg6[%add3A_431, %dma_start3A_436] : memref<128x64xf32, #tpu.memory_space<vmem>> -> memref<1x64xf32, #tpu.memory_space<vmem>>
        %dma_start3A_438 = arith.constant 0 : i32
        %dma_start3A_439 = tpu.memref_slice %arg3[%squeeze3A_427, %dma_start3A_438] : memref<1000000x64xf32, #tpu.memory_space<hbm>> -> memref<1x64xf32, #tpu.memory_space<hbm>>
        tpu.enqueue_dma source(%dma_start3A_439 : memref<1x64xf32, #tpu.memory_space<hbm>>) target(%dma_start3A_437 : memref<1x64xf32, #tpu.memory_space<vmem>>) target_semaphore(%arg10 : memref<!tpu.dma_semaphore, #tpu.memory_space<semaphore_mem>>)
        %slice3A_440 = vector.extract_strided_slice %get3A_259 {offsets = [13], sizes = [1], strides = [1]} : vector<16xi32> to vector<1xi32>
        %squeeze3A_441 = vector.extract %slice3A_440[0] : i32 from vector<1xi32>
        %mul3A_442 = arith.constant 16 : i32
        %mul3A_443 = arith.muli %scan3A_254, %mul3A_442 : i32
        %add3A_444 = arith.constant 13 : i32
        %add3A_445 = arith.addi %mul3A_443, %add3A_444 : i32
        %dma_start3A_446 = arith.constant 0 : i32
        %dma_start3A_447 = tpu.memref_slice %arg6[%add3A_445, %dma_start3A_446] : memref<128x64xf32, #tpu.memory_space<vmem>> -> memref<1x64xf32, #tpu.memory_space<vmem>>
        %dma_start3A_448 = arith.constant 0 : i32
        %dma_start3A_449 = tpu.memref_slice %arg3[%squeeze3A_441, %dma_start3A_448] : memref<1000000x64xf32, #tpu.memory_space<hbm>> -> memref<1x64xf32, #tpu.memory_space<hbm>>
        %dma_start3A_450 = arith.constant 0 : i32
        %dma_start3A_451 = tpu.memref_slice %arg6[%add3A_445, %dma_start3A_450] : memref<128x64xf32, #tpu.memory_space<vmem>> -> memref<1x64xf32, #tpu.memory_space<vmem>>
        %dma_start3A_452 = arith.constant 0 : i32
        %dma_start3A_453 = tpu.memref_slice %arg3[%squeeze3A_441, %dma_start3A_452] : memref<1000000x64xf32, #tpu.memory_space<hbm>> -> memref<1x64xf32, #tpu.memory_space<hbm>>
        tpu.enqueue_dma source(%dma_start3A_453 : memref<1x64xf32, #tpu.memory_space<hbm>>) target(%dma_start3A_451 : memref<1x64xf32, #tpu.memory_space<vmem>>) target_semaphore(%arg10 : memref<!tpu.dma_semaphore, #tpu.memory_space<semaphore_mem>>)
        %slice3A_454 = vector.extract_strided_slice %get3A_259 {offsets = [14], sizes = [1], strides = [1]} : vector<16xi32> to vector<1xi32>
        %squeeze3A_455 = vector.extract %slice3A_454[0] : i32 from vector<1xi32>
        %mul3A_456 = arith.constant 16 : i32
        %mul3A_457 = arith.muli %scan3A_254, %mul3A_456 : i32
        %add3A_458 = arith.constant 14 : i32
        %add3A_459 = arith.addi %mul3A_457, %add3A_458 : i32
        %dma_start3A_460 = arith.constant 0 : i32
        %dma_start3A_461 = tpu.memref_slice %arg6[%add3A_459, %dma_start3A_460] : memref<128x64xf32, #tpu.memory_space<vmem>> -> memref<1x64xf32, #tpu.memory_space<vmem>>
        %dma_start3A_462 = arith.constant 0 : i32
        %dma_start3A_463 = tpu.memref_slice %arg3[%squeeze3A_455, %dma_start3A_462] : memref<1000000x64xf32, #tpu.memory_space<hbm>> -> memref<1x64xf32, #tpu.memory_space<hbm>>
        %dma_start3A_464 = arith.constant 0 : i32
        %dma_start3A_465 = tpu.memref_slice %arg6[%add3A_459, %dma_start3A_464] : memref<128x64xf32, #tpu.memory_space<vmem>> -> memref<1x64xf32, #tpu.memory_space<vmem>>
        %dma_start3A_466 = arith.constant 0 : i32
        %dma_start3A_467 = tpu.memref_slice %arg3[%squeeze3A_455, %dma_start3A_466] : memref<1000000x64xf32, #tpu.memory_space<hbm>> -> memref<1x64xf32, #tpu.memory_space<hbm>>
        tpu.enqueue_dma source(%dma_start3A_467 : memref<1x64xf32, #tpu.memory_space<hbm>>) target(%dma_start3A_465 : memref<1x64xf32, #tpu.memory_space<vmem>>) target_semaphore(%arg10 : memref<!tpu.dma_semaphore, #tpu.memory_space<semaphore_mem>>)
        %slice3A_468 = vector.extract_strided_slice %get3A_259 {offsets = [15], sizes = [1], strides = [1]} : vector<16xi32> to vector<1xi32>
        %squeeze3A_469 = vector.extract %slice3A_468[0] : i32 from vector<1xi32>
        %mul3A_470 = arith.constant 16 : i32
        %mul3A_471 = arith.muli %scan3A_254, %mul3A_470 : i32
        %add3A_472 = arith.constant 15 : i32
        %add3A_473 = arith.addi %mul3A_471, %add3A_472 : i32
        %dma_start3A_474 = arith.constant 0 : i32
        %dma_start3A_475 = tpu.memref_slice %arg6[%add3A_473, %dma_start3A_474] : memref<128x64xf32, #tpu.memory_space<vmem>> -> memref<1x64xf32, #tpu.memory_space<vmem>>
        %dma_start3A_476 = arith.constant 0 : i32
        %dma_start3A_477 = tpu.memref_slice %arg3[%squeeze3A_469, %dma_start3A_476] : memref<1000000x64xf32, #tpu.memory_space<hbm>> -> memref<1x64xf32, #tpu.memory_space<hbm>>
        %dma_start3A_478 = arith.constant 0 : i32
        %dma_start3A_479 = tpu.memref_slice %arg6[%add3A_473, %dma_start3A_478] : memref<128x64xf32, #tpu.memory_space<vmem>> -> memref<1x64xf32, #tpu.memory_space<vmem>>
        %dma_start3A_480 = arith.constant 0 : i32
        %dma_start3A_481 = tpu.memref_slice %arg3[%squeeze3A_469, %dma_start3A_480] : memref<1000000x64xf32, #tpu.memory_space<hbm>> -> memref<1x64xf32, #tpu.memory_space<hbm>>
        tpu.enqueue_dma source(%dma_start3A_481 : memref<1x64xf32, #tpu.memory_space<hbm>>) target(%dma_start3A_479 : memref<1x64xf32, #tpu.memory_space<vmem>>) target_semaphore(%arg10 : memref<!tpu.dma_semaphore, #tpu.memory_space<semaphore_mem>>)
      }
      %scan3A_145 = arith.constant 8 : i32
      %mul3A_146 = arith.constant 4 : i32
      %mul3A_147 = arith.muli %mul3A_146, %scan3A_110 : i32
      %add3A_148 = arith.constant 1 : i32
      %add3A_149 = arith.addi %mul3A_147, %add3A_148 : i32
      %add3A_150 = arith.constant 1 : i32
      %add3A_151 = arith.addi %add3A_149, %add3A_150 : i32
      %dma_wait3A_152 = arith.constant 0 : i32
      %dma_wait3A_153 = arith.constant 0 : i32
      %dma_wait3A_154 = tpu.memref_slice %arg3[%dma_wait3A_152, %dma_wait3A_153] : memref<1000000x64xf32, #tpu.memory_space<hbm>> -> memref<128x64xf32, #tpu.memory_space<hbm>>
      %dma_wait3A_155 = arith.constant 0 : i32
      %dma_wait3A_156 = arith.constant 0 : i32
      %dma_wait3A_157 = tpu.memref_slice %arg3[%dma_wait3A_155, %dma_wait3A_156] : memref<1000000x64xf32, #tpu.memory_space<hbm>> -> memref<128x64xf32, #tpu.memory_space<hbm>>
      tpu.wait_dma2 semaphore(%arg12 : memref<!tpu.dma_semaphore, #tpu.memory_space<semaphore_mem>>) src(%dma_wait3A_157 : memref<128x64xf32, #tpu.memory_space<hbm>>) dst(%arg8 : memref<128x64xf32, #tpu.memory_space<vmem>>)
      %dma_start3A_158 = arith.constant 0 : i32
      %dma_start3A_159 = tpu.memref_slice %arg4[%mul3A_2, %add3A_151, %dma_start3A_158] : memref<4096x200x64xf32, #tpu.memory_space<hbm>> -> memref<128x1x64xf32, #tpu.memory_space<hbm>>
      %dma_start3A_160 = tpu.memref_squeeze %dma_start3A_159 : memref<128x1x64xf32, #tpu.memory_space<hbm>> -> memref<128x64xf32, #tpu.memory_space<hbm>>
      %dma_start3A_161 = arith.constant 0 : i32
      %dma_start3A_162 = tpu.memref_slice %arg4[%mul3A_2, %add3A_151, %dma_start3A_161] : memref<4096x200x64xf32, #tpu.memory_space<hbm>> -> memref<128x1x64xf32, #tpu.memory_space<hbm>>
      %dma_start3A_163 = tpu.memref_squeeze %dma_start3A_162 : memref<128x1x64xf32, #tpu.memory_space<hbm>> -> memref<128x64xf32, #tpu.memory_space<hbm>>
      tpu.enqueue_dma source(%arg8 : memref<128x64xf32, #tpu.memory_space<vmem>>) target(%dma_start3A_163 : memref<128x64xf32, #tpu.memory_space<hbm>>) target_semaphore(%arg16 : memref<!tpu.dma_semaphore, #tpu.memory_space<semaphore_mem>>)
      %sub3A_164 = arith.constant 1 : i32
      %sub3A_165 = arith.subi %add3A_151, %sub3A_164 : i32
      %dma_wait3A_166 = arith.constant 0 : i32
      %dma_wait3A_167 = tpu.memref_slice %arg4[%mul3A_2, %sub3A_165, %dma_wait3A_166] : memref<4096x200x64xf32, #tpu.memory_space<hbm>> -> memref<128x1x64xf32, #tpu.memory_space<hbm>>
      %dma_wait3A_168 = tpu.memref_squeeze %dma_wait3A_167 : memref<128x1x64xf32, #tpu.memory_space<hbm>> -> memref<128x64xf32, #tpu.memory_space<hbm>>
      %dma_wait3A_169 = arith.constant 0 : i32
      %dma_wait3A_170 = tpu.memref_slice %arg4[%mul3A_2, %sub3A_165, %dma_wait3A_169] : memref<4096x200x64xf32, #tpu.memory_space<hbm>> -> memref<128x1x64xf32, #tpu.memory_space<hbm>>
      %dma_wait3A_171 = tpu.memref_squeeze %dma_wait3A_170 : memref<128x1x64xf32, #tpu.memory_space<hbm>> -> memref<128x64xf32, #tpu.memory_space<hbm>>
      tpu.wait_dma2 semaphore(%arg15 : memref<!tpu.dma_semaphore, #tpu.memory_space<semaphore_mem>>) src(%arg7 : memref<128x64xf32, #tpu.memory_space<vmem>>) dst(%dma_wait3A_171 : memref<128x64xf32, #tpu.memory_space<hbm>>)
      %add3A_172 = arith.constant 4 : i32
      %add3A_173 = arith.addi %add3A_151, %add3A_172 : i32
      %sub3A_174 = arith.constant 1 : i32
      %sub3A_175 = arith.subi %add3A_173, %sub3A_174 : i32
      %scan3A_176 = arith.constant 0 : i32
      %scan3A_177 = arith.constant 0 : i32
      %scan3A_178 = arith.constant 8 : i32
      %scan3A_179 = arith.addi %scan3A_177, %scan3A_178 : i32
      %scan3A_180 = arith.constant 1 : i32
      scf.for %scan3A_254 = %scan3A_177 to %scan3A_179 step %scan3A_180  : i32 {
        %mul3A_255 = arith.constant 16 : i32
        %mul3A_256 = arith.muli %scan3A_254, %mul3A_255 : i32
        %get3A = arith.index_cast %sub3A_175 : i32 to index
        %get3A_257 = arith.index_cast %mul3A_256 : i32 to index
        %get3A_258 = tpu.vector_load %arg5[%get3A, %get3A_257] {strides = array<i32>} : memref<200x128xi32, #tpu.memory_space<vmem>>, vector<1x16xi32>,
        %get3A_259 = vector.shape_cast %get3A_258 : vector<1x16xi32> to vector<16xi32>
        %slice3A = vector.extract_strided_slice %get3A_259 {offsets = [0], sizes = [1], strides = [1]} : vector<16xi32> to vector<1xi32>
        %squeeze3A = vector.extract %slice3A[0] : i32 from vector<1xi32>
        %mul3A_260 = arith.constant 16 : i32
        %mul3A_261 = arith.muli %scan3A_254, %mul3A_260 : i32
        %add3A_262 = arith.constant 0 : i32
        %add3A_263 = arith.addi %mul3A_261, %add3A_262 : i32
        %dma_start3A_264 = arith.constant 0 : i32
        %dma_start3A_265 = tpu.memref_slice %arg7[%add3A_263, %dma_start3A_264] : memref<128x64xf32, #tpu.memory_space<vmem>> -> memref<1x64xf32, #tpu.memory_space<vmem>>
        %dma_start3A_266 = arith.constant 0 : i32
        %dma_start3A_267 = tpu.memref_slice %arg3[%squeeze3A, %dma_start3A_266] : memref<1000000x64xf32, #tpu.memory_space<hbm>> -> memref<1x64xf32, #tpu.memory_space<hbm>>
        %dma_start3A_268 = arith.constant 0 : i32
        %dma_start3A_269 = tpu.memref_slice %arg7[%add3A_263, %dma_start3A_268] : memref<128x64xf32, #tpu.memory_space<vmem>> -> memref<1x64xf32, #tpu.memory_space<vmem>>
        %dma_start3A_270 = arith.constant 0 : i32
        %dma_start3A_271 = tpu.memref_slice %arg3[%squeeze3A, %dma_start3A_270] : memref<1000000x64xf32, #tpu.memory_space<hbm>> -> memref<1x64xf32, #tpu.memory_space<hbm>>
        tpu.enqueue_dma source(%dma_start3A_271 : memref<1x64xf32, #tpu.memory_space<hbm>>) target(%dma_start3A_269 : memref<1x64xf32, #tpu.memory_space<vmem>>) target_semaphore(%arg11 : memref<!tpu.dma_semaphore, #tpu.memory_space<semaphore_mem>>)
        %slice3A_272 = vector.extract_strided_slice %get3A_259 {offsets = [1], sizes = [1], strides = [1]} : vector<16xi32> to vector<1xi32>
        %squeeze3A_273 = vector.extract %slice3A_272[0] : i32 from vector<1xi32>
        %mul3A_274 = arith.constant 16 : i32
        %mul3A_275 = arith.muli %scan3A_254, %mul3A_274 : i32
        %add3A_276 = arith.constant 1 : i32
        %add3A_277 = arith.addi %mul3A_275, %add3A_276 : i32
        %dma_start3A_278 = arith.constant 0 : i32
        %dma_start3A_279 = tpu.memref_slice %arg7[%add3A_277, %dma_start3A_278] : memref<128x64xf32, #tpu.memory_space<vmem>> -> memref<1x64xf32, #tpu.memory_space<vmem>>
        %dma_start3A_280 = arith.constant 0 : i32
        %dma_start3A_281 = tpu.memref_slice %arg3[%squeeze3A_273, %dma_start3A_280] : memref<1000000x64xf32, #tpu.memory_space<hbm>> -> memref<1x64xf32, #tpu.memory_space<hbm>>
        %dma_start3A_282 = arith.constant 0 : i32
        %dma_start3A_283 = tpu.memref_slice %arg7[%add3A_277, %dma_start3A_282] : memref<128x64xf32, #tpu.memory_space<vmem>> -> memref<1x64xf32, #tpu.memory_space<vmem>>
        %dma_start3A_284 = arith.constant 0 : i32
        %dma_start3A_285 = tpu.memref_slice %arg3[%squeeze3A_273, %dma_start3A_284] : memref<1000000x64xf32, #tpu.memory_space<hbm>> -> memref<1x64xf32, #tpu.memory_space<hbm>>
        tpu.enqueue_dma source(%dma_start3A_285 : memref<1x64xf32, #tpu.memory_space<hbm>>) target(%dma_start3A_283 : memref<1x64xf32, #tpu.memory_space<vmem>>) target_semaphore(%arg11 : memref<!tpu.dma_semaphore, #tpu.memory_space<semaphore_mem>>)
        %slice3A_286 = vector.extract_strided_slice %get3A_259 {offsets = [2], sizes = [1], strides = [1]} : vector<16xi32> to vector<1xi32>
        %squeeze3A_287 = vector.extract %slice3A_286[0] : i32 from vector<1xi32>
        %mul3A_288 = arith.constant 16 : i32
        %mul3A_289 = arith.muli %scan3A_254, %mul3A_288 : i32
        %add3A_290 = arith.constant 2 : i32
        %add3A_291 = arith.addi %mul3A_289, %add3A_290 : i32
        %dma_start3A_292 = arith.constant 0 : i32
        %dma_start3A_293 = tpu.memref_slice %arg7[%add3A_291, %dma_start3A_292] : memref<128x64xf32, #tpu.memory_space<vmem>> -> memref<1x64xf32, #tpu.memory_space<vmem>>
        %dma_start3A_294 = arith.constant 0 : i32
        %dma_start3A_295 = tpu.memref_slice %arg3[%squeeze3A_287, %dma_start3A_294] : memref<1000000x64xf32, #tpu.memory_space<hbm>> -> memref<1x64xf32, #tpu.memory_space<hbm>>
        %dma_start3A_296 = arith.constant 0 : i32
        %dma_start3A_297 = tpu.memref_slice %arg7[%add3A_291, %dma_start3A_296] : memref<128x64xf32, #tpu.memory_space<vmem>> -> memref<1x64xf32, #tpu.memory_space<vmem>>
        %dma_start3A_298 = arith.constant 0 : i32
        %dma_start3A_299 = tpu.memref_slice %arg3[%squeeze3A_287, %dma_start3A_298] : memref<1000000x64xf32, #tpu.memory_space<hbm>> -> memref<1x64xf32, #tpu.memory_space<hbm>>
        tpu.enqueue_dma source(%dma_start3A_299 : memref<1x64xf32, #tpu.memory_space<hbm>>) target(%dma_start3A_297 : memref<1x64xf32, #tpu.memory_space<vmem>>) target_semaphore(%arg11 : memref<!tpu.dma_semaphore, #tpu.memory_space<semaphore_mem>>)
        %slice3A_300 = vector.extract_strided_slice %get3A_259 {offsets = [3], sizes = [1], strides = [1]} : vector<16xi32> to vector<1xi32>
        %squeeze3A_301 = vector.extract %slice3A_300[0] : i32 from vector<1xi32>
        %mul3A_302 = arith.constant 16 : i32
        %mul3A_303 = arith.muli %scan3A_254, %mul3A_302 : i32
        %add3A_304 = arith.constant 3 : i32
        %add3A_305 = arith.addi %mul3A_303, %add3A_304 : i32
        %dma_start3A_306 = arith.constant 0 : i32
        %dma_start3A_307 = tpu.memref_slice %arg7[%add3A_305, %dma_start3A_306] : memref<128x64xf32, #tpu.memory_space<vmem>> -> memref<1x64xf32, #tpu.memory_space<vmem>>
        %dma_start3A_308 = arith.constant 0 : i32
        %dma_start3A_309 = tpu.memref_slice %arg3[%squeeze3A_301, %dma_start3A_308] : memref<1000000x64xf32, #tpu.memory_space<hbm>> -> memref<1x64xf32, #tpu.memory_space<hbm>>
        %dma_start3A_310 = arith.constant 0 : i32
        %dma_start3A_311 = tpu.memref_slice %arg7[%add3A_305, %dma_start3A_310] : memref<128x64xf32, #tpu.memory_space<vmem>> -> memref<1x64xf32, #tpu.memory_space<vmem>>
        %dma_start3A_312 = arith.constant 0 : i32
        %dma_start3A_313 = tpu.memref_slice %arg3[%squeeze3A_301, %dma_start3A_312] : memref<1000000x64xf32, #tpu.memory_space<hbm>> -> memref<1x64xf32, #tpu.memory_space<hbm>>
        tpu.enqueue_dma source(%dma_start3A_313 : memref<1x64xf32, #tpu.memory_space<hbm>>) target(%dma_start3A_311 : memref<1x64xf32, #tpu.memory_space<vmem>>) target_semaphore(%arg11 : memref<!tpu.dma_semaphore, #tpu.memory_space<semaphore_mem>>)
        %slice3A_314 = vector.extract_strided_slice %get3A_259 {offsets = [4], sizes = [1], strides = [1]} : vector<16xi32> to vector<1xi32>
        %squeeze3A_315 = vector.extract %slice3A_314[0] : i32 from vector<1xi32>
        %mul3A_316 = arith.constant 16 : i32
        %mul3A_317 = arith.muli %scan3A_254, %mul3A_316 : i32
        %add3A_318 = arith.constant 4 : i32
        %add3A_319 = arith.addi %mul3A_317, %add3A_318 : i32
        %dma_start3A_320 = arith.constant 0 : i32
        %dma_start3A_321 = tpu.memref_slice %arg7[%add3A_319, %dma_start3A_320] : memref<128x64xf32, #tpu.memory_space<vmem>> -> memref<1x64xf32, #tpu.memory_space<vmem>>
        %dma_start3A_322 = arith.constant 0 : i32
        %dma_start3A_323 = tpu.memref_slice %arg3[%squeeze3A_315, %dma_start3A_322] : memref<1000000x64xf32, #tpu.memory_space<hbm>> -> memref<1x64xf32, #tpu.memory_space<hbm>>
        %dma_start3A_324 = arith.constant 0 : i32
        %dma_start3A_325 = tpu.memref_slice %arg7[%add3A_319, %dma_start3A_324] : memref<128x64xf32, #tpu.memory_space<vmem>> -> memref<1x64xf32, #tpu.memory_space<vmem>>
        %dma_start3A_326 = arith.constant 0 : i32
        %dma_start3A_327 = tpu.memref_slice %arg3[%squeeze3A_315, %dma_start3A_326] : memref<1000000x64xf32, #tpu.memory_space<hbm>> -> memref<1x64xf32, #tpu.memory_space<hbm>>
        tpu.enqueue_dma source(%dma_start3A_327 : memref<1x64xf32, #tpu.memory_space<hbm>>) target(%dma_start3A_325 : memref<1x64xf32, #tpu.memory_space<vmem>>) target_semaphore(%arg11 : memref<!tpu.dma_semaphore, #tpu.memory_space<semaphore_mem>>)
        %slice3A_328 = vector.extract_strided_slice %get3A_259 {offsets = [5], sizes = [1], strides = [1]} : vector<16xi32> to vector<1xi32>
        %squeeze3A_329 = vector.extract %slice3A_328[0] : i32 from vector<1xi32>
        %mul3A_330 = arith.constant 16 : i32
        %mul3A_331 = arith.muli %scan3A_254, %mul3A_330 : i32
        %add3A_332 = arith.constant 5 : i32
        %add3A_333 = arith.addi %mul3A_331, %add3A_332 : i32
        %dma_start3A_334 = arith.constant 0 : i32
        %dma_start3A_335 = tpu.memref_slice %arg7[%add3A_333, %dma_start3A_334] : memref<128x64xf32, #tpu.memory_space<vmem>> -> memref<1x64xf32, #tpu.memory_space<vmem>>
        %dma_start3A_336 = arith.constant 0 : i32
        %dma_start3A_337 = tpu.memref_slice %arg3[%squeeze3A_329, %dma_start3A_336] : memref<1000000x64xf32, #tpu.memory_space<hbm>> -> memref<1x64xf32, #tpu.memory_space<hbm>>
        %dma_start3A_338 = arith.constant 0 : i32
        %dma_start3A_339 = tpu.memref_slice %arg7[%add3A_333, %dma_start3A_338] : memref<128x64xf32, #tpu.memory_space<vmem>> -> memref<1x64xf32, #tpu.memory_space<vmem>>
        %dma_start3A_340 = arith.constant 0 : i32
        %dma_start3A_341 = tpu.memref_slice %arg3[%squeeze3A_329, %dma_start3A_340] : memref<1000000x64xf32, #tpu.memory_space<hbm>> -> memref<1x64xf32, #tpu.memory_space<hbm>>
        tpu.enqueue_dma source(%dma_start3A_341 : memref<1x64xf32, #tpu.memory_space<hbm>>) target(%dma_start3A_339 : memref<1x64xf32, #tpu.memory_space<vmem>>) target_semaphore(%arg11 : memref<!tpu.dma_semaphore, #tpu.memory_space<semaphore_mem>>)
        %slice3A_342 = vector.extract_strided_slice %get3A_259 {offsets = [6], sizes = [1], strides = [1]} : vector<16xi32> to vector<1xi32>
        %squeeze3A_343 = vector.extract %slice3A_342[0] : i32 from vector<1xi32>
        %mul3A_344 = arith.constant 16 : i32
        %mul3A_345 = arith.muli %scan3A_254, %mul3A_344 : i32
        %add3A_346 = arith.constant 6 : i32
        %add3A_347 = arith.addi %mul3A_345, %add3A_346 : i32
        %dma_start3A_348 = arith.constant 0 : i32
        %dma_start3A_349 = tpu.memref_slice %arg7[%add3A_347, %dma_start3A_348] : memref<128x64xf32, #tpu.memory_space<vmem>> -> memref<1x64xf32, #tpu.memory_space<vmem>>
        %dma_start3A_350 = arith.constant 0 : i32
        %dma_start3A_351 = tpu.memref_slice %arg3[%squeeze3A_343, %dma_start3A_350] : memref<1000000x64xf32, #tpu.memory_space<hbm>> -> memref<1x64xf32, #tpu.memory_space<hbm>>
        %dma_start3A_352 = arith.constant 0 : i32
        %dma_start3A_353 = tpu.memref_slice %arg7[%add3A_347, %dma_start3A_352] : memref<128x64xf32, #tpu.memory_space<vmem>> -> memref<1x64xf32, #tpu.memory_space<vmem>>
        %dma_start3A_354 = arith.constant 0 : i32
        %dma_start3A_355 = tpu.memref_slice %arg3[%squeeze3A_343, %dma_start3A_354] : memref<1000000x64xf32, #tpu.memory_space<hbm>> -> memref<1x64xf32, #tpu.memory_space<hbm>>
        tpu.enqueue_dma source(%dma_start3A_355 : memref<1x64xf32, #tpu.memory_space<hbm>>) target(%dma_start3A_353 : memref<1x64xf32, #tpu.memory_space<vmem>>) target_semaphore(%arg11 : memref<!tpu.dma_semaphore, #tpu.memory_space<semaphore_mem>>)
        %slice3A_356 = vector.extract_strided_slice %get3A_259 {offsets = [7], sizes = [1], strides = [1]} : vector<16xi32> to vector<1xi32>
        %squeeze3A_357 = vector.extract %slice3A_356[0] : i32 from vector<1xi32>
        %mul3A_358 = arith.constant 16 : i32
        %mul3A_359 = arith.muli %scan3A_254, %mul3A_358 : i32
        %add3A_360 = arith.constant 7 : i32
        %add3A_361 = arith.addi %mul3A_359, %add3A_360 : i32
        %dma_start3A_362 = arith.constant 0 : i32
        %dma_start3A_363 = tpu.memref_slice %arg7[%add3A_361, %dma_start3A_362] : memref<128x64xf32, #tpu.memory_space<vmem>> -> memref<1x64xf32, #tpu.memory_space<vmem>>
        %dma_start3A_364 = arith.constant 0 : i32
        %dma_start3A_365 = tpu.memref_slice %arg3[%squeeze3A_357, %dma_start3A_364] : memref<1000000x64xf32, #tpu.memory_space<hbm>> -> memref<1x64xf32, #tpu.memory_space<hbm>>
        %dma_start3A_366 = arith.constant 0 : i32
        %dma_start3A_367 = tpu.memref_slice %arg7[%add3A_361, %dma_start3A_366] : memref<128x64xf32, #tpu.memory_space<vmem>> -> memref<1x64xf32, #tpu.memory_space<vmem>>
        %dma_start3A_368 = arith.constant 0 : i32
        %dma_start3A_369 = tpu.memref_slice %arg3[%squeeze3A_357, %dma_start3A_368] : memref<1000000x64xf32, #tpu.memory_space<hbm>> -> memref<1x64xf32, #tpu.memory_space<hbm>>
        tpu.enqueue_dma source(%dma_start3A_369 : memref<1x64xf32, #tpu.memory_space<hbm>>) target(%dma_start3A_367 : memref<1x64xf32, #tpu.memory_space<vmem>>) target_semaphore(%arg11 : memref<!tpu.dma_semaphore, #tpu.memory_space<semaphore_mem>>)
        %slice3A_370 = vector.extract_strided_slice %get3A_259 {offsets = [8], sizes = [1], strides = [1]} : vector<16xi32> to vector<1xi32>
        %squeeze3A_371 = vector.extract %slice3A_370[0] : i32 from vector<1xi32>
        %mul3A_372 = arith.constant 16 : i32
        %mul3A_373 = arith.muli %scan3A_254, %mul3A_372 : i32
        %add3A_374 = arith.constant 8 : i32
        %add3A_375 = arith.addi %mul3A_373, %add3A_374 : i32
        %dma_start3A_376 = arith.constant 0 : i32
        %dma_start3A_377 = tpu.memref_slice %arg7[%add3A_375, %dma_start3A_376] : memref<128x64xf32, #tpu.memory_space<vmem>> -> memref<1x64xf32, #tpu.memory_space<vmem>>
        %dma_start3A_378 = arith.constant 0 : i32
        %dma_start3A_379 = tpu.memref_slice %arg3[%squeeze3A_371, %dma_start3A_378] : memref<1000000x64xf32, #tpu.memory_space<hbm>> -> memref<1x64xf32, #tpu.memory_space<hbm>>
        %dma_start3A_380 = arith.constant 0 : i32
        %dma_start3A_381 = tpu.memref_slice %arg7[%add3A_375, %dma_start3A_380] : memref<128x64xf32, #tpu.memory_space<vmem>> -> memref<1x64xf32, #tpu.memory_space<vmem>>
        %dma_start3A_382 = arith.constant 0 : i32
        %dma_start3A_383 = tpu.memref_slice %arg3[%squeeze3A_371, %dma_start3A_382] : memref<1000000x64xf32, #tpu.memory_space<hbm>> -> memref<1x64xf32, #tpu.memory_space<hbm>>
        tpu.enqueue_dma source(%dma_start3A_383 : memref<1x64xf32, #tpu.memory_space<hbm>>) target(%dma_start3A_381 : memref<1x64xf32, #tpu.memory_space<vmem>>) target_semaphore(%arg11 : memref<!tpu.dma_semaphore, #tpu.memory_space<semaphore_mem>>)
        %slice3A_384 = vector.extract_strided_slice %get3A_259 {offsets = [9], sizes = [1], strides = [1]} : vector<16xi32> to vector<1xi32>
        %squeeze3A_385 = vector.extract %slice3A_384[0] : i32 from vector<1xi32>
        %mul3A_386 = arith.constant 16 : i32
        %mul3A_387 = arith.muli %scan3A_254, %mul3A_386 : i32
        %add3A_388 = arith.constant 9 : i32
        %add3A_389 = arith.addi %mul3A_387, %add3A_388 : i32
        %dma_start3A_390 = arith.constant 0 : i32
        %dma_start3A_391 = tpu.memref_slice %arg7[%add3A_389, %dma_start3A_390] : memref<128x64xf32, #tpu.memory_space<vmem>> -> memref<1x64xf32, #tpu.memory_space<vmem>>
        %dma_start3A_392 = arith.constant 0 : i32
        %dma_start3A_393 = tpu.memref_slice %arg3[%squeeze3A_385, %dma_start3A_392] : memref<1000000x64xf32, #tpu.memory_space<hbm>> -> memref<1x64xf32, #tpu.memory_space<hbm>>
        %dma_start3A_394 = arith.constant 0 : i32
        %dma_start3A_395 = tpu.memref_slice %arg7[%add3A_389, %dma_start3A_394] : memref<128x64xf32, #tpu.memory_space<vmem>> -> memref<1x64xf32, #tpu.memory_space<vmem>>
        %dma_start3A_396 = arith.constant 0 : i32
        %dma_start3A_397 = tpu.memref_slice %arg3[%squeeze3A_385, %dma_start3A_396] : memref<1000000x64xf32, #tpu.memory_space<hbm>> -> memref<1x64xf32, #tpu.memory_space<hbm>>
        tpu.enqueue_dma source(%dma_start3A_397 : memref<1x64xf32, #tpu.memory_space<hbm>>) target(%dma_start3A_395 : memref<1x64xf32, #tpu.memory_space<vmem>>) target_semaphore(%arg11 : memref<!tpu.dma_semaphore, #tpu.memory_space<semaphore_mem>>)
        %slice3A_398 = vector.extract_strided_slice %get3A_259 {offsets = [10], sizes = [1], strides = [1]} : vector<16xi32> to vector<1xi32>
        %squeeze3A_399 = vector.extract %slice3A_398[0] : i32 from vector<1xi32>
        %mul3A_400 = arith.constant 16 : i32
        %mul3A_401 = arith.muli %scan3A_254, %mul3A_400 : i32
        %add3A_402 = arith.constant 10 : i32
        %add3A_403 = arith.addi %mul3A_401, %add3A_402 : i32
        %dma_start3A_404 = arith.constant 0 : i32
        %dma_start3A_405 = tpu.memref_slice %arg7[%add3A_403, %dma_start3A_404] : memref<128x64xf32, #tpu.memory_space<vmem>> -> memref<1x64xf32, #tpu.memory_space<vmem>>
        %dma_start3A_406 = arith.constant 0 : i32
        %dma_start3A_407 = tpu.memref_slice %arg3[%squeeze3A_399, %dma_start3A_406] : memref<1000000x64xf32, #tpu.memory_space<hbm>> -> memref<1x64xf32, #tpu.memory_space<hbm>>
        %dma_start3A_408 = arith.constant 0 : i32
        %dma_start3A_409 = tpu.memref_slice %arg7[%add3A_403, %dma_start3A_408] : memref<128x64xf32, #tpu.memory_space<vmem>> -> memref<1x64xf32, #tpu.memory_space<vmem>>
        %dma_start3A_410 = arith.constant 0 : i32
        %dma_start3A_411 = tpu.memref_slice %arg3[%squeeze3A_399, %dma_start3A_410] : memref<1000000x64xf32, #tpu.memory_space<hbm>> -> memref<1x64xf32, #tpu.memory_space<hbm>>
        tpu.enqueue_dma source(%dma_start3A_411 : memref<1x64xf32, #tpu.memory_space<hbm>>) target(%dma_start3A_409 : memref<1x64xf32, #tpu.memory_space<vmem>>) target_semaphore(%arg11 : memref<!tpu.dma_semaphore, #tpu.memory_space<semaphore_mem>>)
        %slice3A_412 = vector.extract_strided_slice %get3A_259 {offsets = [11], sizes = [1], strides = [1]} : vector<16xi32> to vector<1xi32>
        %squeeze3A_413 = vector.extract %slice3A_412[0] : i32 from vector<1xi32>
        %mul3A_414 = arith.constant 16 : i32
        %mul3A_415 = arith.muli %scan3A_254, %mul3A_414 : i32
        %add3A_416 = arith.constant 11 : i32
        %add3A_417 = arith.addi %mul3A_415, %add3A_416 : i32
        %dma_start3A_418 = arith.constant 0 : i32
        %dma_start3A_419 = tpu.memref_slice %arg7[%add3A_417, %dma_start3A_418] : memref<128x64xf32, #tpu.memory_space<vmem>> -> memref<1x64xf32, #tpu.memory_space<vmem>>
        %dma_start3A_420 = arith.constant 0 : i32
        %dma_start3A_421 = tpu.memref_slice %arg3[%squeeze3A_413, %dma_start3A_420] : memref<1000000x64xf32, #tpu.memory_space<hbm>> -> memref<1x64xf32, #tpu.memory_space<hbm>>
        %dma_start3A_422 = arith.constant 0 : i32
        %dma_start3A_423 = tpu.memref_slice %arg7[%add3A_417, %dma_start3A_422] : memref<128x64xf32, #tpu.memory_space<vmem>> -> memref<1x64xf32, #tpu.memory_space<vmem>>
        %dma_start3A_424 = arith.constant 0 : i32
        %dma_start3A_425 = tpu.memref_slice %arg3[%squeeze3A_413, %dma_start3A_424] : memref<1000000x64xf32, #tpu.memory_space<hbm>> -> memref<1x64xf32, #tpu.memory_space<hbm>>
        tpu.enqueue_dma source(%dma_start3A_425 : memref<1x64xf32, #tpu.memory_space<hbm>>) target(%dma_start3A_423 : memref<1x64xf32, #tpu.memory_space<vmem>>) target_semaphore(%arg11 : memref<!tpu.dma_semaphore, #tpu.memory_space<semaphore_mem>>)
        %slice3A_426 = vector.extract_strided_slice %get3A_259 {offsets = [12], sizes = [1], strides = [1]} : vector<16xi32> to vector<1xi32>
        %squeeze3A_427 = vector.extract %slice3A_426[0] : i32 from vector<1xi32>
        %mul3A_428 = arith.constant 16 : i32
        %mul3A_429 = arith.muli %scan3A_254, %mul3A_428 : i32
        %add3A_430 = arith.constant 12 : i32
        %add3A_431 = arith.addi %mul3A_429, %add3A_430 : i32
        %dma_start3A_432 = arith.constant 0 : i32
        %dma_start3A_433 = tpu.memref_slice %arg7[%add3A_431, %dma_start3A_432] : memref<128x64xf32, #tpu.memory_space<vmem>> -> memref<1x64xf32, #tpu.memory_space<vmem>>
        %dma_start3A_434 = arith.constant 0 : i32
        %dma_start3A_435 = tpu.memref_slice %arg3[%squeeze3A_427, %dma_start3A_434] : memref<1000000x64xf32, #tpu.memory_space<hbm>> -> memref<1x64xf32, #tpu.memory_space<hbm>>
        %dma_start3A_436 = arith.constant 0 : i32
        %dma_start3A_437 = tpu.memref_slice %arg7[%add3A_431, %dma_start3A_436] : memref<128x64xf32, #tpu.memory_space<vmem>> -> memref<1x64xf32, #tpu.memory_space<vmem>>
        %dma_start3A_438 = arith.constant 0 : i32
        %dma_start3A_439 = tpu.memref_slice %arg3[%squeeze3A_427, %dma_start3A_438] : memref<1000000x64xf32, #tpu.memory_space<hbm>> -> memref<1x64xf32, #tpu.memory_space<hbm>>
        tpu.enqueue_dma source(%dma_start3A_439 : memref<1x64xf32, #tpu.memory_space<hbm>>) target(%dma_start3A_437 : memref<1x64xf32, #tpu.memory_space<vmem>>) target_semaphore(%arg11 : memref<!tpu.dma_semaphore, #tpu.memory_space<semaphore_mem>>)
        %slice3A_440 = vector.extract_strided_slice %get3A_259 {offsets = [13], sizes = [1], strides = [1]} : vector<16xi32> to vector<1xi32>
        %squeeze3A_441 = vector.extract %slice3A_440[0] : i32 from vector<1xi32>
        %mul3A_442 = arith.constant 16 : i32
        %mul3A_443 = arith.muli %scan3A_254, %mul3A_442 : i32
        %add3A_444 = arith.constant 13 : i32
        %add3A_445 = arith.addi %mul3A_443, %add3A_444 : i32
        %dma_start3A_446 = arith.constant 0 : i32
        %dma_start3A_447 = tpu.memref_slice %arg7[%add3A_445, %dma_start3A_446] : memref<128x64xf32, #tpu.memory_space<vmem>> -> memref<1x64xf32, #tpu.memory_space<vmem>>
        %dma_start3A_448 = arith.constant 0 : i32
        %dma_start3A_449 = tpu.memref_slice %arg3[%squeeze3A_441, %dma_start3A_448] : memref<1000000x64xf32, #tpu.memory_space<hbm>> -> memref<1x64xf32, #tpu.memory_space<hbm>>
        %dma_start3A_450 = arith.constant 0 : i32
        %dma_start3A_451 = tpu.memref_slice %arg7[%add3A_445, %dma_start3A_450] : memref<128x64xf32, #tpu.memory_space<vmem>> -> memref<1x64xf32, #tpu.memory_space<vmem>>
        %dma_start3A_452 = arith.constant 0 : i32
        %dma_start3A_453 = tpu.memref_slice %arg3[%squeeze3A_441, %dma_start3A_452] : memref<1000000x64xf32, #tpu.memory_space<hbm>> -> memref<1x64xf32, #tpu.memory_space<hbm>>
        tpu.enqueue_dma source(%dma_start3A_453 : memref<1x64xf32, #tpu.memory_space<hbm>>) target(%dma_start3A_451 : memref<1x64xf32, #tpu.memory_space<vmem>>) target_semaphore(%arg11 : memref<!tpu.dma_semaphore, #tpu.memory_space<semaphore_mem>>)
        %slice3A_454 = vector.extract_strided_slice %get3A_259 {offsets = [14], sizes = [1], strides = [1]} : vector<16xi32> to vector<1xi32>
        %squeeze3A_455 = vector.extract %slice3A_454[0] : i32 from vector<1xi32>
        %mul3A_456 = arith.constant 16 : i32
        %mul3A_457 = arith.muli %scan3A_254, %mul3A_456 : i32
        %add3A_458 = arith.constant 14 : i32
        %add3A_459 = arith.addi %mul3A_457, %add3A_458 : i32
        %dma_start3A_460 = arith.constant 0 : i32
        %dma_start3A_461 = tpu.memref_slice %arg7[%add3A_459, %dma_start3A_460] : memref<128x64xf32, #tpu.memory_space<vmem>> -> memref<1x64xf32, #tpu.memory_space<vmem>>
        %dma_start3A_462 = arith.constant 0 : i32
        %dma_start3A_463 = tpu.memref_slice %arg3[%squeeze3A_455, %dma_start3A_462] : memref<1000000x64xf32, #tpu.memory_space<hbm>> -> memref<1x64xf32, #tpu.memory_space<hbm>>
        %dma_start3A_464 = arith.constant 0 : i32
        %dma_start3A_465 = tpu.memref_slice %arg7[%add3A_459, %dma_start3A_464] : memref<128x64xf32, #tpu.memory_space<vmem>> -> memref<1x64xf32, #tpu.memory_space<vmem>>
        %dma_start3A_466 = arith.constant 0 : i32
        %dma_start3A_467 = tpu.memref_slice %arg3[%squeeze3A_455, %dma_start3A_466] : memref<1000000x64xf32, #tpu.memory_space<hbm>> -> memref<1x64xf32, #tpu.memory_space<hbm>>
        tpu.enqueue_dma source(%dma_start3A_467 : memref<1x64xf32, #tpu.memory_space<hbm>>) target(%dma_start3A_465 : memref<1x64xf32, #tpu.memory_space<vmem>>) target_semaphore(%arg11 : memref<!tpu.dma_semaphore, #tpu.memory_space<semaphore_mem>>)
        %slice3A_468 = vector.extract_strided_slice %get3A_259 {offsets = [15], sizes = [1], strides = [1]} : vector<16xi32> to vector<1xi32>
        %squeeze3A_469 = vector.extract %slice3A_468[0] : i32 from vector<1xi32>
        %mul3A_470 = arith.constant 16 : i32
        %mul3A_471 = arith.muli %scan3A_254, %mul3A_470 : i32
        %add3A_472 = arith.constant 15 : i32
        %add3A_473 = arith.addi %mul3A_471, %add3A_472 : i32
        %dma_start3A_474 = arith.constant 0 : i32
        %dma_start3A_475 = tpu.memref_slice %arg7[%add3A_473, %dma_start3A_474] : memref<128x64xf32, #tpu.memory_space<vmem>> -> memref<1x64xf32, #tpu.memory_space<vmem>>
        %dma_start3A_476 = arith.constant 0 : i32
        %dma_start3A_477 = tpu.memref_slice %arg3[%squeeze3A_469, %dma_start3A_476] : memref<1000000x64xf32, #tpu.memory_space<hbm>> -> memref<1x64xf32, #tpu.memory_space<hbm>>
        %dma_start3A_478 = arith.constant 0 : i32
        %dma_start3A_479 = tpu.memref_slice %arg7[%add3A_473, %dma_start3A_478] : memref<128x64xf32, #tpu.memory_space<vmem>> -> memref<1x64xf32, #tpu.memory_space<vmem>>
        %dma_start3A_480 = arith.constant 0 : i32
        %dma_start3A_481 = tpu.memref_slice %arg3[%squeeze3A_469, %dma_start3A_480] : memref<1000000x64xf32, #tpu.memory_space<hbm>> -> memref<1x64xf32, #tpu.memory_space<hbm>>
        tpu.enqueue_dma source(%dma_start3A_481 : memref<1x64xf32, #tpu.memory_space<hbm>>) target(%dma_start3A_479 : memref<1x64xf32, #tpu.memory_space<vmem>>) target_semaphore(%arg11 : memref<!tpu.dma_semaphore, #tpu.memory_space<semaphore_mem>>)
      }
      %scan3A_181 = arith.constant 8 : i32
      %mul3A_182 = arith.constant 4 : i32
      %mul3A_183 = arith.muli %mul3A_182, %scan3A_110 : i32
      %add3A_184 = arith.constant 1 : i32
      %add3A_185 = arith.addi %mul3A_183, %add3A_184 : i32
      %add3A_186 = arith.constant 2 : i32
      %add3A_187 = arith.addi %add3A_185, %add3A_186 : i32
      %dma_wait3A_188 = arith.constant 0 : i32
      %dma_wait3A_189 = arith.constant 0 : i32
      %dma_wait3A_190 = tpu.memref_slice %arg3[%dma_wait3A_188, %dma_wait3A_189] : memref<1000000x64xf32, #tpu.memory_space<hbm>> -> memref<128x64xf32, #tpu.memory_space<hbm>>
      %dma_wait3A_191 = arith.constant 0 : i32
      %dma_wait3A_192 = arith.constant 0 : i32
      %dma_wait3A_193 = tpu.memref_slice %arg3[%dma_wait3A_191, %dma_wait3A_192] : memref<1000000x64xf32, #tpu.memory_space<hbm>> -> memref<128x64xf32, #tpu.memory_space<hbm>>
      tpu.wait_dma2 semaphore(%arg13 : memref<!tpu.dma_semaphore, #tpu.memory_space<semaphore_mem>>) src(%dma_wait3A_193 : memref<128x64xf32, #tpu.memory_space<hbm>>) dst(%arg9 : memref<128x64xf32, #tpu.memory_space<vmem>>)
      %dma_start3A_194 = arith.constant 0 : i32
      %dma_start3A_195 = tpu.memref_slice %arg4[%mul3A_2, %add3A_187, %dma_start3A_194] : memref<4096x200x64xf32, #tpu.memory_space<hbm>> -> memref<128x1x64xf32, #tpu.memory_space<hbm>>
      %dma_start3A_196 = tpu.memref_squeeze %dma_start3A_195 : memref<128x1x64xf32, #tpu.memory_space<hbm>> -> memref<128x64xf32, #tpu.memory_space<hbm>>
      %dma_start3A_197 = arith.constant 0 : i32
      %dma_start3A_198 = tpu.memref_slice %arg4[%mul3A_2, %add3A_187, %dma_start3A_197] : memref<4096x200x64xf32, #tpu.memory_space<hbm>> -> memref<128x1x64xf32, #tpu.memory_space<hbm>>
      %dma_start3A_199 = tpu.memref_squeeze %dma_start3A_198 : memref<128x1x64xf32, #tpu.memory_space<hbm>> -> memref<128x64xf32, #tpu.memory_space<hbm>>
      tpu.enqueue_dma source(%arg9 : memref<128x64xf32, #tpu.memory_space<vmem>>) target(%dma_start3A_199 : memref<128x64xf32, #tpu.memory_space<hbm>>) target_semaphore(%arg17 : memref<!tpu.dma_semaphore, #tpu.memory_space<semaphore_mem>>)
      %sub3A_200 = arith.constant 1 : i32
      %sub3A_201 = arith.subi %add3A_187, %sub3A_200 : i32
      %dma_wait3A_202 = arith.constant 0 : i32
      %dma_wait3A_203 = tpu.memref_slice %arg4[%mul3A_2, %sub3A_201, %dma_wait3A_202] : memref<4096x200x64xf32, #tpu.memory_space<hbm>> -> memref<128x1x64xf32, #tpu.memory_space<hbm>>
      %dma_wait3A_204 = tpu.memref_squeeze %dma_wait3A_203 : memref<128x1x64xf32, #tpu.memory_space<hbm>> -> memref<128x64xf32, #tpu.memory_space<hbm>>
      %dma_wait3A_205 = arith.constant 0 : i32
      %dma_wait3A_206 = tpu.memref_slice %arg4[%mul3A_2, %sub3A_201, %dma_wait3A_205] : memref<4096x200x64xf32, #tpu.memory_space<hbm>> -> memref<128x1x64xf32, #tpu.memory_space<hbm>>
      %dma_wait3A_207 = tpu.memref_squeeze %dma_wait3A_206 : memref<128x1x64xf32, #tpu.memory_space<hbm>> -> memref<128x64xf32, #tpu.memory_space<hbm>>
      tpu.wait_dma2 semaphore(%arg16 : memref<!tpu.dma_semaphore, #tpu.memory_space<semaphore_mem>>) src(%arg8 : memref<128x64xf32, #tpu.memory_space<vmem>>) dst(%dma_wait3A_207 : memref<128x64xf32, #tpu.memory_space<hbm>>)
      %add3A_208 = arith.constant 4 : i32
      %add3A_209 = arith.addi %add3A_187, %add3A_208 : i32
      %sub3A_210 = arith.constant 1 : i32
      %sub3A_211 = arith.subi %add3A_209, %sub3A_210 : i32
      %scan3A_212 = arith.constant 0 : i32
      %scan3A_213 = arith.constant 0 : i32
      %scan3A_214 = arith.constant 8 : i32
      %scan3A_215 = arith.addi %scan3A_213, %scan3A_214 : i32
      %scan3A_216 = arith.constant 1 : i32
      scf.for %scan3A_254 = %scan3A_213 to %scan3A_215 step %scan3A_216  : i32 {
        %mul3A_255 = arith.constant 16 : i32
        %mul3A_256 = arith.muli %scan3A_254, %mul3A_255 : i32
        %get3A = arith.index_cast %sub3A_211 : i32 to index
        %get3A_257 = arith.index_cast %mul3A_256 : i32 to index
        %get3A_258 = tpu.vector_load %arg5[%get3A, %get3A_257] {strides = array<i32>} : memref<200x128xi32, #tpu.memory_space<vmem>>, vector<1x16xi32>,
        %get3A_259 = vector.shape_cast %get3A_258 : vector<1x16xi32> to vector<16xi32>
        %slice3A = vector.extract_strided_slice %get3A_259 {offsets = [0], sizes = [1], strides = [1]} : vector<16xi32> to vector<1xi32>
        %squeeze3A = vector.extract %slice3A[0] : i32 from vector<1xi32>
        %mul3A_260 = arith.constant 16 : i32
        %mul3A_261 = arith.muli %scan3A_254, %mul3A_260 : i32
        %add3A_262 = arith.constant 0 : i32
        %add3A_263 = arith.addi %mul3A_261, %add3A_262 : i32
        %dma_start3A_264 = arith.constant 0 : i32
        %dma_start3A_265 = tpu.memref_slice %arg8[%add3A_263, %dma_start3A_264] : memref<128x64xf32, #tpu.memory_space<vmem>> -> memref<1x64xf32, #tpu.memory_space<vmem>>
        %dma_start3A_266 = arith.constant 0 : i32
        %dma_start3A_267 = tpu.memref_slice %arg3[%squeeze3A, %dma_start3A_266] : memref<1000000x64xf32, #tpu.memory_space<hbm>> -> memref<1x64xf32, #tpu.memory_space<hbm>>
        %dma_start3A_268 = arith.constant 0 : i32
        %dma_start3A_269 = tpu.memref_slice %arg8[%add3A_263, %dma_start3A_268] : memref<128x64xf32, #tpu.memory_space<vmem>> -> memref<1x64xf32, #tpu.memory_space<vmem>>
        %dma_start3A_270 = arith.constant 0 : i32
        %dma_start3A_271 = tpu.memref_slice %arg3[%squeeze3A, %dma_start3A_270] : memref<1000000x64xf32, #tpu.memory_space<hbm>> -> memref<1x64xf32, #tpu.memory_space<hbm>>
        tpu.enqueue_dma source(%dma_start3A_271 : memref<1x64xf32, #tpu.memory_space<hbm>>) target(%dma_start3A_269 : memref<1x64xf32, #tpu.memory_space<vmem>>) target_semaphore(%arg12 : memref<!tpu.dma_semaphore, #tpu.memory_space<semaphore_mem>>)
        %slice3A_272 = vector.extract_strided_slice %get3A_259 {offsets = [1], sizes = [1], strides = [1]} : vector<16xi32> to vector<1xi32>
        %squeeze3A_273 = vector.extract %slice3A_272[0] : i32 from vector<1xi32>
        %mul3A_274 = arith.constant 16 : i32
        %mul3A_275 = arith.muli %scan3A_254, %mul3A_274 : i32
        %add3A_276 = arith.constant 1 : i32
        %add3A_277 = arith.addi %mul3A_275, %add3A_276 : i32
        %dma_start3A_278 = arith.constant 0 : i32
        %dma_start3A_279 = tpu.memref_slice %arg8[%add3A_277, %dma_start3A_278] : memref<128x64xf32, #tpu.memory_space<vmem>> -> memref<1x64xf32, #tpu.memory_space<vmem>>
        %dma_start3A_280 = arith.constant 0 : i32
        %dma_start3A_281 = tpu.memref_slice %arg3[%squeeze3A_273, %dma_start3A_280] : memref<1000000x64xf32, #tpu.memory_space<hbm>> -> memref<1x64xf32, #tpu.memory_space<hbm>>
        %dma_start3A_282 = arith.constant 0 : i32
        %dma_start3A_283 = tpu.memref_slice %arg8[%add3A_277, %dma_start3A_282] : memref<128x64xf32, #tpu.memory_space<vmem>> -> memref<1x64xf32, #tpu.memory_space<vmem>>
        %dma_start3A_284 = arith.constant 0 : i32
        %dma_start3A_285 = tpu.memref_slice %arg3[%squeeze3A_273, %dma_start3A_284] : memref<1000000x64xf32, #tpu.memory_space<hbm>> -> memref<1x64xf32, #tpu.memory_space<hbm>>
        tpu.enqueue_dma source(%dma_start3A_285 : memref<1x64xf32, #tpu.memory_space<hbm>>) target(%dma_start3A_283 : memref<1x64xf32, #tpu.memory_space<vmem>>) target_semaphore(%arg12 : memref<!tpu.dma_semaphore, #tpu.memory_space<semaphore_mem>>)
        %slice3A_286 = vector.extract_strided_slice %get3A_259 {offsets = [2], sizes = [1], strides = [1]} : vector<16xi32> to vector<1xi32>
        %squeeze3A_287 = vector.extract %slice3A_286[0] : i32 from vector<1xi32>
        %mul3A_288 = arith.constant 16 : i32
        %mul3A_289 = arith.muli %scan3A_254, %mul3A_288 : i32
        %add3A_290 = arith.constant 2 : i32
        %add3A_291 = arith.addi %mul3A_289, %add3A_290 : i32
        %dma_start3A_292 = arith.constant 0 : i32
        %dma_start3A_293 = tpu.memref_slice %arg8[%add3A_291, %dma_start3A_292] : memref<128x64xf32, #tpu.memory_space<vmem>> -> memref<1x64xf32, #tpu.memory_space<vmem>>
        %dma_start3A_294 = arith.constant 0 : i32
        %dma_start3A_295 = tpu.memref_slice %arg3[%squeeze3A_287, %dma_start3A_294] : memref<1000000x64xf32, #tpu.memory_space<hbm>> -> memref<1x64xf32, #tpu.memory_space<hbm>>
        %dma_start3A_296 = arith.constant 0 : i32
        %dma_start3A_297 = tpu.memref_slice %arg8[%add3A_291, %dma_start3A_296] : memref<128x64xf32, #tpu.memory_space<vmem>> -> memref<1x64xf32, #tpu.memory_space<vmem>>
        %dma_start3A_298 = arith.constant 0 : i32
        %dma_start3A_299 = tpu.memref_slice %arg3[%squeeze3A_287, %dma_start3A_298] : memref<1000000x64xf32, #tpu.memory_space<hbm>> -> memref<1x64xf32, #tpu.memory_space<hbm>>
        tpu.enqueue_dma source(%dma_start3A_299 : memref<1x64xf32, #tpu.memory_space<hbm>>) target(%dma_start3A_297 : memref<1x64xf32, #tpu.memory_space<vmem>>) target_semaphore(%arg12 : memref<!tpu.dma_semaphore, #tpu.memory_space<semaphore_mem>>)
        %slice3A_300 = vector.extract_strided_slice %get3A_259 {offsets = [3], sizes = [1], strides = [1]} : vector<16xi32> to vector<1xi32>
        %squeeze3A_301 = vector.extract %slice3A_300[0] : i32 from vector<1xi32>
        %mul3A_302 = arith.constant 16 : i32
        %mul3A_303 = arith.muli %scan3A_254, %mul3A_302 : i32
        %add3A_304 = arith.constant 3 : i32
        %add3A_305 = arith.addi %mul3A_303, %add3A_304 : i32
        %dma_start3A_306 = arith.constant 0 : i32
        %dma_start3A_307 = tpu.memref_slice %arg8[%add3A_305, %dma_start3A_306] : memref<128x64xf32, #tpu.memory_space<vmem>> -> memref<1x64xf32, #tpu.memory_space<vmem>>
        %dma_start3A_308 = arith.constant 0 : i32
        %dma_start3A_309 = tpu.memref_slice %arg3[%squeeze3A_301, %dma_start3A_308] : memref<1000000x64xf32, #tpu.memory_space<hbm>> -> memref<1x64xf32, #tpu.memory_space<hbm>>
        %dma_start3A_310 = arith.constant 0 : i32
        %dma_start3A_311 = tpu.memref_slice %arg8[%add3A_305, %dma_start3A_310] : memref<128x64xf32, #tpu.memory_space<vmem>> -> memref<1x64xf32, #tpu.memory_space<vmem>>
        %dma_start3A_312 = arith.constant 0 : i32
        %dma_start3A_313 = tpu.memref_slice %arg3[%squeeze3A_301, %dma_start3A_312] : memref<1000000x64xf32, #tpu.memory_space<hbm>> -> memref<1x64xf32, #tpu.memory_space<hbm>>
        tpu.enqueue_dma source(%dma_start3A_313 : memref<1x64xf32, #tpu.memory_space<hbm>>) target(%dma_start3A_311 : memref<1x64xf32, #tpu.memory_space<vmem>>) target_semaphore(%arg12 : memref<!tpu.dma_semaphore, #tpu.memory_space<semaphore_mem>>)
        %slice3A_314 = vector.extract_strided_slice %get3A_259 {offsets = [4], sizes = [1], strides = [1]} : vector<16xi32> to vector<1xi32>
        %squeeze3A_315 = vector.extract %slice3A_314[0] : i32 from vector<1xi32>
        %mul3A_316 = arith.constant 16 : i32
        %mul3A_317 = arith.muli %scan3A_254, %mul3A_316 : i32
        %add3A_318 = arith.constant 4 : i32
        %add3A_319 = arith.addi %mul3A_317, %add3A_318 : i32
        %dma_start3A_320 = arith.constant 0 : i32
        %dma_start3A_321 = tpu.memref_slice %arg8[%add3A_319, %dma_start3A_320] : memref<128x64xf32, #tpu.memory_space<vmem>> -> memref<1x64xf32, #tpu.memory_space<vmem>>
        %dma_start3A_322 = arith.constant 0 : i32
        %dma_start3A_323 = tpu.memref_slice %arg3[%squeeze3A_315, %dma_start3A_322] : memref<1000000x64xf32, #tpu.memory_space<hbm>> -> memref<1x64xf32, #tpu.memory_space<hbm>>
        %dma_start3A_324 = arith.constant 0 : i32
        %dma_start3A_325 = tpu.memref_slice %arg8[%add3A_319, %dma_start3A_324] : memref<128x64xf32, #tpu.memory_space<vmem>> -> memref<1x64xf32, #tpu.memory_space<vmem>>
        %dma_start3A_326 = arith.constant 0 : i32
        %dma_start3A_327 = tpu.memref_slice %arg3[%squeeze3A_315, %dma_start3A_326] : memref<1000000x64xf32, #tpu.memory_space<hbm>> -> memref<1x64xf32, #tpu.memory_space<hbm>>
        tpu.enqueue_dma source(%dma_start3A_327 : memref<1x64xf32, #tpu.memory_space<hbm>>) target(%dma_start3A_325 : memref<1x64xf32, #tpu.memory_space<vmem>>) target_semaphore(%arg12 : memref<!tpu.dma_semaphore, #tpu.memory_space<semaphore_mem>>)
        %slice3A_328 = vector.extract_strided_slice %get3A_259 {offsets = [5], sizes = [1], strides = [1]} : vector<16xi32> to vector<1xi32>
        %squeeze3A_329 = vector.extract %slice3A_328[0] : i32 from vector<1xi32>
        %mul3A_330 = arith.constant 16 : i32
        %mul3A_331 = arith.muli %scan3A_254, %mul3A_330 : i32
        %add3A_332 = arith.constant 5 : i32
        %add3A_333 = arith.addi %mul3A_331, %add3A_332 : i32
        %dma_start3A_334 = arith.constant 0 : i32
        %dma_start3A_335 = tpu.memref_slice %arg8[%add3A_333, %dma_start3A_334] : memref<128x64xf32, #tpu.memory_space<vmem>> -> memref<1x64xf32, #tpu.memory_space<vmem>>
        %dma_start3A_336 = arith.constant 0 : i32
        %dma_start3A_337 = tpu.memref_slice %arg3[%squeeze3A_329, %dma_start3A_336] : memref<1000000x64xf32, #tpu.memory_space<hbm>> -> memref<1x64xf32, #tpu.memory_space<hbm>>
        %dma_start3A_338 = arith.constant 0 : i32
        %dma_start3A_339 = tpu.memref_slice %arg8[%add3A_333, %dma_start3A_338] : memref<128x64xf32, #tpu.memory_space<vmem>> -> memref<1x64xf32, #tpu.memory_space<vmem>>
        %dma_start3A_340 = arith.constant 0 : i32
        %dma_start3A_341 = tpu.memref_slice %arg3[%squeeze3A_329, %dma_start3A_340] : memref<1000000x64xf32, #tpu.memory_space<hbm>> -> memref<1x64xf32, #tpu.memory_space<hbm>>
        tpu.enqueue_dma source(%dma_start3A_341 : memref<1x64xf32, #tpu.memory_space<hbm>>) target(%dma_start3A_339 : memref<1x64xf32, #tpu.memory_space<vmem>>) target_semaphore(%arg12 : memref<!tpu.dma_semaphore, #tpu.memory_space<semaphore_mem>>)
        %slice3A_342 = vector.extract_strided_slice %get3A_259 {offsets = [6], sizes = [1], strides = [1]} : vector<16xi32> to vector<1xi32>
        %squeeze3A_343 = vector.extract %slice3A_342[0] : i32 from vector<1xi32>
        %mul3A_344 = arith.constant 16 : i32
        %mul3A_345 = arith.muli %scan3A_254, %mul3A_344 : i32
        %add3A_346 = arith.constant 6 : i32
        %add3A_347 = arith.addi %mul3A_345, %add3A_346 : i32
        %dma_start3A_348 = arith.constant 0 : i32
        %dma_start3A_349 = tpu.memref_slice %arg8[%add3A_347, %dma_start3A_348] : memref<128x64xf32, #tpu.memory_space<vmem>> -> memref<1x64xf32, #tpu.memory_space<vmem>>
        %dma_start3A_350 = arith.constant 0 : i32
        %dma_start3A_351 = tpu.memref_slice %arg3[%squeeze3A_343, %dma_start3A_350] : memref<1000000x64xf32, #tpu.memory_space<hbm>> -> memref<1x64xf32, #tpu.memory_space<hbm>>
        %dma_start3A_352 = arith.constant 0 : i32
        %dma_start3A_353 = tpu.memref_slice %arg8[%add3A_347, %dma_start3A_352] : memref<128x64xf32, #tpu.memory_space<vmem>> -> memref<1x64xf32, #tpu.memory_space<vmem>>
        %dma_start3A_354 = arith.constant 0 : i32
        %dma_start3A_355 = tpu.memref_slice %arg3[%squeeze3A_343, %dma_start3A_354] : memref<1000000x64xf32, #tpu.memory_space<hbm>> -> memref<1x64xf32, #tpu.memory_space<hbm>>
        tpu.enqueue_dma source(%dma_start3A_355 : memref<1x64xf32, #tpu.memory_space<hbm>>) target(%dma_start3A_353 : memref<1x64xf32, #tpu.memory_space<vmem>>) target_semaphore(%arg12 : memref<!tpu.dma_semaphore, #tpu.memory_space<semaphore_mem>>)
        %slice3A_356 = vector.extract_strided_slice %get3A_259 {offsets = [7], sizes = [1], strides = [1]} : vector<16xi32> to vector<1xi32>
        %squeeze3A_357 = vector.extract %slice3A_356[0] : i32 from vector<1xi32>
        %mul3A_358 = arith.constant 16 : i32
        %mul3A_359 = arith.muli %scan3A_254, %mul3A_358 : i32
        %add3A_360 = arith.constant 7 : i32
        %add3A_361 = arith.addi %mul3A_359, %add3A_360 : i32
        %dma_start3A_362 = arith.constant 0 : i32
        %dma_start3A_363 = tpu.memref_slice %arg8[%add3A_361, %dma_start3A_362] : memref<128x64xf32, #tpu.memory_space<vmem>> -> memref<1x64xf32, #tpu.memory_space<vmem>>
        %dma_start3A_364 = arith.constant 0 : i32
        %dma_start3A_365 = tpu.memref_slice %arg3[%squeeze3A_357, %dma_start3A_364] : memref<1000000x64xf32, #tpu.memory_space<hbm>> -> memref<1x64xf32, #tpu.memory_space<hbm>>
        %dma_start3A_366 = arith.constant 0 : i32
        %dma_start3A_367 = tpu.memref_slice %arg8[%add3A_361, %dma_start3A_366] : memref<128x64xf32, #tpu.memory_space<vmem>> -> memref<1x64xf32, #tpu.memory_space<vmem>>
        %dma_start3A_368 = arith.constant 0 : i32
        %dma_start3A_369 = tpu.memref_slice %arg3[%squeeze3A_357, %dma_start3A_368] : memref<1000000x64xf32, #tpu.memory_space<hbm>> -> memref<1x64xf32, #tpu.memory_space<hbm>>
        tpu.enqueue_dma source(%dma_start3A_369 : memref<1x64xf32, #tpu.memory_space<hbm>>) target(%dma_start3A_367 : memref<1x64xf32, #tpu.memory_space<vmem>>) target_semaphore(%arg12 : memref<!tpu.dma_semaphore, #tpu.memory_space<semaphore_mem>>)
        %slice3A_370 = vector.extract_strided_slice %get3A_259 {offsets = [8], sizes = [1], strides = [1]} : vector<16xi32> to vector<1xi32>
        %squeeze3A_371 = vector.extract %slice3A_370[0] : i32 from vector<1xi32>
        %mul3A_372 = arith.constant 16 : i32
        %mul3A_373 = arith.muli %scan3A_254, %mul3A_372 : i32
        %add3A_374 = arith.constant 8 : i32
        %add3A_375 = arith.addi %mul3A_373, %add3A_374 : i32
        %dma_start3A_376 = arith.constant 0 : i32
        %dma_start3A_377 = tpu.memref_slice %arg8[%add3A_375, %dma_start3A_376] : memref<128x64xf32, #tpu.memory_space<vmem>> -> memref<1x64xf32, #tpu.memory_space<vmem>>
        %dma_start3A_378 = arith.constant 0 : i32
        %dma_start3A_379 = tpu.memref_slice %arg3[%squeeze3A_371, %dma_start3A_378] : memref<1000000x64xf32, #tpu.memory_space<hbm>> -> memref<1x64xf32, #tpu.memory_space<hbm>>
        %dma_start3A_380 = arith.constant 0 : i32
        %dma_start3A_381 = tpu.memref_slice %arg8[%add3A_375, %dma_start3A_380] : memref<128x64xf32, #tpu.memory_space<vmem>> -> memref<1x64xf32, #tpu.memory_space<vmem>>
        %dma_start3A_382 = arith.constant 0 : i32
        %dma_start3A_383 = tpu.memref_slice %arg3[%squeeze3A_371, %dma_start3A_382] : memref<1000000x64xf32, #tpu.memory_space<hbm>> -> memref<1x64xf32, #tpu.memory_space<hbm>>
        tpu.enqueue_dma source(%dma_start3A_383 : memref<1x64xf32, #tpu.memory_space<hbm>>) target(%dma_start3A_381 : memref<1x64xf32, #tpu.memory_space<vmem>>) target_semaphore(%arg12 : memref<!tpu.dma_semaphore, #tpu.memory_space<semaphore_mem>>)
        %slice3A_384 = vector.extract_strided_slice %get3A_259 {offsets = [9], sizes = [1], strides = [1]} : vector<16xi32> to vector<1xi32>
        %squeeze3A_385 = vector.extract %slice3A_384[0] : i32 from vector<1xi32>
        %mul3A_386 = arith.constant 16 : i32
        %mul3A_387 = arith.muli %scan3A_254, %mul3A_386 : i32
        %add3A_388 = arith.constant 9 : i32
        %add3A_389 = arith.addi %mul3A_387, %add3A_388 : i32
        %dma_start3A_390 = arith.constant 0 : i32
        %dma_start3A_391 = tpu.memref_slice %arg8[%add3A_389, %dma_start3A_390] : memref<128x64xf32, #tpu.memory_space<vmem>> -> memref<1x64xf32, #tpu.memory_space<vmem>>
        %dma_start3A_392 = arith.constant 0 : i32
        %dma_start3A_393 = tpu.memref_slice %arg3[%squeeze3A_385, %dma_start3A_392] : memref<1000000x64xf32, #tpu.memory_space<hbm>> -> memref<1x64xf32, #tpu.memory_space<hbm>>
        %dma_start3A_394 = arith.constant 0 : i32
        %dma_start3A_395 = tpu.memref_slice %arg8[%add3A_389, %dma_start3A_394] : memref<128x64xf32, #tpu.memory_space<vmem>> -> memref<1x64xf32, #tpu.memory_space<vmem>>
        %dma_start3A_396 = arith.constant 0 : i32
        %dma_start3A_397 = tpu.memref_slice %arg3[%squeeze3A_385, %dma_start3A_396] : memref<1000000x64xf32, #tpu.memory_space<hbm>> -> memref<1x64xf32, #tpu.memory_space<hbm>>
        tpu.enqueue_dma source(%dma_start3A_397 : memref<1x64xf32, #tpu.memory_space<hbm>>) target(%dma_start3A_395 : memref<1x64xf32, #tpu.memory_space<vmem>>) target_semaphore(%arg12 : memref<!tpu.dma_semaphore, #tpu.memory_space<semaphore_mem>>)
        %slice3A_398 = vector.extract_strided_slice %get3A_259 {offsets = [10], sizes = [1], strides = [1]} : vector<16xi32> to vector<1xi32>
        %squeeze3A_399 = vector.extract %slice3A_398[0] : i32 from vector<1xi32>
        %mul3A_400 = arith.constant 16 : i32
        %mul3A_401 = arith.muli %scan3A_254, %mul3A_400 : i32
        %add3A_402 = arith.constant 10 : i32
        %add3A_403 = arith.addi %mul3A_401, %add3A_402 : i32
        %dma_start3A_404 = arith.constant 0 : i32
        %dma_start3A_405 = tpu.memref_slice %arg8[%add3A_403, %dma_start3A_404] : memref<128x64xf32, #tpu.memory_space<vmem>> -> memref<1x64xf32, #tpu.memory_space<vmem>>
        %dma_start3A_406 = arith.constant 0 : i32
        %dma_start3A_407 = tpu.memref_slice %arg3[%squeeze3A_399, %dma_start3A_406] : memref<1000000x64xf32, #tpu.memory_space<hbm>> -> memref<1x64xf32, #tpu.memory_space<hbm>>
        %dma_start3A_408 = arith.constant 0 : i32
        %dma_start3A_409 = tpu.memref_slice %arg8[%add3A_403, %dma_start3A_408] : memref<128x64xf32, #tpu.memory_space<vmem>> -> memref<1x64xf32, #tpu.memory_space<vmem>>
        %dma_start3A_410 = arith.constant 0 : i32
        %dma_start3A_411 = tpu.memref_slice %arg3[%squeeze3A_399, %dma_start3A_410] : memref<1000000x64xf32, #tpu.memory_space<hbm>> -> memref<1x64xf32, #tpu.memory_space<hbm>>
        tpu.enqueue_dma source(%dma_start3A_411 : memref<1x64xf32, #tpu.memory_space<hbm>>) target(%dma_start3A_409 : memref<1x64xf32, #tpu.memory_space<vmem>>) target_semaphore(%arg12 : memref<!tpu.dma_semaphore, #tpu.memory_space<semaphore_mem>>)
        %slice3A_412 = vector.extract_strided_slice %get3A_259 {offsets = [11], sizes = [1], strides = [1]} : vector<16xi32> to vector<1xi32>
        %squeeze3A_413 = vector.extract %slice3A_412[0] : i32 from vector<1xi32>
        %mul3A_414 = arith.constant 16 : i32
        %mul3A_415 = arith.muli %scan3A_254, %mul3A_414 : i32
        %add3A_416 = arith.constant 11 : i32
        %add3A_417 = arith.addi %mul3A_415, %add3A_416 : i32
        %dma_start3A_418 = arith.constant 0 : i32
        %dma_start3A_419 = tpu.memref_slice %arg8[%add3A_417, %dma_start3A_418] : memref<128x64xf32, #tpu.memory_space<vmem>> -> memref<1x64xf32, #tpu.memory_space<vmem>>
        %dma_start3A_420 = arith.constant 0 : i32
        %dma_start3A_421 = tpu.memref_slice %arg3[%squeeze3A_413, %dma_start3A_420] : memref<1000000x64xf32, #tpu.memory_space<hbm>> -> memref<1x64xf32, #tpu.memory_space<hbm>>
        %dma_start3A_422 = arith.constant 0 : i32
        %dma_start3A_423 = tpu.memref_slice %arg8[%add3A_417, %dma_start3A_422] : memref<128x64xf32, #tpu.memory_space<vmem>> -> memref<1x64xf32, #tpu.memory_space<vmem>>
        %dma_start3A_424 = arith.constant 0 : i32
        %dma_start3A_425 = tpu.memref_slice %arg3[%squeeze3A_413, %dma_start3A_424] : memref<1000000x64xf32, #tpu.memory_space<hbm>> -> memref<1x64xf32, #tpu.memory_space<hbm>>
        tpu.enqueue_dma source(%dma_start3A_425 : memref<1x64xf32, #tpu.memory_space<hbm>>) target(%dma_start3A_423 : memref<1x64xf32, #tpu.memory_space<vmem>>) target_semaphore(%arg12 : memref<!tpu.dma_semaphore, #tpu.memory_space<semaphore_mem>>)
        %slice3A_426 = vector.extract_strided_slice %get3A_259 {offsets = [12], sizes = [1], strides = [1]} : vector<16xi32> to vector<1xi32>
        %squeeze3A_427 = vector.extract %slice3A_426[0] : i32 from vector<1xi32>
        %mul3A_428 = arith.constant 16 : i32
        %mul3A_429 = arith.muli %scan3A_254, %mul3A_428 : i32
        %add3A_430 = arith.constant 12 : i32
        %add3A_431 = arith.addi %mul3A_429, %add3A_430 : i32
        %dma_start3A_432 = arith.constant 0 : i32
        %dma_start3A_433 = tpu.memref_slice %arg8[%add3A_431, %dma_start3A_432] : memref<128x64xf32, #tpu.memory_space<vmem>> -> memref<1x64xf32, #tpu.memory_space<vmem>>
        %dma_start3A_434 = arith.constant 0 : i32
        %dma_start3A_435 = tpu.memref_slice %arg3[%squeeze3A_427, %dma_start3A_434] : memref<1000000x64xf32, #tpu.memory_space<hbm>> -> memref<1x64xf32, #tpu.memory_space<hbm>>
        %dma_start3A_436 = arith.constant 0 : i32
        %dma_start3A_437 = tpu.memref_slice %arg8[%add3A_431, %dma_start3A_436] : memref<128x64xf32, #tpu.memory_space<vmem>> -> memref<1x64xf32, #tpu.memory_space<vmem>>
        %dma_start3A_438 = arith.constant 0 : i32
        %dma_start3A_439 = tpu.memref_slice %arg3[%squeeze3A_427, %dma_start3A_438] : memref<1000000x64xf32, #tpu.memory_space<hbm>> -> memref<1x64xf32, #tpu.memory_space<hbm>>
        tpu.enqueue_dma source(%dma_start3A_439 : memref<1x64xf32, #tpu.memory_space<hbm>>) target(%dma_start3A_437 : memref<1x64xf32, #tpu.memory_space<vmem>>) target_semaphore(%arg12 : memref<!tpu.dma_semaphore, #tpu.memory_space<semaphore_mem>>)
        %slice3A_440 = vector.extract_strided_slice %get3A_259 {offsets = [13], sizes = [1], strides = [1]} : vector<16xi32> to vector<1xi32>
        %squeeze3A_441 = vector.extract %slice3A_440[0] : i32 from vector<1xi32>
        %mul3A_442 = arith.constant 16 : i32
        %mul3A_443 = arith.muli %scan3A_254, %mul3A_442 : i32
        %add3A_444 = arith.constant 13 : i32
        %add3A_445 = arith.addi %mul3A_443, %add3A_444 : i32
        %dma_start3A_446 = arith.constant 0 : i32
        %dma_start3A_447 = tpu.memref_slice %arg8[%add3A_445, %dma_start3A_446] : memref<128x64xf32, #tpu.memory_space<vmem>> -> memref<1x64xf32, #tpu.memory_space<vmem>>
        %dma_start3A_448 = arith.constant 0 : i32
        %dma_start3A_449 = tpu.memref_slice %arg3[%squeeze3A_441, %dma_start3A_448] : memref<1000000x64xf32, #tpu.memory_space<hbm>> -> memref<1x64xf32, #tpu.memory_space<hbm>>
        %dma_start3A_450 = arith.constant 0 : i32
        %dma_start3A_451 = tpu.memref_slice %arg8[%add3A_445, %dma_start3A_450] : memref<128x64xf32, #tpu.memory_space<vmem>> -> memref<1x64xf32, #tpu.memory_space<vmem>>
        %dma_start3A_452 = arith.constant 0 : i32
        %dma_start3A_453 = tpu.memref_slice %arg3[%squeeze3A_441, %dma_start3A_452] : memref<1000000x64xf32, #tpu.memory_space<hbm>> -> memref<1x64xf32, #tpu.memory_space<hbm>>
        tpu.enqueue_dma source(%dma_start3A_453 : memref<1x64xf32, #tpu.memory_space<hbm>>) target(%dma_start3A_451 : memref<1x64xf32, #tpu.memory_space<vmem>>) target_semaphore(%arg12 : memref<!tpu.dma_semaphore, #tpu.memory_space<semaphore_mem>>)
        %slice3A_454 = vector.extract_strided_slice %get3A_259 {offsets = [14], sizes = [1], strides = [1]} : vector<16xi32> to vector<1xi32>
        %squeeze3A_455 = vector.extract %slice3A_454[0] : i32 from vector<1xi32>
        %mul3A_456 = arith.constant 16 : i32
        %mul3A_457 = arith.muli %scan3A_254, %mul3A_456 : i32
        %add3A_458 = arith.constant 14 : i32
        %add3A_459 = arith.addi %mul3A_457, %add3A_458 : i32
        %dma_start3A_460 = arith.constant 0 : i32
        %dma_start3A_461 = tpu.memref_slice %arg8[%add3A_459, %dma_start3A_460] : memref<128x64xf32, #tpu.memory_space<vmem>> -> memref<1x64xf32, #tpu.memory_space<vmem>>
        %dma_start3A_462 = arith.constant 0 : i32
        %dma_start3A_463 = tpu.memref_slice %arg3[%squeeze3A_455, %dma_start3A_462] : memref<1000000x64xf32, #tpu.memory_space<hbm>> -> memref<1x64xf32, #tpu.memory_space<hbm>>
        %dma_start3A_464 = arith.constant 0 : i32
        %dma_start3A_465 = tpu.memref_slice %arg8[%add3A_459, %dma_start3A_464] : memref<128x64xf32, #tpu.memory_space<vmem>> -> memref<1x64xf32, #tpu.memory_space<vmem>>
        %dma_start3A_466 = arith.constant 0 : i32
        %dma_start3A_467 = tpu.memref_slice %arg3[%squeeze3A_455, %dma_start3A_466] : memref<1000000x64xf32, #tpu.memory_space<hbm>> -> memref<1x64xf32, #tpu.memory_space<hbm>>
        tpu.enqueue_dma source(%dma_start3A_467 : memref<1x64xf32, #tpu.memory_space<hbm>>) target(%dma_start3A_465 : memref<1x64xf32, #tpu.memory_space<vmem>>) target_semaphore(%arg12 : memref<!tpu.dma_semaphore, #tpu.memory_space<semaphore_mem>>)
        %slice3A_468 = vector.extract_strided_slice %get3A_259 {offsets = [15], sizes = [1], strides = [1]} : vector<16xi32> to vector<1xi32>
        %squeeze3A_469 = vector.extract %slice3A_468[0] : i32 from vector<1xi32>
        %mul3A_470 = arith.constant 16 : i32
        %mul3A_471 = arith.muli %scan3A_254, %mul3A_470 : i32
        %add3A_472 = arith.constant 15 : i32
        %add3A_473 = arith.addi %mul3A_471, %add3A_472 : i32
        %dma_start3A_474 = arith.constant 0 : i32
        %dma_start3A_475 = tpu.memref_slice %arg8[%add3A_473, %dma_start3A_474] : memref<128x64xf32, #tpu.memory_space<vmem>> -> memref<1x64xf32, #tpu.memory_space<vmem>>
        %dma_start3A_476 = arith.constant 0 : i32
        %dma_start3A_477 = tpu.memref_slice %arg3[%squeeze3A_469, %dma_start3A_476] : memref<1000000x64xf32, #tpu.memory_space<hbm>> -> memref<1x64xf32, #tpu.memory_space<hbm>>
        %dma_start3A_478 = arith.constant 0 : i32
        %dma_start3A_479 = tpu.memref_slice %arg8[%add3A_473, %dma_start3A_478] : memref<128x64xf32, #tpu.memory_space<vmem>> -> memref<1x64xf32, #tpu.memory_space<vmem>>
        %dma_start3A_480 = arith.constant 0 : i32
        %dma_start3A_481 = tpu.memref_slice %arg3[%squeeze3A_469, %dma_start3A_480] : memref<1000000x64xf32, #tpu.memory_space<hbm>> -> memref<1x64xf32, #tpu.memory_space<hbm>>
        tpu.enqueue_dma source(%dma_start3A_481 : memref<1x64xf32, #tpu.memory_space<hbm>>) target(%dma_start3A_479 : memref<1x64xf32, #tpu.memory_space<vmem>>) target_semaphore(%arg12 : memref<!tpu.dma_semaphore, #tpu.memory_space<semaphore_mem>>)
      }
      %scan3A_217 = arith.constant 8 : i32
      %mul3A_218 = arith.constant 4 : i32
      %mul3A_219 = arith.muli %mul3A_218, %scan3A_110 : i32
      %add3A_220 = arith.constant 1 : i32
      %add3A_221 = arith.addi %mul3A_219, %add3A_220 : i32
      %add3A_222 = arith.constant 3 : i32
      %add3A_223 = arith.addi %add3A_221, %add3A_222 : i32
      %dma_wait3A_224 = arith.constant 0 : i32
      %dma_wait3A_225 = arith.constant 0 : i32
      %dma_wait3A_226 = tpu.memref_slice %arg3[%dma_wait3A_224, %dma_wait3A_225] : memref<1000000x64xf32, #tpu.memory_space<hbm>> -> memref<128x64xf32, #tpu.memory_space<hbm>>
      %dma_wait3A_227 = arith.constant 0 : i32
      %dma_wait3A_228 = arith.constant 0 : i32
      %dma_wait3A_229 = tpu.memref_slice %arg3[%dma_wait3A_227, %dma_wait3A_228] : memref<1000000x64xf32, #tpu.memory_space<hbm>> -> memref<128x64xf32, #tpu.memory_space<hbm>>
      tpu.wait_dma2 semaphore(%arg10 : memref<!tpu.dma_semaphore, #tpu.memory_space<semaphore_mem>>) src(%dma_wait3A_229 : memref<128x64xf32, #tpu.memory_space<hbm>>) dst(%arg6 : memref<128x64xf32, #tpu.memory_space<vmem>>)
      %dma_start3A_230 = arith.constant 0 : i32
      %dma_start3A_231 = tpu.memref_slice %arg4[%mul3A_2, %add3A_223, %dma_start3A_230] : memref<4096x200x64xf32, #tpu.memory_space<hbm>> -> memref<128x1x64xf32, #tpu.memory_space<hbm>>
      %dma_start3A_232 = tpu.memref_squeeze %dma_start3A_231 : memref<128x1x64xf32, #tpu.memory_space<hbm>> -> memref<128x64xf32, #tpu.memory_space<hbm>>
      %dma_start3A_233 = arith.constant 0 : i32
      %dma_start3A_234 = tpu.memref_slice %arg4[%mul3A_2, %add3A_223, %dma_start3A_233] : memref<4096x200x64xf32, #tpu.memory_space<hbm>> -> memref<128x1x64xf32, #tpu.memory_space<hbm>>
      %dma_start3A_235 = tpu.memref_squeeze %dma_start3A_234 : memref<128x1x64xf32, #tpu.memory_space<hbm>> -> memref<128x64xf32, #tpu.memory_space<hbm>>
      tpu.enqueue_dma source(%arg6 : memref<128x64xf32, #tpu.memory_space<vmem>>) target(%dma_start3A_235 : memref<128x64xf32, #tpu.memory_space<hbm>>) target_semaphore(%arg14 : memref<!tpu.dma_semaphore, #tpu.memory_space<semaphore_mem>>)
      %sub3A_236 = arith.constant 1 : i32
      %sub3A_237 = arith.subi %add3A_223, %sub3A_236 : i32
      %dma_wait3A_238 = arith.constant 0 : i32
      %dma_wait3A_239 = tpu.memref_slice %arg4[%mul3A_2, %sub3A_237, %dma_wait3A_238] : memref<4096x200x64xf32, #tpu.memory_space<hbm>> -> memref<128x1x64xf32, #tpu.memory_space<hbm>>
      %dma_wait3A_240 = tpu.memref_squeeze %dma_wait3A_239 : memref<128x1x64xf32, #tpu.memory_space<hbm>> -> memref<128x64xf32, #tpu.memory_space<hbm>>
      %dma_wait3A_241 = arith.constant 0 : i32
      %dma_wait3A_242 = tpu.memref_slice %arg4[%mul3A_2, %sub3A_237, %dma_wait3A_241] : memref<4096x200x64xf32, #tpu.memory_space<hbm>> -> memref<128x1x64xf32, #tpu.memory_space<hbm>>
      %dma_wait3A_243 = tpu.memref_squeeze %dma_wait3A_242 : memref<128x1x64xf32, #tpu.memory_space<hbm>> -> memref<128x64xf32, #tpu.memory_space<hbm>>
      tpu.wait_dma2 semaphore(%arg17 : memref<!tpu.dma_semaphore, #tpu.memory_space<semaphore_mem>>) src(%arg9 : memref<128x64xf32, #tpu.memory_space<vmem>>) dst(%dma_wait3A_243 : memref<128x64xf32, #tpu.memory_space<hbm>>)
      %add3A_244 = arith.constant 4 : i32
      %add3A_245 = arith.addi %add3A_223, %add3A_244 : i32
      %sub3A_246 = arith.constant 1 : i32
      %sub3A_247 = arith.subi %add3A_245, %sub3A_246 : i32
      %scan3A_248 = arith.constant 0 : i32
      %scan3A_249 = arith.constant 0 : i32
      %scan3A_250 = arith.constant 8 : i32
      %scan3A_251 = arith.addi %scan3A_249, %scan3A_250 : i32
      %scan3A_252 = arith.constant 1 : i32
      scf.for %scan3A_254 = %scan3A_249 to %scan3A_251 step %scan3A_252  : i32 {
        %mul3A_255 = arith.constant 16 : i32
        %mul3A_256 = arith.muli %scan3A_254, %mul3A_255 : i32
        %get3A = arith.index_cast %sub3A_247 : i32 to index
        %get3A_257 = arith.index_cast %mul3A_256 : i32 to index
        %get3A_258 = tpu.vector_load %arg5[%get3A, %get3A_257] {strides = array<i32>} : memref<200x128xi32, #tpu.memory_space<vmem>>, vector<1x16xi32>,
        %get3A_259 = vector.shape_cast %get3A_258 : vector<1x16xi32> to vector<16xi32>
        %slice3A = vector.extract_strided_slice %get3A_259 {offsets = [0], sizes = [1], strides = [1]} : vector<16xi32> to vector<1xi32>
        %squeeze3A = vector.extract %slice3A[0] : i32 from vector<1xi32>
        %mul3A_260 = arith.constant 16 : i32
        %mul3A_261 = arith.muli %scan3A_254, %mul3A_260 : i32
        %add3A_262 = arith.constant 0 : i32
        %add3A_263 = arith.addi %mul3A_261, %add3A_262 : i32
        %dma_start3A_264 = arith.constant 0 : i32
        %dma_start3A_265 = tpu.memref_slice %arg9[%add3A_263, %dma_start3A_264] : memref<128x64xf32, #tpu.memory_space<vmem>> -> memref<1x64xf32, #tpu.memory_space<vmem>>
        %dma_start3A_266 = arith.constant 0 : i32
        %dma_start3A_267 = tpu.memref_slice %arg3[%squeeze3A, %dma_start3A_266] : memref<1000000x64xf32, #tpu.memory_space<hbm>> -> memref<1x64xf32, #tpu.memory_space<hbm>>
        %dma_start3A_268 = arith.constant 0 : i32
        %dma_start3A_269 = tpu.memref_slice %arg9[%add3A_263, %dma_start3A_268] : memref<128x64xf32, #tpu.memory_space<vmem>> -> memref<1x64xf32, #tpu.memory_space<vmem>>
        %dma_start3A_270 = arith.constant 0 : i32
        %dma_start3A_271 = tpu.memref_slice %arg3[%squeeze3A, %dma_start3A_270] : memref<1000000x64xf32, #tpu.memory_space<hbm>> -> memref<1x64xf32, #tpu.memory_space<hbm>>
        tpu.enqueue_dma source(%dma_start3A_271 : memref<1x64xf32, #tpu.memory_space<hbm>>) target(%dma_start3A_269 : memref<1x64xf32, #tpu.memory_space<vmem>>) target_semaphore(%arg13 : memref<!tpu.dma_semaphore, #tpu.memory_space<semaphore_mem>>)
        %slice3A_272 = vector.extract_strided_slice %get3A_259 {offsets = [1], sizes = [1], strides = [1]} : vector<16xi32> to vector<1xi32>
        %squeeze3A_273 = vector.extract %slice3A_272[0] : i32 from vector<1xi32>
        %mul3A_274 = arith.constant 16 : i32
        %mul3A_275 = arith.muli %scan3A_254, %mul3A_274 : i32
        %add3A_276 = arith.constant 1 : i32
        %add3A_277 = arith.addi %mul3A_275, %add3A_276 : i32
        %dma_start3A_278 = arith.constant 0 : i32
        %dma_start3A_279 = tpu.memref_slice %arg9[%add3A_277, %dma_start3A_278] : memref<128x64xf32, #tpu.memory_space<vmem>> -> memref<1x64xf32, #tpu.memory_space<vmem>>
        %dma_start3A_280 = arith.constant 0 : i32
        %dma_start3A_281 = tpu.memref_slice %arg3[%squeeze3A_273, %dma_start3A_280] : memref<1000000x64xf32, #tpu.memory_space<hbm>> -> memref<1x64xf32, #tpu.memory_space<hbm>>
        %dma_start3A_282 = arith.constant 0 : i32
        %dma_start3A_283 = tpu.memref_slice %arg9[%add3A_277, %dma_start3A_282] : memref<128x64xf32, #tpu.memory_space<vmem>> -> memref<1x64xf32, #tpu.memory_space<vmem>>
        %dma_start3A_284 = arith.constant 0 : i32
        %dma_start3A_285 = tpu.memref_slice %arg3[%squeeze3A_273, %dma_start3A_284] : memref<1000000x64xf32, #tpu.memory_space<hbm>> -> memref<1x64xf32, #tpu.memory_space<hbm>>
        tpu.enqueue_dma source(%dma_start3A_285 : memref<1x64xf32, #tpu.memory_space<hbm>>) target(%dma_start3A_283 : memref<1x64xf32, #tpu.memory_space<vmem>>) target_semaphore(%arg13 : memref<!tpu.dma_semaphore, #tpu.memory_space<semaphore_mem>>)
        %slice3A_286 = vector.extract_strided_slice %get3A_259 {offsets = [2], sizes = [1], strides = [1]} : vector<16xi32> to vector<1xi32>
        %squeeze3A_287 = vector.extract %slice3A_286[0] : i32 from vector<1xi32>
        %mul3A_288 = arith.constant 16 : i32
        %mul3A_289 = arith.muli %scan3A_254, %mul3A_288 : i32
        %add3A_290 = arith.constant 2 : i32
        %add3A_291 = arith.addi %mul3A_289, %add3A_290 : i32
        %dma_start3A_292 = arith.constant 0 : i32
        %dma_start3A_293 = tpu.memref_slice %arg9[%add3A_291, %dma_start3A_292] : memref<128x64xf32, #tpu.memory_space<vmem>> -> memref<1x64xf32, #tpu.memory_space<vmem>>
        %dma_start3A_294 = arith.constant 0 : i32
        %dma_start3A_295 = tpu.memref_slice %arg3[%squeeze3A_287, %dma_start3A_294] : memref<1000000x64xf32, #tpu.memory_space<hbm>> -> memref<1x64xf32, #tpu.memory_space<hbm>>
        %dma_start3A_296 = arith.constant 0 : i32
        %dma_start3A_297 = tpu.memref_slice %arg9[%add3A_291, %dma_start3A_296] : memref<128x64xf32, #tpu.memory_space<vmem>> -> memref<1x64xf32, #tpu.memory_space<vmem>>
        %dma_start3A_298 = arith.constant 0 : i32
        %dma_start3A_299 = tpu.memref_slice %arg3[%squeeze3A_287, %dma_start3A_298] : memref<1000000x64xf32, #tpu.memory_space<hbm>> -> memref<1x64xf32, #tpu.memory_space<hbm>>
        tpu.enqueue_dma source(%dma_start3A_299 : memref<1x64xf32, #tpu.memory_space<hbm>>) target(%dma_start3A_297 : memref<1x64xf32, #tpu.memory_space<vmem>>) target_semaphore(%arg13 : memref<!tpu.dma_semaphore, #tpu.memory_space<semaphore_mem>>)
        %slice3A_300 = vector.extract_strided_slice %get3A_259 {offsets = [3], sizes = [1], strides = [1]} : vector<16xi32> to vector<1xi32>
        %squeeze3A_301 = vector.extract %slice3A_300[0] : i32 from vector<1xi32>
        %mul3A_302 = arith.constant 16 : i32
        %mul3A_303 = arith.muli %scan3A_254, %mul3A_302 : i32
        %add3A_304 = arith.constant 3 : i32
        %add3A_305 = arith.addi %mul3A_303, %add3A_304 : i32
        %dma_start3A_306 = arith.constant 0 : i32
        %dma_start3A_307 = tpu.memref_slice %arg9[%add3A_305, %dma_start3A_306] : memref<128x64xf32, #tpu.memory_space<vmem>> -> memref<1x64xf32, #tpu.memory_space<vmem>>
        %dma_start3A_308 = arith.constant 0 : i32
        %dma_start3A_309 = tpu.memref_slice %arg3[%squeeze3A_301, %dma_start3A_308] : memref<1000000x64xf32, #tpu.memory_space<hbm>> -> memref<1x64xf32, #tpu.memory_space<hbm>>
        %dma_start3A_310 = arith.constant 0 : i32
        %dma_start3A_311 = tpu.memref_slice %arg9[%add3A_305, %dma_start3A_310] : memref<128x64xf32, #tpu.memory_space<vmem>> -> memref<1x64xf32, #tpu.memory_space<vmem>>
        %dma_start3A_312 = arith.constant 0 : i32
        %dma_start3A_313 = tpu.memref_slice %arg3[%squeeze3A_301, %dma_start3A_312] : memref<1000000x64xf32, #tpu.memory_space<hbm>> -> memref<1x64xf32, #tpu.memory_space<hbm>>
        tpu.enqueue_dma source(%dma_start3A_313 : memref<1x64xf32, #tpu.memory_space<hbm>>) target(%dma_start3A_311 : memref<1x64xf32, #tpu.memory_space<vmem>>) target_semaphore(%arg13 : memref<!tpu.dma_semaphore, #tpu.memory_space<semaphore_mem>>)
        %slice3A_314 = vector.extract_strided_slice %get3A_259 {offsets = [4], sizes = [1], strides = [1]} : vector<16xi32> to vector<1xi32>
        %squeeze3A_315 = vector.extract %slice3A_314[0] : i32 from vector<1xi32>
        %mul3A_316 = arith.constant 16 : i32
        %mul3A_317 = arith.muli %scan3A_254, %mul3A_316 : i32
        %add3A_318 = arith.constant 4 : i32
        %add3A_319 = arith.addi %mul3A_317, %add3A_318 : i32
        %dma_start3A_320 = arith.constant 0 : i32
        %dma_start3A_321 = tpu.memref_slice %arg9[%add3A_319, %dma_start3A_320] : memref<128x64xf32, #tpu.memory_space<vmem>> -> memref<1x64xf32, #tpu.memory_space<vmem>>
        %dma_start3A_322 = arith.constant 0 : i32
        %dma_start3A_323 = tpu.memref_slice %arg3[%squeeze3A_315, %dma_start3A_322] : memref<1000000x64xf32, #tpu.memory_space<hbm>> -> memref<1x64xf32, #tpu.memory_space<hbm>>
        %dma_start3A_324 = arith.constant 0 : i32
        %dma_start3A_325 = tpu.memref_slice %arg9[%add3A_319, %dma_start3A_324] : memref<128x64xf32, #tpu.memory_space<vmem>> -> memref<1x64xf32, #tpu.memory_space<vmem>>
        %dma_start3A_326 = arith.constant 0 : i32
        %dma_start3A_327 = tpu.memref_slice %arg3[%squeeze3A_315, %dma_start3A_326] : memref<1000000x64xf32, #tpu.memory_space<hbm>> -> memref<1x64xf32, #tpu.memory_space<hbm>>
        tpu.enqueue_dma source(%dma_start3A_327 : memref<1x64xf32, #tpu.memory_space<hbm>>) target(%dma_start3A_325 : memref<1x64xf32, #tpu.memory_space<vmem>>) target_semaphore(%arg13 : memref<!tpu.dma_semaphore, #tpu.memory_space<semaphore_mem>>)
        %slice3A_328 = vector.extract_strided_slice %get3A_259 {offsets = [5], sizes = [1], strides = [1]} : vector<16xi32> to vector<1xi32>
        %squeeze3A_329 = vector.extract %slice3A_328[0] : i32 from vector<1xi32>
        %mul3A_330 = arith.constant 16 : i32
        %mul3A_331 = arith.muli %scan3A_254, %mul3A_330 : i32
        %add3A_332 = arith.constant 5 : i32
        %add3A_333 = arith.addi %mul3A_331, %add3A_332 : i32
        %dma_start3A_334 = arith.constant 0 : i32
        %dma_start3A_335 = tpu.memref_slice %arg9[%add3A_333, %dma_start3A_334] : memref<128x64xf32, #tpu.memory_space<vmem>> -> memref<1x64xf32, #tpu.memory_space<vmem>>
        %dma_start3A_336 = arith.constant 0 : i32
        %dma_start3A_337 = tpu.memref_slice %arg3[%squeeze3A_329, %dma_start3A_336] : memref<1000000x64xf32, #tpu.memory_space<hbm>> -> memref<1x64xf32, #tpu.memory_space<hbm>>
        %dma_start3A_338 = arith.constant 0 : i32
        %dma_start3A_339 = tpu.memref_slice %arg9[%add3A_333, %dma_start3A_338] : memref<128x64xf32, #tpu.memory_space<vmem>> -> memref<1x64xf32, #tpu.memory_space<vmem>>
        %dma_start3A_340 = arith.constant 0 : i32
        %dma_start3A_341 = tpu.memref_slice %arg3[%squeeze3A_329, %dma_start3A_340] : memref<1000000x64xf32, #tpu.memory_space<hbm>> -> memref<1x64xf32, #tpu.memory_space<hbm>>
        tpu.enqueue_dma source(%dma_start3A_341 : memref<1x64xf32, #tpu.memory_space<hbm>>) target(%dma_start3A_339 : memref<1x64xf32, #tpu.memory_space<vmem>>) target_semaphore(%arg13 : memref<!tpu.dma_semaphore, #tpu.memory_space<semaphore_mem>>)
        %slice3A_342 = vector.extract_strided_slice %get3A_259 {offsets = [6], sizes = [1], strides = [1]} : vector<16xi32> to vector<1xi32>
        %squeeze3A_343 = vector.extract %slice3A_342[0] : i32 from vector<1xi32>
        %mul3A_344 = arith.constant 16 : i32
        %mul3A_345 = arith.muli %scan3A_254, %mul3A_344 : i32
        %add3A_346 = arith.constant 6 : i32
        %add3A_347 = arith.addi %mul3A_345, %add3A_346 : i32
        %dma_start3A_348 = arith.constant 0 : i32
        %dma_start3A_349 = tpu.memref_slice %arg9[%add3A_347, %dma_start3A_348] : memref<128x64xf32, #tpu.memory_space<vmem>> -> memref<1x64xf32, #tpu.memory_space<vmem>>
        %dma_start3A_350 = arith.constant 0 : i32
        %dma_start3A_351 = tpu.memref_slice %arg3[%squeeze3A_343, %dma_start3A_350] : memref<1000000x64xf32, #tpu.memory_space<hbm>> -> memref<1x64xf32, #tpu.memory_space<hbm>>
        %dma_start3A_352 = arith.constant 0 : i32
        %dma_start3A_353 = tpu.memref_slice %arg9[%add3A_347, %dma_start3A_352] : memref<128x64xf32, #tpu.memory_space<vmem>> -> memref<1x64xf32, #tpu.memory_space<vmem>>
        %dma_start3A_354 = arith.constant 0 : i32
        %dma_start3A_355 = tpu.memref_slice %arg3[%squeeze3A_343, %dma_start3A_354] : memref<1000000x64xf32, #tpu.memory_space<hbm>> -> memref<1x64xf32, #tpu.memory_space<hbm>>
        tpu.enqueue_dma source(%dma_start3A_355 : memref<1x64xf32, #tpu.memory_space<hbm>>) target(%dma_start3A_353 : memref<1x64xf32, #tpu.memory_space<vmem>>) target_semaphore(%arg13 : memref<!tpu.dma_semaphore, #tpu.memory_space<semaphore_mem>>)
        %slice3A_356 = vector.extract_strided_slice %get3A_259 {offsets = [7], sizes = [1], strides = [1]} : vector<16xi32> to vector<1xi32>
        %squeeze3A_357 = vector.extract %slice3A_356[0] : i32 from vector<1xi32>
        %mul3A_358 = arith.constant 16 : i32
        %mul3A_359 = arith.muli %scan3A_254, %mul3A_358 : i32
        %add3A_360 = arith.constant 7 : i32
        %add3A_361 = arith.addi %mul3A_359, %add3A_360 : i32
        %dma_start3A_362 = arith.constant 0 : i32
        %dma_start3A_363 = tpu.memref_slice %arg9[%add3A_361, %dma_start3A_362] : memref<128x64xf32, #tpu.memory_space<vmem>> -> memref<1x64xf32, #tpu.memory_space<vmem>>
        %dma_start3A_364 = arith.constant 0 : i32
        %dma_start3A_365 = tpu.memref_slice %arg3[%squeeze3A_357, %dma_start3A_364] : memref<1000000x64xf32, #tpu.memory_space<hbm>> -> memref<1x64xf32, #tpu.memory_space<hbm>>
        %dma_start3A_366 = arith.constant 0 : i32
        %dma_start3A_367 = tpu.memref_slice %arg9[%add3A_361, %dma_start3A_366] : memref<128x64xf32, #tpu.memory_space<vmem>> -> memref<1x64xf32, #tpu.memory_space<vmem>>
        %dma_start3A_368 = arith.constant 0 : i32
        %dma_start3A_369 = tpu.memref_slice %arg3[%squeeze3A_357, %dma_start3A_368] : memref<1000000x64xf32, #tpu.memory_space<hbm>> -> memref<1x64xf32, #tpu.memory_space<hbm>>
        tpu.enqueue_dma source(%dma_start3A_369 : memref<1x64xf32, #tpu.memory_space<hbm>>) target(%dma_start3A_367 : memref<1x64xf32, #tpu.memory_space<vmem>>) target_semaphore(%arg13 : memref<!tpu.dma_semaphore, #tpu.memory_space<semaphore_mem>>)
        %slice3A_370 = vector.extract_strided_slice %get3A_259 {offsets = [8], sizes = [1], strides = [1]} : vector<16xi32> to vector<1xi32>
        %squeeze3A_371 = vector.extract %slice3A_370[0] : i32 from vector<1xi32>
        %mul3A_372 = arith.constant 16 : i32
        %mul3A_373 = arith.muli %scan3A_254, %mul3A_372 : i32
        %add3A_374 = arith.constant 8 : i32
        %add3A_375 = arith.addi %mul3A_373, %add3A_374 : i32
        %dma_start3A_376 = arith.constant 0 : i32
        %dma_start3A_377 = tpu.memref_slice %arg9[%add3A_375, %dma_start3A_376] : memref<128x64xf32, #tpu.memory_space<vmem>> -> memref<1x64xf32, #tpu.memory_space<vmem>>
        %dma_start3A_378 = arith.constant 0 : i32
        %dma_start3A_379 = tpu.memref_slice %arg3[%squeeze3A_371, %dma_start3A_378] : memref<1000000x64xf32, #tpu.memory_space<hbm>> -> memref<1x64xf32, #tpu.memory_space<hbm>>
        %dma_start3A_380 = arith.constant 0 : i32
        %dma_start3A_381 = tpu.memref_slice %arg9[%add3A_375, %dma_start3A_380] : memref<128x64xf32, #tpu.memory_space<vmem>> -> memref<1x64xf32, #tpu.memory_space<vmem>>
        %dma_start3A_382 = arith.constant 0 : i32
        %dma_start3A_383 = tpu.memref_slice %arg3[%squeeze3A_371, %dma_start3A_382] : memref<1000000x64xf32, #tpu.memory_space<hbm>> -> memref<1x64xf32, #tpu.memory_space<hbm>>
        tpu.enqueue_dma source(%dma_start3A_383 : memref<1x64xf32, #tpu.memory_space<hbm>>) target(%dma_start3A_381 : memref<1x64xf32, #tpu.memory_space<vmem>>) target_semaphore(%arg13 : memref<!tpu.dma_semaphore, #tpu.memory_space<semaphore_mem>>)
        %slice3A_384 = vector.extract_strided_slice %get3A_259 {offsets = [9], sizes = [1], strides = [1]} : vector<16xi32> to vector<1xi32>
        %squeeze3A_385 = vector.extract %slice3A_384[0] : i32 from vector<1xi32>
        %mul3A_386 = arith.constant 16 : i32
        %mul3A_387 = arith.muli %scan3A_254, %mul3A_386 : i32
        %add3A_388 = arith.constant 9 : i32
        %add3A_389 = arith.addi %mul3A_387, %add3A_388 : i32
        %dma_start3A_390 = arith.constant 0 : i32
        %dma_start3A_391 = tpu.memref_slice %arg9[%add3A_389, %dma_start3A_390] : memref<128x64xf32, #tpu.memory_space<vmem>> -> memref<1x64xf32, #tpu.memory_space<vmem>>
        %dma_start3A_392 = arith.constant 0 : i32
        %dma_start3A_393 = tpu.memref_slice %arg3[%squeeze3A_385, %dma_start3A_392] : memref<1000000x64xf32, #tpu.memory_space<hbm>> -> memref<1x64xf32, #tpu.memory_space<hbm>>
        %dma_start3A_394 = arith.constant 0 : i32
        %dma_start3A_395 = tpu.memref_slice %arg9[%add3A_389, %dma_start3A_394] : memref<128x64xf32, #tpu.memory_space<vmem>> -> memref<1x64xf32, #tpu.memory_space<vmem>>
        %dma_start3A_396 = arith.constant 0 : i32
        %dma_start3A_397 = tpu.memref_slice %arg3[%squeeze3A_385, %dma_start3A_396] : memref<1000000x64xf32, #tpu.memory_space<hbm>> -> memref<1x64xf32, #tpu.memory_space<hbm>>
        tpu.enqueue_dma source(%dma_start3A_397 : memref<1x64xf32, #tpu.memory_space<hbm>>) target(%dma_start3A_395 : memref<1x64xf32, #tpu.memory_space<vmem>>) target_semaphore(%arg13 : memref<!tpu.dma_semaphore, #tpu.memory_space<semaphore_mem>>)
        %slice3A_398 = vector.extract_strided_slice %get3A_259 {offsets = [10], sizes = [1], strides = [1]} : vector<16xi32> to vector<1xi32>
        %squeeze3A_399 = vector.extract %slice3A_398[0] : i32 from vector<1xi32>
        %mul3A_400 = arith.constant 16 : i32
        %mul3A_401 = arith.muli %scan3A_254, %mul3A_400 : i32
        %add3A_402 = arith.constant 10 : i32
        %add3A_403 = arith.addi %mul3A_401, %add3A_402 : i32
        %dma_start3A_404 = arith.constant 0 : i32
        %dma_start3A_405 = tpu.memref_slice %arg9[%add3A_403, %dma_start3A_404] : memref<128x64xf32, #tpu.memory_space<vmem>> -> memref<1x64xf32, #tpu.memory_space<vmem>>
        %dma_start3A_406 = arith.constant 0 : i32
        %dma_start3A_407 = tpu.memref_slice %arg3[%squeeze3A_399, %dma_start3A_406] : memref<1000000x64xf32, #tpu.memory_space<hbm>> -> memref<1x64xf32, #tpu.memory_space<hbm>>
        %dma_start3A_408 = arith.constant 0 : i32
        %dma_start3A_409 = tpu.memref_slice %arg9[%add3A_403, %dma_start3A_408] : memref<128x64xf32, #tpu.memory_space<vmem>> -> memref<1x64xf32, #tpu.memory_space<vmem>>
        %dma_start3A_410 = arith.constant 0 : i32
        %dma_start3A_411 = tpu.memref_slice %arg3[%squeeze3A_399, %dma_start3A_410] : memref<1000000x64xf32, #tpu.memory_space<hbm>> -> memref<1x64xf32, #tpu.memory_space<hbm>>
        tpu.enqueue_dma source(%dma_start3A_411 : memref<1x64xf32, #tpu.memory_space<hbm>>) target(%dma_start3A_409 : memref<1x64xf32, #tpu.memory_space<vmem>>) target_semaphore(%arg13 : memref<!tpu.dma_semaphore, #tpu.memory_space<semaphore_mem>>)
        %slice3A_412 = vector.extract_strided_slice %get3A_259 {offsets = [11], sizes = [1], strides = [1]} : vector<16xi32> to vector<1xi32>
        %squeeze3A_413 = vector.extract %slice3A_412[0] : i32 from vector<1xi32>
        %mul3A_414 = arith.constant 16 : i32
        %mul3A_415 = arith.muli %scan3A_254, %mul3A_414 : i32
        %add3A_416 = arith.constant 11 : i32
        %add3A_417 = arith.addi %mul3A_415, %add3A_416 : i32
        %dma_start3A_418 = arith.constant 0 : i32
        %dma_start3A_419 = tpu.memref_slice %arg9[%add3A_417, %dma_start3A_418] : memref<128x64xf32, #tpu.memory_space<vmem>> -> memref<1x64xf32, #tpu.memory_space<vmem>>
        %dma_start3A_420 = arith.constant 0 : i32
        %dma_start3A_421 = tpu.memref_slice %arg3[%squeeze3A_413, %dma_start3A_420] : memref<1000000x64xf32, #tpu.memory_space<hbm>> -> memref<1x64xf32, #tpu.memory_space<hbm>>
        %dma_start3A_422 = arith.constant 0 : i32
        %dma_start3A_423 = tpu.memref_slice %arg9[%add3A_417, %dma_start3A_422] : memref<128x64xf32, #tpu.memory_space<vmem>> -> memref<1x64xf32, #tpu.memory_space<vmem>>
        %dma_start3A_424 = arith.constant 0 : i32
        %dma_start3A_425 = tpu.memref_slice %arg3[%squeeze3A_413, %dma_start3A_424] : memref<1000000x64xf32, #tpu.memory_space<hbm>> -> memref<1x64xf32, #tpu.memory_space<hbm>>
        tpu.enqueue_dma source(%dma_start3A_425 : memref<1x64xf32, #tpu.memory_space<hbm>>) target(%dma_start3A_423 : memref<1x64xf32, #tpu.memory_space<vmem>>) target_semaphore(%arg13 : memref<!tpu.dma_semaphore, #tpu.memory_space<semaphore_mem>>)
        %slice3A_426 = vector.extract_strided_slice %get3A_259 {offsets = [12], sizes = [1], strides = [1]} : vector<16xi32> to vector<1xi32>
        %squeeze3A_427 = vector.extract %slice3A_426[0] : i32 from vector<1xi32>
        %mul3A_428 = arith.constant 16 : i32
        %mul3A_429 = arith.muli %scan3A_254, %mul3A_428 : i32
        %add3A_430 = arith.constant 12 : i32
        %add3A_431 = arith.addi %mul3A_429, %add3A_430 : i32
        %dma_start3A_432 = arith.constant 0 : i32
        %dma_start3A_433 = tpu.memref_slice %arg9[%add3A_431, %dma_start3A_432] : memref<128x64xf32, #tpu.memory_space<vmem>> -> memref<1x64xf32, #tpu.memory_space<vmem>>
        %dma_start3A_434 = arith.constant 0 : i32
        %dma_start3A_435 = tpu.memref_slice %arg3[%squeeze3A_427, %dma_start3A_434] : memref<1000000x64xf32, #tpu.memory_space<hbm>> -> memref<1x64xf32, #tpu.memory_space<hbm>>
        %dma_start3A_436 = arith.constant 0 : i32
        %dma_start3A_437 = tpu.memref_slice %arg9[%add3A_431, %dma_start3A_436] : memref<128x64xf32, #tpu.memory_space<vmem>> -> memref<1x64xf32, #tpu.memory_space<vmem>>
        %dma_start3A_438 = arith.constant 0 : i32
        %dma_start3A_439 = tpu.memref_slice %arg3[%squeeze3A_427, %dma_start3A_438] : memref<1000000x64xf32, #tpu.memory_space<hbm>> -> memref<1x64xf32, #tpu.memory_space<hbm>>
        tpu.enqueue_dma source(%dma_start3A_439 : memref<1x64xf32, #tpu.memory_space<hbm>>) target(%dma_start3A_437 : memref<1x64xf32, #tpu.memory_space<vmem>>) target_semaphore(%arg13 : memref<!tpu.dma_semaphore, #tpu.memory_space<semaphore_mem>>)
        %slice3A_440 = vector.extract_strided_slice %get3A_259 {offsets = [13], sizes = [1], strides = [1]} : vector<16xi32> to vector<1xi32>
        %squeeze3A_441 = vector.extract %slice3A_440[0] : i32 from vector<1xi32>
        %mul3A_442 = arith.constant 16 : i32
        %mul3A_443 = arith.muli %scan3A_254, %mul3A_442 : i32
        %add3A_444 = arith.constant 13 : i32
        %add3A_445 = arith.addi %mul3A_443, %add3A_444 : i32
        %dma_start3A_446 = arith.constant 0 : i32
        %dma_start3A_447 = tpu.memref_slice %arg9[%add3A_445, %dma_start3A_446] : memref<128x64xf32, #tpu.memory_space<vmem>> -> memref<1x64xf32, #tpu.memory_space<vmem>>
        %dma_start3A_448 = arith.constant 0 : i32
        %dma_start3A_449 = tpu.memref_slice %arg3[%squeeze3A_441, %dma_start3A_448] : memref<1000000x64xf32, #tpu.memory_space<hbm>> -> memref<1x64xf32, #tpu.memory_space<hbm>>
        %dma_start3A_450 = arith.constant 0 : i32
        %dma_start3A_451 = tpu.memref_slice %arg9[%add3A_445, %dma_start3A_450] : memref<128x64xf32, #tpu.memory_space<vmem>> -> memref<1x64xf32, #tpu.memory_space<vmem>>
        %dma_start3A_452 = arith.constant 0 : i32
        %dma_start3A_453 = tpu.memref_slice %arg3[%squeeze3A_441, %dma_start3A_452] : memref<1000000x64xf32, #tpu.memory_space<hbm>> -> memref<1x64xf32, #tpu.memory_space<hbm>>
        tpu.enqueue_dma source(%dma_start3A_453 : memref<1x64xf32, #tpu.memory_space<hbm>>) target(%dma_start3A_451 : memref<1x64xf32, #tpu.memory_space<vmem>>) target_semaphore(%arg13 : memref<!tpu.dma_semaphore, #tpu.memory_space<semaphore_mem>>)
        %slice3A_454 = vector.extract_strided_slice %get3A_259 {offsets = [14], sizes = [1], strides = [1]} : vector<16xi32> to vector<1xi32>
        %squeeze3A_455 = vector.extract %slice3A_454[0] : i32 from vector<1xi32>
        %mul3A_456 = arith.constant 16 : i32
        %mul3A_457 = arith.muli %scan3A_254, %mul3A_456 : i32
        %add3A_458 = arith.constant 14 : i32
        %add3A_459 = arith.addi %mul3A_457, %add3A_458 : i32
        %dma_start3A_460 = arith.constant 0 : i32
        %dma_start3A_461 = tpu.memref_slice %arg9[%add3A_459, %dma_start3A_460] : memref<128x64xf32, #tpu.memory_space<vmem>> -> memref<1x64xf32, #tpu.memory_space<vmem>>
        %dma_start3A_462 = arith.constant 0 : i32
        %dma_start3A_463 = tpu.memref_slice %arg3[%squeeze3A_455, %dma_start3A_462] : memref<1000000x64xf32, #tpu.memory_space<hbm>> -> memref<1x64xf32, #tpu.memory_space<hbm>>
        %dma_start3A_464 = arith.constant 0 : i32
        %dma_start3A_465 = tpu.memref_slice %arg9[%add3A_459, %dma_start3A_464] : memref<128x64xf32, #tpu.memory_space<vmem>> -> memref<1x64xf32, #tpu.memory_space<vmem>>
        %dma_start3A_466 = arith.constant 0 : i32
        %dma_start3A_467 = tpu.memref_slice %arg3[%squeeze3A_455, %dma_start3A_466] : memref<1000000x64xf32, #tpu.memory_space<hbm>> -> memref<1x64xf32, #tpu.memory_space<hbm>>
        tpu.enqueue_dma source(%dma_start3A_467 : memref<1x64xf32, #tpu.memory_space<hbm>>) target(%dma_start3A_465 : memref<1x64xf32, #tpu.memory_space<vmem>>) target_semaphore(%arg13 : memref<!tpu.dma_semaphore, #tpu.memory_space<semaphore_mem>>)
        %slice3A_468 = vector.extract_strided_slice %get3A_259 {offsets = [15], sizes = [1], strides = [1]} : vector<16xi32> to vector<1xi32>
        %squeeze3A_469 = vector.extract %slice3A_468[0] : i32 from vector<1xi32>
        %mul3A_470 = arith.constant 16 : i32
        %mul3A_471 = arith.muli %scan3A_254, %mul3A_470 : i32
        %add3A_472 = arith.constant 15 : i32
        %add3A_473 = arith.addi %mul3A_471, %add3A_472 : i32
        %dma_start3A_474 = arith.constant 0 : i32
        %dma_start3A_475 = tpu.memref_slice %arg9[%add3A_473, %dma_start3A_474] : memref<128x64xf32, #tpu.memory_space<vmem>> -> memref<1x64xf32, #tpu.memory_space<vmem>>
        %dma_start3A_476 = arith.constant 0 : i32
        %dma_start3A_477 = tpu.memref_slice %arg3[%squeeze3A_469, %dma_start3A_476] : memref<1000000x64xf32, #tpu.memory_space<hbm>> -> memref<1x64xf32, #tpu.memory_space<hbm>>
        %dma_start3A_478 = arith.constant 0 : i32
        %dma_start3A_479 = tpu.memref_slice %arg9[%add3A_473, %dma_start3A_478] : memref<128x64xf32, #tpu.memory_space<vmem>> -> memref<1x64xf32, #tpu.memory_space<vmem>>
        %dma_start3A_480 = arith.constant 0 : i32
        %dma_start3A_481 = tpu.memref_slice %arg3[%squeeze3A_469, %dma_start3A_480] : memref<1000000x64xf32, #tpu.memory_space<hbm>> -> memref<1x64xf32, #tpu.memory_space<hbm>>
        tpu.enqueue_dma source(%dma_start3A_481 : memref<1x64xf32, #tpu.memory_space<hbm>>) target(%dma_start3A_479 : memref<1x64xf32, #tpu.memory_space<vmem>>) target_semaphore(%arg13 : memref<!tpu.dma_semaphore, #tpu.memory_space<semaphore_mem>>)
      }
      %scan3A_253 = arith.constant 8 : i32
    }
    %scan3A_42 = arith.constant 49 : i32
    %dma_wait3A_43 = arith.constant 0 : i32
    %dma_wait3A_44 = arith.constant 0 : i32
    %dma_wait3A_45 = tpu.memref_slice %arg3[%dma_wait3A_43, %dma_wait3A_44] : memref<1000000x64xf32, #tpu.memory_space<hbm>> -> memref<128x64xf32, #tpu.memory_space<hbm>>
    %dma_wait3A_46 = arith.constant 0 : i32
    %dma_wait3A_47 = arith.constant 0 : i32
    %dma_wait3A_48 = tpu.memref_slice %arg3[%dma_wait3A_46, %dma_wait3A_47] : memref<1000000x64xf32, #tpu.memory_space<hbm>> -> memref<128x64xf32, #tpu.memory_space<hbm>>
    tpu.wait_dma2 semaphore(%arg11 : memref<!tpu.dma_semaphore, #tpu.memory_space<semaphore_mem>>) src(%dma_wait3A_48 : memref<128x64xf32, #tpu.memory_space<hbm>>) dst(%arg7 : memref<128x64xf32, #tpu.memory_space<vmem>>)
    %dma_start3A_49 = arith.constant 197 : i32
    %dma_start3A_50 = arith.constant 0 : i32
    %dma_start3A_51 = tpu.memref_slice %arg4[%mul3A_2, %dma_start3A_49, %dma_start3A_50] : memref<4096x200x64xf32, #tpu.memory_space<hbm>> -> memref<128x1x64xf32, #tpu.memory_space<hbm>>
    %dma_start3A_52 = tpu.memref_squeeze %dma_start3A_51 : memref<128x1x64xf32, #tpu.memory_space<hbm>> -> memref<128x64xf32, #tpu.memory_space<hbm>>
    %dma_start3A_53 = arith.constant 0 : i32
    %dma_start3A_54 = tpu.memref_slice %arg4[%mul3A_2, %dma_start3A_49, %dma_start3A_53] : memref<4096x200x64xf32, #tpu.memory_space<hbm>> -> memref<128x1x64xf32, #tpu.memory_space<hbm>>
    %dma_start3A_55 = tpu.memref_squeeze %dma_start3A_54 : memref<128x1x64xf32, #tpu.memory_space<hbm>> -> memref<128x64xf32, #tpu.memory_space<hbm>>
    tpu.enqueue_dma source(%arg7 : memref<128x64xf32, #tpu.memory_space<vmem>>) target(%dma_start3A_55 : memref<128x64xf32, #tpu.memory_space<hbm>>) target_semaphore(%arg15 : memref<!tpu.dma_semaphore, #tpu.memory_space<semaphore_mem>>)
    %dma_wait3A_56 = arith.constant 0 : i32
    %dma_wait3A_57 = arith.constant 0 : i32
    %dma_wait3A_58 = tpu.memref_slice %arg3[%dma_wait3A_56, %dma_wait3A_57] : memref<1000000x64xf32, #tpu.memory_space<hbm>> -> memref<128x64xf32, #tpu.memory_space<hbm>>
    %dma_wait3A_59 = arith.constant 0 : i32
    %dma_wait3A_60 = arith.constant 0 : i32
    %dma_wait3A_61 = tpu.memref_slice %arg3[%dma_wait3A_59, %dma_wait3A_60] : memref<1000000x64xf32, #tpu.memory_space<hbm>> -> memref<128x64xf32, #tpu.memory_space<hbm>>
    tpu.wait_dma2 semaphore(%arg12 : memref<!tpu.dma_semaphore, #tpu.memory_space<semaphore_mem>>) src(%dma_wait3A_61 : memref<128x64xf32, #tpu.memory_space<hbm>>) dst(%arg8 : memref<128x64xf32, #tpu.memory_space<vmem>>)
    %dma_start3A_62 = arith.constant 198 : i32
    %dma_start3A_63 = arith.constant 0 : i32
    %dma_start3A_64 = tpu.memref_slice %arg4[%mul3A_2, %dma_start3A_62, %dma_start3A_63] : memref<4096x200x64xf32, #tpu.memory_space<hbm>> -> memref<128x1x64xf32, #tpu.memory_space<hbm>>
    %dma_start3A_65 = tpu.memref_squeeze %dma_start3A_64 : memref<128x1x64xf32, #tpu.memory_space<hbm>> -> memref<128x64xf32, #tpu.memory_space<hbm>>
    %dma_start3A_66 = arith.constant 0 : i32
    %dma_start3A_67 = tpu.memref_slice %arg4[%mul3A_2, %dma_start3A_62, %dma_start3A_66] : memref<4096x200x64xf32, #tpu.memory_space<hbm>> -> memref<128x1x64xf32, #tpu.memory_space<hbm>>
    %dma_start3A_68 = tpu.memref_squeeze %dma_start3A_67 : memref<128x1x64xf32, #tpu.memory_space<hbm>> -> memref<128x64xf32, #tpu.memory_space<hbm>>
    tpu.enqueue_dma source(%arg8 : memref<128x64xf32, #tpu.memory_space<vmem>>) target(%dma_start3A_68 : memref<128x64xf32, #tpu.memory_space<hbm>>) target_semaphore(%arg16 : memref<!tpu.dma_semaphore, #tpu.memory_space<semaphore_mem>>)
    %dma_wait3A_69 = arith.constant 0 : i32
    %dma_wait3A_70 = arith.constant 0 : i32
    %dma_wait3A_71 = tpu.memref_slice %arg3[%dma_wait3A_69, %dma_wait3A_70] : memref<1000000x64xf32, #tpu.memory_space<hbm>> -> memref<128x64xf32, #tpu.memory_space<hbm>>
    %dma_wait3A_72 = arith.constant 0 : i32
    %dma_wait3A_73 = arith.constant 0 : i32
    %dma_wait3A_74 = tpu.memref_slice %arg3[%dma_wait3A_72, %dma_wait3A_73] : memref<1000000x64xf32, #tpu.memory_space<hbm>> -> memref<128x64xf32, #tpu.memory_space<hbm>>
    tpu.wait_dma2 semaphore(%arg13 : memref<!tpu.dma_semaphore, #tpu.memory_space<semaphore_mem>>) src(%dma_wait3A_74 : memref<128x64xf32, #tpu.memory_space<hbm>>) dst(%arg9 : memref<128x64xf32, #tpu.memory_space<vmem>>)
    %dma_start3A_75 = arith.constant 199 : i32
    %dma_start3A_76 = arith.constant 0 : i32
    %dma_start3A_77 = tpu.memref_slice %arg4[%mul3A_2, %dma_start3A_75, %dma_start3A_76] : memref<4096x200x64xf32, #tpu.memory_space<hbm>> -> memref<128x1x64xf32, #tpu.memory_space<hbm>>
    %dma_start3A_78 = tpu.memref_squeeze %dma_start3A_77 : memref<128x1x64xf32, #tpu.memory_space<hbm>> -> memref<128x64xf32, #tpu.memory_space<hbm>>
    %dma_start3A_79 = arith.constant 0 : i32
    %dma_start3A_80 = tpu.memref_slice %arg4[%mul3A_2, %dma_start3A_75, %dma_start3A_79] : memref<4096x200x64xf32, #tpu.memory_space<hbm>> -> memref<128x1x64xf32, #tpu.memory_space<hbm>>
    %dma_start3A_81 = tpu.memref_squeeze %dma_start3A_80 : memref<128x1x64xf32, #tpu.memory_space<hbm>> -> memref<128x64xf32, #tpu.memory_space<hbm>>
    tpu.enqueue_dma source(%arg9 : memref<128x64xf32, #tpu.memory_space<vmem>>) target(%dma_start3A_81 : memref<128x64xf32, #tpu.memory_space<hbm>>) target_semaphore(%arg17 : memref<!tpu.dma_semaphore, #tpu.memory_space<semaphore_mem>>)
    %dma_wait3A_82 = arith.constant 196 : i32
    %dma_wait3A_83 = arith.constant 0 : i32
    %dma_wait3A_84 = tpu.memref_slice %arg4[%mul3A_2, %dma_wait3A_82, %dma_wait3A_83] : memref<4096x200x64xf32, #tpu.memory_space<hbm>> -> memref<128x1x64xf32, #tpu.memory_space<hbm>>
    %dma_wait3A_85 = tpu.memref_squeeze %dma_wait3A_84 : memref<128x1x64xf32, #tpu.memory_space<hbm>> -> memref<128x64xf32, #tpu.memory_space<hbm>>
    %dma_wait3A_86 = arith.constant 0 : i32
    %dma_wait3A_87 = tpu.memref_slice %arg4[%mul3A_2, %dma_wait3A_82, %dma_wait3A_86] : memref<4096x200x64xf32, #tpu.memory_space<hbm>> -> memref<128x1x64xf32, #tpu.memory_space<hbm>>
    %dma_wait3A_88 = tpu.memref_squeeze %dma_wait3A_87 : memref<128x1x64xf32, #tpu.memory_space<hbm>> -> memref<128x64xf32, #tpu.memory_space<hbm>>
    tpu.wait_dma2 semaphore(%arg14 : memref<!tpu.dma_semaphore, #tpu.memory_space<semaphore_mem>>) src(%arg6 : memref<128x64xf32, #tpu.memory_space<vmem>>) dst(%dma_wait3A_88 : memref<128x64xf32, #tpu.memory_space<hbm>>)
    %dma_wait3A_89 = arith.constant 197 : i32
    %dma_wait3A_90 = arith.constant 0 : i32
    %dma_wait3A_91 = tpu.memref_slice %arg4[%mul3A_2, %dma_wait3A_89, %dma_wait3A_90] : memref<4096x200x64xf32, #tpu.memory_space<hbm>> -> memref<128x1x64xf32, #tpu.memory_space<hbm>>
    %dma_wait3A_92 = tpu.memref_squeeze %dma_wait3A_91 : memref<128x1x64xf32, #tpu.memory_space<hbm>> -> memref<128x64xf32, #tpu.memory_space<hbm>>
    %dma_wait3A_93 = arith.constant 0 : i32
    %dma_wait3A_94 = tpu.memref_slice %arg4[%mul3A_2, %dma_wait3A_89, %dma_wait3A_93] : memref<4096x200x64xf32, #tpu.memory_space<hbm>> -> memref<128x1x64xf32, #tpu.memory_space<hbm>>
    %dma_wait3A_95 = tpu.memref_squeeze %dma_wait3A_94 : memref<128x1x64xf32, #tpu.memory_space<hbm>> -> memref<128x64xf32, #tpu.memory_space<hbm>>
    tpu.wait_dma2 semaphore(%arg15 : memref<!tpu.dma_semaphore, #tpu.memory_space<semaphore_mem>>) src(%arg7 : memref<128x64xf32, #tpu.memory_space<vmem>>) dst(%dma_wait3A_95 : memref<128x64xf32, #tpu.memory_space<hbm>>)
    %dma_wait3A_96 = arith.constant 198 : i32
    %dma_wait3A_97 = arith.constant 0 : i32
    %dma_wait3A_98 = tpu.memref_slice %arg4[%mul3A_2, %dma_wait3A_96, %dma_wait3A_97] : memref<4096x200x64xf32, #tpu.memory_space<hbm>> -> memref<128x1x64xf32, #tpu.memory_space<hbm>>
    %dma_wait3A_99 = tpu.memref_squeeze %dma_wait3A_98 : memref<128x1x64xf32, #tpu.memory_space<hbm>> -> memref<128x64xf32, #tpu.memory_space<hbm>>
    %dma_wait3A_100 = arith.constant 0 : i32
    %dma_wait3A_101 = tpu.memref_slice %arg4[%mul3A_2, %dma_wait3A_96, %dma_wait3A_100] : memref<4096x200x64xf32, #tpu.memory_space<hbm>> -> memref<128x1x64xf32, #tpu.memory_space<hbm>>
    %dma_wait3A_102 = tpu.memref_squeeze %dma_wait3A_101 : memref<128x1x64xf32, #tpu.memory_space<hbm>> -> memref<128x64xf32, #tpu.memory_space<hbm>>
    tpu.wait_dma2 semaphore(%arg16 : memref<!tpu.dma_semaphore, #tpu.memory_space<semaphore_mem>>) src(%arg8 : memref<128x64xf32, #tpu.memory_space<vmem>>) dst(%dma_wait3A_102 : memref<128x64xf32, #tpu.memory_space<hbm>>)
    %dma_wait3A_103 = arith.constant 199 : i32
    %dma_wait3A_104 = arith.constant 0 : i32
    %dma_wait3A_105 = tpu.memref_slice %arg4[%mul3A_2, %dma_wait3A_103, %dma_wait3A_104] : memref<4096x200x64xf32, #tpu.memory_space<hbm>> -> memref<128x1x64xf32, #tpu.memory_space<hbm>>
    %dma_wait3A_106 = tpu.memref_squeeze %dma_wait3A_105 : memref<128x1x64xf32, #tpu.memory_space<hbm>> -> memref<128x64xf32, #tpu.memory_space<hbm>>
    %dma_wait3A_107 = arith.constant 0 : i32
    %dma_wait3A_108 = tpu.memref_slice %arg4[%mul3A_2, %dma_wait3A_103, %dma_wait3A_107] : memref<4096x200x64xf32, #tpu.memory_space<hbm>> -> memref<128x1x64xf32, #tpu.memory_space<hbm>>
    %dma_wait3A_109 = tpu.memref_squeeze %dma_wait3A_108 : memref<128x1x64xf32, #tpu.memory_space<hbm>> -> memref<128x64xf32, #tpu.memory_space<hbm>>
    tpu.wait_dma2 semaphore(%arg17 : memref<!tpu.dma_semaphore, #tpu.memory_space<semaphore_mem>>) src(%arg9 : memref<128x64xf32, #tpu.memory_space<vmem>>) dst(%dma_wait3A_109 : memref<128x64xf32, #tpu.memory_space<hbm>>)
    return
  }
}

</mosaic_0001>

<sc_bundles>
// kernel: kernel.3.cloned.1.call-start
scs
__scs_entry_jumppad:
0x0: {  	(pc) =	sbr.rel $0x88, $3  }
0x1: {  	(tag) =	ssettag $0x0;
	lr =	simm.s32 $0x1  }
0x2: {  	[smem:$0x3F9F] =	sst lr;
	_ =	strace $0xD0000000  }
0x3: {  	_ = 	snop  }
0x4: {  	_ = 	snop  }
0x5: {  	_ = 	snop  }
0x6: {  	_ = 	snop  }
0x7: {  	_ = 	snop  }
__scs_overlays_trampoline_lowered:
0x8: {  	[smem:$0x3FAE] =	sst s0  }
0x9: {  	[smem:$0x3FAF] =	sst s1  }
0xa: {  	[smem:$0x3FB0] =	sst s2  }
0xb: {  	[smem:$0x3FB1] =	sst s3  }
0xc: {  	[smem:$0x3FB2] =	sst s4  }
0xd: {  	[smem:$0x3FB3] =	sst s5  }
0xe: {  	[smem:$0x3FB4] =	sst s6  }
0xf: {  	[smem:$0x3FB5] =	sst s7  }
0x10: {  	[smem:$0x3FB6] =	sst s8  }
0x11: {  	[smem:$0x3FB7] =	sst s9;
	s0 =	simm.s32 @!p0 $0x0  }
0x12: {  	s1 =	sld [smem:$0x3F9D];
	s0 =	simm.s32 @p0 $0x1  }
0x13: {  	[smem:$0x3FB8] =	sst s0;
	s0 =	simm.s32 @!p1 $0x0  }
0x14: {  	s2 =	sld [smem:$0x3F9C];
	s0 =	simm.s32 @p1 $0x1  }
0x15: {  	[smem:$0x3FB9] =	sst s0;
	s0 =	simm.s32 @!p2 $0x0  }
0x16: {  	s3 =	sld [smem:$0x3FDB];
	s0 =	simm.s32 @p2 $0x1  }
0x17: {  	s4 =	simm.s32 $0x1BF5;
	[smem:$0x3FBB] =	sst s0  }
0x18: {  	s0 =	sld [smem:$0x3F9E];
	_ =	swait.ge [sflag:s4], $0x0  }
0x19: {  	s7 =	sld [smem:$0x3F9F]  }
0x1a: {  	s8 =	sadd.s32 $0xFFFFE003, lr  }
0x1b: {  	s9 =	sadd.s32 $0xFFFFFEF7, lr;
	s5 =	simm.s32 $0xFFFFFFFF;
	p2 =	slt.u32 s8, $0xFFFFF086  }
0x1c: {  	p1 =	slt.u32 s9, $0xF7A;
	s5 =	simm.s32 @!p2 $0x0  }
0x1d: {  	s5 =	simm.s32 @p1 $0x1;
	p0 =	seq.s32 s7, s2  }
0x1e: {  	s7 =	smul.u32 @!p0 $0xF7A, s2;
	p2 =	seq.s32 @!p0 s5, $0x0  }
0x1f: {  	s9 =	smul.u32 $0xF7A, s1;
	s8 =	simm.s32 @!p0 $0x1BF5;
	p2 =	por !p2, p0  }
0x20: {  	[sflag:s8] =	ssyncset.s32 @!p0 $0xFFFFF086;
	s6 =	sadd.s32 @!p0 s3, s7;
	s7 =	simm.s32 @!p0 $0x108  }
0x21: {  	s3 =	sadd.s32 s3, s9;
	s6 =	sadd.s32 @!p0 $0x88, s6;
	s7 =	simm.s32 @p2 $0x1082  }
0x22: {  	[simem:s7], [sflag:s8] =	dma.local @!p0 [hbm:s6], $0xF7A  }
0x23: {  	s9 =	sor.u32 $0xD0000000, s2;
	s6 =	simm.s32 $0x108;
	_ =	swait.ge @!p0 [sflag:s8], $0x0  }
0x24: {  	s3 =	sadd.s32 $0x88, s3;
	s6 =	simm.s32 @!p1 $0x1082;
	[sflag:s4] =	ssyncset.s32 $0xFFFFF086  }
0x25: {  	[simem:s6], [sflag:s4] =	dma.local [hbm:s3], $0xF7A  }
0x26: {  	[smem:$0x3F9F] =	sst s1;
	(tag) =	ssettag s2;
	_ =	strace s9  }
0x27: {  	s1 =	sld [smem:$0x3FAF]  }
0x28: {  	s2 =	sld [smem:$0x3FB0]  }
0x29: {  	s4 =	sld [smem:$0x3FB2]  }
0x2a: {  	p0 =	seq.s32 s5, $0x0;
	s5 =	sld [smem:$0x3FB3]  }
0x2b: {  	s6 =	sld [smem:$0x3FB4]  }
0x2c: {  	s7 =	sld [smem:$0x3FB5]  }
0x2d: {  	s3 =	simm.s32 $0x108;
	s8 =	sld [smem:$0x3FB6]  }
0x2e: {  	s3 =	simm.s32 @!p0 $0x1082;
	s9 =	sld [smem:$0x3FB7]  }
0x2f: {  	lr =	sadd.s32 s0, s3;
	s0 =	sld [smem:$0x3FAE]  }
0x30: {  	s3 =	sld [smem:$0x3FB1]  }
0x31: {  	[smem:$0x3FBA] =	sst s10  }
0x32: {  	s10 =	sld [smem:$0x3FB8];
	_ =	sdelay $0x3  }
0x33: {  	p0 =	seq.s32 s10, $0x1;
	s10 =	sld [smem:$0x3FBA];
	_ =	sdelay $0x3  }
0x34: {  	[smem:$0x3FBA] =	sst s10  }
0x35: {  	s10 =	sld [smem:$0x3FB9];
	_ =	sdelay $0x3  }
0x36: {  	p1 =	seq.s32 s10, $0x1;
	s10 =	sld [smem:$0x3FBA];
	_ =	sdelay $0x3  }
0x37: {  	[smem:$0x3FBA] =	sst s10  }
0x38: {  	s10 =	sld [smem:$0x3FBB]  }
0x39: {  	_ = 	snop;
	(pc) =	sbr.ind lr, $3  }
0x3a: {  	_ = 	snop  }
0x3b: {  	_ = 	snop  }
0x3c: {  	p2 =	seq.s32 s10, $0x1;
	s10 =	sld [smem:$0x3FBA]  }
0x3d: {  	_ =	shalt  }
0x3e: {  	_ =	shalt  }
0x3f: {  	_ =	shalt  }
0x40: {  	_ =	shalt  }
0x41: {  	_ =	shalt  }
0x42: {  	_ =	shalt  }
0x43: {  	_ =	shalt  }
0x44: {  	_ =	shalt  }
0x45: {  	_ =	shalt  }
0x46: {  	_ =	shalt  }
0x47: {  	_ =	shalt  }
0x48: {  	_ =	shalt  }
0x49: {  	_ =	shalt  }
0x4a: {  	_ =	shalt  }
0x4b: {  	_ =	shalt  }
0x4c: {  	_ =	shalt  }
0x4d: {  	_ =	shalt  }
0x4e: {  	_ =	shalt  }
0x4f: {  	_ =	shalt  }
0x50: {  	_ =	shalt  }
0x51: {  	_ =	shalt  }
0x52: {  	_ =	shalt  }
0x53: {  	_ =	shalt  }
0x54: {  	_ =	shalt  }
0x55: {  	_ =	shalt  }
0x56: {  	_ =	shalt  }
0x57: {  	_ =	shalt  }
0x58: {  	_ =	shalt  }
0x59: {  	_ =	shalt  }
0x5a: {  	_ =	shalt  }
0x5b: {  	_ =	shalt  }
0x5c: {  	_ =	shalt  }
0x5d: {  	_ =	shalt  }
0x5e: {  	_ =	shalt  }
0x5f: {  	_ =	shalt  }
0x60: {  	_ =	shalt  }
0x61: {  	_ =	shalt  }
0x62: {  	_ =	shalt  }
0x63: {  	_ =	shalt  }
0x64: {  	_ =	shalt  }
0x65: {  	_ =	shalt  }
0x66: {  	_ =	shalt  }
0x67: {  	_ =	shalt  }
0x68: {  	_ =	shalt  }
0x69: {  	_ =	shalt  }
0x6a: {  	_ =	shalt  }
0x6b: {  	_ =	shalt  }
0x6c: {  	_ =	shalt  }
0x6d: {  	_ =	shalt  }
0x6e: {  	_ =	shalt  }
0x6f: {  	_ =	shalt  }
0x70: {  	_ =	shalt  }
0x71: {  	_ =	shalt  }
0x72: {  	_ =	shalt  }
0x73: {  	_ =	shalt  }
0x74: {  	_ =	shalt  }
0x75: {  	_ =	shalt  }
0x76: {  	_ =	shalt  }
0x77: {  	_ =	shalt  }
0x78: {  	_ =	shalt  }
0x79: {  	_ =	shalt  }
0x7a: {  	_ =	shalt  }
0x7b: {  	_ =	shalt  }
0x7c: {  	_ =	shalt  }
0x7d: {  	_ =	shalt  }
0x7e: {  	_ =	shalt  }
0x7f: {  	_ =	shalt  }
0x80: {  	_ =	shalt  }
0x81: {  	_ =	shalt  }
0x82: {  	_ =	shalt  }
0x83: {  	_ =	shalt  }
0x84: {  	_ =	shalt  }
0x85: {  	_ =	shalt  }
0x86: {  	_ =	shalt  }
0x87: {  	_ =	shalt  }
.Lfunc_end0:
.L_simem_size_0:
called_computation_lowered:
.L_overlay_start_0:
0x88: {  	s2 =	sld [smem:$0x3FD9]  }
0x89: {  	s3 =	sld [smem:$0x3FFE];
	_ =	sdelay $0x1  }
0x8a: {  	s1 =	srdreg.scid  }
0x8b: {  	s0 =	sand.u32 $0x1, s1  }
0x8c: {  	s17 =	sshll.u32 s0, $0xA;
	s2 =	sadd.s32 s3, s2  }
0x8d: {  	s2 =	sadd.s32 s2, s17  }
0x8e: {  	[smem:$0x3FC6] =	sst s2  }
0x8f: {  	_ = 	snop  }
0x90: {  	s2 =	sld [smem:$0x3FC9];
	(tm) =	ssettm $0x1  }
0x91: {  	s18 =	sld [smem:$0x3FFB];
	_ =	sdelay $0x3  }
0x92: {  	_ =	strace s18  }
0x93: {  	s3 =	sld [smem:$0x3FFC];
	_ =	sdelay $0x3  }
0x94: {  	_ =	strace s3  }
0x95: {  	s3 =	sld [smem:$0x3FFD];
	_ =	sdelay $0x3  }
0x96: {  	_ =	strace s3  }
0x97: {  	_ =	strace $0x8FFFFFFF  }
0x98: {  	s19 =	sld [smem:$0x3FDB];
	_ =	sdelay $0x1  }
0x99: {  	s4 =	simm.s32 $_scs_section_size  }
0x9a: {  	s5 =	simm.s32 $_size__tile_overlayer_lowered;
	s6 =	simm.s32 $_tile_overlayer_lowered  }
0x9b: {  	s22 =	simm.s32 $0x1BFF;
	s21 =	sshll.u32 s6, $0x1;
	s3 =	sadd.s32 s4, s19  }
0x9c: {  	s7 =	simm.s32 $0x0;
	s20 =	sshll.u32 s5, $0x1;
	s5 =	sadd.s32 s21, s3  }
0x9d: {  	[timem:s7], [sflag:s22] =	dma.local [hbm:s5], s20  }
0x9e: {  	_ =	swait.ge [sflag:s22], s20  }
0x9f: {  	s4 =	ssub.s32 $0x0, s20;
	[sflag:s22] =	ssyncset.done $0x0  }
0xa0: {  	[sflag:s22] =	ssyncadd.s32 s4;
	_ =	sdelay $0x1  }
0xa1: {  	s23 =	simm.s32 $0x1B8B  }
0xa2: {  	_ =	swait.ge [sflag:s23], $0x1  }
0xa3: {  	[sflag:s23] =	ssyncset.done $0x0  }
0xa4: {  	s25 =	simm.s32 $0x1B8E;
	s24 =	sld [smem:$0x3FFE];
	[sflag:s23] =	ssyncadd.s32 $0xFFFFFFFF  }
0xa5: {  	s26 =	simm.s32 $execute0_lowered;
	[smem:$0x3FD2] =	sst s25  }
0xa6: {  	s5 =	sshll.u32 s26, $0x1;
	_ =	strace $0x80000046;
	[dreg:$0x1] =	wrdreg $0xFFFFFFFF  }
0xa7: {  	s28 =	simm.s32 $_size_execute0_lowered;
	s3 =	sadd.s32 s3, s5;
	[dreg:$0x0] =	wrdreg $0x0  }
0xa8: {  	s5 =	sshll.u32 s28, $0x1;
	[dreg:$0x2] =	wrdreg s3  }
0xa9: {  	[dreg:$0x3] =	wrdreg s5  }
0xaa: {  	[dreg:$0x4] =	wrdreg $0xC0  }
0xab: {  	_ =	task [dreg:s7], $0x5FFFF  }
0xac: {  	[dreg:$0x1] =	wrdreg $0xFFFFFFFF  }
0xad: {  	[dreg:$0x0] =	wrdreg $0x60  }
0xae: {  	[dreg:$0x2] =	wrdreg s2  }
0xaf: {  	[dreg:$0x3] =	wrdreg s24  }
0xb0: {  	[dreg:$0x4] =	wrdreg $0x9  }
0xb1: {  	_ =	task.clear_ibuf [dreg:s7], $0x5FFFF;
	_ =	strace $0x90000046  }
0xb2: {  	s29 =	simm.s32 $0x9;
	_ =	strace $0x80000048  }
0xb3: {  	_ =	swait.ge [sflag:s29], $0x1  }
0xb4: {  	[sflag:s29] =	ssyncadd.s32 $0xFFFFFFFF  }
0xb5: {  	_ =	strace $0x90000048  }
0xb6: {  	_ =	sfence  }
0xb7: {  	s30 =	sld [smem:$0x0];
	_ =	sdelay $0x2  }
0xb8: {  	s31 =	sshll.u32 s1, $0xD;
	s1 =	sshrl.u32 s1, $0x2  }
0xb9: {  	s3 =	sand.u32 $0x4000, s31;
	s1 =	sadd.s32 s1, s30  }
0xba: {  	s0 =	sor.u32 s3, s0;
	s1 =	sshll.u32 s1, $0x11  }
0xbb: {  	s0 =	sor.u32 s1, s0  }
0xbc: {  	s0 =	sadd.s32 $0x8F2B, s0  }
0xbd: {  	[sflag:s0] =	ssyncadd.remote.s32 $0x1  }
0xbe: {  	_ =	sfence.sel $0xFFFF  }
0xbf: {  	[dreg:$0x0] =	wrdreg $0xFFFFFFFF;
	(pc) =	sbr.abs _section_cstart, $3  }
0xc0: {  	[dreg:$0x1] =	wrdreg $0xFFFFFFFF  }
0xc1: {  	_ =	task.clear_ibuf [dreg:s7], $0x2FFFF;
	_ =	strace $0x9FFFFFFF  }
0xc2: {  	(tm) =	ssettm $0x7FFFFFFF  }
0xc3: {  	_ =	shalt  }
tec
execute0_lowered:
.L_overlay_start_1:
0x0: {  	(tag) =	ssettag $0x1  }
0x1: {  	s0 =	rddreg [dreg:$0x0]  }
0x2: {  	s1 =	rddreg [dreg:$0x1]  }
0x3: {  	s3 =	srdreg.scid;
	s4 =	stileid.u32;
	s2 =	simm.s32 $0x0  }
0x4: {  	s6 =	sand.u32 $0x1, s3;
	s25 =	sshll.u32 s4, $0x1;
	[smem:$0x7FF] =	sst s2  }
0x5: {  	s4 =	sadd.s32 $0x400, s1;
	s5 =	sadd.s32 $0xF42800, s1;
	s7 =	sor.u32 s6, s25  }
0x6: {  	_ =	strace $0x80000047;
	s26 =	ssub.s32 $0x2, s6;
	s3 =	smul.u32 $0x320000, s7  }
0x7: {  	[dreg:$0x4] =	wrdreg s5;
	s6 =	sshrl.u32 s26, $0x1;
	s7 =	sshll.u32 s7, $0x7  }
0x8: {  	s1 =	ssub.s32 s26, s6;
	s0 =	sadd.s32 s0, s7;
	[dreg:$0x3] =	wrdreg s3  }
0x9: {  	s8 =	sshrl.u32 s3, $0x3;
	[dreg:$0x5] =	wrdreg s0;
	s31 =	smax.u32 s1, $0x1  }
0xa: {  	s28 =	sadd.s32 s5, s8;
	[dreg:$0xa] =	wrdreg s31  }
0xb: {  	s29 =	sadd.s32 $0xC50, s28;
	[dreg:$0x6] =	wrdreg s28  }
0xc: {  	s30 =	sadd.s32 $0xC60, s28;
	[dreg:$0x7] =	wrdreg s29  }
0xd: {  	s16 =	simm.s32 $0x80;
	s0 =	sadd.s32 $0xC70, s28;
	[dreg:$0x8] =	wrdreg s30  }
0xe: {  	s17 =	simm.s32 $0x6400;
	s3 =	simm.s32 $0x0;
	[dreg:$0x9] =	wrdreg s0  }
.LBB2_1:
0xf: {  	[dreg:$0xb] =	wrdreg s3  }
0x10: {  	s0 =	rddreg [dreg:$0x5]  }
0x11: {  	s1 =	simm.s32 $0x400;
	s30 =	simm.s32 $0x8000;
	s31 =	simm.s32 $0x9  }
0x12: {  	[tilespmem:s2], [sflag:$0x9] =	stream.strided.gather [hbm4b:s0+s1], $0x6400, s30, s1, $0x38;
	[tilespmem:$0x16400] =	vst v63  }
0x13: {  	_ =	swait.ge [sflag:s31], $0x6400  }
0x14: {  	[sflag:s31] =	ssyncset.done $0x0  }
0x15: {  	[sflag:s31] =	ssyncadd.s32 $0xFFFF9C00  }
0x16: {  	v0 =	vld [tilespmem:s2+$0x0];
	_ =	sdelay $0x4  }
0x17: {  	v0 =	vshll.u32 v0, $0x4  }
0x18: {  	(v2sf) =	vpush v0, $0x0  }
0x19: {  	(v2sf) =	vpush v0, $0x1  }
0x1a: {  	(v2sf) =	vpush v0, $0x2;
	_ =	sdelay $0x1  }
0x1b: {  	(v2sf) =	vpush v0, $0x4;
	_ =	sdelay $0x1  }
0x1c: {  	(v2sf) =	vpush v0, $0x3  }
0x1d: {  	(v2sf) =	vpush v0, $0x5  }
0x1e: {  	s6 =	simm.s32 $0x2000;
	s8 =	simm.s32 $0x0;
	s1 =	simm.s32 $0x0;
	(v2sf) =	vpush v0, $0x6  }
.LBB2_2:
0x1f: {  	p0 =	sne.s32 s6, $0xE000  }
0x20: {  	s18 =	sadd.s32 $0x6480, s1;
	s12 =	sadd.s32 $0x6980, s1;
	s9 =	smov.u32 s6  }
0x21: {  	s6 =	sadd.s32 $0x2000, s6;
	s14 =	sadd.s32 $0x6780, s1;
	s10 =	sadd.s32 $0x6A00, s1;
	(v2sf) =	vpush v0, $0x7  }
0x22: {  	s15 =	sadd.s32 $0x6680, s1;
	s7 =	sadd.s32 $0x6800, s1;
	s11 =	sadd.s32 $0x6A80, s1  }
0x23: {  	s22 =	sadd.s32 $0x6400, s1;
	s25 =	sadd.s32 $0x6600, s1;
	(v2sf) =	vpush v0, $0x8  }
0x24: {  	s0 =	simm.s32 $0x0;
	s29 =	sadd.s32 $0x6700, s1;
	s8 =	sadd.s32 $0x10, s8  }
0x25: {  	s30 =	sadd.s32 $0x6500, s1;
	s13 =	sadd.s32 $0x6900, s1;
	s19 =	spop (v2sf);
	(v2sf) =	vpush v0, $0x9  }
0x26: {  	s31 =	sand.u32 $0x1FFFFFF0, s19;
	s19 =	sadd.s32 $0x6880, s1;
	s20 =	spop (v2sf)  }
0x27: {  	s31 =	sadd.s32 s4, s31;
	s20 =	sand.u32 $0x1FFFFFF0, s20;
	s21 =	spop (v2sf);
	(v2sf) =	vpush v0, $0xA  }
0x28: {  	[tilespmem:s22], [sflag:$0x1] =	stream.linear.gather [hbm4b:s31+s0], $0x80, $0x38;
	[tilespmem:$0x16400] =	vst v63  }
0x29: {  	s20 =	sadd.s32 s4, s20;
	s22 =	sadd.s32 $0x6580, s1;
	s31 =	spop (v2sf);
	(v2sf) =	vpush v0, $0xB  }
0x2a: {  	[tilespmem:s18], [sflag:$0x1] =	stream.linear.gather [hbm4b:s20+s0], $0x80, $0x38;
	[tilespmem:$0x16400] =	vst v63  }
0x2b: {  	s18 =	sand.u32 $0x1FFFFFF0, s21;
	s20 =	sand.u32 $0x1FFFFFF0, s31;
	s21 =	spop (v2sf);
	(v2sf) =	vpush v0, $0xC  }
0x2c: {  	s18 =	sadd.s32 s4, s18;
	s21 =	sand.u32 $0x1FFFFFF0, s21;
	s31 =	spop (v2sf)  }
0x2d: {  	[tilespmem:s30], [sflag:$0x1] =	stream.linear.gather [hbm4b:s18+s0], $0x80, $0x38;
	(v2sf) =	vpush v0, $0xD;
	[tilespmem:$0x16400] =	vst v63  }
0x2e: {  	s18 =	sadd.s32 s4, s21;
	s21 =	sand.u32 $0x1FFFFFF0, s31;
	s30 =	spop (v2sf)  }
0x2f: {  	[tilespmem:s22], [sflag:$0x1] =	stream.linear.gather [hbm4b:s18+s0], $0x80, $0x38;
	(v2sf) =	vpush v0, $0xE;
	[tilespmem:$0x16400] =	vst v63  }
0x30: {  	s18 =	sadd.s32 s4, s20;
	s20 =	sand.u32 $0x1FFFFFF0, s30;
	s22 =	spop (v2sf)  }
0x31: {  	[tilespmem:s25], [sflag:$0x1] =	stream.linear.gather [hbm4b:s18+s0], $0x80, $0x38;
	(v2sf) =	vpush v0, $0xF;
	[tilespmem:$0x16400] =	vst v63  }
0x32: {  	s18 =	sadd.s32 s4, s21;
	s21 =	sand.u32 $0x1FFFFFF0, s22;
	s22 =	spop (v2sf)  }
0x33: {  	[tilespmem:s15], [sflag:$0x1] =	stream.linear.gather [hbm4b:s18+s0], $0x80, $0x38;
	[tilespmem:$0x16400] =	vst v63  }
0x34: {  	s15 =	sadd.s32 s4, s20;
	s18 =	sand.u32 $0x1FFFFFF0, s22;
	s20 =	spop (v2sf)  }
0x35: {  	[tilespmem:s29], [sflag:$0x1] =	stream.linear.gather [hbm4b:s15+s0], $0x80, $0x38;
	[tilespmem:$0x16400] =	vst v63  }
0x36: {  	s15 =	sadd.s32 s4, s21;
	s20 =	sand.u32 $0x1FFFFFF0, s20;
	s21 =	spop (v2sf)  }
0x37: {  	[tilespmem:s14], [sflag:$0x1] =	stream.linear.gather [hbm4b:s15+s0], $0x80, $0x38;
	[tilespmem:$0x16400] =	vst v63  }
0x38: {  	s14 =	sadd.s32 s4, s18;
	s15 =	sand.u32 $0x1FFFFFF0, s21;
	s18 =	spop (v2sf)  }
0x39: {  	[tilespmem:s7], [sflag:$0x1] =	stream.linear.gather [hbm4b:s14+s0], $0x80, $0x38;
	[tilespmem:$0x16400] =	vst v63  }
0x3a: {  	s7 =	sadd.s32 s4, s20;
	s14 =	sand.u32 $0x1FFFFFF0, s18;
	s18 =	spop (v2sf)  }
0x3b: {  	[tilespmem:s19], [sflag:$0x1] =	stream.linear.gather [hbm4b:s7+s0], $0x80, $0x38;
	[tilespmem:$0x16400] =	vst v63  }
0x3c: {  	s7 =	sadd.s32 s4, s15;
	s15 =	sand.u32 $0x1FFFFFF0, s18;
	s18 =	spop (v2sf)  }
0x3d: {  	[tilespmem:s13], [sflag:$0x1] =	stream.linear.gather [hbm4b:s7+s0], $0x80, $0x38;
	[tilespmem:$0x16400] =	vst v63  }
0x3e: {  	s7 =	sadd.s32 s4, s14;
	s13 =	sand.u32 $0x1FFFFFF0, s18;
	s14 =	spop (v2sf)  }
0x3f: {  	[tilespmem:s12], [sflag:$0x1] =	stream.linear.gather [hbm4b:s7+s0], $0x80, $0x38;
	[tilespmem:$0x16400] =	vst v63  }
0x40: {  	s7 =	sadd.s32 s4, s15;
	s12 =	sand.u32 $0x1FFFFFF0, s14;
	s14 =	spop (v2sf)  }
0x41: {  	[tilespmem:s10], [sflag:$0x1] =	stream.linear.gather [hbm4b:s7+s0], $0x80, $0x38;
	[tilespmem:$0x16400] =	vst v63  }
0x42: {  	s7 =	sadd.s32 s4, s13;
	s10 =	sand.u32 $0x1FFFFFF0, s14  }
0x43: {  	[tilespmem:s11], [sflag:$0x1] =	stream.linear.gather [hbm4b:s7+s0], $0x80, $0x38;
	[tilespmem:$0x16400] =	vst v63  }
0x44: {  	s7 =	sadd.s32 $0x6B00, s1;
	s11 =	sadd.s32 s4, s12  }
0x45: {  	[tilespmem:s7], [sflag:$0x1] =	stream.linear.gather [hbm4b:s11+s0], $0x80, $0x38;
	[tilespmem:$0x16400] =	vst v63  }
0x46: {  	s1 =	sadd.s32 $0x6B80, s1;
	s7 =	sadd.s32 s4, s10  }
0x47: {  	[tilespmem:s1], [sflag:$0x1] =	stream.linear.gather [hbm4b:s7+s0], $0x80, $0x38;
	[tilespmem:$0x16400] =	vst v63  }
0x48: {  	v0 =	vld [tilespmem:s8+$0x0];
	_ =	sdelay $0x4  }
0x49: {  	v0 =	vshll.u32 v0, $0x4  }
0x4a: {  	(v2sf) =	vpush v0, $0x0  }
0x4b: {  	(v2sf) =	vpush v0, $0x1  }
0x4c: {  	(v2sf) =	vpush v0, $0x2;
	_ =	sdelay $0x1  }
0x4d: {  	(v2sf) =	vpush v0, $0x4  }
.Ltmp0:
0x4e: {  	(pc) =	sbr.rel @p0 .LBB2_2-.Ltmp0, $3  }
0x4f: {  	(v2sf) =	vpush v0, $0x3  }
0x50: {  	(v2sf) =	vpush v0, $0x5;
	_ =	sdelay $0x1  }
0x51: {  	s1 =	sshra.s32 s9, $0x2;
	(v2sf) =	vpush v0, $0x6  }
0x52: {  	_ =	sdelay $0x1  }
0x53: {  	s9 =	sadd.s32 $0x6480, s1;
	s8 =	sadd.s32 $0x6980, s1  }
0x54: {  	s10 =	sadd.s32 $0x6780, s1;
	s6 =	sadd.s32 $0x6A00, s1;
	(v2sf) =	vpush v0, $0x7;
	s11 =	sadd.s32 $0x6680, s1  }
0x55: {  	s12 =	sadd.s32 $0x6800, s1;
	s7 =	sadd.s32 $0x6A80, s1;
	s13 =	sadd.s32 $0x6400, s1  }
0x56: {  	s14 =	sadd.s32 $0x6600, s1;
	s15 =	sadd.s32 $0x6700, s1;
	(v2sf) =	vpush v0, $0x8;
	s18 =	spop (v2sf)  }
0x57: {  	s19 =	sadd.s32 $0x6500, s1;
	s18 =	sand.u32 $0x1FFFFFF0, s18;
	s20 =	spop (v2sf)  }
0x58: {  	(v2sf) =	vpush v0, $0x9;
	s18 =	sadd.s32 s4, s18;
	s20 =	sand.u32 $0x1FFFFFF0, s20;
	s21 =	spop (v2sf)  }
0x59: {  	[tilespmem:s13], [sflag:$0x1] =	stream.linear.gather [hbm4b:s18+s0], $0x80, $0x38;
	[tilespmem:$0x16400] =	vst v63  }
0x5a: {  	s22 =	sadd.s32 $0x6580, s1;
	(v2sf) =	vpush v0, $0xA;
	s30 =	sadd.s32 s4, s20;
	s31 =	spop (v2sf)  }
0x5b: {  	[tilespmem:s9], [sflag:$0x1] =	stream.linear.gather [hbm4b:s30+s0], $0x80, $0x38;
	[tilespmem:$0x16400] =	vst v63  }
0x5c: {  	s13 =	sadd.s32 $0x6900, s1;
	s3 =	sand.u32 $0x1FFFFFF0, s21;
	(v2sf) =	vpush v0, $0xB;
	s5 =	spop (v2sf)  }
0x5d: {  	s18 =	sadd.s32 s4, s3;
	s9 =	sadd.s32 $0x6880, s1;
	s21 =	sand.u32 $0x1FFFFFF0, s5  }
0x5e: {  	(v2sf) =	vpush v0, $0xC;
	[tilespmem:s19], [sflag:$0x1] =	stream.linear.gather [hbm4b:s18+s0], $0x80, $0x38;
	[tilespmem:$0x16400] =	vst v63  }
0x5f: {  	s23 =	sand.u32 $0x1FFFFFF0, s31;
	s24 =	spop (v2sf);
	s25 =	sadd.s32 s4, s21  }
0x60: {  	(v2sf) =	vpush v0, $0xD;
	[tilespmem:s22], [sflag:$0x1] =	stream.linear.gather [hbm4b:s25+s0], $0x80, $0x38;
	[tilespmem:$0x16400] =	vst v63  }
0x61: {  	s18 =	sadd.s32 s4, s23;
	s19 =	sand.u32 $0x1FFFFFF0, s24;
	s26 =	spop (v2sf)  }
0x62: {  	(v2sf) =	vpush v0, $0xE;
	[tilespmem:s14], [sflag:$0x1] =	stream.linear.gather [hbm4b:s18+s0], $0x80, $0x38;
	[tilespmem:$0x16400] =	vst v63  }
0x63: {  	s19 =	sadd.s32 s4, s19;
	s28 =	sand.u32 $0x1FFFFFF0, s26;
	s29 =	spop (v2sf)  }
0x64: {  	(v2sf) =	vpush v0, $0xF;
	[tilespmem:s11], [sflag:$0x1] =	stream.linear.gather [hbm4b:s19+s0], $0x80, $0x38;
	[tilespmem:$0x16400] =	vst v63  }
0x65: {  	s30 =	sand.u32 $0x1FFFFFF0, s29;
	s31 =	spop (v2sf);
	s14 =	sadd.s32 s4, s28  }
0x66: {  	[tilespmem:s15], [sflag:$0x1] =	stream.linear.gather [hbm4b:s14+s0], $0x80, $0x38;
	[tilespmem:$0x16400] =	vst v63  }
0x67: {  	s3 =	sand.u32 $0x1FFFFFF0, s31;
	s11 =	sadd.s32 s4, s30;
	s5 =	spop (v2sf)  }
0x68: {  	[tilespmem:s10], [sflag:$0x1] =	stream.linear.gather [hbm4b:s11+s0], $0x80, $0x38;
	[tilespmem:$0x16400] =	vst v63  }
0x69: {  	s14 =	sadd.s32 s4, s3;
	s15 =	sand.u32 $0x1FFFFFF0, s5;
	s18 =	spop (v2sf)  }
0x6a: {  	[tilespmem:s12], [sflag:$0x1] =	stream.linear.gather [hbm4b:s14+s0], $0x80, $0x38;
	[tilespmem:$0x16400] =	vst v63  }
0x6b: {  	s11 =	sand.u32 $0x1FFFFFF0, s18;
	s10 =	sadd.s32 s4, s15;
	s19 =	spop (v2sf)  }
0x6c: {  	[tilespmem:s9], [sflag:$0x1] =	stream.linear.gather [hbm4b:s10+s0], $0x80, $0x38;
	[tilespmem:$0x16400] =	vst v63  }
0x6d: {  	s11 =	sadd.s32 s4, s11;
	s20 =	sand.u32 $0x1FFFFFF0, s19;
	s21 =	spop (v2sf)  }
0x6e: {  	[tilespmem:s13], [sflag:$0x1] =	stream.linear.gather [hbm4b:s11+s0], $0x80, $0x38;
	[tilespmem:$0x16400] =	vst v63  }
0x6f: {  	s9 =	sadd.s32 s4, s20;
	s10 =	sand.u32 $0x1FFFFFF0, s21;
	s22 =	spop (v2sf)  }
0x70: {  	[tilespmem:s8], [sflag:$0x1] =	stream.linear.gather [hbm4b:s9+s0], $0x80, $0x38;
	[tilespmem:$0x16400] =	vst v63  }
0x71: {  	s23 =	sand.u32 $0x1FFFFFF0, s22;
	s10 =	sadd.s32 s4, s10;
	s24 =	spop (v2sf)  }
0x72: {  	[tilespmem:s6], [sflag:$0x1] =	stream.linear.gather [hbm4b:s10+s0], $0x80, $0x38;
	[tilespmem:$0x16400] =	vst v63  }
0x73: {  	s25 =	sand.u32 $0x1FFFFFF0, s24;
	s26 =	spop (v2sf);
	s8 =	sadd.s32 s4, s23  }
0x74: {  	[tilespmem:s7], [sflag:$0x1] =	stream.linear.gather [hbm4b:s8+s0], $0x80, $0x38;
	[tilespmem:$0x16400] =	vst v63  }
0x75: {  	s29 =	sadd.s32 $0x6B00, s1;
	s28 =	sand.u32 $0x1FFFFFF0, s26;
	s6 =	sadd.s32 s4, s25  }
0x76: {  	[tilespmem:s29], [sflag:$0x1] =	stream.linear.gather [hbm4b:s6+s0], $0x80, $0x38;
	[tilespmem:$0x16400] =	vst v63  }
0x77: {  	s30 =	sadd.s32 $0x6B80, s1;
	s31 =	sadd.s32 s4, s28;
	s6 =	simm.s32 $0x80  }
0x78: {  	[tilespmem:s30], [sflag:$0x1] =	stream.linear.gather [hbm4b:s31+s0], $0x80, $0x38;
	[tilespmem:$0x16400] =	vst v63  }
0x79: {  	v0 =	vld [tilespmem:s6+$0x0];
	_ =	sdelay $0x4  }
0x7a: {  	v0 =	vshll.u32 v0, $0x4  }
0x7b: {  	(v2sf) =	vpush v0, $0x0  }
0x7c: {  	(v2sf) =	vpush v0, $0x1  }
0x7d: {  	(v2sf) =	vpush v0, $0x2;
	_ =	sdelay $0x1  }
0x7e: {  	(v2sf) =	vpush v0, $0x4;
	_ =	sdelay $0x1  }
0x7f: {  	(v2sf) =	vpush v0, $0x3  }
0x80: {  	(v2sf) =	vpush v0, $0x5  }
0x81: {  	s1 =	simm.s32 $0x0;
	s8 =	simm.s32 $0x2000;
	(v2sf) =	vpush v0, $0x6  }
.LBB2_4:
0x82: {  	p0 =	sne.s32 s8, $0xE000  }
0x83: {  	s18 =	sadd.s32 $0xA480, s1;
	s7 =	sadd.s32 $0xA980, s1;
	s9 =	smov.u32 s8  }
0x84: {  	s8 =	sadd.s32 $0x2000, s8;
	s14 =	sadd.s32 $0xA780, s1;
	s10 =	sadd.s32 $0xAA00, s1;
	(v2sf) =	vpush v0, $0x7  }
0x85: {  	s15 =	sadd.s32 $0xA680, s1;
	s13 =	sadd.s32 $0xA800, s1;
	s11 =	sadd.s32 $0xAA80, s1  }
0x86: {  	s20 =	sadd.s32 $0xA400, s1;
	s21 =	sadd.s32 $0xA600, s1;
	(v2sf) =	vpush v0, $0x8  }
0x87: {  	s22 =	sadd.s32 $0xA700, s1;
	s6 =	sadd.s32 $0x10, s6  }
0x88: {  	s25 =	sadd.s32 $0xA500, s1;
	s12 =	sadd.s32 $0xA900, s1;
	s19 =	spop (v2sf);
	(v2sf) =	vpush v0, $0x9  }
0x89: {  	s29 =	sand.u32 $0x1FFFFFF0, s19;
	s19 =	sadd.s32 $0xA880, s1;
	s30 =	spop (v2sf)  }
0x8a: {  	s29 =	sadd.s32 s4, s29;
	s30 =	sand.u32 $0x1FFFFFF0, s30;
	s31 =	spop (v2sf);
	(v2sf) =	vpush v0, $0xA  }
0x8b: {  	[tilespmem:s20], [sflag:$0x2] =	stream.linear.gather [hbm4b:s29+s0], $0x80, $0x38;
	[tilespmem:$0x16400] =	vst v63  }
0x8c: {  	s20 =	sadd.s32 s4, s30;
	s29 =	sadd.s32 $0xA580, s1;
	s30 =	spop (v2sf);
	(v2sf) =	vpush v0, $0xB  }
0x8d: {  	[tilespmem:s18], [sflag:$0x2] =	stream.linear.gather [hbm4b:s20+s0], $0x80, $0x38;
	[tilespmem:$0x16400] =	vst v63  }
0x8e: {  	s18 =	sand.u32 $0x1FFFFFF0, s31;
	s20 =	sand.u32 $0x1FFFFFF0, s30;
	s30 =	spop (v2sf);
	(v2sf) =	vpush v0, $0xC  }
0x8f: {  	s18 =	sadd.s32 s4, s18;
	s30 =	sand.u32 $0x1FFFFFF0, s30;
	s31 =	spop (v2sf)  }
0x90: {  	[tilespmem:s25], [sflag:$0x2] =	stream.linear.gather [hbm4b:s18+s0], $0x80, $0x38;
	(v2sf) =	vpush v0, $0xD;
	[tilespmem:$0x16400] =	vst v63  }
0x91: {  	s18 =	sadd.s32 s4, s30;
	s25 =	sand.u32 $0x1FFFFFF0, s31;
	s30 =	spop (v2sf)  }
0x92: {  	[tilespmem:s29], [sflag:$0x2] =	stream.linear.gather [hbm4b:s18+s0], $0x80, $0x38;
	(v2sf) =	vpush v0, $0xE;
	[tilespmem:$0x16400] =	vst v63  }
0x93: {  	s18 =	sadd.s32 s4, s20;
	s20 =	sand.u32 $0x1FFFFFF0, s30;
	s29 =	spop (v2sf)  }
0x94: {  	[tilespmem:s21], [sflag:$0x2] =	stream.linear.gather [hbm4b:s18+s0], $0x80, $0x38;
	(v2sf) =	vpush v0, $0xF;
	[tilespmem:$0x16400] =	vst v63  }
0x95: {  	s18 =	sadd.s32 s4, s25;
	s21 =	sand.u32 $0x1FFFFFF0, s29;
	s25 =	spop (v2sf)  }
0x96: {  	[tilespmem:s15], [sflag:$0x2] =	stream.linear.gather [hbm4b:s18+s0], $0x80, $0x38;
	[tilespmem:$0x16400] =	vst v63  }
0x97: {  	s15 =	sadd.s32 s4, s20;
	s18 =	sand.u32 $0x1FFFFFF0, s25;
	s20 =	spop (v2sf)  }
0x98: {  	[tilespmem:s22], [sflag:$0x2] =	stream.linear.gather [hbm4b:s15+s0], $0x80, $0x38;
	[tilespmem:$0x16400] =	vst v63  }
0x99: {  	s15 =	sadd.s32 s4, s21;
	s20 =	sand.u32 $0x1FFFFFF0, s20;
	s21 =	spop (v2sf)  }
0x9a: {  	[tilespmem:s14], [sflag:$0x2] =	stream.linear.gather [hbm4b:s15+s0], $0x80, $0x38;
	[tilespmem:$0x16400] =	vst v63  }
0x9b: {  	s14 =	sadd.s32 s4, s18;
	s15 =	sand.u32 $0x1FFFFFF0, s21;
	s18 =	spop (v2sf)  }
0x9c: {  	[tilespmem:s13], [sflag:$0x2] =	stream.linear.gather [hbm4b:s14+s0], $0x80, $0x38;
	[tilespmem:$0x16400] =	vst v63  }
0x9d: {  	s13 =	sadd.s32 s4, s20;
	s14 =	sand.u32 $0x1FFFFFF0, s18;
	s18 =	spop (v2sf)  }
0x9e: {  	[tilespmem:s19], [sflag:$0x2] =	stream.linear.gather [hbm4b:s13+s0], $0x80, $0x38;
	[tilespmem:$0x16400] =	vst v63  }
0x9f: {  	s13 =	sadd.s32 s4, s15;
	s15 =	sand.u32 $0x1FFFFFF0, s18;
	s18 =	spop (v2sf)  }
0xa0: {  	[tilespmem:s12], [sflag:$0x2] =	stream.linear.gather [hbm4b:s13+s0], $0x80, $0x38;
	[tilespmem:$0x16400] =	vst v63  }
0xa1: {  	s12 =	sadd.s32 s4, s14;
	s13 =	sand.u32 $0x1FFFFFF0, s18;
	s14 =	spop (v2sf)  }
0xa2: {  	[tilespmem:s7], [sflag:$0x2] =	stream.linear.gather [hbm4b:s12+s0], $0x80, $0x38;
	[tilespmem:$0x16400] =	vst v63  }
0xa3: {  	s7 =	sadd.s32 s4, s15;
	s12 =	sand.u32 $0x1FFFFFF0, s14;
	s14 =	spop (v2sf)  }
0xa4: {  	[tilespmem:s10], [sflag:$0x2] =	stream.linear.gather [hbm4b:s7+s0], $0x80, $0x38;
	[tilespmem:$0x16400] =	vst v63  }
0xa5: {  	s7 =	sadd.s32 s4, s13;
	s10 =	sand.u32 $0x1FFFFFF0, s14  }
0xa6: {  	[tilespmem:s11], [sflag:$0x2] =	stream.linear.gather [hbm4b:s7+s0], $0x80, $0x38;
	[tilespmem:$0x16400] =	vst v63  }
0xa7: {  	s7 =	sadd.s32 $0xAB00, s1;
	s11 =	sadd.s32 s4, s12  }
0xa8: {  	[tilespmem:s7], [sflag:$0x2] =	stream.linear.gather [hbm4b:s11+s0], $0x80, $0x38;
	[tilespmem:$0x16400] =	vst v63  }
0xa9: {  	s1 =	sadd.s32 $0xAB80, s1;
	s7 =	sadd.s32 s4, s10  }
0xaa: {  	[tilespmem:s1], [sflag:$0x2] =	stream.linear.gather [hbm4b:s7+s0], $0x80, $0x38;
	[tilespmem:$0x16400] =	vst v63  }
0xab: {  	v0 =	vld [tilespmem:s6+$0x0];
	_ =	sdelay $0x4  }
0xac: {  	v0 =	vshll.u32 v0, $0x4  }
0xad: {  	(v2sf) =	vpush v0, $0x0  }
0xae: {  	(v2sf) =	vpush v0, $0x1  }
0xaf: {  	(v2sf) =	vpush v0, $0x2;
	_ =	sdelay $0x1  }
0xb0: {  	(v2sf) =	vpush v0, $0x4  }
.Ltmp1:
0xb1: {  	(pc) =	sbr.rel @p0 .LBB2_4-.Ltmp1, $3  }
0xb2: {  	(v2sf) =	vpush v0, $0x3  }
0xb3: {  	(v2sf) =	vpush v0, $0x5;
	_ =	sdelay $0x1  }
0xb4: {  	s1 =	sshra.s32 s9, $0x2;
	(v2sf) =	vpush v0, $0x6  }
0xb5: {  	_ =	sdelay $0x1  }
0xb6: {  	s9 =	sadd.s32 $0xA480, s1;
	s8 =	sadd.s32 $0xA980, s1  }
0xb7: {  	s10 =	sadd.s32 $0xA780, s1;
	s6 =	sadd.s32 $0xAA00, s1;
	(v2sf) =	vpush v0, $0x7;
	s11 =	sadd.s32 $0xA680, s1  }
0xb8: {  	s12 =	sadd.s32 $0xA800, s1;
	s7 =	sadd.s32 $0xAA80, s1;
	s13 =	sadd.s32 $0xA400, s1  }
0xb9: {  	s14 =	sadd.s32 $0xA600, s1;
	s15 =	sadd.s32 $0xA700, s1;
	(v2sf) =	vpush v0, $0x8;
	s18 =	spop (v2sf)  }
0xba: {  	s19 =	sadd.s32 $0xA500, s1;
	s18 =	sand.u32 $0x1FFFFFF0, s18;
	s20 =	spop (v2sf)  }
0xbb: {  	(v2sf) =	vpush v0, $0x9;
	s18 =	sadd.s32 s4, s18;
	s20 =	sand.u32 $0x1FFFFFF0, s20;
	s21 =	spop (v2sf)  }
0xbc: {  	[tilespmem:s13], [sflag:$0x2] =	stream.linear.gather [hbm4b:s18+s0], $0x80, $0x38;
	[tilespmem:$0x16400] =	vst v63  }
0xbd: {  	s22 =	sadd.s32 $0xA580, s1;
	(v2sf) =	vpush v0, $0xA;
	s30 =	sadd.s32 s4, s20;
	s31 =	spop (v2sf)  }
0xbe: {  	[tilespmem:s9], [sflag:$0x2] =	stream.linear.gather [hbm4b:s30+s0], $0x80, $0x38;
	[tilespmem:$0x16400] =	vst v63  }
0xbf: {  	s13 =	sadd.s32 $0xA900, s1;
	s3 =	sand.u32 $0x1FFFFFF0, s21;
	(v2sf) =	vpush v0, $0xB;
	s5 =	spop (v2sf)  }
0xc0: {  	s18 =	sadd.s32 s4, s3;
	s9 =	sadd.s32 $0xA880, s1;
	s21 =	sand.u32 $0x1FFFFFF0, s5  }
0xc1: {  	(v2sf) =	vpush v0, $0xC;
	[tilespmem:s19], [sflag:$0x2] =	stream.linear.gather [hbm4b:s18+s0], $0x80, $0x38;
	[tilespmem:$0x16400] =	vst v63  }
0xc2: {  	s23 =	sand.u32 $0x1FFFFFF0, s31;
	s24 =	spop (v2sf);
	s25 =	sadd.s32 s4, s21  }
0xc3: {  	(v2sf) =	vpush v0, $0xD;
	[tilespmem:s22], [sflag:$0x2] =	stream.linear.gather [hbm4b:s25+s0], $0x80, $0x38;
	[tilespmem:$0x16400] =	vst v63  }
0xc4: {  	s18 =	sadd.s32 s4, s23;
	s19 =	sand.u32 $0x1FFFFFF0, s24;
	s26 =	spop (v2sf)  }
0xc5: {  	(v2sf) =	vpush v0, $0xE;
	[tilespmem:s14], [sflag:$0x2] =	stream.linear.gather [hbm4b:s18+s0], $0x80, $0x38;
	[tilespmem:$0x16400] =	vst v63  }
0xc6: {  	s19 =	sadd.s32 s4, s19;
	s28 =	sand.u32 $0x1FFFFFF0, s26;
	s29 =	spop (v2sf)  }
0xc7: {  	(v2sf) =	vpush v0, $0xF;
	[tilespmem:s11], [sflag:$0x2] =	stream.linear.gather [hbm4b:s19+s0], $0x80, $0x38;
	[tilespmem:$0x16400] =	vst v63  }
0xc8: {  	s30 =	sand.u32 $0x1FFFFFF0, s29;
	s31 =	spop (v2sf);
	s14 =	sadd.s32 s4, s28  }
0xc9: {  	[tilespmem:s15], [sflag:$0x2] =	stream.linear.gather [hbm4b:s14+s0], $0x80, $0x38;
	[tilespmem:$0x16400] =	vst v63  }
0xca: {  	s3 =	sand.u32 $0x1FFFFFF0, s31;
	s11 =	sadd.s32 s4, s30;
	s5 =	spop (v2sf)  }
0xcb: {  	[tilespmem:s10], [sflag:$0x2] =	stream.linear.gather [hbm4b:s11+s0], $0x80, $0x38;
	[tilespmem:$0x16400] =	vst v63  }
0xcc: {  	s14 =	sadd.s32 s4, s3;
	s15 =	sand.u32 $0x1FFFFFF0, s5;
	s18 =	spop (v2sf)  }
0xcd: {  	[tilespmem:s12], [sflag:$0x2] =	stream.linear.gather [hbm4b:s14+s0], $0x80, $0x38;
	[tilespmem:$0x16400] =	vst v63  }
0xce: {  	s11 =	sand.u32 $0x1FFFFFF0, s18;
	s10 =	sadd.s32 s4, s15;
	s19 =	spop (v2sf)  }
0xcf: {  	[tilespmem:s9], [sflag:$0x2] =	stream.linear.gather [hbm4b:s10+s0], $0x80, $0x38;
	[tilespmem:$0x16400] =	vst v63  }
0xd0: {  	s11 =	sadd.s32 s4, s11;
	s20 =	sand.u32 $0x1FFFFFF0, s19;
	s21 =	spop (v2sf)  }
0xd1: {  	[tilespmem:s13], [sflag:$0x2] =	stream.linear.gather [hbm4b:s11+s0], $0x80, $0x38;
	[tilespmem:$0x16400] =	vst v63  }
0xd2: {  	s9 =	sadd.s32 s4, s20;
	s10 =	sand.u32 $0x1FFFFFF0, s21;
	s22 =	spop (v2sf)  }
0xd3: {  	[tilespmem:s8], [sflag:$0x2] =	stream.linear.gather [hbm4b:s9+s0], $0x80, $0x38;
	[tilespmem:$0x16400] =	vst v63  }
0xd4: {  	s23 =	sand.u32 $0x1FFFFFF0, s22;
	s10 =	sadd.s32 s4, s10;
	s24 =	spop (v2sf)  }
0xd5: {  	[tilespmem:s6], [sflag:$0x2] =	stream.linear.gather [hbm4b:s10+s0], $0x80, $0x38;
	[tilespmem:$0x16400] =	vst v63  }
0xd6: {  	s25 =	sand.u32 $0x1FFFFFF0, s24;
	s26 =	spop (v2sf);
	s8 =	sadd.s32 s4, s23  }
0xd7: {  	[tilespmem:s7], [sflag:$0x2] =	stream.linear.gather [hbm4b:s8+s0], $0x80, $0x38;
	[tilespmem:$0x16400] =	vst v63  }
0xd8: {  	s29 =	sadd.s32 $0xAB00, s1;
	s28 =	sand.u32 $0x1FFFFFF0, s26;
	s6 =	sadd.s32 s4, s25  }
0xd9: {  	[tilespmem:s29], [sflag:$0x2] =	stream.linear.gather [hbm4b:s6+s0], $0x80, $0x38;
	[tilespmem:$0x16400] =	vst v63  }
0xda: {  	s30 =	sadd.s32 $0xAB80, s1;
	s1 =	simm.s32 $0x100;
	s31 =	sadd.s32 s4, s28  }
0xdb: {  	[tilespmem:s30], [sflag:$0x2] =	stream.linear.gather [hbm4b:s31+s0], $0x80, $0x38;
	[tilespmem:$0x16400] =	vst v63  }
0xdc: {  	v0 =	vld [tilespmem:s1+$0x0];
	_ =	sdelay $0x4  }
0xdd: {  	v0 =	vshll.u32 v0, $0x4  }
0xde: {  	(v2sf) =	vpush v0, $0x0  }
0xdf: {  	(v2sf) =	vpush v0, $0x1  }
0xe0: {  	(v2sf) =	vpush v0, $0x2;
	_ =	sdelay $0x1  }
0xe1: {  	(v2sf) =	vpush v0, $0x4;
	_ =	sdelay $0x1  }
0xe2: {  	(v2sf) =	vpush v0, $0x3  }
0xe3: {  	(v2sf) =	vpush v0, $0x5  }
0xe4: {  	s6 =	simm.s32 $0x2000;
	s0 =	simm.s32 $0x0;
	(v2sf) =	vpush v0, $0x6  }
.LBB2_6:
0xe5: {  	p0 =	sne.s32 s6, $0xE000  }
0xe6: {  	s18 =	sadd.s32 $0xE480, s0;
	s7 =	sadd.s32 $0xE980, s0;
	s8 =	smov.u32 s6  }
0xe7: {  	s6 =	sadd.s32 $0x2000, s6;
	s13 =	sadd.s32 $0xE780, s0;
	s9 =	sadd.s32 $0xEA00, s0;
	(v2sf) =	vpush v0, $0x7  }
0xe8: {  	s15 =	sadd.s32 $0xE680, s0;
	s12 =	sadd.s32 $0xE800, s0;
	s10 =	sadd.s32 $0xEA80, s0  }
0xe9: {  	s19 =	sadd.s32 $0xE400, s0;
	s20 =	sadd.s32 $0xE600, s0;
	(v2sf) =	vpush v0, $0x8  }
0xea: {  	s21 =	sadd.s32 $0xE700, s0;
	s1 =	sadd.s32 $0x10, s1  }
0xeb: {  	s22 =	sadd.s32 $0xE500, s0;
	s11 =	sadd.s32 $0xE900, s0;
	s14 =	spop (v2sf);
	(v2sf) =	vpush v0, $0x9  }
0xec: {  	s25 =	sand.u32 $0x1FFFFFF0, s14;
	s14 =	sadd.s32 $0xE880, s0;
	s29 =	spop (v2sf)  }
0xed: {  	s25 =	sadd.s32 s4, s25;
	s29 =	sand.u32 $0x1FFFFFF0, s29;
	s30 =	spop (v2sf);
	(v2sf) =	vpush v0, $0xA  }
0xee: {  	[tilespmem:s19], [sflag:$0x3] =	stream.linear.gather [hbm4b:s25+s2], $0x80, $0x38;
	[tilespmem:$0x16400] =	vst v63  }
0xef: {  	s19 =	sadd.s32 s4, s29;
	s25 =	sadd.s32 $0xE580, s0;
	s29 =	spop (v2sf);
	(v2sf) =	vpush v0, $0xB  }
0xf0: {  	[tilespmem:s18], [sflag:$0x3] =	stream.linear.gather [hbm4b:s19+s2], $0x80, $0x38;
	[tilespmem:$0x16400] =	vst v63  }
0xf1: {  	s18 =	sand.u32 $0x1FFFFFF0, s30;
	s19 =	sand.u32 $0x1FFFFFF0, s29;
	s29 =	spop (v2sf);
	(v2sf) =	vpush v0, $0xC  }
0xf2: {  	s18 =	sadd.s32 s4, s18;
	s29 =	sand.u32 $0x1FFFFFF0, s29;
	s30 =	spop (v2sf)  }
0xf3: {  	[tilespmem:s22], [sflag:$0x3] =	stream.linear.gather [hbm4b:s18+s2], $0x80, $0x38;
	(v2sf) =	vpush v0, $0xD;
	[tilespmem:$0x16400] =	vst v63  }
0xf4: {  	s18 =	sadd.s32 s4, s29;
	s22 =	sand.u32 $0x1FFFFFF0, s30;
	s29 =	spop (v2sf)  }
0xf5: {  	[tilespmem:s25], [sflag:$0x3] =	stream.linear.gather [hbm4b:s18+s2], $0x80, $0x38;
	(v2sf) =	vpush v0, $0xE;
	[tilespmem:$0x16400] =	vst v63  }
0xf6: {  	s18 =	sadd.s32 s4, s19;
	s19 =	sand.u32 $0x1FFFFFF0, s29;
	s25 =	spop (v2sf)  }
0xf7: {  	[tilespmem:s20], [sflag:$0x3] =	stream.linear.gather [hbm4b:s18+s2], $0x80, $0x38;
	(v2sf) =	vpush v0, $0xF;
	[tilespmem:$0x16400] =	vst v63  }
0xf8: {  	s18 =	sadd.s32 s4, s22;
	s20 =	sand.u32 $0x1FFFFFF0, s25;
	s22 =	spop (v2sf)  }
0xf9: {  	[tilespmem:s15], [sflag:$0x3] =	stream.linear.gather [hbm4b:s18+s2], $0x80, $0x38;
	[tilespmem:$0x16400] =	vst v63  }
0xfa: {  	s15 =	sadd.s32 s4, s19;
	s18 =	sand.u32 $0x1FFFFFF0, s22;
	s19 =	spop (v2sf)  }
0xfb: {  	[tilespmem:s21], [sflag:$0x3] =	stream.linear.gather [hbm4b:s15+s2], $0x80, $0x38;
	[tilespmem:$0x16400] =	vst v63  }
0xfc: {  	s15 =	sadd.s32 s4, s20;
	s19 =	sand.u32 $0x1FFFFFF0, s19;
	s20 =	spop (v2sf)  }
0xfd: {  	[tilespmem:s13], [sflag:$0x3] =	stream.linear.gather [hbm4b:s15+s2], $0x80, $0x38;
	[tilespmem:$0x16400] =	vst v63  }
0xfe: {  	s13 =	sadd.s32 s4, s18;
	s15 =	sand.u32 $0x1FFFFFF0, s20;
	s18 =	spop (v2sf)  }
0xff: {  	[tilespmem:s12], [sflag:$0x3] =	stream.linear.gather [hbm4b:s13+s2], $0x80, $0x38;
	[tilespmem:$0x16400] =	vst v63  }
0x100: {  	s12 =	sadd.s32 s4, s19;
	s13 =	sand.u32 $0x1FFFFFF0, s18;
	s18 =	spop (v2sf)  }
0x101: {  	[tilespmem:s14], [sflag:$0x3] =	stream.linear.gather [hbm4b:s12+s2], $0x80, $0x38;
	[tilespmem:$0x16400] =	vst v63  }
0x102: {  	s12 =	sadd.s32 s4, s15;
	s14 =	sand.u32 $0x1FFFFFF0, s18;
	s15 =	spop (v2sf)  }
0x103: {  	[tilespmem:s11], [sflag:$0x3] =	stream.linear.gather [hbm4b:s12+s2], $0x80, $0x38;
	[tilespmem:$0x16400] =	vst v63  }
0x104: {  	s11 =	sadd.s32 s4, s13;
	s12 =	sand.u32 $0x1FFFFFF0, s15;
	s13 =	spop (v2sf)  }
0x105: {  	[tilespmem:s7], [sflag:$0x3] =	stream.linear.gather [hbm4b:s11+s2], $0x80, $0x38;
	[tilespmem:$0x16400] =	vst v63  }
0x106: {  	s7 =	sadd.s32 s4, s14;
	s11 =	sand.u32 $0x1FFFFFF0, s13;
	s13 =	spop (v2sf)  }
0x107: {  	[tilespmem:s9], [sflag:$0x3] =	stream.linear.gather [hbm4b:s7+s2], $0x80, $0x38;
	[tilespmem:$0x16400] =	vst v63  }
0x108: {  	s7 =	sadd.s32 s4, s12;
	s9 =	sand.u32 $0x1FFFFFF0, s13  }
0x109: {  	[tilespmem:s10], [sflag:$0x3] =	stream.linear.gather [hbm4b:s7+s2], $0x80, $0x38;
	[tilespmem:$0x16400] =	vst v63  }
0x10a: {  	s7 =	sadd.s32 $0xEB00, s0;
	s10 =	sadd.s32 s4, s11  }
0x10b: {  	[tilespmem:s7], [sflag:$0x3] =	stream.linear.gather [hbm4b:s10+s2], $0x80, $0x38;
	[tilespmem:$0x16400] =	vst v63  }
0x10c: {  	s0 =	sadd.s32 $0xEB80, s0;
	s7 =	sadd.s32 s4, s9  }
0x10d: {  	[tilespmem:s0], [sflag:$0x3] =	stream.linear.gather [hbm4b:s7+s2], $0x80, $0x38;
	[tilespmem:$0x16400] =	vst v63  }
0x10e: {  	v0 =	vld [tilespmem:s1+$0x0];
	_ =	sdelay $0x4  }
0x10f: {  	v0 =	vshll.u32 v0, $0x4  }
0x110: {  	(v2sf) =	vpush v0, $0x0  }
0x111: {  	(v2sf) =	vpush v0, $0x1  }
0x112: {  	(v2sf) =	vpush v0, $0x2;
	_ =	sdelay $0x1  }
0x113: {  	(v2sf) =	vpush v0, $0x4  }
.Ltmp2:
0x114: {  	(pc) =	sbr.rel @p0 .LBB2_6-.Ltmp2, $3  }
0x115: {  	(v2sf) =	vpush v0, $0x3  }
0x116: {  	(v2sf) =	vpush v0, $0x5;
	_ =	sdelay $0x1  }
0x117: {  	s0 =	sshra.s32 s8, $0x2;
	(v2sf) =	vpush v0, $0x6  }
0x118: {  	_ =	sdelay $0x1  }
0x119: {  	s8 =	sadd.s32 $0xE480, s0;
	s7 =	sadd.s32 $0xE980, s0  }
0x11a: {  	s9 =	sadd.s32 $0xE780, s0;
	s1 =	sadd.s32 $0xEA00, s0;
	(v2sf) =	vpush v0, $0x7;
	s10 =	sadd.s32 $0xE680, s0  }
0x11b: {  	s11 =	sadd.s32 $0xE800, s0;
	s6 =	sadd.s32 $0xEA80, s0;
	s12 =	sadd.s32 $0xE400, s0  }
0x11c: {  	s13 =	sadd.s32 $0xE600, s0;
	s14 =	sadd.s32 $0xE700, s0;
	(v2sf) =	vpush v0, $0x8;
	s15 =	spop (v2sf)  }
0x11d: {  	s18 =	sadd.s32 $0xE500, s0;
	s15 =	sand.u32 $0x1FFFFFF0, s15;
	s19 =	spop (v2sf)  }
0x11e: {  	(v2sf) =	vpush v0, $0x9;
	s15 =	sadd.s32 s4, s15;
	s19 =	sand.u32 $0x1FFFFFF0, s19;
	s20 =	spop (v2sf)  }
0x11f: {  	[tilespmem:s12], [sflag:$0x3] =	stream.linear.gather [hbm4b:s15+s2], $0x80, $0x38;
	[tilespmem:$0x16400] =	vst v63  }
0x120: {  	s21 =	sadd.s32 $0xE580, s0;
	(v2sf) =	vpush v0, $0xA;
	s26 =	sadd.s32 s4, s19;
	s28 =	spop (v2sf)  }
0x121: {  	[tilespmem:s8], [sflag:$0x3] =	stream.linear.gather [hbm4b:s26+s2], $0x80, $0x38;
	[tilespmem:$0x16400] =	vst v63  }
0x122: {  	s12 =	sadd.s32 $0xE900, s0;
	s29 =	sand.u32 $0x1FFFFFF0, s20;
	(v2sf) =	vpush v0, $0xB;
	s31 =	spop (v2sf)  }
0x123: {  	s15 =	sadd.s32 s4, s29;
	s8 =	sadd.s32 $0xE880, s0;
	s20 =	sand.u32 $0x1FFFFFF0, s31  }
0x124: {  	(v2sf) =	vpush v0, $0xC;
	[tilespmem:s18], [sflag:$0x3] =	stream.linear.gather [hbm4b:s15+s2], $0x80, $0x38;
	[tilespmem:$0x16400] =	vst v63  }
0x125: {  	s3 =	sand.u32 $0x1FFFFFF0, s28;
	s5 =	spop (v2sf);
	s22 =	sadd.s32 s4, s20  }
0x126: {  	(v2sf) =	vpush v0, $0xD;
	[tilespmem:s21], [sflag:$0x3] =	stream.linear.gather [hbm4b:s22+s2], $0x80, $0x38;
	[tilespmem:$0x16400] =	vst v63  }
0x127: {  	s15 =	sadd.s32 s4, s3;
	s18 =	sand.u32 $0x1FFFFFF0, s5;
	s23 =	spop (v2sf)  }
0x128: {  	(v2sf) =	vpush v0, $0xE;
	[tilespmem:s13], [sflag:$0x3] =	stream.linear.gather [hbm4b:s15+s2], $0x80, $0x38;
	[tilespmem:$0x16400] =	vst v63  }
0x129: {  	s18 =	sadd.s32 s4, s18;
	s24 =	sand.u32 $0x1FFFFFF0, s23;
	s25 =	spop (v2sf)  }
0x12a: {  	(v2sf) =	vpush v0, $0xF;
	[tilespmem:s10], [sflag:$0x3] =	stream.linear.gather [hbm4b:s18+s2], $0x80, $0x38;
	[tilespmem:$0x16400] =	vst v63  }
0x12b: {  	s26 =	sand.u32 $0x1FFFFFF0, s25;
	s28 =	spop (v2sf);
	s13 =	sadd.s32 s4, s24  }
0x12c: {  	[tilespmem:s14], [sflag:$0x3] =	stream.linear.gather [hbm4b:s13+s2], $0x80, $0x38;
	[tilespmem:$0x16400] =	vst v63  }
0x12d: {  	s29 =	sand.u32 $0x1FFFFFF0, s28;
	s10 =	sadd.s32 s4, s26;
	s31 =	spop (v2sf)  }
0x12e: {  	[tilespmem:s9], [sflag:$0x3] =	stream.linear.gather [hbm4b:s10+s2], $0x80, $0x38;
	[tilespmem:$0x16400] =	vst v63  }
0x12f: {  	s13 =	sadd.s32 s4, s29;
	s3 =	sand.u32 $0x1FFFFFF0, s31;
	s5 =	spop (v2sf)  }
0x130: {  	[tilespmem:s11], [sflag:$0x3] =	stream.linear.gather [hbm4b:s13+s2], $0x80, $0x38;
	[tilespmem:$0x16400] =	vst v63  }
0x131: {  	s10 =	sand.u32 $0x1FFFFFF0, s5;
	s9 =	sadd.s32 s4, s3;
	s14 =	spop (v2sf)  }
0x132: {  	[tilespmem:s8], [sflag:$0x3] =	stream.linear.gather [hbm4b:s9+s2], $0x80, $0x38;
	[tilespmem:$0x16400] =	vst v63  }
0x133: {  	s10 =	sadd.s32 s4, s10;
	s15 =	sand.u32 $0x1FFFFFF0, s14;
	s18 =	spop (v2sf)  }
0x134: {  	[tilespmem:s12], [sflag:$0x3] =	stream.linear.gather [hbm4b:s10+s2], $0x80, $0x38;
	[tilespmem:$0x16400] =	vst v63  }
0x135: {  	s8 =	sadd.s32 s4, s15;
	s9 =	sand.u32 $0x1FFFFFF0, s18;
	s19 =	spop (v2sf)  }
0x136: {  	[tilespmem:s7], [sflag:$0x3] =	stream.linear.gather [hbm4b:s8+s2], $0x80, $0x38;
	[tilespmem:$0x16400] =	vst v63  }
0x137: {  	s20 =	sand.u32 $0x1FFFFFF0, s19;
	s9 =	sadd.s32 s4, s9;
	s21 =	spop (v2sf)  }
0x138: {  	[tilespmem:s1], [sflag:$0x3] =	stream.linear.gather [hbm4b:s9+s2], $0x80, $0x38;
	[tilespmem:$0x16400] =	vst v63  }
0x139: {  	s22 =	sand.u32 $0x1FFFFFF0, s21;
	s23 =	spop (v2sf);
	s7 =	sadd.s32 s4, s20  }
0x13a: {  	[tilespmem:s6], [sflag:$0x3] =	stream.linear.gather [hbm4b:s7+s2], $0x80, $0x38;
	[tilespmem:$0x16400] =	vst v63  }
0x13b: {  	s25 =	sadd.s32 $0xEB00, s0;
	s24 =	sand.u32 $0x1FFFFFF0, s23;
	s1 =	sadd.s32 s4, s22  }
0x13c: {  	[tilespmem:s25], [sflag:$0x3] =	stream.linear.gather [hbm4b:s1+s2], $0x80, $0x38;
	[tilespmem:$0x16400] =	vst v63  }
0x13d: {  	s26 =	sadd.s32 $0xEB80, s0;
	s29 =	simm.s32 $0x1;
	s28 =	sadd.s32 s4, s24  }
0x13e: {  	[tilespmem:s26], [sflag:$0x3] =	stream.linear.gather [hbm4b:s28+s2], $0x80, $0x38;
	[tilespmem:$0x16400] =	vst v63  }
0x13f: {  	_ =	swait.ge [sflag:s29], $0x4000  }
0x140: {  	[sflag:s29] =	ssyncset.done $0x0  }
0x141: {  	s1 =	simm.s32 $0x180;
	s31 =	rddreg [dreg:$0x6];
	[sflag:s29] =	ssyncadd.s32 $0xFFFFC000  }
0x142: {  	[hbm4b:s31+s16] =	stream.strided.scatter [tilespmem:s17], [sflag:$0x5], $0x4000, s17, s16, $0x38;
	[tilespmem:$0x16400] =	vst v63  }
0x143: {  	v0 =	vld [tilespmem:s1+$0x0];
	_ =	sdelay $0x4  }
0x144: {  	v0 =	vshll.u32 v0, $0x4  }
0x145: {  	(v2sf) =	vpush v0, $0x0  }
0x146: {  	(v2sf) =	vpush v0, $0x1  }
0x147: {  	(v2sf) =	vpush v0, $0x2;
	_ =	sdelay $0x1  }
0x148: {  	(v2sf) =	vpush v0, $0x4;
	_ =	sdelay $0x1  }
0x149: {  	(v2sf) =	vpush v0, $0x3  }
0x14a: {  	(v2sf) =	vpush v0, $0x5  }
0x14b: {  	s30 =	simm.s32 $0x0;
	s0 =	simm.s32 $0x0;
	s6 =	simm.s32 $0x2000;
	(v2sf) =	vpush v0, $0x6  }
.LBB2_8:
0x14c: {  	p0 =	sne.s32 s6, $0xE000  }
0x14d: {  	s18 =	sadd.s32 $0x12480, s0;
	s7 =	sadd.s32 $0x12980, s0;
	s8 =	smov.u32 s6  }
0x14e: {  	s6 =	sadd.s32 $0x2000, s6;
	s13 =	sadd.s32 $0x12780, s0;
	s9 =	sadd.s32 $0x12A00, s0;
	(v2sf) =	vpush v0, $0x7  }
0x14f: {  	s15 =	sadd.s32 $0x12680, s0;
	s12 =	sadd.s32 $0x12800, s0;
	s10 =	sadd.s32 $0x12A80, s0  }
0x150: {  	s19 =	sadd.s32 $0x12400, s0;
	s20 =	sadd.s32 $0x12600, s0;
	(v2sf) =	vpush v0, $0x8  }
0x151: {  	s21 =	sadd.s32 $0x12700, s0;
	s1 =	sadd.s32 $0x10, s1  }
0x152: {  	s22 =	sadd.s32 $0x12500, s0;
	s11 =	sadd.s32 $0x12900, s0;
	s14 =	spop (v2sf);
	(v2sf) =	vpush v0, $0x9  }
0x153: {  	s25 =	sand.u32 $0x1FFFFFF0, s14;
	s14 =	sadd.s32 $0x12880, s0;
	s29 =	spop (v2sf)  }
0x154: {  	s25 =	sadd.s32 s4, s25;
	s29 =	sand.u32 $0x1FFFFFF0, s29;
	s31 =	spop (v2sf);
	(v2sf) =	vpush v0, $0xA  }
0x155: {  	[tilespmem:s19], [sflag:$0x4] =	stream.linear.gather [hbm4b:s25+s30], $0x80, $0x38;
	[tilespmem:$0x16400] =	vst v63  }
0x156: {  	s19 =	sadd.s32 s4, s29;
	s25 =	sadd.s32 $0x12580, s0;
	s29 =	spop (v2sf);
	(v2sf) =	vpush v0, $0xB  }
0x157: {  	[tilespmem:s18], [sflag:$0x4] =	stream.linear.gather [hbm4b:s19+s30], $0x80, $0x38;
	[tilespmem:$0x16400] =	vst v63  }
0x158: {  	s18 =	sand.u32 $0x1FFFFFF0, s31;
	s19 =	sand.u32 $0x1FFFFFF0, s29;
	s29 =	spop (v2sf);
	(v2sf) =	vpush v0, $0xC  }
0x159: {  	s18 =	sadd.s32 s4, s18;
	s29 =	sand.u32 $0x1FFFFFF0, s29;
	s31 =	spop (v2sf)  }
0x15a: {  	[tilespmem:s22], [sflag:$0x4] =	stream.linear.gather [hbm4b:s18+s30], $0x80, $0x38;
	(v2sf) =	vpush v0, $0xD;
	[tilespmem:$0x16400] =	vst v63  }
0x15b: {  	s18 =	sadd.s32 s4, s29;
	s22 =	sand.u32 $0x1FFFFFF0, s31;
	s29 =	spop (v2sf)  }
0x15c: {  	[tilespmem:s25], [sflag:$0x4] =	stream.linear.gather [hbm4b:s18+s30], $0x80, $0x38;
	(v2sf) =	vpush v0, $0xE;
	[tilespmem:$0x16400] =	vst v63  }
0x15d: {  	s18 =	sadd.s32 s4, s19;
	s19 =	sand.u32 $0x1FFFFFF0, s29;
	s25 =	spop (v2sf)  }
0x15e: {  	[tilespmem:s20], [sflag:$0x4] =	stream.linear.gather [hbm4b:s18+s30], $0x80, $0x38;
	(v2sf) =	vpush v0, $0xF;
	[tilespmem:$0x16400] =	vst v63  }
0x15f: {  	s18 =	sadd.s32 s4, s22;
	s20 =	sand.u32 $0x1FFFFFF0, s25;
	s22 =	spop (v2sf)  }
0x160: {  	[tilespmem:s15], [sflag:$0x4] =	stream.linear.gather [hbm4b:s18+s30], $0x80, $0x38;
	[tilespmem:$0x16400] =	vst v63  }
0x161: {  	s15 =	sadd.s32 s4, s19;
	s18 =	sand.u32 $0x1FFFFFF0, s22;
	s19 =	spop (v2sf)  }
0x162: {  	[tilespmem:s21], [sflag:$0x4] =	stream.linear.gather [hbm4b:s15+s30], $0x80, $0x38;
	[tilespmem:$0x16400] =	vst v63  }
0x163: {  	s15 =	sadd.s32 s4, s20;
	s19 =	sand.u32 $0x1FFFFFF0, s19;
	s20 =	spop (v2sf)  }
0x164: {  	[tilespmem:s13], [sflag:$0x4] =	stream.linear.gather [hbm4b:s15+s30], $0x80, $0x38;
	[tilespmem:$0x16400] =	vst v63  }
0x165: {  	s13 =	sadd.s32 s4, s18;
	s15 =	sand.u32 $0x1FFFFFF0, s20;
	s18 =	spop (v2sf)  }
0x166: {  	[tilespmem:s12], [sflag:$0x4] =	stream.linear.gather [hbm4b:s13+s30], $0x80, $0x38;
	[tilespmem:$0x16400] =	vst v63  }
0x167: {  	s12 =	sadd.s32 s4, s19;
	s13 =	sand.u32 $0x1FFFFFF0, s18;
	s18 =	spop (v2sf)  }
0x168: {  	[tilespmem:s14], [sflag:$0x4] =	stream.linear.gather [hbm4b:s12+s30], $0x80, $0x38;
	[tilespmem:$0x16400] =	vst v63  }
0x169: {  	s12 =	sadd.s32 s4, s15;
	s14 =	sand.u32 $0x1FFFFFF0, s18;
	s15 =	spop (v2sf)  }
0x16a: {  	[tilespmem:s11], [sflag:$0x4] =	stream.linear.gather [hbm4b:s12+s30], $0x80, $0x38;
	[tilespmem:$0x16400] =	vst v63  }
0x16b: {  	s11 =	sadd.s32 s4, s13;
	s12 =	sand.u32 $0x1FFFFFF0, s15;
	s13 =	spop (v2sf)  }
0x16c: {  	[tilespmem:s7], [sflag:$0x4] =	stream.linear.gather [hbm4b:s11+s30], $0x80, $0x38;
	[tilespmem:$0x16400] =	vst v63  }
0x16d: {  	s7 =	sadd.s32 s4, s14;
	s11 =	sand.u32 $0x1FFFFFF0, s13;
	s13 =	spop (v2sf)  }
0x16e: {  	[tilespmem:s9], [sflag:$0x4] =	stream.linear.gather [hbm4b:s7+s30], $0x80, $0x38;
	[tilespmem:$0x16400] =	vst v63  }
0x16f: {  	s7 =	sadd.s32 s4, s12;
	s9 =	sand.u32 $0x1FFFFFF0, s13  }
0x170: {  	[tilespmem:s10], [sflag:$0x4] =	stream.linear.gather [hbm4b:s7+s30], $0x80, $0x38;
	[tilespmem:$0x16400] =	vst v63  }
0x171: {  	s7 =	sadd.s32 $0x12B00, s0;
	s10 =	sadd.s32 s4, s11  }
0x172: {  	[tilespmem:s7], [sflag:$0x4] =	stream.linear.gather [hbm4b:s10+s30], $0x80, $0x38;
	[tilespmem:$0x16400] =	vst v63  }
0x173: {  	s0 =	sadd.s32 $0x12B80, s0;
	s7 =	sadd.s32 s4, s9  }
0x174: {  	[tilespmem:s0], [sflag:$0x4] =	stream.linear.gather [hbm4b:s7+s30], $0x80, $0x38;
	[tilespmem:$0x16400] =	vst v63  }
0x175: {  	v0 =	vld [tilespmem:s1+$0x0];
	_ =	sdelay $0x4  }
0x176: {  	v0 =	vshll.u32 v0, $0x4  }
0x177: {  	(v2sf) =	vpush v0, $0x0  }
0x178: {  	(v2sf) =	vpush v0, $0x1  }
0x179: {  	(v2sf) =	vpush v0, $0x2;
	_ =	sdelay $0x1  }
0x17a: {  	(v2sf) =	vpush v0, $0x4  }
.Ltmp3:
0x17b: {  	(pc) =	sbr.rel @p0 .LBB2_8-.Ltmp3, $3  }
0x17c: {  	(v2sf) =	vpush v0, $0x3  }
0x17d: {  	(v2sf) =	vpush v0, $0x5;
	_ =	sdelay $0x1  }
0x17e: {  	s0 =	sshra.s32 s8, $0x2;
	(v2sf) =	vpush v0, $0x6  }
0x17f: {  	_ =	sdelay $0x1  }
0x180: {  	s8 =	sadd.s32 $0x12480, s0;
	s7 =	sadd.s32 $0x12980, s0;
	(v2sf) =	vpush v0, $0x7  }
0x181: {  	s9 =	sadd.s32 $0x12780, s0;
	s1 =	sadd.s32 $0x12A00, s0;
	s10 =	sadd.s32 $0x12680, s0  }
0x182: {  	s11 =	sadd.s32 $0x12800, s0;
	s6 =	sadd.s32 $0x12A80, s0;
	s12 =	sadd.s32 $0x12400, s0;
	(v2sf) =	vpush v0, $0x8  }
0x183: {  	s13 =	sadd.s32 $0x12600, s0;
	s14 =	sadd.s32 $0x12700, s0;
	s15 =	spop (v2sf)  }
0x184: {  	s18 =	sadd.s32 $0x12500, s0;
	s15 =	sand.u32 $0x1FFFFFF0, s15;
	s19 =	spop (v2sf)  }
0x185: {  	s15 =	sadd.s32 s4, s15;
	s19 =	sand.u32 $0x1FFFFFF0, s19;
	s20 =	spop (v2sf)  }
0x186: {  	(v2sf) =	vpush v0, $0x9;
	[tilespmem:s12], [sflag:$0x4] =	stream.linear.gather [hbm4b:s15+s30], $0x80, $0x38;
	[tilespmem:$0x16400] =	vst v63  }
0x187: {  	s21 =	sadd.s32 $0x12580, s0;
	s29 =	sadd.s32 s4, s19;
	s31 =	spop (v2sf)  }
0x188: {  	(v2sf) =	vpush v0, $0xA;
	[tilespmem:s8], [sflag:$0x4] =	stream.linear.gather [hbm4b:s29+s30], $0x80, $0x38;
	[tilespmem:$0x16400] =	vst v63  }
0x189: {  	s12 =	sadd.s32 $0x12900, s0;
	s3 =	sand.u32 $0x1FFFFFF0, s20;
	s5 =	spop (v2sf)  }
0x18a: {  	(v2sf) =	vpush v0, $0xB;
	s15 =	sadd.s32 s4, s3;
	s8 =	sadd.s32 $0x12880, s0;
	s20 =	sand.u32 $0x1FFFFFF0, s5  }
0x18b: {  	[tilespmem:s18], [sflag:$0x4] =	stream.linear.gather [hbm4b:s15+s30], $0x80, $0x38;
	[tilespmem:$0x16400] =	vst v63  }
0x18c: {  	s22 =	sand.u32 $0x1FFFFFF0, s31;
	(v2sf) =	vpush v0, $0xC;
	s23 =	spop (v2sf);
	s24 =	sadd.s32 s4, s20  }
0x18d: {  	[tilespmem:s21], [sflag:$0x4] =	stream.linear.gather [hbm4b:s24+s30], $0x80, $0x38;
	[tilespmem:$0x16400] =	vst v63  }
0x18e: {  	(v2sf) =	vpush v0, $0xD;
	s15 =	sadd.s32 s4, s22;
	s18 =	sand.u32 $0x1FFFFFF0, s23;
	s25 =	spop (v2sf)  }
0x18f: {  	s18 =	sadd.s32 s4, s18;
	s26 =	sand.u32 $0x1FFFFFF0, s25;
	s28 =	spop (v2sf)  }
0x190: {  	(v2sf) =	vpush v0, $0xE;
	[tilespmem:s13], [sflag:$0x4] =	stream.linear.gather [hbm4b:s15+s30], $0x80, $0x38;
	[tilespmem:$0x16400] =	vst v63  }
0x191: {  	s29 =	sand.u32 $0x1FFFFFF0, s28;
	s31 =	spop (v2sf);
	s13 =	sadd.s32 s4, s26  }
0x192: {  	(v2sf) =	vpush v0, $0xF;
	[tilespmem:s10], [sflag:$0x4] =	stream.linear.gather [hbm4b:s18+s30], $0x80, $0x38;
	[tilespmem:$0x16400] =	vst v63  }
0x193: {  	s28 =	sadd.s32 $0x12B00, s0;
	s3 =	sand.u32 $0x1FFFFFF0, s31;
	s10 =	sadd.s32 s4, s29  }
0x194: {  	[tilespmem:s14], [sflag:$0x4] =	stream.linear.gather [hbm4b:s13+s30], $0x80, $0x38;
	[tilespmem:$0x16400] =	vst v63  }
0x195: {  	s29 =	sadd.s32 $0x12B80, s0;
	s0 =	simm.s32 $0x280;
	s5 =	spop (v2sf)  }
0x196: {  	[tilespmem:s9], [sflag:$0x4] =	stream.linear.gather [hbm4b:s10+s30], $0x80, $0x38;
	[tilespmem:$0x16400] =	vst v63  }
0x197: {  	s13 =	sadd.s32 s4, s3;
	s14 =	sand.u32 $0x1FFFFFF0, s5;
	s15 =	spop (v2sf)  }
0x198: {  	[tilespmem:s11], [sflag:$0x4] =	stream.linear.gather [hbm4b:s13+s30], $0x80, $0x38;
	[tilespmem:$0x16400] =	vst v63  }
0x199: {  	s10 =	sand.u32 $0x1FFFFFF0, s15;
	s9 =	sadd.s32 s4, s14;
	s18 =	spop (v2sf)  }
0x19a: {  	[tilespmem:s8], [sflag:$0x4] =	stream.linear.gather [hbm4b:s9+s30], $0x80, $0x38;
	[tilespmem:$0x16400] =	vst v63  }
0x19b: {  	s10 =	sadd.s32 s4, s10;
	s19 =	sand.u32 $0x1FFFFFF0, s18;
	s20 =	spop (v2sf)  }
0x19c: {  	[tilespmem:s12], [sflag:$0x4] =	stream.linear.gather [hbm4b:s10+s30], $0x80, $0x38;
	[tilespmem:$0x16400] =	vst v63  }
0x19d: {  	s8 =	sadd.s32 s4, s19;
	s9 =	sand.u32 $0x1FFFFFF0, s20;
	s21 =	spop (v2sf)  }
0x19e: {  	[tilespmem:s7], [sflag:$0x4] =	stream.linear.gather [hbm4b:s8+s30], $0x80, $0x38;
	[tilespmem:$0x16400] =	vst v63  }
0x19f: {  	s22 =	sand.u32 $0x1FFFFFF0, s21;
	s9 =	sadd.s32 s4, s9;
	s23 =	spop (v2sf)  }
0x1a0: {  	[tilespmem:s1], [sflag:$0x4] =	stream.linear.gather [hbm4b:s9+s30], $0x80, $0x38;
	[tilespmem:$0x16400] =	vst v63  }
0x1a1: {  	s24 =	sand.u32 $0x1FFFFFF0, s23;
	s25 =	spop (v2sf);
	s7 =	sadd.s32 s4, s22  }
0x1a2: {  	[tilespmem:s6], [sflag:$0x4] =	stream.linear.gather [hbm4b:s7+s30], $0x80, $0x38;
	[tilespmem:$0x16400] =	vst v63  }
0x1a3: {  	s10 =	simm.s32 $0x200;
	s26 =	sand.u32 $0x1FFFFFF0, s25;
	s1 =	sadd.s32 s4, s24  }
0x1a4: {  	[tilespmem:s28], [sflag:$0x4] =	stream.linear.gather [hbm4b:s1+s30], $0x80, $0x38;
	[tilespmem:$0x16400] =	vst v63  }
0x1a5: {  	s12 =	simm.s32 $0x380;
	s31 =	sadd.s32 s4, s26;
	s1 =	simm.s32 $0x300  }
0x1a6: {  	[tilespmem:s29], [sflag:$0x4] =	stream.linear.gather [hbm4b:s31+s30], $0x80, $0x38;
	[tilespmem:$0x16400] =	vst v63  }
.LBB2_10:
0x1a7: {  	s6 =	sshll.u32 s30, $0x9  }
0x1a8: {  	s3 =	rddreg [dreg:$0x3];
	s5 =	simm.s32 $0x2;
	s6 =	sand.u32 $0x7E00, s6  }
0x1a9: {  	_ =	swait.ge [sflag:s5], $0x4000;
	s6 =	sor.u32 s6, s3  }
0x1aa: {  	s25 =	rddreg [dreg:$0x4];
	s6 =	sshrl.u32 s6, $0x3  }
0x1ab: {  	s26 =	simm.s32 $0xA400;
	[sflag:s5] =	ssyncset.done $0x0;
	s6 =	sadd.s32 s6, s25  }
0x1ac: {  	s28 =	simm.s32 $0x5;
	[sflag:s5] =	ssyncadd.s32 $0xFFFFC000;
	s7 =	sadd.s32 $0x10, s6  }
0x1ad: {  	[hbm4b:s7+s16] =	stream.strided.scatter [tilespmem:s26], [sflag:$0x6], $0x4000, s17, s16, $0x38;
	[tilespmem:$0x16400] =	vst v63  }
0x1ae: {  	_ =	swait.ge [sflag:s28], $0x4000  }
0x1af: {  	[sflag:s28] =	ssyncset.done $0x0  }
0x1b0: {  	[sflag:s28] =	ssyncadd.s32 $0xFFFFC000  }
0x1b1: {  	v0 =	vld [tilespmem:s10+$0x0];
	_ =	sdelay $0x4  }
0x1b2: {  	v0 =	vshll.u32 v0, $0x4  }
0x1b3: {  	(v2sf) =	vpush v0, $0x0  }
0x1b4: {  	(v2sf) =	vpush v0, $0x1  }
0x1b5: {  	(v2sf) =	vpush v0, $0x2;
	_ =	sdelay $0x1  }
0x1b6: {  	(v2sf) =	vpush v0, $0x4;
	_ =	sdelay $0x1  }
0x1b7: {  	(v2sf) =	vpush v0, $0x3  }
0x1b8: {  	s29 =	sshll.u32 s30, $0x2;
	s9 =	simm.s32 $0x2000;
	(v2sf) =	vpush v0, $0x5  }
0x1b9: {  	s8 =	simm.s32 $0x0;
	s31 =	smov.u32 s10;
	s13 =	sadd.s32 $0x4, s29;
	(v2sf) =	vpush v0, $0x6  }
.LBB2_11:
0x1ba: {  	p0 =	sne.s32 s9, $0xE000  }
0x1bb: {  	s20 =	sadd.s32 $0x6480, s8;
	s29 =	sadd.s32 $0x6980, s8;
	s11 =	smov.u32 s9  }
0x1bc: {  	s9 =	sadd.s32 $0x2000, s9;
	s25 =	sadd.s32 $0x6780, s8;
	s7 =	sadd.s32 $0x6A00, s8;
	(v2sf) =	vpush v0, $0x7  }
0x1bd: {  	s18 =	sadd.s32 $0x6680, s8;
	s22 =	sadd.s32 $0x6800, s8;
	s14 =	sadd.s32 $0x6A80, s8  }
0x1be: {  	s21 =	sadd.s32 $0x6400, s8;
	s23 =	sadd.s32 $0x6600, s8;
	(v2sf) =	vpush v0, $0x8  }
0x1bf: {  	s24 =	sadd.s32 $0x6700, s8;
	s31 =	sadd.s32 $0x10, s31  }
0x1c0: {  	s26 =	sadd.s32 $0x6500, s8;
	s19 =	sadd.s32 $0x6900, s8;
	s15 =	spop (v2sf);
	(v2sf) =	vpush v0, $0x9  }
0x1c1: {  	s28 =	sand.u32 $0x1FFFFFF0, s15;
	s15 =	sadd.s32 $0x6880, s8;
	s3 =	spop (v2sf)  }
0x1c2: {  	s28 =	sadd.s32 s4, s28;
	s3 =	sand.u32 $0x1FFFFFF0, s3;
	s5 =	spop (v2sf);
	(v2sf) =	vpush v0, $0xA  }
0x1c3: {  	[tilespmem:s21], [sflag:$0x1] =	stream.linear.gather [hbm4b:s28+s2], $0x80, $0x38;
	[tilespmem:$0x16400] =	vst v63  }
0x1c4: {  	s3 =	sadd.s32 s4, s3;
	s21 =	sadd.s32 $0x6580, s8;
	s28 =	spop (v2sf);
	(v2sf) =	vpush v0, $0xB  }
0x1c5: {  	[tilespmem:s20], [sflag:$0x1] =	stream.linear.gather [hbm4b:s3+s2], $0x80, $0x38;
	[tilespmem:$0x16400] =	vst v63  }
0x1c6: {  	s3 =	sand.u32 $0x1FFFFFF0, s5;
	s5 =	sand.u32 $0x1FFFFFF0, s28;
	s20 =	spop (v2sf);
	(v2sf) =	vpush v0, $0xC  }
0x1c7: {  	s3 =	sadd.s32 s4, s3;
	s20 =	sand.u32 $0x1FFFFFF0, s20;
	s28 =	spop (v2sf)  }
0x1c8: {  	[tilespmem:s26], [sflag:$0x1] =	stream.linear.gather [hbm4b:s3+s2], $0x80, $0x38;
	(v2sf) =	vpush v0, $0xD;
	[tilespmem:$0x16400] =	vst v63  }
0x1c9: {  	s3 =	sadd.s32 s4, s20;
	s20 =	sand.u32 $0x1FFFFFF0, s28;
	s26 =	spop (v2sf)  }
0x1ca: {  	[tilespmem:s21], [sflag:$0x1] =	stream.linear.gather [hbm4b:s3+s2], $0x80, $0x38;
	(v2sf) =	vpush v0, $0xE;
	[tilespmem:$0x16400] =	vst v63  }
0x1cb: {  	s3 =	sadd.s32 s4, s5;
	s5 =	sand.u32 $0x1FFFFFF0, s26;
	s21 =	spop (v2sf)  }
0x1cc: {  	[tilespmem:s23], [sflag:$0x1] =	stream.linear.gather [hbm4b:s3+s2], $0x80, $0x38;
	(v2sf) =	vpush v0, $0xF;
	[tilespmem:$0x16400] =	vst v63  }
0x1cd: {  	s3 =	sadd.s32 s4, s20;
	s20 =	sand.u32 $0x1FFFFFF0, s21;
	s21 =	spop (v2sf)  }
0x1ce: {  	[tilespmem:s18], [sflag:$0x1] =	stream.linear.gather [hbm4b:s3+s2], $0x80, $0x38;
	[tilespmem:$0x16400] =	vst v63  }
0x1cf: {  	s3 =	sadd.s32 s4, s5;
	s5 =	sand.u32 $0x1FFFFFF0, s21;
	s18 =	spop (v2sf)  }
0x1d0: {  	[tilespmem:s24], [sflag:$0x1] =	stream.linear.gather [hbm4b:s3+s2], $0x80, $0x38;
	[tilespmem:$0x16400] =	vst v63  }
0x1d1: {  	s3 =	sadd.s32 s4, s20;
	s18 =	sand.u32 $0x1FFFFFF0, s18;
	s20 =	spop (v2sf)  }
0x1d2: {  	[tilespmem:s25], [sflag:$0x1] =	stream.linear.gather [hbm4b:s3+s2], $0x80, $0x38;
	[tilespmem:$0x16400] =	vst v63  }
0x1d3: {  	s3 =	sadd.s32 s4, s5;
	s5 =	sand.u32 $0x1FFFFFF0, s20;
	s20 =	spop (v2sf)  }
0x1d4: {  	[tilespmem:s22], [sflag:$0x1] =	stream.linear.gather [hbm4b:s3+s2], $0x80, $0x38;
	[tilespmem:$0x16400] =	vst v63  }
0x1d5: {  	s3 =	sadd.s32 s4, s18;
	s18 =	sand.u32 $0x1FFFFFF0, s20;
	s20 =	spop (v2sf)  }
0x1d6: {  	[tilespmem:s15], [sflag:$0x1] =	stream.linear.gather [hbm4b:s3+s2], $0x80, $0x38;
	[tilespmem:$0x16400] =	vst v63  }
0x1d7: {  	s3 =	sadd.s32 s4, s5;
	s5 =	sand.u32 $0x1FFFFFF0, s20;
	s15 =	spop (v2sf)  }
0x1d8: {  	[tilespmem:s19], [sflag:$0x1] =	stream.linear.gather [hbm4b:s3+s2], $0x80, $0x38;
	[tilespmem:$0x16400] =	vst v63  }
0x1d9: {  	s3 =	sadd.s32 s4, s18;
	s15 =	sand.u32 $0x1FFFFFF0, s15;
	s18 =	spop (v2sf)  }
0x1da: {  	[tilespmem:s29], [sflag:$0x1] =	stream.linear.gather [hbm4b:s3+s2], $0x80, $0x38;
	[tilespmem:$0x16400] =	vst v63  }
0x1db: {  	s3 =	sadd.s32 s4, s5;
	s5 =	sand.u32 $0x1FFFFFF0, s18;
	s18 =	spop (v2sf)  }
0x1dc: {  	[tilespmem:s7], [sflag:$0x1] =	stream.linear.gather [hbm4b:s3+s2], $0x80, $0x38;
	[tilespmem:$0x16400] =	vst v63  }
0x1dd: {  	s3 =	sadd.s32 s4, s15;
	s7 =	sand.u32 $0x1FFFFFF0, s18  }
0x1de: {  	[tilespmem:s14], [sflag:$0x1] =	stream.linear.gather [hbm4b:s3+s2], $0x80, $0x38;
	[tilespmem:$0x16400] =	vst v63  }
0x1df: {  	s5 =	sadd.s32 s4, s5;
	s3 =	sadd.s32 $0x6B00, s8  }
0x1e0: {  	[tilespmem:s3], [sflag:$0x1] =	stream.linear.gather [hbm4b:s5+s2], $0x80, $0x38;
	[tilespmem:$0x16400] =	vst v63  }
0x1e1: {  	s3 =	sadd.s32 $0x6B80, s8;
	s5 =	sadd.s32 s4, s7  }
0x1e2: {  	[tilespmem:s3], [sflag:$0x1] =	stream.linear.gather [hbm4b:s5+s2], $0x80, $0x38;
	[tilespmem:$0x16400] =	vst v63  }
0x1e3: {  	v0 =	vld [tilespmem:s31+$0x0];
	_ =	sdelay $0x4  }
0x1e4: {  	v0 =	vshll.u32 v0, $0x4  }
0x1e5: {  	(v2sf) =	vpush v0, $0x0  }
0x1e6: {  	(v2sf) =	vpush v0, $0x1  }
0x1e7: {  	(v2sf) =	vpush v0, $0x2;
	_ =	sdelay $0x1  }
0x1e8: {  	(v2sf) =	vpush v0, $0x4  }
.Ltmp4:
0x1e9: {  	(pc) =	sbr.rel @p0 .LBB2_11-.Ltmp4, $3  }
0x1ea: {  	(v2sf) =	vpush v0, $0x3  }
0x1eb: {  	(v2sf) =	vpush v0, $0x5;
	_ =	sdelay $0x1  }
0x1ec: {  	s8 =	sshra.s32 s11, $0x2;
	(v2sf) =	vpush v0, $0x6  }
0x1ed: {  	_ =	sdelay $0x1  }
0x1ee: {  	s3 =	sadd.s32 $0x6480, s8;
	s11 =	sadd.s32 $0x6980, s8  }
0x1ef: {  	s5 =	sadd.s32 $0x6780, s8;
	s7 =	sadd.s32 $0x6A00, s8;
	(v2sf) =	vpush v0, $0x7;
	s14 =	sadd.s32 $0x6680, s8  }
0x1f0: {  	s15 =	sadd.s32 $0x6800, s8;
	s9 =	sadd.s32 $0x6A80, s8;
	s18 =	sadd.s32 $0x6400, s8  }
0x1f1: {  	s19 =	sadd.s32 $0x6600, s8;
	s20 =	sadd.s32 $0x6700, s8;
	(v2sf) =	vpush v0, $0x8;
	s21 =	spop (v2sf)  }
0x1f2: {  	s22 =	sadd.s32 $0x6500, s8;
	s21 =	sand.u32 $0x1FFFFFF0, s21;
	s23 =	spop (v2sf)  }
0x1f3: {  	(v2sf) =	vpush v0, $0x9;
	s21 =	sadd.s32 s4, s21;
	s23 =	sand.u32 $0x1FFFFFF0, s23;
	s24 =	spop (v2sf)  }
0x1f4: {  	[tilespmem:s18], [sflag:$0x1] =	stream.linear.gather [hbm4b:s21+s2], $0x80, $0x38;
	[tilespmem:$0x16400] =	vst v63  }
0x1f5: {  	(v2sf) =	vpush v0, $0xA;
	s25 =	sadd.s32 s4, s23;
	s28 =	sand.u32 $0x1FFFFFF0, s24;
	s26 =	spop (v2sf)  }
0x1f6: {  	[tilespmem:s3], [sflag:$0x1] =	stream.linear.gather [hbm4b:s25+s2], $0x80, $0x38;
	[tilespmem:$0x16400] =	vst v63  }
0x1f7: {  	s18 =	sadd.s32 $0x6900, s8;
	(v2sf) =	vpush v0, $0xB;
	s21 =	sadd.s32 s4, s28;
	s29 =	spop (v2sf)  }
0x1f8: {  	s3 =	sadd.s32 $0x6880, s8;
	s25 =	sadd.s32 $0x6580, s8;
	s24 =	sand.u32 $0x1FFFFFF0, s29  }
0x1f9: {  	(v2sf) =	vpush v0, $0xC;
	[tilespmem:s22], [sflag:$0x1] =	stream.linear.gather [hbm4b:s21+s2], $0x80, $0x38;
	[tilespmem:$0x16400] =	vst v63  }
0x1fa: {  	s26 =	sand.u32 $0x1FFFFFF0, s26;
	s28 =	spop (v2sf);
	s29 =	sadd.s32 s4, s24  }
0x1fb: {  	(v2sf) =	vpush v0, $0xD;
	[tilespmem:s25], [sflag:$0x1] =	stream.linear.gather [hbm4b:s29+s2], $0x80, $0x38;
	[tilespmem:$0x16400] =	vst v63  }
0x1fc: {  	s21 =	sadd.s32 s4, s26;
	s22 =	sand.u32 $0x1FFFFFF0, s28;
	s24 =	spop (v2sf)  }
0x1fd: {  	(v2sf) =	vpush v0, $0xE;
	[tilespmem:s19], [sflag:$0x1] =	stream.linear.gather [hbm4b:s21+s2], $0x80, $0x38;
	[tilespmem:$0x16400] =	vst v63  }
0x1fe: {  	s22 =	sadd.s32 s4, s22;
	s25 =	sand.u32 $0x1FFFFFF0, s24;
	s26 =	spop (v2sf)  }
0x1ff: {  	(v2sf) =	vpush v0, $0xF;
	[tilespmem:s14], [sflag:$0x1] =	stream.linear.gather [hbm4b:s22+s2], $0x80, $0x38;
	[tilespmem:$0x16400] =	vst v63  }
0x200: {  	s28 =	sand.u32 $0x1FFFFFF0, s26;
	s29 =	spop (v2sf);
	s19 =	sadd.s32 s4, s25  }
0x201: {  	[tilespmem:s20], [sflag:$0x1] =	stream.linear.gather [hbm4b:s19+s2], $0x80, $0x38;
	[tilespmem:$0x16400] =	vst v63  }
0x202: {  	s22 =	sand.u32 $0x1FFFFFF0, s29;
	s14 =	sadd.s32 s4, s28;
	s23 =	spop (v2sf)  }
0x203: {  	[tilespmem:s5], [sflag:$0x1] =	stream.linear.gather [hbm4b:s14+s2], $0x80, $0x38;
	[tilespmem:$0x16400] =	vst v63  }
0x204: {  	s19 =	sadd.s32 s4, s22;
	s24 =	sand.u32 $0x1FFFFFF0, s23;
	s25 =	spop (v2sf)  }
0x205: {  	[tilespmem:s15], [sflag:$0x1] =	stream.linear.gather [hbm4b:s19+s2], $0x80, $0x38;
	[tilespmem:$0x16400] =	vst v63  }
0x206: {  	s14 =	sand.u32 $0x1FFFFFF0, s25;
	s5 =	sadd.s32 s4, s24;
	s26 =	spop (v2sf)  }
0x207: {  	[tilespmem:s3], [sflag:$0x1] =	stream.linear.gather [hbm4b:s5+s2], $0x80, $0x38;
	[tilespmem:$0x16400] =	vst v63  }
0x208: {  	s14 =	sadd.s32 s4, s14;
	s28 =	sand.u32 $0x1FFFFFF0, s26;
	s29 =	spop (v2sf)  }
0x209: {  	[tilespmem:s18], [sflag:$0x1] =	stream.linear.gather [hbm4b:s14+s2], $0x80, $0x38;
	[tilespmem:$0x16400] =	vst v63  }
0x20a: {  	s3 =	sadd.s32 s4, s28;
	s5 =	sand.u32 $0x1FFFFFF0, s29;
	s15 =	spop (v2sf)  }
0x20b: {  	[tilespmem:s11], [sflag:$0x1] =	stream.linear.gather [hbm4b:s3+s2], $0x80, $0x38;
	[tilespmem:$0x16400] =	vst v63  }
0x20c: {  	s18 =	sand.u32 $0x1FFFFFF0, s15;
	s5 =	sadd.s32 s4, s5;
	s19 =	spop (v2sf)  }
0x20d: {  	[tilespmem:s7], [sflag:$0x1] =	stream.linear.gather [hbm4b:s5+s2], $0x80, $0x38;
	[tilespmem:$0x16400] =	vst v63  }
0x20e: {  	s20 =	sand.u32 $0x1FFFFFF0, s19;
	s21 =	spop (v2sf);
	s3 =	sadd.s32 s4, s18  }
0x20f: {  	[tilespmem:s9], [sflag:$0x1] =	stream.linear.gather [hbm4b:s3+s2], $0x80, $0x38;
	[tilespmem:$0x16400] =	vst v63  }
0x210: {  	s23 =	sadd.s32 $0x6B00, s8;
	s22 =	sand.u32 $0x1FFFFFF0, s21;
	s5 =	sadd.s32 s4, s20  }
0x211: {  	[tilespmem:s23], [sflag:$0x1] =	stream.linear.gather [hbm4b:s5+s2], $0x80, $0x38;
	[tilespmem:$0x16400] =	vst v63  }
0x212: {  	s24 =	sadd.s32 $0x6B80, s8;
	s25 =	simm.s32 $0x3;
	s3 =	sadd.s32 s4, s22  }
0x213: {  	[tilespmem:s24], [sflag:$0x1] =	stream.linear.gather [hbm4b:s3+s2], $0x80, $0x38;
	[tilespmem:$0x16400] =	vst v63  }
0x214: {  	_ =	swait.ge [sflag:s25], $0x4000  }
0x215: {  	s26 =	sadd.s32 $0x20, s6;
	[sflag:s25] =	ssyncset.done $0x0  }
0x216: {  	s28 =	simm.s32 $0xE400;
	s29 =	simm.s32 $0x6;
	[sflag:s25] =	ssyncadd.s32 $0xFFFFC000  }
0x217: {  	[hbm4b:s26+s16] =	stream.strided.scatter [tilespmem:s28], [sflag:$0x7], $0x4000, s17, s16, $0x38;
	[tilespmem:$0x16400] =	vst v63  }
0x218: {  	_ =	swait.ge [sflag:s29], $0x4000  }
0x219: {  	[sflag:s29] =	ssyncset.done $0x0  }
0x21a: {  	[sflag:s29] =	ssyncadd.s32 $0xFFFFC000  }
0x21b: {  	v0 =	vld [tilespmem:s0+$0x0];
	_ =	sdelay $0x4  }
0x21c: {  	v0 =	vshll.u32 v0, $0x4  }
0x21d: {  	(v2sf) =	vpush v0, $0x0  }
0x21e: {  	(v2sf) =	vpush v0, $0x1  }
0x21f: {  	(v2sf) =	vpush v0, $0x2;
	_ =	sdelay $0x1  }
0x220: {  	(v2sf) =	vpush v0, $0x4;
	_ =	sdelay $0x1  }
0x221: {  	(v2sf) =	vpush v0, $0x3  }
0x222: {  	(v2sf) =	vpush v0, $0x5  }
0x223: {  	s31 =	smov.u32 s0;
	s8 =	simm.s32 $0x0;
	s9 =	simm.s32 $0x2000;
	(v2sf) =	vpush v0, $0x6  }
.LBB2_13:
0x224: {  	p0 =	sne.s32 s9, $0xE000  }
0x225: {  	s3 =	sadd.s32 $0xA480, s8;
	s29 =	sadd.s32 $0xA980, s8;
	s11 =	smov.u32 s9  }
0x226: {  	s9 =	sadd.s32 $0x2000, s9;
	s25 =	sadd.s32 $0xA780, s8;
	s7 =	sadd.s32 $0xAA00, s8;
	(v2sf) =	vpush v0, $0x7  }
0x227: {  	s18 =	sadd.s32 $0xA680, s8;
	s22 =	sadd.s32 $0xA800, s8;
	s14 =	sadd.s32 $0xAA80, s8  }
0x228: {  	s5 =	sadd.s32 $0xA400, s8;
	s20 =	sadd.s32 $0xA600, s8;
	(v2sf) =	vpush v0, $0x8  }
0x229: {  	s21 =	sadd.s32 $0xA700, s8;
	s31 =	sadd.s32 $0x10, s31  }
0x22a: {  	s23 =	sadd.s32 $0xA500, s8;
	s19 =	sadd.s32 $0xA900, s8;
	s15 =	spop (v2sf);
	(v2sf) =	vpush v0, $0x9  }
0x22b: {  	s24 =	sand.u32 $0x1FFFFFF0, s15;
	s15 =	sadd.s32 $0xA880, s8;
	s26 =	spop (v2sf)  }
0x22c: {  	s24 =	sadd.s32 s4, s24;
	s26 =	sand.u32 $0x1FFFFFF0, s26;
	s28 =	spop (v2sf);
	(v2sf) =	vpush v0, $0xA  }
0x22d: {  	[tilespmem:s5], [sflag:$0x2] =	stream.linear.gather [hbm4b:s24+s2], $0x80, $0x38;
	[tilespmem:$0x16400] =	vst v63  }
0x22e: {  	s5 =	sadd.s32 s4, s26;
	s24 =	sadd.s32 $0xA580, s8;
	s26 =	spop (v2sf);
	(v2sf) =	vpush v0, $0xB  }
0x22f: {  	[tilespmem:s3], [sflag:$0x2] =	stream.linear.gather [hbm4b:s5+s2], $0x80, $0x38;
	[tilespmem:$0x16400] =	vst v63  }
0x230: {  	s3 =	sand.u32 $0x1FFFFFF0, s28;
	s5 =	sand.u32 $0x1FFFFFF0, s26;
	s26 =	spop (v2sf);
	(v2sf) =	vpush v0, $0xC  }
0x231: {  	s3 =	sadd.s32 s4, s3;
	s26 =	sand.u32 $0x1FFFFFF0, s26;
	s28 =	spop (v2sf)  }
0x232: {  	[tilespmem:s23], [sflag:$0x2] =	stream.linear.gather [hbm4b:s3+s2], $0x80, $0x38;
	(v2sf) =	vpush v0, $0xD;
	[tilespmem:$0x16400] =	vst v63  }
0x233: {  	s3 =	sadd.s32 s4, s26;
	s23 =	sand.u32 $0x1FFFFFF0, s28;
	s26 =	spop (v2sf)  }
0x234: {  	[tilespmem:s24], [sflag:$0x2] =	stream.linear.gather [hbm4b:s3+s2], $0x80, $0x38;
	(v2sf) =	vpush v0, $0xE;
	[tilespmem:$0x16400] =	vst v63  }
0x235: {  	s3 =	sadd.s32 s4, s5;
	s5 =	sand.u32 $0x1FFFFFF0, s26;
	s24 =	spop (v2sf)  }
0x236: {  	[tilespmem:s20], [sflag:$0x2] =	stream.linear.gather [hbm4b:s3+s2], $0x80, $0x38;
	(v2sf) =	vpush v0, $0xF;
	[tilespmem:$0x16400] =	vst v63  }
0x237: {  	s3 =	sadd.s32 s4, s23;
	s20 =	sand.u32 $0x1FFFFFF0, s24;
	s23 =	spop (v2sf)  }
0x238: {  	[tilespmem:s18], [sflag:$0x2] =	stream.linear.gather [hbm4b:s3+s2], $0x80, $0x38;
	[tilespmem:$0x16400] =	vst v63  }
0x239: {  	s3 =	sadd.s32 s4, s5;
	s5 =	sand.u32 $0x1FFFFFF0, s23;
	s18 =	spop (v2sf)  }
0x23a: {  	[tilespmem:s21], [sflag:$0x2] =	stream.linear.gather [hbm4b:s3+s2], $0x80, $0x38;
	[tilespmem:$0x16400] =	vst v63  }
0x23b: {  	s3 =	sadd.s32 s4, s20;
	s18 =	sand.u32 $0x1FFFFFF0, s18;
	s20 =	spop (v2sf)  }
0x23c: {  	[tilespmem:s25], [sflag:$0x2] =	stream.linear.gather [hbm4b:s3+s2], $0x80, $0x38;
	[tilespmem:$0x16400] =	vst v63  }
0x23d: {  	s3 =	sadd.s32 s4, s5;
	s5 =	sand.u32 $0x1FFFFFF0, s20;
	s20 =	spop (v2sf)  }
0x23e: {  	[tilespmem:s22], [sflag:$0x2] =	stream.linear.gather [hbm4b:s3+s2], $0x80, $0x38;
	[tilespmem:$0x16400] =	vst v63  }
0x23f: {  	s3 =	sadd.s32 s4, s18;
	s18 =	sand.u32 $0x1FFFFFF0, s20;
	s20 =	spop (v2sf)  }
0x240: {  	[tilespmem:s15], [sflag:$0x2] =	stream.linear.gather [hbm4b:s3+s2], $0x80, $0x38;
	[tilespmem:$0x16400] =	vst v63  }
0x241: {  	s3 =	sadd.s32 s4, s5;
	s5 =	sand.u32 $0x1FFFFFF0, s20;
	s15 =	spop (v2sf)  }
0x242: {  	[tilespmem:s19], [sflag:$0x2] =	stream.linear.gather [hbm4b:s3+s2], $0x80, $0x38;
	[tilespmem:$0x16400] =	vst v63  }
0x243: {  	s3 =	sadd.s32 s4, s18;
	s15 =	sand.u32 $0x1FFFFFF0, s15;
	s18 =	spop (v2sf)  }
0x244: {  	[tilespmem:s29], [sflag:$0x2] =	stream.linear.gather [hbm4b:s3+s2], $0x80, $0x38;
	[tilespmem:$0x16400] =	vst v63  }
0x245: {  	s3 =	sadd.s32 s4, s5;
	s5 =	sand.u32 $0x1FFFFFF0, s18;
	s18 =	spop (v2sf)  }
0x246: {  	[tilespmem:s7], [sflag:$0x2] =	stream.linear.gather [hbm4b:s3+s2], $0x80, $0x38;
	[tilespmem:$0x16400] =	vst v63  }
0x247: {  	s3 =	sadd.s32 s4, s15;
	s7 =	sand.u32 $0x1FFFFFF0, s18  }
0x248: {  	[tilespmem:s14], [sflag:$0x2] =	stream.linear.gather [hbm4b:s3+s2], $0x80, $0x38;
	[tilespmem:$0x16400] =	vst v63  }
0x249: {  	s5 =	sadd.s32 s4, s5;
	s3 =	sadd.s32 $0xAB00, s8  }
0x24a: {  	[tilespmem:s3], [sflag:$0x2] =	stream.linear.gather [hbm4b:s5+s2], $0x80, $0x38;
	[tilespmem:$0x16400] =	vst v63  }
0x24b: {  	s3 =	sadd.s32 $0xAB80, s8;
	s5 =	sadd.s32 s4, s7  }
0x24c: {  	[tilespmem:s3], [sflag:$0x2] =	stream.linear.gather [hbm4b:s5+s2], $0x80, $0x38;
	[tilespmem:$0x16400] =	vst v63  }
0x24d: {  	v0 =	vld [tilespmem:s31+$0x0];
	_ =	sdelay $0x4  }
0x24e: {  	v0 =	vshll.u32 v0, $0x4  }
0x24f: {  	(v2sf) =	vpush v0, $0x0  }
0x250: {  	(v2sf) =	vpush v0, $0x1  }
0x251: {  	(v2sf) =	vpush v0, $0x2;
	_ =	sdelay $0x1  }
0x252: {  	(v2sf) =	vpush v0, $0x4  }
.Ltmp5:
0x253: {  	(pc) =	sbr.rel @p0 .LBB2_13-.Ltmp5, $3  }
0x254: {  	(v2sf) =	vpush v0, $0x3  }
0x255: {  	(v2sf) =	vpush v0, $0x5;
	_ =	sdelay $0x1  }
0x256: {  	s8 =	sshra.s32 s11, $0x2;
	(v2sf) =	vpush v0, $0x6  }
0x257: {  	_ =	sdelay $0x1  }
0x258: {  	s3 =	sadd.s32 $0xA480, s8;
	s11 =	sadd.s32 $0xA980, s8  }
0x259: {  	s5 =	sadd.s32 $0xA780, s8;
	s7 =	sadd.s32 $0xAA00, s8;
	(v2sf) =	vpush v0, $0x7;
	s14 =	sadd.s32 $0xA680, s8  }
0x25a: {  	s15 =	sadd.s32 $0xA800, s8;
	s9 =	sadd.s32 $0xAA80, s8;
	s18 =	sadd.s32 $0xA400, s8  }
0x25b: {  	s19 =	sadd.s32 $0xA600, s8;
	s20 =	sadd.s32 $0xA700, s8;
	(v2sf) =	vpush v0, $0x8;
	s21 =	spop (v2sf)  }
0x25c: {  	s22 =	sadd.s32 $0xA500, s8;
	s21 =	sand.u32 $0x1FFFFFF0, s21;
	s23 =	spop (v2sf)  }
0x25d: {  	(v2sf) =	vpush v0, $0x9;
	s21 =	sadd.s32 s4, s21;
	s23 =	sand.u32 $0x1FFFFFF0, s23;
	s24 =	spop (v2sf)  }
0x25e: {  	[tilespmem:s18], [sflag:$0x2] =	stream.linear.gather [hbm4b:s21+s2], $0x80, $0x38;
	[tilespmem:$0x16400] =	vst v63  }
0x25f: {  	s25 =	sadd.s32 $0xA580, s8;
	(v2sf) =	vpush v0, $0xA;
	s29 =	sadd.s32 s4, s23;
	s31 =	spop (v2sf)  }
0x260: {  	[tilespmem:s3], [sflag:$0x2] =	stream.linear.gather [hbm4b:s29+s2], $0x80, $0x38;
	[tilespmem:$0x16400] =	vst v63  }
0x261: {  	s18 =	sadd.s32 $0xA900, s8;
	s26 =	sand.u32 $0x1FFFFFF0, s24;
	(v2sf) =	vpush v0, $0xB;
	s28 =	spop (v2sf)  }
0x262: {  	s21 =	sadd.s32 s4, s26;
	s3 =	sadd.s32 $0xA880, s8;
	s24 =	sand.u32 $0x1FFFFFF0, s28  }
0x263: {  	(v2sf) =	vpush v0, $0xC;
	[tilespmem:s22], [sflag:$0x2] =	stream.linear.gather [hbm4b:s21+s2], $0x80, $0x38;
	[tilespmem:$0x16400] =	vst v63  }
0x264: {  	s29 =	sand.u32 $0x1FFFFFF0, s31;
	s31 =	spop (v2sf);
	s26 =	sadd.s32 s4, s24  }
0x265: {  	(v2sf) =	vpush v0, $0xD;
	[tilespmem:s25], [sflag:$0x2] =	stream.linear.gather [hbm4b:s26+s2], $0x80, $0x38;
	[tilespmem:$0x16400] =	vst v63  }
0x266: {  	s21 =	sadd.s32 s4, s29;
	s22 =	sand.u32 $0x1FFFFFF0, s31;
	s28 =	spop (v2sf)  }
0x267: {  	(v2sf) =	vpush v0, $0xE;
	[tilespmem:s19], [sflag:$0x2] =	stream.linear.gather [hbm4b:s21+s2], $0x80, $0x38;
	[tilespmem:$0x16400] =	vst v63  }
0x268: {  	s22 =	sadd.s32 s4, s22;
	s29 =	sand.u32 $0x1FFFFFF0, s28;
	s31 =	spop (v2sf)  }
0x269: {  	(v2sf) =	vpush v0, $0xF;
	[tilespmem:s14], [sflag:$0x2] =	stream.linear.gather [hbm4b:s22+s2], $0x80, $0x38;
	[tilespmem:$0x16400] =	vst v63  }
0x26a: {  	s23 =	spop (v2sf);
	s19 =	sadd.s32 s4, s29;
	s22 =	sand.u32 $0x1FFFFFF0, s31  }
0x26b: {  	[tilespmem:s20], [sflag:$0x2] =	stream.linear.gather [hbm4b:s19+s2], $0x80, $0x38;
	[tilespmem:$0x16400] =	vst v63  }
0x26c: {  	s24 =	sand.u32 $0x1FFFFFF0, s23;
	s14 =	sadd.s32 s4, s22;
	s25 =	spop (v2sf)  }
0x26d: {  	[tilespmem:s5], [sflag:$0x2] =	stream.linear.gather [hbm4b:s14+s2], $0x80, $0x38;
	[tilespmem:$0x16400] =	vst v63  }
0x26e: {  	s19 =	sadd.s32 s4, s24;
	s26 =	sand.u32 $0x1FFFFFF0, s25;
	s28 =	spop (v2sf)  }
0x26f: {  	[tilespmem:s15], [sflag:$0x2] =	stream.linear.gather [hbm4b:s19+s2], $0x80, $0x38;
	[tilespmem:$0x16400] =	vst v63  }
0x270: {  	s14 =	sand.u32 $0x1FFFFFF0, s28;
	s5 =	sadd.s32 s4, s26;
	s29 =	spop (v2sf)  }
0x271: {  	[tilespmem:s3], [sflag:$0x2] =	stream.linear.gather [hbm4b:s5+s2], $0x80, $0x38;
	[tilespmem:$0x16400] =	vst v63  }
0x272: {  	s14 =	sadd.s32 s4, s14;
	s31 =	sand.u32 $0x1FFFFFF0, s29;
	s15 =	spop (v2sf)  }
0x273: {  	[tilespmem:s18], [sflag:$0x2] =	stream.linear.gather [hbm4b:s14+s2], $0x80, $0x38;
	[tilespmem:$0x16400] =	vst v63  }
0x274: {  	s3 =	sadd.s32 s4, s31;
	s5 =	sand.u32 $0x1FFFFFF0, s15;
	s18 =	spop (v2sf)  }
0x275: {  	[tilespmem:s11], [sflag:$0x2] =	stream.linear.gather [hbm4b:s3+s2], $0x80, $0x38;
	[tilespmem:$0x16400] =	vst v63  }
0x276: {  	s5 =	sadd.s32 s4, s5;
	s19 =	sand.u32 $0x1FFFFFF0, s18;
	s20 =	spop (v2sf)  }
0x277: {  	[tilespmem:s7], [sflag:$0x2] =	stream.linear.gather [hbm4b:s5+s2], $0x80, $0x38;
	[tilespmem:$0x16400] =	vst v63  }
0x278: {  	s21 =	sand.u32 $0x1FFFFFF0, s20;
	s22 =	spop (v2sf);
	s3 =	sadd.s32 s4, s19  }
0x279: {  	[tilespmem:s9], [sflag:$0x2] =	stream.linear.gather [hbm4b:s3+s2], $0x80, $0x38;
	[tilespmem:$0x16400] =	vst v63  }
0x27a: {  	s24 =	sadd.s32 $0xAB00, s8;
	s23 =	sand.u32 $0x1FFFFFF0, s22;
	s5 =	sadd.s32 s4, s21  }
0x27b: {  	[tilespmem:s24], [sflag:$0x2] =	stream.linear.gather [hbm4b:s5+s2], $0x80, $0x38;
	[tilespmem:$0x16400] =	vst v63  }
0x27c: {  	s25 =	sadd.s32 $0xAB80, s8;
	s26 =	simm.s32 $0x4;
	s3 =	sadd.s32 s4, s23  }
0x27d: {  	[tilespmem:s25], [sflag:$0x2] =	stream.linear.gather [hbm4b:s3+s2], $0x80, $0x38;
	[tilespmem:$0x16400] =	vst v63  }
0x27e: {  	_ =	swait.ge [sflag:s26], $0x4000  }
0x27f: {  	s28 =	sadd.s32 $0x30, s6;
	[sflag:s26] =	ssyncset.done $0x0  }
0x280: {  	s29 =	simm.s32 $0x12400;
	s31 =	simm.s32 $0x7;
	[sflag:s26] =	ssyncadd.s32 $0xFFFFC000  }
0x281: {  	[hbm4b:s28+s16] =	stream.strided.scatter [tilespmem:s29], [sflag:$0x8], $0x4000, s17, s16, $0x38;
	[tilespmem:$0x16400] =	vst v63  }
0x282: {  	_ =	swait.ge [sflag:s31], $0x4000  }
0x283: {  	[sflag:s31] =	ssyncset.done $0x0  }
0x284: {  	[sflag:s31] =	ssyncadd.s32 $0xFFFFC000  }
0x285: {  	v0 =	vld [tilespmem:s1+$0x0];
	_ =	sdelay $0x4  }
0x286: {  	v0 =	vshll.u32 v0, $0x4  }
0x287: {  	(v2sf) =	vpush v0, $0x0  }
0x288: {  	(v2sf) =	vpush v0, $0x1  }
0x289: {  	(v2sf) =	vpush v0, $0x2;
	_ =	sdelay $0x1  }
0x28a: {  	(v2sf) =	vpush v0, $0x4;
	_ =	sdelay $0x1  }
0x28b: {  	(v2sf) =	vpush v0, $0x3  }
0x28c: {  	(v2sf) =	vpush v0, $0x5  }
0x28d: {  	s8 =	simm.s32 $0x2000;
	s6 =	simm.s32 $0x0;
	s9 =	smov.u32 s1;
	(v2sf) =	vpush v0, $0x6  }
.LBB2_15:
0x28e: {  	p0 =	sne.s32 s8, $0xE000  }
0x28f: {  	s3 =	sadd.s32 $0xE480, s6;
	s29 =	sadd.s32 $0xE980, s6;
	s11 =	smov.u32 s8  }
0x290: {  	s8 =	sadd.s32 $0x2000, s8;
	s25 =	sadd.s32 $0xE780, s6;
	s7 =	sadd.s32 $0xEA00, s6;
	(v2sf) =	vpush v0, $0x7  }
0x291: {  	s18 =	sadd.s32 $0xE680, s6;
	s22 =	sadd.s32 $0xE800, s6;
	s14 =	sadd.s32 $0xEA80, s6  }
0x292: {  	s5 =	sadd.s32 $0xE400, s6;
	s20 =	sadd.s32 $0xE600, s6;
	(v2sf) =	vpush v0, $0x8  }
0x293: {  	s21 =	sadd.s32 $0xE700, s6;
	s9 =	sadd.s32 $0x10, s9  }
0x294: {  	s23 =	sadd.s32 $0xE500, s6;
	s19 =	sadd.s32 $0xE900, s6;
	s15 =	spop (v2sf);
	(v2sf) =	vpush v0, $0x9  }
0x295: {  	s24 =	sand.u32 $0x1FFFFFF0, s15;
	s15 =	sadd.s32 $0xE880, s6;
	s26 =	spop (v2sf)  }
0x296: {  	s24 =	sadd.s32 s4, s24;
	s26 =	sand.u32 $0x1FFFFFF0, s26;
	s28 =	spop (v2sf);
	(v2sf) =	vpush v0, $0xA  }
0x297: {  	[tilespmem:s5], [sflag:$0x3] =	stream.linear.gather [hbm4b:s24+s2], $0x80, $0x38;
	[tilespmem:$0x16400] =	vst v63  }
0x298: {  	s5 =	sadd.s32 s4, s26;
	s24 =	sadd.s32 $0xE580, s6;
	s26 =	spop (v2sf);
	(v2sf) =	vpush v0, $0xB  }
0x299: {  	[tilespmem:s3], [sflag:$0x3] =	stream.linear.gather [hbm4b:s5+s2], $0x80, $0x38;
	[tilespmem:$0x16400] =	vst v63  }
0x29a: {  	s3 =	sand.u32 $0x1FFFFFF0, s28;
	s5 =	sand.u32 $0x1FFFFFF0, s26;
	s26 =	spop (v2sf);
	(v2sf) =	vpush v0, $0xC  }
0x29b: {  	s3 =	sadd.s32 s4, s3;
	s26 =	sand.u32 $0x1FFFFFF0, s26;
	s28 =	spop (v2sf)  }
0x29c: {  	[tilespmem:s23], [sflag:$0x3] =	stream.linear.gather [hbm4b:s3+s2], $0x80, $0x38;
	(v2sf) =	vpush v0, $0xD;
	[tilespmem:$0x16400] =	vst v63  }
0x29d: {  	s3 =	sadd.s32 s4, s26;
	s23 =	sand.u32 $0x1FFFFFF0, s28;
	s26 =	spop (v2sf)  }
0x29e: {  	[tilespmem:s24], [sflag:$0x3] =	stream.linear.gather [hbm4b:s3+s2], $0x80, $0x38;
	(v2sf) =	vpush v0, $0xE;
	[tilespmem:$0x16400] =	vst v63  }
0x29f: {  	s3 =	sadd.s32 s4, s5;
	s5 =	sand.u32 $0x1FFFFFF0, s26;
	s24 =	spop (v2sf)  }
0x2a0: {  	[tilespmem:s20], [sflag:$0x3] =	stream.linear.gather [hbm4b:s3+s2], $0x80, $0x38;
	(v2sf) =	vpush v0, $0xF;
	[tilespmem:$0x16400] =	vst v63  }
0x2a1: {  	s3 =	sadd.s32 s4, s23;
	s20 =	sand.u32 $0x1FFFFFF0, s24;
	s23 =	spop (v2sf)  }
0x2a2: {  	[tilespmem:s18], [sflag:$0x3] =	stream.linear.gather [hbm4b:s3+s2], $0x80, $0x38;
	[tilespmem:$0x16400] =	vst v63  }
0x2a3: {  	s3 =	sadd.s32 s4, s5;
	s5 =	sand.u32 $0x1FFFFFF0, s23;
	s18 =	spop (v2sf)  }
0x2a4: {  	[tilespmem:s21], [sflag:$0x3] =	stream.linear.gather [hbm4b:s3+s2], $0x80, $0x38;
	[tilespmem:$0x16400] =	vst v63  }
0x2a5: {  	s3 =	sadd.s32 s4, s20;
	s18 =	sand.u32 $0x1FFFFFF0, s18;
	s20 =	spop (v2sf)  }
0x2a6: {  	[tilespmem:s25], [sflag:$0x3] =	stream.linear.gather [hbm4b:s3+s2], $0x80, $0x38;
	[tilespmem:$0x16400] =	vst v63  }
0x2a7: {  	s3 =	sadd.s32 s4, s5;
	s5 =	sand.u32 $0x1FFFFFF0, s20;
	s20 =	spop (v2sf)  }
0x2a8: {  	[tilespmem:s22], [sflag:$0x3] =	stream.linear.gather [hbm4b:s3+s2], $0x80, $0x38;
	[tilespmem:$0x16400] =	vst v63  }
0x2a9: {  	s3 =	sadd.s32 s4, s18;
	s18 =	sand.u32 $0x1FFFFFF0, s20;
	s20 =	spop (v2sf)  }
0x2aa: {  	[tilespmem:s15], [sflag:$0x3] =	stream.linear.gather [hbm4b:s3+s2], $0x80, $0x38;
	[tilespmem:$0x16400] =	vst v63  }
0x2ab: {  	s3 =	sadd.s32 s4, s5;
	s5 =	sand.u32 $0x1FFFFFF0, s20;
	s15 =	spop (v2sf)  }
0x2ac: {  	[tilespmem:s19], [sflag:$0x3] =	stream.linear.gather [hbm4b:s3+s2], $0x80, $0x38;
	[tilespmem:$0x16400] =	vst v63  }
0x2ad: {  	s3 =	sadd.s32 s4, s18;
	s15 =	sand.u32 $0x1FFFFFF0, s15;
	s18 =	spop (v2sf)  }
0x2ae: {  	[tilespmem:s29], [sflag:$0x3] =	stream.linear.gather [hbm4b:s3+s2], $0x80, $0x38;
	[tilespmem:$0x16400] =	vst v63  }
0x2af: {  	s3 =	sadd.s32 s4, s5;
	s5 =	sand.u32 $0x1FFFFFF0, s18;
	s18 =	spop (v2sf)  }
0x2b0: {  	[tilespmem:s7], [sflag:$0x3] =	stream.linear.gather [hbm4b:s3+s2], $0x80, $0x38;
	[tilespmem:$0x16400] =	vst v63  }
0x2b1: {  	s3 =	sadd.s32 s4, s15;
	s7 =	sand.u32 $0x1FFFFFF0, s18  }
0x2b2: {  	[tilespmem:s14], [sflag:$0x3] =	stream.linear.gather [hbm4b:s3+s2], $0x80, $0x38;
	[tilespmem:$0x16400] =	vst v63  }
0x2b3: {  	s5 =	sadd.s32 s4, s5;
	s3 =	sadd.s32 $0xEB00, s6  }
0x2b4: {  	[tilespmem:s3], [sflag:$0x3] =	stream.linear.gather [hbm4b:s5+s2], $0x80, $0x38;
	[tilespmem:$0x16400] =	vst v63  }
0x2b5: {  	s3 =	sadd.s32 $0xEB80, s6;
	s5 =	sadd.s32 s4, s7  }
0x2b6: {  	[tilespmem:s3], [sflag:$0x3] =	stream.linear.gather [hbm4b:s5+s2], $0x80, $0x38;
	[tilespmem:$0x16400] =	vst v63  }
0x2b7: {  	v0 =	vld [tilespmem:s9+$0x0];
	_ =	sdelay $0x4  }
0x2b8: {  	v0 =	vshll.u32 v0, $0x4  }
0x2b9: {  	(v2sf) =	vpush v0, $0x0  }
0x2ba: {  	(v2sf) =	vpush v0, $0x1  }
0x2bb: {  	(v2sf) =	vpush v0, $0x2;
	_ =	sdelay $0x1  }
0x2bc: {  	(v2sf) =	vpush v0, $0x4  }
.Ltmp6:
0x2bd: {  	(pc) =	sbr.rel @p0 .LBB2_15-.Ltmp6, $3  }
0x2be: {  	(v2sf) =	vpush v0, $0x3  }
0x2bf: {  	(v2sf) =	vpush v0, $0x5;
	_ =	sdelay $0x1  }
0x2c0: {  	s6 =	sshra.s32 s11, $0x2;
	(v2sf) =	vpush v0, $0x6  }
0x2c1: {  	_ =	sdelay $0x4  }
0x2c2: {  	s7 =	sadd.s32 $0xE400, s6;
	s3 =	spop (v2sf)  }
0x2c3: {  	s8 =	sadd.s32 $0xE480, s6;
	(v2sf) =	vpush v0, $0x7;
	s3 =	sand.u32 $0x1FFFFFF0, s3;
	s5 =	spop (v2sf)  }
0x2c4: {  	s3 =	sadd.s32 s4, s3;
	s5 =	sand.u32 $0x1FFFFFF0, s5;
	s9 =	spop (v2sf)  }
0x2c5: {  	[tilespmem:s7], [sflag:$0x3] =	stream.linear.gather [hbm4b:s3+s2], $0x80, $0x38;
	[tilespmem:$0x16400] =	vst v63  }
0x2c6: {  	s5 =	sadd.s32 s4, s5;
	s11 =	sand.u32 $0x1FFFFFF0, s9;
	s15 =	spop (v2sf)  }
0x2c7: {  	[tilespmem:s8], [sflag:$0x3] =	stream.linear.gather [hbm4b:s5+s2], $0x80, $0x38;
	[tilespmem:$0x16400] =	vst v63  }
0x2c8: {  	s14 =	sadd.s32 $0xE500, s6;
	s3 =	sadd.s32 s4, s11;
	s18 =	spop (v2sf);
	(v2sf) =	vpush v0, $0x8  }
0x2c9: {  	[tilespmem:s14], [sflag:$0x3] =	stream.linear.gather [hbm4b:s3+s2], $0x80, $0x38;
	[tilespmem:$0x16400] =	vst v63  }
0x2ca: {  	s3 =	sand.u32 $0x1FFFFFF0, s18;
	(v2sf) =	vpush v0, $0x9  }
0x2cb: {  	s19 =	sadd.s32 $0xE580, s6;
	s20 =	sand.u32 $0x1FFFFFF0, s15;
	s3 =	sadd.s32 s4, s3  }
0x2cc: {  	(v2sf) =	vpush v0, $0xA;
	[tilespmem:s19], [sflag:$0x3] =	stream.linear.gather [hbm4b:s3+s2], $0x80, $0x38;
	[tilespmem:$0x16400] =	vst v63  }
0x2cd: {  	s21 =	sadd.s32 $0xE600, s6;
	s22 =	spop (v2sf);
	s3 =	sadd.s32 s4, s20  }
0x2ce: {  	[tilespmem:s21], [sflag:$0x3] =	stream.linear.gather [hbm4b:s3+s2], $0x80, $0x38;
	[tilespmem:$0x16400] =	vst v63  }
0x2cf: {  	s3 =	sand.u32 $0x1FFFFFF0, s22  }
0x2d0: {  	s23 =	sadd.s32 $0xE680, s6;
	s24 =	spop (v2sf);
	s3 =	sadd.s32 s4, s3  }
0x2d1: {  	[tilespmem:s23], [sflag:$0x3] =	stream.linear.gather [hbm4b:s3+s2], $0x80, $0x38;
	[tilespmem:$0x16400] =	vst v63  }
0x2d2: {  	s26 =	spop (v2sf);
	(v2sf) =	vpush v0, $0xB  }
0x2d3: {  	s3 =	sand.u32 $0x1FFFFFF0, s24  }
0x2d4: {  	s25 =	sadd.s32 $0xE700, s6;
	s3 =	sadd.s32 s4, s3  }
0x2d5: {  	[tilespmem:s25], [sflag:$0x3] =	stream.linear.gather [hbm4b:s3+s2], $0x80, $0x38;
	[tilespmem:$0x16400] =	vst v63  }
0x2d6: {  	s3 =	sand.u32 $0x1FFFFFF0, s26  }
0x2d7: {  	s28 =	sadd.s32 $0xE780, s6;
	s3 =	sadd.s32 s4, s3;
	s29 =	spop (v2sf);
	(v2sf) =	vpush v0, $0xC  }
0x2d8: {  	[tilespmem:s28], [sflag:$0x3] =	stream.linear.gather [hbm4b:s3+s2], $0x80, $0x38;
	[tilespmem:$0x16400] =	vst v63  }
0x2d9: {  	s5 =	spop (v2sf);
	(v2sf) =	vpush v0, $0xD  }
0x2da: {  	s3 =	sand.u32 $0x1FFFFFF0, s29  }
0x2db: {  	s31 =	sadd.s32 $0xE800, s6;
	s3 =	sadd.s32 s4, s3;
	s8 =	spop (v2sf)  }
0x2dc: {  	(v2sf) =	vpush v0, $0xE;
	[tilespmem:s31], [sflag:$0x3] =	stream.linear.gather [hbm4b:s3+s2], $0x80, $0x38;
	[tilespmem:$0x16400] =	vst v63  }
0x2dd: {  	s3 =	sand.u32 $0x1FFFFFF0, s5  }
0x2de: {  	s7 =	sadd.s32 $0xE880, s6;
	s3 =	sadd.s32 s4, s3  }
0x2df: {  	[tilespmem:s7], [sflag:$0x3] =	stream.linear.gather [hbm4b:s3+s2], $0x80, $0x38;
	[tilespmem:$0x16400] =	vst v63  }
0x2e0: {  	s3 =	sand.u32 $0x1FFFFFF0, s8  }
0x2e1: {  	s9 =	sadd.s32 $0xE900, s6;
	s3 =	sadd.s32 s4, s3;
	s11 =	spop (v2sf);
	(v2sf) =	vpush v0, $0xF  }
0x2e2: {  	[tilespmem:s9], [sflag:$0x3] =	stream.linear.gather [hbm4b:s3+s2], $0x80, $0x38;
	[tilespmem:$0x16400] =	vst v63  }
0x2e3: {  	s3 =	sand.u32 $0x1FFFFFF0, s11  }
0x2e4: {  	s14 =	sadd.s32 $0xE980, s6;
	s3 =	sadd.s32 s4, s3  }
0x2e5: {  	[tilespmem:s14], [sflag:$0x3] =	stream.linear.gather [hbm4b:s3+s2], $0x80, $0x38;
	[tilespmem:$0x16400] =	vst v63  }
0x2e6: {  	s15 =	spop (v2sf)  }
0x2e7: {  	s3 =	sand.u32 $0x1FFFFFF0, s15  }
0x2e8: {  	s18 =	sadd.s32 $0xEA00, s6;
	s19 =	spop (v2sf);
	s3 =	sadd.s32 s4, s3  }
0x2e9: {  	[tilespmem:s18], [sflag:$0x3] =	stream.linear.gather [hbm4b:s3+s2], $0x80, $0x38;
	[tilespmem:$0x16400] =	vst v63  }
0x2ea: {  	s3 =	sand.u32 $0x1FFFFFF0, s19  }
0x2eb: {  	s20 =	sadd.s32 $0xEA80, s6;
	s21 =	spop (v2sf);
	s3 =	sadd.s32 s4, s3  }
0x2ec: {  	[tilespmem:s20], [sflag:$0x3] =	stream.linear.gather [hbm4b:s3+s2], $0x80, $0x38;
	[tilespmem:$0x16400] =	vst v63  }
0x2ed: {  	s3 =	sand.u32 $0x1FFFFFF0, s21  }
0x2ee: {  	s22 =	sadd.s32 $0xEB00, s6;
	s3 =	sadd.s32 s4, s3  }
0x2ef: {  	[tilespmem:s22], [sflag:$0x3] =	stream.linear.gather [hbm4b:s3+s2], $0x80, $0x38;
	[tilespmem:$0x16400] =	vst v63  }
0x2f0: {  	s23 =	spop (v2sf)  }
0x2f1: {  	s3 =	sand.u32 $0x1FFFFFF0, s23  }
0x2f2: {  	s24 =	sadd.s32 $0xEB80, s6;
	s26 =	simm.s32 $0x1;
	s3 =	sadd.s32 s4, s3  }
0x2f3: {  	[tilespmem:s24], [sflag:$0x3] =	stream.linear.gather [hbm4b:s3+s2], $0x80, $0x38;
	[tilespmem:$0x16400] =	vst v63  }
0x2f4: {  	_ =	swait.ge [sflag:s26], $0x4000  }
0x2f5: {  	s25 =	sshll.u32 s13, $0x7;
	s28 =	rddreg [dreg:$0x3]  }
0x2f6: {  	s3 =	sadd.s32 s28, s25  }
0x2f7: {  	[sflag:s26] =	ssyncset.done $0x0;
	s29 =	rddreg [dreg:$0x4];
	s3 =	sshrl.u32 s3, $0x3  }
0x2f8: {  	s31 =	simm.s32 $0x8;
	[sflag:s26] =	ssyncadd.s32 $0xFFFFC000;
	s3 =	sadd.s32 s29, s3  }
0x2f9: {  	[hbm4b:s3+s16] =	stream.strided.scatter [tilespmem:s17], [sflag:$0x5], $0x4000, s17, s16, $0x38;
	[tilespmem:$0x16400] =	vst v63  }
0x2fa: {  	_ =	swait.ge [sflag:s31], $0x4000  }
0x2fb: {  	[sflag:s31] =	ssyncset.done $0x0  }
0x2fc: {  	[sflag:s31] =	ssyncadd.s32 $0xFFFFC000  }
0x2fd: {  	v0 =	vld [tilespmem:s12+$0x0];
	_ =	sdelay $0x4  }
0x2fe: {  	v0 =	vshll.u32 v0, $0x4  }
0x2ff: {  	(v2sf) =	vpush v0, $0x0  }
0x300: {  	(v2sf) =	vpush v0, $0x1  }
0x301: {  	(v2sf) =	vpush v0, $0x2;
	_ =	sdelay $0x1  }
0x302: {  	(v2sf) =	vpush v0, $0x4;
	_ =	sdelay $0x1  }
0x303: {  	(v2sf) =	vpush v0, $0x3  }
0x304: {  	(v2sf) =	vpush v0, $0x5  }
0x305: {  	s6 =	simm.s32 $0x0;
	s8 =	simm.s32 $0x2000;
	s9 =	smov.u32 s12;
	(v2sf) =	vpush v0, $0x6  }
.LBB2_17:
0x306: {  	p0 =	sne.s32 s8, $0xE000  }
0x307: {  	s3 =	sadd.s32 $0x12480, s6;
	s14 =	sadd.s32 $0x12980, s6;
	s11 =	smov.u32 s8  }
0x308: {  	s8 =	sadd.s32 $0x2000, s8;
	s25 =	sadd.s32 $0x12780, s6;
	s7 =	sadd.s32 $0x12A00, s6;
	(v2sf) =	vpush v0, $0x7  }
0x309: {  	s18 =	sadd.s32 $0x12680, s6;
	s22 =	sadd.s32 $0x12800, s6;
	s13 =	sadd.s32 $0x12A80, s6  }
0x30a: {  	s5 =	sadd.s32 $0x12400, s6;
	s20 =	sadd.s32 $0x12600, s6;
	(v2sf) =	vpush v0, $0x8  }
0x30b: {  	s21 =	sadd.s32 $0x12700, s6;
	s9 =	sadd.s32 $0x10, s9  }
0x30c: {  	s23 =	sadd.s32 $0x12500, s6;
	s19 =	sadd.s32 $0x12900, s6;
	s15 =	spop (v2sf);
	(v2sf) =	vpush v0, $0x9  }
0x30d: {  	s24 =	sand.u32 $0x1FFFFFF0, s15;
	s15 =	sadd.s32 $0x12880, s6;
	s26 =	spop (v2sf)  }
0x30e: {  	s24 =	sadd.s32 s4, s24;
	s26 =	sand.u32 $0x1FFFFFF0, s26;
	s28 =	spop (v2sf);
	(v2sf) =	vpush v0, $0xA  }
0x30f: {  	[tilespmem:s5], [sflag:$0x4] =	stream.linear.gather [hbm4b:s24+s2], $0x80, $0x38;
	[tilespmem:$0x16400] =	vst v63  }
0x310: {  	s5 =	sadd.s32 s4, s26;
	s24 =	sadd.s32 $0x12580, s6;
	s26 =	spop (v2sf);
	(v2sf) =	vpush v0, $0xB  }
0x311: {  	[tilespmem:s3], [sflag:$0x4] =	stream.linear.gather [hbm4b:s5+s2], $0x80, $0x38;
	[tilespmem:$0x16400] =	vst v63  }
0x312: {  	s3 =	sand.u32 $0x1FFFFFF0, s28;
	s5 =	sand.u32 $0x1FFFFFF0, s26;
	s26 =	spop (v2sf);
	(v2sf) =	vpush v0, $0xC  }
0x313: {  	s3 =	sadd.s32 s4, s3;
	s26 =	sand.u32 $0x1FFFFFF0, s26;
	s28 =	spop (v2sf)  }
0x314: {  	[tilespmem:s23], [sflag:$0x4] =	stream.linear.gather [hbm4b:s3+s2], $0x80, $0x38;
	(v2sf) =	vpush v0, $0xD;
	[tilespmem:$0x16400] =	vst v63  }
0x315: {  	s3 =	sadd.s32 s4, s26;
	s23 =	sand.u32 $0x1FFFFFF0, s28;
	s26 =	spop (v2sf)  }
0x316: {  	[tilespmem:s24], [sflag:$0x4] =	stream.linear.gather [hbm4b:s3+s2], $0x80, $0x38;
	(v2sf) =	vpush v0, $0xE;
	[tilespmem:$0x16400] =	vst v63  }
0x317: {  	s3 =	sadd.s32 s4, s5;
	s5 =	sand.u32 $0x1FFFFFF0, s26;
	s24 =	spop (v2sf)  }
0x318: {  	[tilespmem:s20], [sflag:$0x4] =	stream.linear.gather [hbm4b:s3+s2], $0x80, $0x38;
	(v2sf) =	vpush v0, $0xF;
	[tilespmem:$0x16400] =	vst v63  }
0x319: {  	s3 =	sadd.s32 s4, s23;
	s20 =	sand.u32 $0x1FFFFFF0, s24;
	s23 =	spop (v2sf)  }
0x31a: {  	[tilespmem:s18], [sflag:$0x4] =	stream.linear.gather [hbm4b:s3+s2], $0x80, $0x38;
	[tilespmem:$0x16400] =	vst v63  }
0x31b: {  	s3 =	sadd.s32 s4, s5;
	s5 =	sand.u32 $0x1FFFFFF0, s23;
	s18 =	spop (v2sf)  }
0x31c: {  	[tilespmem:s21], [sflag:$0x4] =	stream.linear.gather [hbm4b:s3+s2], $0x80, $0x38;
	[tilespmem:$0x16400] =	vst v63  }
0x31d: {  	s3 =	sadd.s32 s4, s20;
	s18 =	sand.u32 $0x1FFFFFF0, s18;
	s20 =	spop (v2sf)  }
0x31e: {  	[tilespmem:s25], [sflag:$0x4] =	stream.linear.gather [hbm4b:s3+s2], $0x80, $0x38;
	[tilespmem:$0x16400] =	vst v63  }
0x31f: {  	s3 =	sadd.s32 s4, s5;
	s5 =	sand.u32 $0x1FFFFFF0, s20;
	s20 =	spop (v2sf)  }
0x320: {  	[tilespmem:s22], [sflag:$0x4] =	stream.linear.gather [hbm4b:s3+s2], $0x80, $0x38;
	[tilespmem:$0x16400] =	vst v63  }
0x321: {  	s3 =	sadd.s32 s4, s18;
	s18 =	sand.u32 $0x1FFFFFF0, s20;
	s20 =	spop (v2sf)  }
0x322: {  	[tilespmem:s15], [sflag:$0x4] =	stream.linear.gather [hbm4b:s3+s2], $0x80, $0x38;
	[tilespmem:$0x16400] =	vst v63  }
0x323: {  	s3 =	sadd.s32 s4, s5;
	s5 =	sand.u32 $0x1FFFFFF0, s20;
	s15 =	spop (v2sf)  }
0x324: {  	[tilespmem:s19], [sflag:$0x4] =	stream.linear.gather [hbm4b:s3+s2], $0x80, $0x38;
	[tilespmem:$0x16400] =	vst v63  }
0x325: {  	s3 =	sadd.s32 s4, s18;
	s15 =	sand.u32 $0x1FFFFFF0, s15;
	s18 =	spop (v2sf)  }
0x326: {  	[tilespmem:s14], [sflag:$0x4] =	stream.linear.gather [hbm4b:s3+s2], $0x80, $0x38;
	[tilespmem:$0x16400] =	vst v63  }
0x327: {  	s3 =	sadd.s32 s4, s5;
	s5 =	sand.u32 $0x1FFFFFF0, s18;
	s14 =	spop (v2sf)  }
0x328: {  	[tilespmem:s7], [sflag:$0x4] =	stream.linear.gather [hbm4b:s3+s2], $0x80, $0x38;
	[tilespmem:$0x16400] =	vst v63  }
0x329: {  	s3 =	sadd.s32 s4, s15;
	s7 =	sand.u32 $0x1FFFFFF0, s14  }
0x32a: {  	[tilespmem:s13], [sflag:$0x4] =	stream.linear.gather [hbm4b:s3+s2], $0x80, $0x38;
	[tilespmem:$0x16400] =	vst v63  }
0x32b: {  	s5 =	sadd.s32 s4, s5;
	s3 =	sadd.s32 $0x12B00, s6  }
0x32c: {  	[tilespmem:s3], [sflag:$0x4] =	stream.linear.gather [hbm4b:s5+s2], $0x80, $0x38;
	[tilespmem:$0x16400] =	vst v63  }
0x32d: {  	s3 =	sadd.s32 $0x12B80, s6;
	s5 =	sadd.s32 s4, s7  }
0x32e: {  	[tilespmem:s3], [sflag:$0x4] =	stream.linear.gather [hbm4b:s5+s2], $0x80, $0x38;
	[tilespmem:$0x16400] =	vst v63  }
0x32f: {  	v0 =	vld [tilespmem:s9+$0x0];
	_ =	sdelay $0x4  }
0x330: {  	v0 =	vshll.u32 v0, $0x4  }
0x331: {  	(v2sf) =	vpush v0, $0x0  }
0x332: {  	(v2sf) =	vpush v0, $0x1  }
0x333: {  	(v2sf) =	vpush v0, $0x2;
	_ =	sdelay $0x1  }
0x334: {  	(v2sf) =	vpush v0, $0x4  }
.Ltmp7:
0x335: {  	(pc) =	sbr.rel @p0 .LBB2_17-.Ltmp7, $3  }
0x336: {  	(v2sf) =	vpush v0, $0x3  }
0x337: {  	(v2sf) =	vpush v0, $0x5;
	_ =	sdelay $0x1  }
0x338: {  	s6 =	sshra.s32 s11, $0x2;
	(v2sf) =	vpush v0, $0x6  }
0x339: {  	_ = 	snop  }
0x33a: {  	s3 =	sadd.s32 $0x12480, s6;
	s9 =	sadd.s32 $0x12980, s6  }
0x33b: {  	s5 =	sadd.s32 $0x12780, s6;
	s7 =	sadd.s32 $0x12A00, s6;
	s11 =	sadd.s32 $0x12680, s6  }
0x33c: {  	(v2sf) =	vpush v0, $0x7;
	s13 =	sadd.s32 $0x12800, s6;
	s8 =	sadd.s32 $0x12A80, s6;
	s14 =	sadd.s32 $0x12400, s6  }
0x33d: {  	s15 =	sadd.s32 $0x12600, s6;
	s18 =	sadd.s32 $0x12700, s6;
	s20 =	sadd.s32 $0x12500, s6  }
0x33e: {  	s30 =	sadd.s32 $0x1, s30;
	s10 =	sadd.s32 $0x200, s10;
	(v2sf) =	vpush v0, $0x8;
	s19 =	spop (v2sf)  }
0x33f: {  	s0 =	sadd.s32 $0x200, s0;
	s19 =	sand.u32 $0x1FFFFFF0, s19;
	s21 =	spop (v2sf)  }
0x340: {  	(v2sf) =	vpush v0, $0x9;
	s19 =	sadd.s32 s4, s19;
	s21 =	sand.u32 $0x1FFFFFF0, s21;
	s22 =	spop (v2sf)  }
0x341: {  	[tilespmem:s14], [sflag:$0x4] =	stream.linear.gather [hbm4b:s19+s2], $0x80, $0x38;
	[tilespmem:$0x16400] =	vst v63  }
0x342: {  	(v2sf) =	vpush v0, $0xA;
	s23 =	sadd.s32 s4, s21;
	s25 =	sand.u32 $0x1FFFFFF0, s22;
	s24 =	spop (v2sf)  }
0x343: {  	[tilespmem:s3], [sflag:$0x4] =	stream.linear.gather [hbm4b:s23+s2], $0x80, $0x38;
	[tilespmem:$0x16400] =	vst v63  }
0x344: {  	s14 =	sadd.s32 $0x12900, s6;
	(v2sf) =	vpush v0, $0xB;
	s19 =	sadd.s32 s4, s25;
	s26 =	spop (v2sf)  }
0x345: {  	s3 =	sadd.s32 $0x12880, s6;
	s23 =	sadd.s32 $0x12580, s6;
	s22 =	sand.u32 $0x1FFFFFF0, s26  }
0x346: {  	(v2sf) =	vpush v0, $0xC;
	[tilespmem:s20], [sflag:$0x4] =	stream.linear.gather [hbm4b:s19+s2], $0x80, $0x38;
	[tilespmem:$0x16400] =	vst v63  }
0x347: {  	s28 =	sand.u32 $0x1FFFFFF0, s24;
	s29 =	spop (v2sf);
	s31 =	sadd.s32 s4, s22  }
0x348: {  	(v2sf) =	vpush v0, $0xD;
	[tilespmem:s23], [sflag:$0x4] =	stream.linear.gather [hbm4b:s31+s2], $0x80, $0x38;
	[tilespmem:$0x16400] =	vst v63  }
0x349: {  	s19 =	sadd.s32 s4, s28;
	s20 =	sand.u32 $0x1FFFFFF0, s29;
	s22 =	spop (v2sf)  }
0x34a: {  	[tilespmem:s15], [sflag:$0x4] =	stream.linear.gather [hbm4b:s19+s2], $0x80, $0x38;
	[tilespmem:$0x16400] =	vst v63  }
0x34b: {  	s20 =	sadd.s32 s4, s20;
	s23 =	sand.u32 $0x1FFFFFF0, s22;
	s24 =	spop (v2sf)  }
0x34c: {  	(v2sf) =	vpush v0, $0xE;
	[tilespmem:s11], [sflag:$0x4] =	stream.linear.gather [hbm4b:s20+s2], $0x80, $0x38;
	[tilespmem:$0x16400] =	vst v63  }
0x34d: {  	s25 =	sand.u32 $0x1FFFFFF0, s24;
	s26 =	spop (v2sf);
	s15 =	sadd.s32 s4, s23  }
0x34e: {  	(v2sf) =	vpush v0, $0xF;
	[tilespmem:s18], [sflag:$0x4] =	stream.linear.gather [hbm4b:s15+s2], $0x80, $0x38;
	[tilespmem:$0x16400] =	vst v63  }
0x34f: {  	s28 =	sand.u32 $0x1FFFFFF0, s26;
	s11 =	sadd.s32 s4, s25;
	s29 =	spop (v2sf)  }
0x350: {  	[tilespmem:s5], [sflag:$0x4] =	stream.linear.gather [hbm4b:s11+s2], $0x80, $0x38;
	[tilespmem:$0x16400] =	vst v63  }
0x351: {  	s15 =	sadd.s32 s4, s28;
	s31 =	sand.u32 $0x1FFFFFF0, s29;
	s18 =	spop (v2sf)  }
0x352: {  	[tilespmem:s13], [sflag:$0x4] =	stream.linear.gather [hbm4b:s15+s2], $0x80, $0x38;
	[tilespmem:$0x16400] =	vst v63  }
0x353: {  	s11 =	sand.u32 $0x1FFFFFF0, s18;
	s5 =	sadd.s32 s4, s31;
	s19 =	spop (v2sf)  }
0x354: {  	[tilespmem:s3], [sflag:$0x4] =	stream.linear.gather [hbm4b:s5+s2], $0x80, $0x38;
	[tilespmem:$0x16400] =	vst v63  }
0x355: {  	s11 =	sadd.s32 s4, s11;
	s20 =	sand.u32 $0x1FFFFFF0, s19;
	s21 =	spop (v2sf)  }
0x356: {  	[tilespmem:s14], [sflag:$0x4] =	stream.linear.gather [hbm4b:s11+s2], $0x80, $0x38;
	[tilespmem:$0x16400] =	vst v63  }
0x357: {  	s3 =	sadd.s32 s4, s20;
	s5 =	sand.u32 $0x1FFFFFF0, s21;
	s22 =	spop (v2sf)  }
0x358: {  	[tilespmem:s9], [sflag:$0x4] =	stream.linear.gather [hbm4b:s3+s2], $0x80, $0x38;
	[tilespmem:$0x16400] =	vst v63  }
0x359: {  	s1 =	sadd.s32 $0x200, s1;
	s23 =	sand.u32 $0x1FFFFFF0, s22;
	s5 =	sadd.s32 s4, s5  }
0x35a: {  	[tilespmem:s7], [sflag:$0x4] =	stream.linear.gather [hbm4b:s5+s2], $0x80, $0x38;
	[tilespmem:$0x16400] =	vst v63  }
0x35b: {  	p0 =	sne.s32 s30, $0x31;
	s24 =	spop (v2sf);
	s3 =	sadd.s32 s4, s23  }
0x35c: {  	[tilespmem:s8], [sflag:$0x4] =	stream.linear.gather [hbm4b:s3+s2], $0x80, $0x38;
	[tilespmem:$0x16400] =	vst v63  }
.Ltmp8:
0x35d: {  	s25 =	sand.u32 $0x1FFFFFF0, s24;
	s26 =	spop (v2sf);
	(pc) =	sbr.rel @p0 .LBB2_10-.Ltmp8, $4  }
0x35e: {  	s29 =	sadd.s32 $0x12B00, s6;
	s28 =	sand.u32 $0x1FFFFFF0, s26;
	s5 =	sadd.s32 s4, s25  }
0x35f: {  	[tilespmem:s29], [sflag:$0x4] =	stream.linear.gather [hbm4b:s5+s2], $0x80, $0x38;
	[tilespmem:$0x16400] =	vst v63  }
0x360: {  	s12 =	sadd.s32 $0x200, s12;
	s31 =	sadd.s32 $0x12B80, s6;
	s3 =	sadd.s32 s4, s28  }
0x361: {  	[tilespmem:s31], [sflag:$0x4] =	stream.linear.gather [hbm4b:s3+s2], $0x80, $0x38;
	[tilespmem:$0x16400] =	vst v63  }
0x362: {  	s0 =	simm.s32 $0x2  }
0x363: {  	_ =	swait.ge [sflag:s0], $0x4000  }
0x364: {  	s1 =	simm.s32 $0xA400;
	[sflag:s0] =	ssyncset.done $0x0  }
0x365: {  	s20 =	simm.s32 $0x3;
	s19 =	rddreg [dreg:$0x7];
	[sflag:s0] =	ssyncadd.s32 $0xFFFFC000  }
0x366: {  	[hbm4b:s19+s16] =	stream.strided.scatter [tilespmem:s1], [sflag:$0x6], $0x4000, s17, s16, $0x38;
	[tilespmem:$0x16400] =	vst v63  }
0x367: {  	_ =	swait.ge [sflag:s20], $0x4000  }
0x368: {  	s22 =	simm.s32 $0xE400;
	[sflag:s20] =	ssyncset.done $0x0  }
0x369: {  	s23 =	simm.s32 $0x4;
	s21 =	rddreg [dreg:$0x8];
	[sflag:s20] =	ssyncadd.s32 $0xFFFFC000  }
0x36a: {  	[hbm4b:s21+s16] =	stream.strided.scatter [tilespmem:s22], [sflag:$0x7], $0x4000, s17, s16, $0x38;
	[tilespmem:$0x16400] =	vst v63  }
0x36b: {  	_ =	swait.ge [sflag:s23], $0x4000  }
0x36c: {  	s25 =	simm.s32 $0x12400;
	[sflag:s23] =	ssyncset.done $0x0  }
0x36d: {  	s26 =	simm.s32 $0x5;
	s24 =	rddreg [dreg:$0x9];
	[sflag:s23] =	ssyncadd.s32 $0xFFFFC000  }
0x36e: {  	[hbm4b:s24+s16] =	stream.strided.scatter [tilespmem:s25], [sflag:$0x8], $0x4000, s17, s16, $0x38;
	[tilespmem:$0x16400] =	vst v63  }
0x36f: {  	_ =	swait.ge [sflag:s26], $0x4000  }
0x370: {  	[sflag:s26] =	ssyncset.done $0x0  }
0x371: {  	s28 =	simm.s32 $0x6;
	[sflag:s26] =	ssyncadd.s32 $0xFFFFC000  }
0x372: {  	_ =	swait.ge [sflag:s28], $0x4000  }
0x373: {  	[sflag:s28] =	ssyncset.done $0x0  }
0x374: {  	s29 =	simm.s32 $0x7;
	[sflag:s28] =	ssyncadd.s32 $0xFFFFC000  }
0x375: {  	_ =	swait.ge [sflag:s29], $0x4000  }
0x376: {  	[sflag:s29] =	ssyncset.done $0x0  }
0x377: {  	s30 =	simm.s32 $0x8;
	[sflag:s29] =	ssyncadd.s32 $0xFFFFC000  }
0x378: {  	_ =	swait.ge [sflag:s30], $0x4000  }
0x379: {  	s3 =	rddreg [dreg:$0xb]  }
0x37a: {  	s31 =	rddreg [dreg:$0xa];
	s3 =	sadd.s32 $0x1, s3  }
0x37b: {  	p0 =	sne.s32 s3, s31  }
.Ltmp9:
0x37c: {  	_ = 	snop;
	(pc) =	sbr.rel @p0 .LBB2_1-.Ltmp9, $3  }
0x37d: {  	_ =	sdelay $0x1  }
0x37e: {  	[sflag:s30] =	ssyncset.done $0x0  }
0x37f: {  	[sflag:s30] =	ssyncadd.s32 $0xFFFFC000  }
0x380: {  	_ =	sfence.sel $0x180000  }
0x381: {  	[bflag:$0x0] =	sbarrier.arrive $0xFFFF  }
0x382: {  	_ =	strace $0x90000047  }
0x383: {  	s0 =	stileid.u32;
	[bflag:$0x2] =	sbarrier.arrive $0xFFFF  }
0x384: {  	p0 =	sne.s32 s0, $0x0;
	s0 =	rddreg [dreg:$0x2]  }
0x385: {  	s0 =	sadd.s32 @!p0 $0x100000, s0  }
0x386: {  	[sflag:s0] =	ssyncadd.tile.s32 @!p0 $0x1;
	_ =	shalt  }
.Lfunc_end2:
_tile_overlayer_lowered:
.L_overlay_start_2:
0x387: {  	(tag) =	ssettag $0x2  }
0x388: {  	s0 =	rddreg [dreg:$0x0];
	s2 =	stileid.u32  }
0x389: {  	s1 =	rddreg [dreg:$0x1];
	p0 =	sne.s32 s2, $0x0  }
0x38a: {  	s3 =	rddreg [dreg:$0x2];
	[bflag:$0x3] =	sbarrier.arrive $0xFFFF;
	s2 =	simm.s32 @!p0 $0x1C09  }
0x38b: {  	[timem:s3], [sflag:s2] =	dma.local @!p0 [hbm:s0], s1  }
0x38c: {  	s0 =	simm.s32 @!p0 $0x9  }
0x38d: {  	_ =	swait.ge @!p0 [sflag:s0], s1  }
0x38e: {  	s1 =	ssub.s32 @!p0 $0x0, s1;
	[sflag:s0] =	ssyncset.done @!p0 $0x0  }
0x38f: {  	[sflag:s0] =	ssyncadd.s32 @!p0 s1  }
0x390: {  	[bflag:$0x3] =	sbarrier.arrive $0xFFFF  }
0x391: {  	_ =	shalt  }

</sc_bundles>
